<compile_context>
chip_gen: v7x
topology: tpu7x:2x2x1
jax: 0.10.2.dev20260603
libtpu: 0.0.44.dev20260713+nightly
codegen_flags: <defaults>
</compile_context>

<pallas_src>
import functools

import jax
import jax.numpy as jnp
from jax import lax
from jax.experimental import pallas as pl
from jax.experimental.pallas import tpu as pltpu
from jax.experimental.pallas import tpu_sc as plsc

N = 16384
IDIM = 128
ODIM = 1000
K = 64
KP1 = K + 1
TW = 2 * IDIM

_info = plsc.get_sparse_core_info()
_NC, _NS, _L = _info.num_cores, _info.num_subcores, _info.num_lanes
_NW = _NC * _NS
_CHUNK = N // _NW
_STEP = 128
_NSTEPS = _CHUNK // _STEP
_NR = N // IDIM


def _sc_body(x_hbm, tgt_hbm, tab_hbm, noise_hbm,
             pmt_hbm, wn_hbm,
             xv0, xv1, wv0, wv1, idx0, idx1, pmt_v, nidx, wnv,
             sx0, sx1, sw0, sw1, sem):
    cid = lax.axis_index("c")
    sid = lax.axis_index("s")
    wid = sid * _NC + cid
    base = wid * _CHUNK

    xvs, wvs, idxs = (xv0, xv1), (wv0, wv1), (idx0, idx1)
    sxs, sws = (sx0, sx1), (sw0, sw1)

    lane = lax.iota(jnp.int32, _L)
    perms = [lane ^ 1, lane ^ 2, lane ^ 4, lane ^ 8]
    masks = [(lane % (2 * m)) < m for m in (1, 2, 4, 8)]

    def start(step, buf):
        rb = base + step * _STEP
        pltpu.sync_copy(tgt_hbm.at[pl.ds(rb, _STEP)], idxs[buf])
        pltpu.async_copy(x_hbm.at[pl.ds(rb, _STEP)], xvs[buf], sxs[buf])
        pltpu.async_copy(tab_hbm.at[idxs[buf]], wvs[buf], sws[buf])

    def wait_and_compute(s, buf):
        xv, wv = xvs[buf], wvs[buf]
        pltpu.make_async_copy(
            x_hbm.at[pl.ds(0, _STEP)], xv, sxs[buf]).wait()
        pltpu.make_async_copy(
            tab_hbm.at[idxs[buf]], wv, sws[buf]).wait()

        def group(hg, prev):
            stack = []
            for u in range(8):
                r = hg * 8 + u
                p = [xv[r, pl.ds(q * _L, _L)] * wv[r, pl.ds(q * _L, _L)]
                     for q in range(IDIM // _L)]
                t = [p[0] + p[1], p[2] + p[3], p[4] + p[5], p[6] + p[7]]
                v = (t[0] + t[1]) + (t[2] + t[3]) + wv[r, pl.ds(IDIM, _L)]
                lvl = 0
                while stack and stack[-1][0] == lvl:
                    _lvl, a = stack.pop()
                    mk, pm = masks[lvl], perms[lvl]
                    v = jnp.where(mk, a + jnp.take(a, pm),
                                  v + jnp.take(v, pm))
                    lvl += 1
                stack.append((lvl, v))
            half = stack[0][1]
            mk, pm = masks[3], perms[3]
            full = jnp.where(mk, prev + jnp.take(prev, pm),
                             half + jnp.take(half, pm))

            @pl.when(hg % 2 == 1)
            def _():
                pmt_v[pl.ds(s * _STEP + (hg - 1) * 8, _L)] = full

            return half

        lax.fori_loop(0, _STEP // 8, group,
                      jnp.zeros((_L,), jnp.float32))

    start(0, 0)

    def ring(g, _):
        s0 = 2 * g
        start(s0 + 1, 1)
        wait_and_compute(s0, 0)

        @pl.when(s0 + 2 < _NSTEPS)
        def _():
            start(s0 + 2, 0)

        wait_and_compute(s0 + 1, 1)
        return 0

    lax.fori_loop(0, _NSTEPS // 2, ring, 0)

    for s in range(_CHUNK // IDIM):
        pltpu.sync_copy(pmt_v.at[pl.ds(s * IDIM, IDIM)],
                        pmt_hbm.at[base // IDIM + s])

    @pl.when(wid == 0)
    def _():
        pltpu.sync_copy(noise_hbm, nidx)
        pltpu.async_copy(tab_hbm.at[nidx], wnv, sem).wait()
        pltpu.sync_copy(wnv, wn_hbm)


_sc_call = functools.partial(
    pl.kernel,
    mesh=plsc.VectorSubcoreMesh(core_axis_name="c", subcore_axis_name="s"),
    out_type=[
        jax.ShapeDtypeStruct((_NR, IDIM), jnp.float32),
        jax.ShapeDtypeStruct((K, TW), jnp.float32),
    ],
    scratch_types=[
        pltpu.VMEM((_STEP, IDIM), jnp.float32),
        pltpu.VMEM((_STEP, IDIM), jnp.float32),
        pltpu.VMEM((_STEP, TW), jnp.float32),
        pltpu.VMEM((_STEP, TW), jnp.float32),
        pltpu.VMEM((_STEP,), jnp.int32),
        pltpu.VMEM((_STEP,), jnp.int32),
        pltpu.VMEM((_CHUNK,), jnp.float32),
        pltpu.VMEM((K,), jnp.int32),
        pltpu.VMEM((K, TW), jnp.float32),
        pltpu.SemaphoreType.DMA,
        pltpu.SemaphoreType.DMA,
        pltpu.SemaphoreType.DMA,
        pltpu.SemaphoreType.DMA,
        pltpu.SemaphoreType.DMA,
    ],
)(_sc_body)


_B = 1024


def _tc_body(x_ref, pmt_ref, wt_ref, cpad_ref, logits_ref):
    m = lax.dot_general(x_ref[...], wt_ref[...],
                        dimension_numbers=(((1,), (0,)), ((), ())),
                        preferred_element_type=jnp.float32)
    col = lax.broadcasted_iota(jnp.int32, (_B, KP1), 1)
    row_i = lax.broadcasted_iota(jnp.int32, (IDIM, IDIM), 0)
    col_i = lax.broadcasted_iota(jnp.int32, (IDIM, IDIM), 1)
    ident = (row_i == col_i).astype(jnp.float32)
    pm = jnp.concatenate(
        [lax.dot_general(ident, pmt_ref[pl.ds(c, 1), :],
                         dimension_numbers=(((1,), (1,)), ((), ())),
                         preferred_element_type=jnp.float32)
         for c in range(_B // IDIM)], axis=0)
    logits_ref[...] = jnp.where(col == 0, pm, -(m + cpad_ref[...]))


_tc_call = pl.pallas_call(
    _tc_body,
    grid=(N // _B,),
    in_specs=[
        pl.BlockSpec((_B, IDIM), lambda i: (i, 0)),
        pl.BlockSpec((_B // IDIM, IDIM), lambda i: (i, 0)),
        pl.BlockSpec((IDIM, KP1), lambda i: (0, 0)),
        pl.BlockSpec((1, KP1), lambda i: (0, 0)),
    ],
    out_specs=pl.BlockSpec((_B, KP1), lambda i: (i, 0)),
    out_shape=jax.ShapeDtypeStruct((N, KP1), jnp.float32),
)


def kernel(input, target, weight, bias, unigram_prob):
    noise = jax.random.randint(jax.random.key(42), (K,), 0, weight.shape[0])
    cvec = bias - jnp.log(K * unigram_prob)
    table = jnp.concatenate(
        [weight, cvec[:, None],
         jnp.zeros((ODIM, TW - IDIM - 1), jnp.float32)], axis=1)

    pmt, wn2 = _sc_call(input, target.astype(jnp.int32), table,
                        noise.astype(jnp.int32))

    wt_pad = jnp.concatenate(
        [jnp.zeros((IDIM, 1), jnp.float32), wn2[:, :IDIM].T], axis=1)
    cn_pad = jnp.concatenate(
        [jnp.zeros((1,), jnp.float32), wn2[:, IDIM]]).reshape(1, KP1)

    logits = _tc_call(input, pmt, wt_pad, cn_pad)
    nce_target = jnp.ones((N, KP1), jnp.float32)
    return (logits, nce_target)

# --- scband reference (transcript-rebuilt; emitter-appended) ---
"""Pipeline reference for scband-linear-nce-61349312856168 (READ-ONLY COPY).

The authoritative reference and input builder live on the scoring server;
editing this copy changes nothing except your own understanding.
"""

import jax, jax.numpy as jnp
import numpy as np
import math

N = 16384
IDIM = 128
ODIM = 1000
NUM_NOISE = 64

def setup_inputs(seed: int = 0) -> dict:
    key = jax.random.key(seed)
    k1, k2, k3 = jax.random.split(key, 3)
    inp = jax.random.normal(k1, (N, IDIM), dtype=jnp.float32)
    target = jax.random.randint(k2, (N,), 0, ODIM)
    stdv = 1.0 / math.sqrt(IDIM)
    weight = jax.random.uniform(k3, (ODIM, IDIM), minval=-stdv, maxval=stdv, dtype=jnp.float32)
    bias = jnp.full((ODIM,), -math.log(ODIM), dtype=jnp.float32)
    unigram_prob = jnp.full((ODIM,), 1.0 / ODIM, dtype=jnp.float32) + 1e-10
    return {"input": inp, "target": target, "weight": weight, "bias": bias, "unigram_prob": unigram_prob}

def reference(input, target, weight, bias, unigram_prob):
    num_noise = NUM_NOISE
    # alias_multinomial draw over the (uniform) unigram distribution -> uniform randint, fixed key for determinism
    noise = jax.random.randint(jax.random.key(42), (num_noise,), 0, weight.shape[0])
    w_target = jnp.take(weight, target, axis=0)          # gather [N, IDIM]
    b_target = jnp.take(bias, target, axis=0)            # gather [N]
    w_noise = jnp.take(weight, noise, axis=0)            # gather [K, IDIM]
    b_noise = jnp.take(bias, noise, axis=0)              # gather [K]
    pmt = jnp.sum(input * w_target, axis=1) + b_target   # [N]
    pmn = input @ w_noise.T + b_noise                    # [N, K]
    pmt = pmt - jnp.log(num_noise * jnp.take(unigram_prob, target, axis=0))
    pmn = -(pmn - jnp.log(num_noise * jnp.take(unigram_prob, noise, axis=0)))
    logits = jnp.concatenate([pmt[:, None], pmn], axis=1)  # [N, K+1]
    nce_target = jnp.ones((input.shape[0], num_noise + 1), dtype=jnp.float32)
    return (logits, nce_target)

if __name__ == "__main__":
    import jax
    _d = setup_inputs()
    print(jax.jit(kernel)(*tuple(_d.values())))

</pallas_src>

<mosaic_0001>
#map = affine_map<(d0, d1) -> (0, 0)>
#map1 = affine_map<(d0, d1) -> (0)>
module attributes {stable_mosaic.version = 14 : i64} {
  func.func @_sc_body(%arg0: i32, %arg1: i32, %arg2: memref<16384x128xf32, #tpu.memory_space<hbm>>, %arg3: memref<16384xi32, #tpu.memory_space<hbm>>, %arg4: memref<1000x256xf32, #tpu.memory_space<hbm>>, %arg5: memref<64xi32, #tpu.memory_space<hbm>>, %arg6: memref<128x128xf32, #tpu.memory_space<hbm>>, %arg7: memref<64x256xf32, #tpu.memory_space<hbm>>, %arg8: memref<128x128xf32, #tpu.memory_space<vmem>>, %arg9: memref<128x128xf32, #tpu.memory_space<vmem>>, %arg10: memref<128x256xf32, #tpu.memory_space<vmem>>, %arg11: memref<128x256xf32, #tpu.memory_space<vmem>>, %arg12: memref<128xi32, #tpu.memory_space<vmem>>, %arg13: memref<128xi32, #tpu.memory_space<vmem>>, %arg14: memref<512xf32, #tpu.memory_space<vmem>>, %arg15: memref<64xi32, #tpu.memory_space<vmem>>, %arg16: memref<64x256xf32, #tpu.memory_space<vmem>>, %arg17: memref<!tpu.dma_semaphore, #tpu.memory_space<semaphore_mem>>, %arg18: memref<!tpu.dma_semaphore, #tpu.memory_space<semaphore_mem>>, %arg19: memref<!tpu.dma_semaphore, #tpu.memory_space<semaphore_mem>>, %arg20: memref<!tpu.dma_semaphore, #tpu.memory_space<semaphore_mem>>, %arg21: memref<!tpu.dma_semaphore, #tpu.memory_space<semaphore_mem>>) attributes {dimension_semantics = [#tpu.dimension_semantics<core_parallel>, #tpu.dimension_semantics<subcore_parallel>], iteration_bounds = array<i64: 2, 16>, scalar_prefetch = 0 : i64, scratch_operands = 14 : i64, tpu.core_type = #tpu.core_type<sc_vector_subcore>, window_params = [{transform_indices = #map}, {transform_indices = #map1}, {transform_indices = #map}, {transform_indices = #map1}, {transform_indices = #map}, {transform_indices = #map}]} {
    %mul3A = arith.constant 2 : i32
    %mul3A_0 = arith.muli %arg1, %mul3A : i32
    %add3A = arith.addi %mul3A_0, %arg0 : i32
    %mul3A_1 = arith.constant 512 : i32
    %mul3A_2 = arith.muli %add3A, %mul3A_1 : i32
    %iota3A = tpu.iota {dimensions = array<i32: 0>} : vector<16xi32>
    %xor3A = arith.constant 1 : i32
    %xor3A_3 = vector.broadcast %xor3A : i32 to vector<16xi32>
    %xor3A_4 = arith.xori %iota3A, %xor3A_3 : vector<16xi32>
    %xor3A_5 = arith.constant 2 : i32
    %xor3A_6 = vector.broadcast %xor3A_5 : i32 to vector<16xi32>
    %xor3A_7 = arith.xori %iota3A, %xor3A_6 : vector<16xi32>
    %xor3A_8 = arith.constant 4 : i32
    %xor3A_9 = vector.broadcast %xor3A_8 : i32 to vector<16xi32>
    %xor3A_10 = arith.xori %iota3A, %xor3A_9 : vector<16xi32>
    %xor3A_11 = arith.constant 8 : i32
    %xor3A_12 = vector.broadcast %xor3A_11 : i32 to vector<16xi32>
    %xor3A_13 = arith.xori %iota3A, %xor3A_12 : vector<16xi32>
    %jit3A = arith.constant 2 : i32
    %eq3A = arith.constant 0 : i32
    %eq3A_14 = arith.cmpi eq, %jit3A, %eq3A : i32
    %jit3A_15 = arith.constant 1 : i32
    %select_n3A = arith.select %eq3A_14, %jit3A_15, %jit3A : i32
    %rem3A = vector.broadcast %select_n3A : i32 to vector<16xi32>
    %rem3A_16 = arith.remsi %iota3A, %rem3A : vector<16xi32>
    %ne3A = arith.constant 0 : i32
    %ne3A_17 = vector.broadcast %ne3A : i32 to vector<16xi32>
    %ne3A_18 = arith.cmpi ne, %rem3A_16, %ne3A_17 : vector<16xi32>
    %lt3A = arith.constant 0 : i32
    %lt3A_19 = vector.broadcast %lt3A : i32 to vector<16xi32>
    %lt3A_20 = arith.cmpi slt, %rem3A_16, %lt3A_19 : vector<16xi32>
    %lt3A_21 = arith.constant 0 : i32
    %lt3A_22 = arith.cmpi slt, %select_n3A, %lt3A_21 : i32
    %ne3A_23 = vector.broadcast %lt3A_22 : i1 to vector<16xi1>
    %ne3A_24 = vector.broadcast %ne3A_23 : vector<16xi1> to vector<16xi1>
    %ne3A_25 = arith.xori %lt3A_20, %ne3A_24 : vector<16xi1>
    %and3A = arith.andi %ne3A_25, %ne3A_18 : vector<16xi1>
    %add3A_26 = vector.broadcast %select_n3A : i32 to vector<16xi32>
    %add3A_27 = arith.addi %rem3A_16, %add3A_26 : vector<16xi32>
    %select_n3A_28 = arith.select %and3A, %add3A_27, %rem3A_16 : vector<16xi1>, vector<16xi32>
    %lt3A_29 = arith.constant 1 : i32
    %lt3A_30 = vector.broadcast %lt3A_29 : i32 to vector<16xi32>
    %lt3A_31 = arith.cmpi slt, %select_n3A_28, %lt3A_30 : vector<16xi32>
    %jit3A_32 = arith.constant 4 : i32
    %eq3A_33 = arith.constant 0 : i32
    %eq3A_34 = arith.cmpi eq, %jit3A_32, %eq3A_33 : i32
    %jit3A_35 = arith.constant 1 : i32
    %select_n3A_36 = arith.select %eq3A_34, %jit3A_35, %jit3A_32 : i32
    %rem3A_37 = vector.broadcast %select_n3A_36 : i32 to vector<16xi32>
    %rem3A_38 = arith.remsi %iota3A, %rem3A_37 : vector<16xi32>
    %ne3A_39 = arith.constant 0 : i32
    %ne3A_40 = vector.broadcast %ne3A_39 : i32 to vector<16xi32>
    %ne3A_41 = arith.cmpi ne, %rem3A_38, %ne3A_40 : vector<16xi32>
    %lt3A_42 = arith.constant 0 : i32
    %lt3A_43 = vector.broadcast %lt3A_42 : i32 to vector<16xi32>
    %lt3A_44 = arith.cmpi slt, %rem3A_38, %lt3A_43 : vector<16xi32>
    %lt3A_45 = arith.constant 0 : i32
    %lt3A_46 = arith.cmpi slt, %select_n3A_36, %lt3A_45 : i32
    %ne3A_47 = vector.broadcast %lt3A_46 : i1 to vector<16xi1>
    %ne3A_48 = vector.broadcast %ne3A_47 : vector<16xi1> to vector<16xi1>
    %ne3A_49 = arith.xori %lt3A_44, %ne3A_48 : vector<16xi1>
    %and3A_50 = arith.andi %ne3A_49, %ne3A_41 : vector<16xi1>
    %add3A_51 = vector.broadcast %select_n3A_36 : i32 to vector<16xi32>
    %add3A_52 = arith.addi %rem3A_38, %add3A_51 : vector<16xi32>
    %select_n3A_53 = arith.select %and3A_50, %add3A_52, %rem3A_38 : vector<16xi1>, vector<16xi32>
    %lt3A_54 = arith.constant 2 : i32
    %lt3A_55 = vector.broadcast %lt3A_54 : i32 to vector<16xi32>
    %lt3A_56 = arith.cmpi slt, %select_n3A_53, %lt3A_55 : vector<16xi32>
    %jit3A_57 = arith.constant 8 : i32
    %eq3A_58 = arith.constant 0 : i32
    %eq3A_59 = arith.cmpi eq, %jit3A_57, %eq3A_58 : i32
    %jit3A_60 = arith.constant 1 : i32
    %select_n3A_61 = arith.select %eq3A_59, %jit3A_60, %jit3A_57 : i32
    %rem3A_62 = vector.broadcast %select_n3A_61 : i32 to vector<16xi32>
    %rem3A_63 = arith.remsi %iota3A, %rem3A_62 : vector<16xi32>
    %ne3A_64 = arith.constant 0 : i32
    %ne3A_65 = vector.broadcast %ne3A_64 : i32 to vector<16xi32>
    %ne3A_66 = arith.cmpi ne, %rem3A_63, %ne3A_65 : vector<16xi32>
    %lt3A_67 = arith.constant 0 : i32
    %lt3A_68 = vector.broadcast %lt3A_67 : i32 to vector<16xi32>
    %lt3A_69 = arith.cmpi slt, %rem3A_63, %lt3A_68 : vector<16xi32>
    %lt3A_70 = arith.constant 0 : i32
    %lt3A_71 = arith.cmpi slt, %select_n3A_61, %lt3A_70 : i32
    %ne3A_72 = vector.broadcast %lt3A_71 : i1 to vector<16xi1>
    %ne3A_73 = vector.broadcast %ne3A_72 : vector<16xi1> to vector<16xi1>
    %ne3A_74 = arith.xori %lt3A_69, %ne3A_73 : vector<16xi1>
    %and3A_75 = arith.andi %ne3A_74, %ne3A_66 : vector<16xi1>
    %add3A_76 = vector.broadcast %select_n3A_61 : i32 to vector<16xi32>
    %add3A_77 = arith.addi %rem3A_63, %add3A_76 : vector<16xi32>
    %select_n3A_78 = arith.select %and3A_75, %add3A_77, %rem3A_63 : vector<16xi1>, vector<16xi32>
    %lt3A_79 = arith.constant 4 : i32
    %lt3A_80 = vector.broadcast %lt3A_79 : i32 to vector<16xi32>
    %lt3A_81 = arith.cmpi slt, %select_n3A_78, %lt3A_80 : vector<16xi32>
    %jit3A_82 = arith.constant 16 : i32
    %eq3A_83 = arith.constant 0 : i32
    %eq3A_84 = arith.cmpi eq, %jit3A_82, %eq3A_83 : i32
    %jit3A_85 = arith.constant 1 : i32
    %select_n3A_86 = arith.select %eq3A_84, %jit3A_85, %jit3A_82 : i32
    %rem3A_87 = vector.broadcast %select_n3A_86 : i32 to vector<16xi32>
    %rem3A_88 = arith.remsi %iota3A, %rem3A_87 : vector<16xi32>
    %ne3A_89 = arith.constant 0 : i32
    %ne3A_90 = vector.broadcast %ne3A_89 : i32 to vector<16xi32>
    %ne3A_91 = arith.cmpi ne, %rem3A_88, %ne3A_90 : vector<16xi32>
    %lt3A_92 = arith.constant 0 : i32
    %lt3A_93 = vector.broadcast %lt3A_92 : i32 to vector<16xi32>
    %lt3A_94 = arith.cmpi slt, %rem3A_88, %lt3A_93 : vector<16xi32>
    %lt3A_95 = arith.constant 0 : i32
    %lt3A_96 = arith.cmpi slt, %select_n3A_86, %lt3A_95 : i32
    %ne3A_97 = vector.broadcast %lt3A_96 : i1 to vector<16xi1>
    %ne3A_98 = vector.broadcast %ne3A_97 : vector<16xi1> to vector<16xi1>
    %ne3A_99 = arith.xori %lt3A_94, %ne3A_98 : vector<16xi1>
    %and3A_100 = arith.andi %ne3A_99, %ne3A_91 : vector<16xi1>
    %add3A_101 = vector.broadcast %select_n3A_86 : i32 to vector<16xi32>
    %add3A_102 = arith.addi %rem3A_88, %add3A_101 : vector<16xi32>
    %select_n3A_103 = arith.select %and3A_100, %add3A_102, %rem3A_88 : vector<16xi1>, vector<16xi32>
    %lt3A_104 = arith.constant 8 : i32
    %lt3A_105 = vector.broadcast %lt3A_104 : i32 to vector<16xi32>
    %lt3A_106 = arith.cmpi slt, %select_n3A_103, %lt3A_105 : vector<16xi32>
    %add3A_107 = arith.constant 0 : i32
    %add3A_108 = arith.addi %mul3A_2, %add3A_107 : i32
    "tpu.region"() ({
      %run_scoped3A = tpu.sem_alloc : memref<!tpu.dma_semaphore, #tpu.memory_space<semaphore_mem>>
      %dma_start3A_225 = tpu.memref_slice %arg3[%add3A_108] : memref<16384xi32, #tpu.memory_space<hbm>> -> memref<128xi32, #tpu.memory_space<hbm>>
      %dma_start3A_226 = tpu.memref_slice %arg3[%add3A_108] : memref<16384xi32, #tpu.memory_space<hbm>> -> memref<128xi32, #tpu.memory_space<hbm>>
      tpu.enqueue_dma source(%dma_start3A_226 : memref<128xi32, #tpu.memory_space<hbm>>) target(%arg12 : memref<128xi32, #tpu.memory_space<vmem>>) target_semaphore(%run_scoped3A : memref<!tpu.dma_semaphore, #tpu.memory_space<semaphore_mem>>)
      %dma_wait3A = tpu.memref_slice %arg3[%add3A_108] : memref<16384xi32, #tpu.memory_space<hbm>> -> memref<128xi32, #tpu.memory_space<hbm>>
      %dma_wait3A_227 = tpu.memref_slice %arg3[%add3A_108] : memref<16384xi32, #tpu.memory_space<hbm>> -> memref<128xi32, #tpu.memory_space<hbm>>
      tpu.wait_dma2 semaphore(%run_scoped3A : memref<!tpu.dma_semaphore, #tpu.memory_space<semaphore_mem>>) src(%dma_wait3A_227 : memref<128xi32, #tpu.memory_space<hbm>>) dst(%arg12 : memref<128xi32, #tpu.memory_space<vmem>>)
      tpu.yield
    }) : () -> ()
    %dma_start3A = arith.constant 0 : i32
    %dma_start3A_109 = tpu.memref_slice %arg2[%add3A_108, %dma_start3A] : memref<16384x128xf32, #tpu.memory_space<hbm>> -> memref<128x128xf32, #tpu.memory_space<hbm>>
    %dma_start3A_110 = arith.constant 0 : i32
    %dma_start3A_111 = tpu.memref_slice %arg2[%add3A_108, %dma_start3A_110] : memref<16384x128xf32, #tpu.memory_space<hbm>> -> memref<128x128xf32, #tpu.memory_space<hbm>>
    tpu.enqueue_dma source(%dma_start3A_111 : memref<128x128xf32, #tpu.memory_space<hbm>>) target(%arg8 : memref<128x128xf32, #tpu.memory_space<vmem>>) target_semaphore(%arg17 : memref<!tpu.dma_semaphore, #tpu.memory_space<semaphore_mem>>)
    %dma_start3A_112 = arith.constant 0 : i32
    %dma_start3A_113 = arith.constant 0 : i32
    %dma_start3A_114 = tpu.memref_slice %arg4[%dma_start3A_112, %dma_start3A_113] : memref<1000x256xf32, #tpu.memory_space<hbm>> -> memref<1000x256xf32, #tpu.memory_space<hbm>>
    tpu.enqueue_indirect_dma source(%dma_start3A_114 : memref<1000x256xf32, #tpu.memory_space<hbm>>) target(%arg10 : memref<128x256xf32, #tpu.memory_space<vmem>>) offsets(%arg12 : memref<128xi32, #tpu.memory_space<vmem>>) semaphore(%arg19 : memref<!tpu.dma_semaphore, #tpu.memory_space<semaphore_mem>>)
    %scan3A = arith.constant 0 : i32
    %scan3A_115 = arith.constant 0 : i32
    %scan3A_116 = arith.constant 2 : i32
    %scan3A_117 = arith.addi %scan3A_115, %scan3A_116 : i32
    %scan3A_118 = arith.constant 1 : i32
    %scan3A_119 = scf.for %scan3A_225 = %scan3A_115 to %scan3A_117 step %scan3A_118 iter_args(%scan3A_226 = %scan3A) -> (i32)  : i32 {
      %mul3A_227 = arith.constant 2 : i32
      %mul3A_228 = arith.muli %mul3A_227, %scan3A_225 : i32
      %add3A_229 = arith.constant 1 : i32
      %add3A_230 = arith.addi %mul3A_228, %add3A_229 : i32
      %mul3A_231 = arith.constant 128 : i32
      %mul3A_232 = arith.muli %add3A_230, %mul3A_231 : i32
      %add3A_233 = arith.addi %mul3A_2, %mul3A_232 : i32
      "tpu.region"() ({
        %run_scoped3A = tpu.sem_alloc : memref<!tpu.dma_semaphore, #tpu.memory_space<semaphore_mem>>
        %dma_start3A_283 = tpu.memref_slice %arg3[%add3A_233] : memref<16384xi32, #tpu.memory_space<hbm>> -> memref<128xi32, #tpu.memory_space<hbm>>
        %dma_start3A_284 = tpu.memref_slice %arg3[%add3A_233] : memref<16384xi32, #tpu.memory_space<hbm>> -> memref<128xi32, #tpu.memory_space<hbm>>
        tpu.enqueue_dma source(%dma_start3A_284 : memref<128xi32, #tpu.memory_space<hbm>>) target(%arg13 : memref<128xi32, #tpu.memory_space<vmem>>) target_semaphore(%run_scoped3A : memref<!tpu.dma_semaphore, #tpu.memory_space<semaphore_mem>>)
        %dma_wait3A_285 = tpu.memref_slice %arg3[%add3A_233] : memref<16384xi32, #tpu.memory_space<hbm>> -> memref<128xi32, #tpu.memory_space<hbm>>
        %dma_wait3A_286 = tpu.memref_slice %arg3[%add3A_233] : memref<16384xi32, #tpu.memory_space<hbm>> -> memref<128xi32, #tpu.memory_space<hbm>>
        tpu.wait_dma2 semaphore(%run_scoped3A : memref<!tpu.dma_semaphore, #tpu.memory_space<semaphore_mem>>) src(%dma_wait3A_286 : memref<128xi32, #tpu.memory_space<hbm>>) dst(%arg13 : memref<128xi32, #tpu.memory_space<vmem>>)
        tpu.yield
      }) : () -> ()
      %dma_start3A_234 = arith.constant 0 : i32
      %dma_start3A_235 = tpu.memref_slice %arg2[%add3A_233, %dma_start3A_234] : memref<16384x128xf32, #tpu.memory_space<hbm>> -> memref<128x128xf32, #tpu.memory_space<hbm>>
      %dma_start3A_236 = arith.constant 0 : i32
      %dma_start3A_237 = tpu.memref_slice %arg2[%add3A_233, %dma_start3A_236] : memref<16384x128xf32, #tpu.memory_space<hbm>> -> memref<128x128xf32, #tpu.memory_space<hbm>>
      tpu.enqueue_dma source(%dma_start3A_237 : memref<128x128xf32, #tpu.memory_space<hbm>>) target(%arg9 : memref<128x128xf32, #tpu.memory_space<vmem>>) target_semaphore(%arg18 : memref<!tpu.dma_semaphore, #tpu.memory_space<semaphore_mem>>)
      %dma_start3A_238 = arith.constant 0 : i32
      %dma_start3A_239 = arith.constant 0 : i32
      %dma_start3A_240 = tpu.memref_slice %arg4[%dma_start3A_238, %dma_start3A_239] : memref<1000x256xf32, #tpu.memory_space<hbm>> -> memref<1000x256xf32, #tpu.memory_space<hbm>>
      tpu.enqueue_indirect_dma source(%dma_start3A_240 : memref<1000x256xf32, #tpu.memory_space<hbm>>) target(%arg11 : memref<128x256xf32, #tpu.memory_space<vmem>>) offsets(%arg13 : memref<128xi32, #tpu.memory_space<vmem>>) semaphore(%arg20 : memref<!tpu.dma_semaphore, #tpu.memory_space<semaphore_mem>>)
      %dma_wait3A = arith.constant 0 : i32
      %dma_wait3A_241 = arith.constant 0 : i32
      %dma_wait3A_242 = tpu.memref_slice %arg2[%dma_wait3A, %dma_wait3A_241] : memref<16384x128xf32, #tpu.memory_space<hbm>> -> memref<128x128xf32, #tpu.memory_space<hbm>>
      %dma_wait3A_243 = arith.constant 0 : i32
      %dma_wait3A_244 = arith.constant 0 : i32
      %dma_wait3A_245 = tpu.memref_slice %arg2[%dma_wait3A_243, %dma_wait3A_244] : memref<16384x128xf32, #tpu.memory_space<hbm>> -> memref<128x128xf32, #tpu.memory_space<hbm>>
      tpu.wait_dma2 semaphore(%arg17 : memref<!tpu.dma_semaphore, #tpu.memory_space<semaphore_mem>>) src(%dma_wait3A_245 : memref<128x128xf32, #tpu.memory_space<hbm>>) dst(%arg8 : memref<128x128xf32, #tpu.memory_space<vmem>>)
      %dma_wait3A_246 = arith.constant 0 : i32
      %dma_wait3A_247 = arith.constant 0 : i32
      %dma_wait3A_248 = tpu.memref_slice %arg4[%dma_wait3A_246, %dma_wait3A_247] : memref<1000x256xf32, #tpu.memory_space<hbm>> -> memref<1000x256xf32, #tpu.memory_space<hbm>>
      tpu.wait_indirect_dma semaphore(%arg19 : memref<!tpu.dma_semaphore, #tpu.memory_space<semaphore_mem>>) src(%dma_wait3A_248 : memref<1000x256xf32, #tpu.memory_space<hbm>>) dst(%arg10 : memref<128x256xf32, #tpu.memory_space<vmem>>)
      %broadcast_in_dim3A = arith.constant 0.000000e+00 : f32
      %broadcast_in_dim3A_249 = vector.broadcast %broadcast_in_dim3A : f32 to vector<16xf32>
      %scan3A_250 = arith.constant 0 : i32
      %scan3A_251 = arith.constant 16 : i32
      %scan3A_252 = arith.addi %scan3A_250, %scan3A_251 : i32
      %scan3A_253 = arith.constant 1 : i32
      %scan3A_254 = scf.for %scan3A_283 = %scan3A_250 to %scan3A_252 step %scan3A_253 iter_args(%scan3A_284 = %broadcast_in_dim3A_249) -> (vector<16xf32>)  : i32 {
        %mul3A_285 = arith.constant 8 : i32
        %mul3A_286 = arith.muli %scan3A_283, %mul3A_285 : i32
        %add3A_287 = arith.constant 0 : i32
        %add3A_288 = arith.addi %mul3A_286, %add3A_287 : i32
        %get3A = arith.index_cast %add3A_288 : i32 to index
        %get3A_289 = arith.constant 0 : index
        %get3A_290 = tpu.vector_load %arg8[%get3A, %get3A_289] {strides = array<i32>} : memref<128x128xf32, #tpu.memory_space<vmem>>, vector<1x16xf32>,
        %get3A_291 = vector.shape_cast %get3A_290 : vector<1x16xf32> to vector<16xf32>
        %get3A_292 = arith.index_cast %add3A_288 : i32 to index
        %get3A_293 = arith.constant 0 : index
        %get3A_294 = tpu.vector_load %arg10[%get3A_292, %get3A_293] {strides = array<i32>} : memref<128x256xf32, #tpu.memory_space<vmem>>, vector<1x16xf32>,
        %get3A_295 = vector.shape_cast %get3A_294 : vector<1x16xf32> to vector<16xf32>
        %mul3A_296 = arith.mulf %get3A_291, %get3A_295 : vector<16xf32>
        %get3A_297 = arith.index_cast %add3A_288 : i32 to index
        %get3A_298 = arith.constant 16 : index
        %get3A_299 = tpu.vector_load %arg8[%get3A_297, %get3A_298] {strides = array<i32>} : memref<128x128xf32, #tpu.memory_space<vmem>>, vector<1x16xf32>,
        %get3A_300 = vector.shape_cast %get3A_299 : vector<1x16xf32> to vector<16xf32>
        %get3A_301 = arith.index_cast %add3A_288 : i32 to index
        %get3A_302 = arith.constant 16 : index
        %get3A_303 = tpu.vector_load %arg10[%get3A_301, %get3A_302] {strides = array<i32>} : memref<128x256xf32, #tpu.memory_space<vmem>>, vector<1x16xf32>,
        %get3A_304 = vector.shape_cast %get3A_303 : vector<1x16xf32> to vector<16xf32>
        %mul3A_305 = arith.mulf %get3A_300, %get3A_304 : vector<16xf32>
        %get3A_306 = arith.index_cast %add3A_288 : i32 to index
        %get3A_307 = arith.constant 32 : index
        %get3A_308 = tpu.vector_load %arg8[%get3A_306, %get3A_307] {strides = array<i32>} : memref<128x128xf32, #tpu.memory_space<vmem>>, vector<1x16xf32>,
        %get3A_309 = vector.shape_cast %get3A_308 : vector<1x16xf32> to vector<16xf32>
        %get3A_310 = arith.index_cast %add3A_288 : i32 to index
        %get3A_311 = arith.constant 32 : index
        %get3A_312 = tpu.vector_load %arg10[%get3A_310, %get3A_311] {strides = array<i32>} : memref<128x256xf32, #tpu.memory_space<vmem>>, vector<1x16xf32>,
        %get3A_313 = vector.shape_cast %get3A_312 : vector<1x16xf32> to vector<16xf32>
        %mul3A_314 = arith.mulf %get3A_309, %get3A_313 : vector<16xf32>
        %get3A_315 = arith.index_cast %add3A_288 : i32 to index
        %get3A_316 = arith.constant 48 : index
        %get3A_317 = tpu.vector_load %arg8[%get3A_315, %get3A_316] {strides = array<i32>} : memref<128x128xf32, #tpu.memory_space<vmem>>, vector<1x16xf32>,
        %get3A_318 = vector.shape_cast %get3A_317 : vector<1x16xf32> to vector<16xf32>
        %get3A_319 = arith.index_cast %add3A_288 : i32 to index
        %get3A_320 = arith.constant 48 : index
        %get3A_321 = tpu.vector_load %arg10[%get3A_319, %get3A_320] {strides = array<i32>} : memref<128x256xf32, #tpu.memory_space<vmem>>, vector<1x16xf32>,
        %get3A_322 = vector.shape_cast %get3A_321 : vector<1x16xf32> to vector<16xf32>
        %mul3A_323 = arith.mulf %get3A_318, %get3A_322 : vector<16xf32>
        %get3A_324 = arith.index_cast %add3A_288 : i32 to index
        %get3A_325 = arith.constant 64 : index
        %get3A_326 = tpu.vector_load %arg8[%get3A_324, %get3A_325] {strides = array<i32>} : memref<128x128xf32, #tpu.memory_space<vmem>>, vector<1x16xf32>,
        %get3A_327 = vector.shape_cast %get3A_326 : vector<1x16xf32> to vector<16xf32>
        %get3A_328 = arith.index_cast %add3A_288 : i32 to index
        %get3A_329 = arith.constant 64 : index
        %get3A_330 = tpu.vector_load %arg10[%get3A_328, %get3A_329] {strides = array<i32>} : memref<128x256xf32, #tpu.memory_space<vmem>>, vector<1x16xf32>,
        %get3A_331 = vector.shape_cast %get3A_330 : vector<1x16xf32> to vector<16xf32>
        %mul3A_332 = arith.mulf %get3A_327, %get3A_331 : vector<16xf32>
        %get3A_333 = arith.index_cast %add3A_288 : i32 to index
        %get3A_334 = arith.constant 80 : index
        %get3A_335 = tpu.vector_load %arg8[%get3A_333, %get3A_334] {strides = array<i32>} : memref<128x128xf32, #tpu.memory_space<vmem>>, vector<1x16xf32>,
        %get3A_336 = vector.shape_cast %get3A_335 : vector<1x16xf32> to vector<16xf32>
        %get3A_337 = arith.index_cast %add3A_288 : i32 to index
        %get3A_338 = arith.constant 80 : index
        %get3A_339 = tpu.vector_load %arg10[%get3A_337, %get3A_338] {strides = array<i32>} : memref<128x256xf32, #tpu.memory_space<vmem>>, vector<1x16xf32>,
        %get3A_340 = vector.shape_cast %get3A_339 : vector<1x16xf32> to vector<16xf32>
        %mul3A_341 = arith.mulf %get3A_336, %get3A_340 : vector<16xf32>
        %get3A_342 = arith.index_cast %add3A_288 : i32 to index
        %get3A_343 = arith.constant 96 : index
        %get3A_344 = tpu.vector_load %arg8[%get3A_342, %get3A_343] {strides = array<i32>} : memref<128x128xf32, #tpu.memory_space<vmem>>, vector<1x16xf32>,
        %get3A_345 = vector.shape_cast %get3A_344 : vector<1x16xf32> to vector<16xf32>
        %get3A_346 = arith.index_cast %add3A_288 : i32 to index
        %get3A_347 = arith.constant 96 : index
        %get3A_348 = tpu.vector_load %arg10[%get3A_346, %get3A_347] {strides = array<i32>} : memref<128x256xf32, #tpu.memory_space<vmem>>, vector<1x16xf32>,
        %get3A_349 = vector.shape_cast %get3A_348 : vector<1x16xf32> to vector<16xf32>
        %mul3A_350 = arith.mulf %get3A_345, %get3A_349 : vector<16xf32>
        %get3A_351 = arith.index_cast %add3A_288 : i32 to index
        %get3A_352 = arith.constant 112 : index
        %get3A_353 = tpu.vector_load %arg8[%get3A_351, %get3A_352] {strides = array<i32>} : memref<128x128xf32, #tpu.memory_space<vmem>>, vector<1x16xf32>,
        %get3A_354 = vector.shape_cast %get3A_353 : vector<1x16xf32> to vector<16xf32>
        %get3A_355 = arith.index_cast %add3A_288 : i32 to index
        %get3A_356 = arith.constant 112 : index
        %get3A_357 = tpu.vector_load %arg10[%get3A_355, %get3A_356] {strides = array<i32>} : memref<128x256xf32, #tpu.memory_space<vmem>>, vector<1x16xf32>,
        %get3A_358 = vector.shape_cast %get3A_357 : vector<1x16xf32> to vector<16xf32>
        %mul3A_359 = arith.mulf %get3A_354, %get3A_358 : vector<16xf32>
        %add3A_360 = arith.addf %mul3A_296, %mul3A_305 : vector<16xf32>
        %add3A_361 = arith.addf %mul3A_314, %mul3A_323 : vector<16xf32>
        %add3A_362 = arith.addf %mul3A_332, %mul3A_341 : vector<16xf32>
        %add3A_363 = arith.addf %mul3A_350, %mul3A_359 : vector<16xf32>
        %add3A_364 = arith.addf %add3A_360, %add3A_361 : vector<16xf32>
        %add3A_365 = arith.addf %add3A_362, %add3A_363 : vector<16xf32>
        %add3A_366 = arith.addf %add3A_364, %add3A_365 : vector<16xf32>
        %get3A_367 = arith.index_cast %add3A_288 : i32 to index
        %get3A_368 = arith.constant 128 : index
        %get3A_369 = tpu.vector_load %arg10[%get3A_367, %get3A_368] {strides = array<i32>} : memref<128x256xf32, #tpu.memory_space<vmem>>, vector<1x16xf32>,
        %get3A_370 = vector.shape_cast %get3A_369 : vector<1x16xf32> to vector<16xf32>
        %add3A_371 = arith.addf %add3A_366, %get3A_370 : vector<16xf32>
        %mul3A_372 = arith.constant 8 : i32
        %mul3A_373 = arith.muli %scan3A_283, %mul3A_372 : i32
        %add3A_374 = arith.constant 1 : i32
        %add3A_375 = arith.addi %mul3A_373, %add3A_374 : i32
        %get3A_376 = arith.index_cast %add3A_375 : i32 to index
        %get3A_377 = arith.constant 0 : index
        %get3A_378 = tpu.vector_load %arg8[%get3A_376, %get3A_377] {strides = array<i32>} : memref<128x128xf32, #tpu.memory_space<vmem>>, vector<1x16xf32>,
        %get3A_379 = vector.shape_cast %get3A_378 : vector<1x16xf32> to vector<16xf32>
        %get3A_380 = arith.index_cast %add3A_375 : i32 to index
        %get3A_381 = arith.constant 0 : index
        %get3A_382 = tpu.vector_load %arg10[%get3A_380, %get3A_381] {strides = array<i32>} : memref<128x256xf32, #tpu.memory_space<vmem>>, vector<1x16xf32>,
        %get3A_383 = vector.shape_cast %get3A_382 : vector<1x16xf32> to vector<16xf32>
        %mul3A_384 = arith.mulf %get3A_379, %get3A_383 : vector<16xf32>
        %get3A_385 = arith.index_cast %add3A_375 : i32 to index
        %get3A_386 = arith.constant 16 : index
        %get3A_387 = tpu.vector_load %arg8[%get3A_385, %get3A_386] {strides = array<i32>} : memref<128x128xf32, #tpu.memory_space<vmem>>, vector<1x16xf32>,
        %get3A_388 = vector.shape_cast %get3A_387 : vector<1x16xf32> to vector<16xf32>
        %get3A_389 = arith.index_cast %add3A_375 : i32 to index
        %get3A_390 = arith.constant 16 : index
        %get3A_391 = tpu.vector_load %arg10[%get3A_389, %get3A_390] {strides = array<i32>} : memref<128x256xf32, #tpu.memory_space<vmem>>, vector<1x16xf32>,
        %get3A_392 = vector.shape_cast %get3A_391 : vector<1x16xf32> to vector<16xf32>
        %mul3A_393 = arith.mulf %get3A_388, %get3A_392 : vector<16xf32>
        %get3A_394 = arith.index_cast %add3A_375 : i32 to index
        %get3A_395 = arith.constant 32 : index
        %get3A_396 = tpu.vector_load %arg8[%get3A_394, %get3A_395] {strides = array<i32>} : memref<128x128xf32, #tpu.memory_space<vmem>>, vector<1x16xf32>,
        %get3A_397 = vector.shape_cast %get3A_396 : vector<1x16xf32> to vector<16xf32>
        %get3A_398 = arith.index_cast %add3A_375 : i32 to index
        %get3A_399 = arith.constant 32 : index
        %get3A_400 = tpu.vector_load %arg10[%get3A_398, %get3A_399] {strides = array<i32>} : memref<128x256xf32, #tpu.memory_space<vmem>>, vector<1x16xf32>,
        %get3A_401 = vector.shape_cast %get3A_400 : vector<1x16xf32> to vector<16xf32>
        %mul3A_402 = arith.mulf %get3A_397, %get3A_401 : vector<16xf32>
        %get3A_403 = arith.index_cast %add3A_375 : i32 to index
        %get3A_404 = arith.constant 48 : index
        %get3A_405 = tpu.vector_load %arg8[%get3A_403, %get3A_404] {strides = array<i32>} : memref<128x128xf32, #tpu.memory_space<vmem>>, vector<1x16xf32>,
        %get3A_406 = vector.shape_cast %get3A_405 : vector<1x16xf32> to vector<16xf32>
        %get3A_407 = arith.index_cast %add3A_375 : i32 to index
        %get3A_408 = arith.constant 48 : index
        %get3A_409 = tpu.vector_load %arg10[%get3A_407, %get3A_408] {strides = array<i32>} : memref<128x256xf32, #tpu.memory_space<vmem>>, vector<1x16xf32>,
        %get3A_410 = vector.shape_cast %get3A_409 : vector<1x16xf32> to vector<16xf32>
        %mul3A_411 = arith.mulf %get3A_406, %get3A_410 : vector<16xf32>
        %get3A_412 = arith.index_cast %add3A_375 : i32 to index
        %get3A_413 = arith.constant 64 : index
        %get3A_414 = tpu.vector_load %arg8[%get3A_412, %get3A_413] {strides = array<i32>} : memref<128x128xf32, #tpu.memory_space<vmem>>, vector<1x16xf32>,
        %get3A_415 = vector.shape_cast %get3A_414 : vector<1x16xf32> to vector<16xf32>
        %get3A_416 = arith.index_cast %add3A_375 : i32 to index
        %get3A_417 = arith.constant 64 : index
        %get3A_418 = tpu.vector_load %arg10[%get3A_416, %get3A_417] {strides = array<i32>} : memref<128x256xf32, #tpu.memory_space<vmem>>, vector<1x16xf32>,
        %get3A_419 = vector.shape_cast %get3A_418 : vector<1x16xf32> to vector<16xf32>
        %mul3A_420 = arith.mulf %get3A_415, %get3A_419 : vector<16xf32>
        %get3A_421 = arith.index_cast %add3A_375 : i32 to index
        %get3A_422 = arith.constant 80 : index
        %get3A_423 = tpu.vector_load %arg8[%get3A_421, %get3A_422] {strides = array<i32>} : memref<128x128xf32, #tpu.memory_space<vmem>>, vector<1x16xf32>,
        %get3A_424 = vector.shape_cast %get3A_423 : vector<1x16xf32> to vector<16xf32>
        %get3A_425 = arith.index_cast %add3A_375 : i32 to index
        %get3A_426 = arith.constant 80 : index
        %get3A_427 = tpu.vector_load %arg10[%get3A_425, %get3A_426] {strides = array<i32>} : memref<128x256xf32, #tpu.memory_space<vmem>>, vector<1x16xf32>,
        %get3A_428 = vector.shape_cast %get3A_427 : vector<1x16xf32> to vector<16xf32>
        %mul3A_429 = arith.mulf %get3A_424, %get3A_428 : vector<16xf32>
        %get3A_430 = arith.index_cast %add3A_375 : i32 to index
        %get3A_431 = arith.constant 96 : index
        %get3A_432 = tpu.vector_load %arg8[%get3A_430, %get3A_431] {strides = array<i32>} : memref<128x128xf32, #tpu.memory_space<vmem>>, vector<1x16xf32>,
        %get3A_433 = vector.shape_cast %get3A_432 : vector<1x16xf32> to vector<16xf32>
        %get3A_434 = arith.index_cast %add3A_375 : i32 to index
        %get3A_435 = arith.constant 96 : index
        %get3A_436 = tpu.vector_load %arg10[%get3A_434, %get3A_435] {strides = array<i32>} : memref<128x256xf32, #tpu.memory_space<vmem>>, vector<1x16xf32>,
        %get3A_437 = vector.shape_cast %get3A_436 : vector<1x16xf32> to vector<16xf32>
        %mul3A_438 = arith.mulf %get3A_433, %get3A_437 : vector<16xf32>
        %get3A_439 = arith.index_cast %add3A_375 : i32 to index
        %get3A_440 = arith.constant 112 : index
        %get3A_441 = tpu.vector_load %arg8[%get3A_439, %get3A_440] {strides = array<i32>} : memref<128x128xf32, #tpu.memory_space<vmem>>, vector<1x16xf32>,
        %get3A_442 = vector.shape_cast %get3A_441 : vector<1x16xf32> to vector<16xf32>
        %get3A_443 = arith.index_cast %add3A_375 : i32 to index
        %get3A_444 = arith.constant 112 : index
        %get3A_445 = tpu.vector_load %arg10[%get3A_443, %get3A_444] {strides = array<i32>} : memref<128x256xf32, #tpu.memory_space<vmem>>, vector<1x16xf32>,
        %get3A_446 = vector.shape_cast %get3A_445 : vector<1x16xf32> to vector<16xf32>
        %mul3A_447 = arith.mulf %get3A_442, %get3A_446 : vector<16xf32>
        %add3A_448 = arith.addf %mul3A_384, %mul3A_393 : vector<16xf32>
        %add3A_449 = arith.addf %mul3A_402, %mul3A_411 : vector<16xf32>
        %add3A_450 = arith.addf %mul3A_420, %mul3A_429 : vector<16xf32>
        %add3A_451 = arith.addf %mul3A_438, %mul3A_447 : vector<16xf32>
        %add3A_452 = arith.addf %add3A_448, %add3A_449 : vector<16xf32>
        %add3A_453 = arith.addf %add3A_450, %add3A_451 : vector<16xf32>
        %add3A_454 = arith.addf %add3A_452, %add3A_453 : vector<16xf32>
        %get3A_455 = arith.index_cast %add3A_375 : i32 to index
        %get3A_456 = arith.constant 128 : index
        %get3A_457 = tpu.vector_load %arg10[%get3A_455, %get3A_456] {strides = array<i32>} : memref<128x256xf32, #tpu.memory_space<vmem>>, vector<1x16xf32>,
        %get3A_458 = vector.shape_cast %get3A_457 : vector<1x16xf32> to vector<16xf32>
        %add3A_459 = arith.addf %add3A_454, %get3A_458 : vector<16xf32>
        %lt3A_460 = arith.constant 0 : i32
        %lt3A_461 = vector.broadcast %lt3A_460 : i32 to vector<16xi32>
        %lt3A_462 = arith.cmpi slt, %xor3A_4, %lt3A_461 : vector<16xi32>
        %add3A_463 = arith.constant 16 : i32
        %add3A_464 = vector.broadcast %add3A_463 : i32 to vector<16xi32>
        %add3A_465 = arith.addi %xor3A_4, %add3A_464 : vector<16xi32>
        %select_n3A_466 = arith.select %lt3A_462, %add3A_465, %xor3A_4 : vector<16xi1>, vector<16xi32>
        %broadcast_in_dim3A_467 = vector.shape_cast %select_n3A_466 : vector<16xi32> to vector<16x1xi32>
        %gather3A = vector.shape_cast %broadcast_in_dim3A_467 : vector<16x1xi32> to vector<16xi32>
        %gather3A_468 = tpu.dynamic_gather %add3A_371[%gather3A] in [0] : vector<16xf32>, vector<16xi32> -> vector<16xf32>
        %add3A_469 = arith.addf %add3A_371, %gather3A_468 : vector<16xf32>
        %lt3A_470 = arith.constant 0 : i32
        %lt3A_471 = vector.broadcast %lt3A_470 : i32 to vector<16xi32>
        %lt3A_472 = arith.cmpi slt, %xor3A_4, %lt3A_471 : vector<16xi32>
        %add3A_473 = arith.constant 16 : i32
        %add3A_474 = vector.broadcast %add3A_473 : i32 to vector<16xi32>
        %add3A_475 = arith.addi %xor3A_4, %add3A_474 : vector<16xi32>
        %select_n3A_476 = arith.select %lt3A_472, %add3A_475, %xor3A_4 : vector<16xi1>, vector<16xi32>
        %broadcast_in_dim3A_477 = vector.shape_cast %select_n3A_476 : vector<16xi32> to vector<16x1xi32>
        %gather3A_478 = vector.shape_cast %broadcast_in_dim3A_477 : vector<16x1xi32> to vector<16xi32>
        %gather3A_479 = tpu.dynamic_gather %add3A_459[%gather3A_478] in [0] : vector<16xf32>, vector<16xi32> -> vector<16xf32>
        %add3A_480 = arith.addf %add3A_459, %gather3A_479 : vector<16xf32>
        %select_n3A_481 = arith.select %lt3A_31, %add3A_469, %add3A_480 : vector<16xi1>, vector<16xf32>
        %mul3A_482 = arith.constant 8 : i32
        %mul3A_483 = arith.muli %scan3A_283, %mul3A_482 : i32
        %add3A_484 = arith.constant 2 : i32
        %add3A_485 = arith.addi %mul3A_483, %add3A_484 : i32
        %get3A_486 = arith.index_cast %add3A_485 : i32 to index
        %get3A_487 = arith.constant 0 : index
        %get3A_488 = tpu.vector_load %arg8[%get3A_486, %get3A_487] {strides = array<i32>} : memref<128x128xf32, #tpu.memory_space<vmem>>, vector<1x16xf32>,
        %get3A_489 = vector.shape_cast %get3A_488 : vector<1x16xf32> to vector<16xf32>
        %get3A_490 = arith.index_cast %add3A_485 : i32 to index
        %get3A_491 = arith.constant 0 : index
        %get3A_492 = tpu.vector_load %arg10[%get3A_490, %get3A_491] {strides = array<i32>} : memref<128x256xf32, #tpu.memory_space<vmem>>, vector<1x16xf32>,
        %get3A_493 = vector.shape_cast %get3A_492 : vector<1x16xf32> to vector<16xf32>
        %mul3A_494 = arith.mulf %get3A_489, %get3A_493 : vector<16xf32>
        %get3A_495 = arith.index_cast %add3A_485 : i32 to index
        %get3A_496 = arith.constant 16 : index
        %get3A_497 = tpu.vector_load %arg8[%get3A_495, %get3A_496] {strides = array<i32>} : memref<128x128xf32, #tpu.memory_space<vmem>>, vector<1x16xf32>,
        %get3A_498 = vector.shape_cast %get3A_497 : vector<1x16xf32> to vector<16xf32>
        %get3A_499 = arith.index_cast %add3A_485 : i32 to index
        %get3A_500 = arith.constant 16 : index
        %get3A_501 = tpu.vector_load %arg10[%get3A_499, %get3A_500] {strides = array<i32>} : memref<128x256xf32, #tpu.memory_space<vmem>>, vector<1x16xf32>,
        %get3A_502 = vector.shape_cast %get3A_501 : vector<1x16xf32> to vector<16xf32>
        %mul3A_503 = arith.mulf %get3A_498, %get3A_502 : vector<16xf32>
        %get3A_504 = arith.index_cast %add3A_485 : i32 to index
        %get3A_505 = arith.constant 32 : index
        %get3A_506 = tpu.vector_load %arg8[%get3A_504, %get3A_505] {strides = array<i32>} : memref<128x128xf32, #tpu.memory_space<vmem>>, vector<1x16xf32>,
        %get3A_507 = vector.shape_cast %get3A_506 : vector<1x16xf32> to vector<16xf32>
        %get3A_508 = arith.index_cast %add3A_485 : i32 to index
        %get3A_509 = arith.constant 32 : index
        %get3A_510 = tpu.vector_load %arg10[%get3A_508, %get3A_509] {strides = array<i32>} : memref<128x256xf32, #tpu.memory_space<vmem>>, vector<1x16xf32>,
        %get3A_511 = vector.shape_cast %get3A_510 : vector<1x16xf32> to vector<16xf32>
        %mul3A_512 = arith.mulf %get3A_507, %get3A_511 : vector<16xf32>
        %get3A_513 = arith.index_cast %add3A_485 : i32 to index
        %get3A_514 = arith.constant 48 : index
        %get3A_515 = tpu.vector_load %arg8[%get3A_513, %get3A_514] {strides = array<i32>} : memref<128x128xf32, #tpu.memory_space<vmem>>, vector<1x16xf32>,
        %get3A_516 = vector.shape_cast %get3A_515 : vector<1x16xf32> to vector<16xf32>
        %get3A_517 = arith.index_cast %add3A_485 : i32 to index
        %get3A_518 = arith.constant 48 : index
        %get3A_519 = tpu.vector_load %arg10[%get3A_517, %get3A_518] {strides = array<i32>} : memref<128x256xf32, #tpu.memory_space<vmem>>, vector<1x16xf32>,
        %get3A_520 = vector.shape_cast %get3A_519 : vector<1x16xf32> to vector<16xf32>
        %mul3A_521 = arith.mulf %get3A_516, %get3A_520 : vector<16xf32>
        %get3A_522 = arith.index_cast %add3A_485 : i32 to index
        %get3A_523 = arith.constant 64 : index
        %get3A_524 = tpu.vector_load %arg8[%get3A_522, %get3A_523] {strides = array<i32>} : memref<128x128xf32, #tpu.memory_space<vmem>>, vector<1x16xf32>,
        %get3A_525 = vector.shape_cast %get3A_524 : vector<1x16xf32> to vector<16xf32>
        %get3A_526 = arith.index_cast %add3A_485 : i32 to index
        %get3A_527 = arith.constant 64 : index
        %get3A_528 = tpu.vector_load %arg10[%get3A_526, %get3A_527] {strides = array<i32>} : memref<128x256xf32, #tpu.memory_space<vmem>>, vector<1x16xf32>,
        %get3A_529 = vector.shape_cast %get3A_528 : vector<1x16xf32> to vector<16xf32>
        %mul3A_530 = arith.mulf %get3A_525, %get3A_529 : vector<16xf32>
        %get3A_531 = arith.index_cast %add3A_485 : i32 to index
        %get3A_532 = arith.constant 80 : index
        %get3A_533 = tpu.vector_load %arg8[%get3A_531, %get3A_532] {strides = array<i32>} : memref<128x128xf32, #tpu.memory_space<vmem>>, vector<1x16xf32>,
        %get3A_534 = vector.shape_cast %get3A_533 : vector<1x16xf32> to vector<16xf32>
        %get3A_535 = arith.index_cast %add3A_485 : i32 to index
        %get3A_536 = arith.constant 80 : index
        %get3A_537 = tpu.vector_load %arg10[%get3A_535, %get3A_536] {strides = array<i32>} : memref<128x256xf32, #tpu.memory_space<vmem>>, vector<1x16xf32>,
        %get3A_538 = vector.shape_cast %get3A_537 : vector<1x16xf32> to vector<16xf32>
        %mul3A_539 = arith.mulf %get3A_534, %get3A_538 : vector<16xf32>
        %get3A_540 = arith.index_cast %add3A_485 : i32 to index
        %get3A_541 = arith.constant 96 : index
        %get3A_542 = tpu.vector_load %arg8[%get3A_540, %get3A_541] {strides = array<i32>} : memref<128x128xf32, #tpu.memory_space<vmem>>, vector<1x16xf32>,
        %get3A_543 = vector.shape_cast %get3A_542 : vector<1x16xf32> to vector<16xf32>
        %get3A_544 = arith.index_cast %add3A_485 : i32 to index
        %get3A_545 = arith.constant 96 : index
        %get3A_546 = tpu.vector_load %arg10[%get3A_544, %get3A_545] {strides = array<i32>} : memref<128x256xf32, #tpu.memory_space<vmem>>, vector<1x16xf32>,
        %get3A_547 = vector.shape_cast %get3A_546 : vector<1x16xf32> to vector<16xf32>
        %mul3A_548 = arith.mulf %get3A_543, %get3A_547 : vector<16xf32>
        %get3A_549 = arith.index_cast %add3A_485 : i32 to index
        %get3A_550 = arith.constant 112 : index
        %get3A_551 = tpu.vector_load %arg8[%get3A_549, %get3A_550] {strides = array<i32>} : memref<128x128xf32, #tpu.memory_space<vmem>>, vector<1x16xf32>,
        %get3A_552 = vector.shape_cast %get3A_551 : vector<1x16xf32> to vector<16xf32>
        %get3A_553 = arith.index_cast %add3A_485 : i32 to index
        %get3A_554 = arith.constant 112 : index
        %get3A_555 = tpu.vector_load %arg10[%get3A_553, %get3A_554] {strides = array<i32>} : memref<128x256xf32, #tpu.memory_space<vmem>>, vector<1x16xf32>,
        %get3A_556 = vector.shape_cast %get3A_555 : vector<1x16xf32> to vector<16xf32>
        %mul3A_557 = arith.mulf %get3A_552, %get3A_556 : vector<16xf32>
        %add3A_558 = arith.addf %mul3A_494, %mul3A_503 : vector<16xf32>
        %add3A_559 = arith.addf %mul3A_512, %mul3A_521 : vector<16xf32>
        %add3A_560 = arith.addf %mul3A_530, %mul3A_539 : vector<16xf32>
        %add3A_561 = arith.addf %mul3A_548, %mul3A_557 : vector<16xf32>
        %add3A_562 = arith.addf %add3A_558, %add3A_559 : vector<16xf32>
        %add3A_563 = arith.addf %add3A_560, %add3A_561 : vector<16xf32>
        %add3A_564 = arith.addf %add3A_562, %add3A_563 : vector<16xf32>
        %get3A_565 = arith.index_cast %add3A_485 : i32 to index
        %get3A_566 = arith.constant 128 : index
        %get3A_567 = tpu.vector_load %arg10[%get3A_565, %get3A_566] {strides = array<i32>} : memref<128x256xf32, #tpu.memory_space<vmem>>, vector<1x16xf32>,
        %get3A_568 = vector.shape_cast %get3A_567 : vector<1x16xf32> to vector<16xf32>
        %add3A_569 = arith.addf %add3A_564, %get3A_568 : vector<16xf32>
        %mul3A_570 = arith.constant 8 : i32
        %mul3A_571 = arith.muli %scan3A_283, %mul3A_570 : i32
        %add3A_572 = arith.constant 3 : i32
        %add3A_573 = arith.addi %mul3A_571, %add3A_572 : i32
        %get3A_574 = arith.index_cast %add3A_573 : i32 to index
        %get3A_575 = arith.constant 0 : index
        %get3A_576 = tpu.vector_load %arg8[%get3A_574, %get3A_575] {strides = array<i32>} : memref<128x128xf32, #tpu.memory_space<vmem>>, vector<1x16xf32>,
        %get3A_577 = vector.shape_cast %get3A_576 : vector<1x16xf32> to vector<16xf32>
        %get3A_578 = arith.index_cast %add3A_573 : i32 to index
        %get3A_579 = arith.constant 0 : index
        %get3A_580 = tpu.vector_load %arg10[%get3A_578, %get3A_579] {strides = array<i32>} : memref<128x256xf32, #tpu.memory_space<vmem>>, vector<1x16xf32>,
        %get3A_581 = vector.shape_cast %get3A_580 : vector<1x16xf32> to vector<16xf32>
        %mul3A_582 = arith.mulf %get3A_577, %get3A_581 : vector<16xf32>
        %get3A_583 = arith.index_cast %add3A_573 : i32 to index
        %get3A_584 = arith.constant 16 : index
        %get3A_585 = tpu.vector_load %arg8[%get3A_583, %get3A_584] {strides = array<i32>} : memref<128x128xf32, #tpu.memory_space<vmem>>, vector<1x16xf32>,
        %get3A_586 = vector.shape_cast %get3A_585 : vector<1x16xf32> to vector<16xf32>
        %get3A_587 = arith.index_cast %add3A_573 : i32 to index
        %get3A_588 = arith.constant 16 : index
        %get3A_589 = tpu.vector_load %arg10[%get3A_587, %get3A_588] {strides = array<i32>} : memref<128x256xf32, #tpu.memory_space<vmem>>, vector<1x16xf32>,
        %get3A_590 = vector.shape_cast %get3A_589 : vector<1x16xf32> to vector<16xf32>
        %mul3A_591 = arith.mulf %get3A_586, %get3A_590 : vector<16xf32>
        %get3A_592 = arith.index_cast %add3A_573 : i32 to index
        %get3A_593 = arith.constant 32 : index
        %get3A_594 = tpu.vector_load %arg8[%get3A_592, %get3A_593] {strides = array<i32>} : memref<128x128xf32, #tpu.memory_space<vmem>>, vector<1x16xf32>,
        %get3A_595 = vector.shape_cast %get3A_594 : vector<1x16xf32> to vector<16xf32>
        %get3A_596 = arith.index_cast %add3A_573 : i32 to index
        %get3A_597 = arith.constant 32 : index
        %get3A_598 = tpu.vector_load %arg10[%get3A_596, %get3A_597] {strides = array<i32>} : memref<128x256xf32, #tpu.memory_space<vmem>>, vector<1x16xf32>,
        %get3A_599 = vector.shape_cast %get3A_598 : vector<1x16xf32> to vector<16xf32>
        %mul3A_600 = arith.mulf %get3A_595, %get3A_599 : vector<16xf32>
        %get3A_601 = arith.index_cast %add3A_573 : i32 to index
        %get3A_602 = arith.constant 48 : index
        %get3A_603 = tpu.vector_load %arg8[%get3A_601, %get3A_602] {strides = array<i32>} : memref<128x128xf32, #tpu.memory_space<vmem>>, vector<1x16xf32>,
        %get3A_604 = vector.shape_cast %get3A_603 : vector<1x16xf32> to vector<16xf32>
        %get3A_605 = arith.index_cast %add3A_573 : i32 to index
        %get3A_606 = arith.constant 48 : index
        %get3A_607 = tpu.vector_load %arg10[%get3A_605, %get3A_606] {strides = array<i32>} : memref<128x256xf32, #tpu.memory_space<vmem>>, vector<1x16xf32>,
        %get3A_608 = vector.shape_cast %get3A_607 : vector<1x16xf32> to vector<16xf32>
        %mul3A_609 = arith.mulf %get3A_604, %get3A_608 : vector<16xf32>
        %get3A_610 = arith.index_cast %add3A_573 : i32 to index
        %get3A_611 = arith.constant 64 : index
        %get3A_612 = tpu.vector_load %arg8[%get3A_610, %get3A_611] {strides = array<i32>} : memref<128x128xf32, #tpu.memory_space<vmem>>, vector<1x16xf32>,
        %get3A_613 = vector.shape_cast %get3A_612 : vector<1x16xf32> to vector<16xf32>
        %get3A_614 = arith.index_cast %add3A_573 : i32 to index
        %get3A_615 = arith.constant 64 : index
        %get3A_616 = tpu.vector_load %arg10[%get3A_614, %get3A_615] {strides = array<i32>} : memref<128x256xf32, #tpu.memory_space<vmem>>, vector<1x16xf32>,
        %get3A_617 = vector.shape_cast %get3A_616 : vector<1x16xf32> to vector<16xf32>
        %mul3A_618 = arith.mulf %get3A_613, %get3A_617 : vector<16xf32>
        %get3A_619 = arith.index_cast %add3A_573 : i32 to index
        %get3A_620 = arith.constant 80 : index
        %get3A_621 = tpu.vector_load %arg8[%get3A_619, %get3A_620] {strides = array<i32>} : memref<128x128xf32, #tpu.memory_space<vmem>>, vector<1x16xf32>,
        %get3A_622 = vector.shape_cast %get3A_621 : vector<1x16xf32> to vector<16xf32>
        %get3A_623 = arith.index_cast %add3A_573 : i32 to index
        %get3A_624 = arith.constant 80 : index
        %get3A_625 = tpu.vector_load %arg10[%get3A_623, %get3A_624] {strides = array<i32>} : memref<128x256xf32, #tpu.memory_space<vmem>>, vector<1x16xf32>,
        %get3A_626 = vector.shape_cast %get3A_625 : vector<1x16xf32> to vector<16xf32>
        %mul3A_627 = arith.mulf %get3A_622, %get3A_626 : vector<16xf32>
        %get3A_628 = arith.index_cast %add3A_573 : i32 to index
        %get3A_629 = arith.constant 96 : index
        %get3A_630 = tpu.vector_load %arg8[%get3A_628, %get3A_629] {strides = array<i32>} : memref<128x128xf32, #tpu.memory_space<vmem>>, vector<1x16xf32>,
        %get3A_631 = vector.shape_cast %get3A_630 : vector<1x16xf32> to vector<16xf32>
        %get3A_632 = arith.index_cast %add3A_573 : i32 to index
        %get3A_633 = arith.constant 96 : index
        %get3A_634 = tpu.vector_load %arg10[%get3A_632, %get3A_633] {strides = array<i32>} : memref<128x256xf32, #tpu.memory_space<vmem>>, vector<1x16xf32>,
        %get3A_635 = vector.shape_cast %get3A_634 : vector<1x16xf32> to vector<16xf32>
        %mul3A_636 = arith.mulf %get3A_631, %get3A_635 : vector<16xf32>
        %get3A_637 = arith.index_cast %add3A_573 : i32 to index
        %get3A_638 = arith.constant 112 : index
        %get3A_639 = tpu.vector_load %arg8[%get3A_637, %get3A_638] {strides = array<i32>} : memref<128x128xf32, #tpu.memory_space<vmem>>, vector<1x16xf32>,
        %get3A_640 = vector.shape_cast %get3A_639 : vector<1x16xf32> to vector<16xf32>
        %get3A_641 = arith.index_cast %add3A_573 : i32 to index
        %get3A_642 = arith.constant 112 : index
        %get3A_643 = tpu.vector_load %arg10[%get3A_641, %get3A_642] {strides = array<i32>} : memref<128x256xf32, #tpu.memory_space<vmem>>, vector<1x16xf32>,
        %get3A_644 = vector.shape_cast %get3A_643 : vector<1x16xf32> to vector<16xf32>
        %mul3A_645 = arith.mulf %get3A_640, %get3A_644 : vector<16xf32>
        %add3A_646 = arith.addf %mul3A_582, %mul3A_591 : vector<16xf32>
        %add3A_647 = arith.addf %mul3A_600, %mul3A_609 : vector<16xf32>
        %add3A_648 = arith.addf %mul3A_618, %mul3A_627 : vector<16xf32>
        %add3A_649 = arith.addf %mul3A_636, %mul3A_645 : vector<16xf32>
        %add3A_650 = arith.addf %add3A_646, %add3A_647 : vector<16xf32>
        %add3A_651 = arith.addf %add3A_648, %add3A_649 : vector<16xf32>
        %add3A_652 = arith.addf %add3A_650, %add3A_651 : vector<16xf32>
        %get3A_653 = arith.index_cast %add3A_573 : i32 to index
        %get3A_654 = arith.constant 128 : index
        %get3A_655 = tpu.vector_load %arg10[%get3A_653, %get3A_654] {strides = array<i32>} : memref<128x256xf32, #tpu.memory_space<vmem>>, vector<1x16xf32>,
        %get3A_656 = vector.shape_cast %get3A_655 : vector<1x16xf32> to vector<16xf32>
        %add3A_657 = arith.addf %add3A_652, %get3A_656 : vector<16xf32>
        %lt3A_658 = arith.constant 0 : i32
        %lt3A_659 = vector.broadcast %lt3A_658 : i32 to vector<16xi32>
        %lt3A_660 = arith.cmpi slt, %xor3A_4, %lt3A_659 : vector<16xi32>
        %add3A_661 = arith.constant 16 : i32
        %add3A_662 = vector.broadcast %add3A_661 : i32 to vector<16xi32>
        %add3A_663 = arith.addi %xor3A_4, %add3A_662 : vector<16xi32>
        %select_n3A_664 = arith.select %lt3A_660, %add3A_663, %xor3A_4 : vector<16xi1>, vector<16xi32>
        %broadcast_in_dim3A_665 = vector.shape_cast %select_n3A_664 : vector<16xi32> to vector<16x1xi32>
        %gather3A_666 = vector.shape_cast %broadcast_in_dim3A_665 : vector<16x1xi32> to vector<16xi32>
        %gather3A_667 = tpu.dynamic_gather %add3A_569[%gather3A_666] in [0] : vector<16xf32>, vector<16xi32> -> vector<16xf32>
        %add3A_668 = arith.addf %add3A_569, %gather3A_667 : vector<16xf32>
        %lt3A_669 = arith.constant 0 : i32
        %lt3A_670 = vector.broadcast %lt3A_669 : i32 to vector<16xi32>
        %lt3A_671 = arith.cmpi slt, %xor3A_4, %lt3A_670 : vector<16xi32>
        %add3A_672 = arith.constant 16 : i32
        %add3A_673 = vector.broadcast %add3A_672 : i32 to vector<16xi32>
        %add3A_674 = arith.addi %xor3A_4, %add3A_673 : vector<16xi32>
        %select_n3A_675 = arith.select %lt3A_671, %add3A_674, %xor3A_4 : vector<16xi1>, vector<16xi32>
        %broadcast_in_dim3A_676 = vector.shape_cast %select_n3A_675 : vector<16xi32> to vector<16x1xi32>
        %gather3A_677 = vector.shape_cast %broadcast_in_dim3A_676 : vector<16x1xi32> to vector<16xi32>
        %gather3A_678 = tpu.dynamic_gather %add3A_657[%gather3A_677] in [0] : vector<16xf32>, vector<16xi32> -> vector<16xf32>
        %add3A_679 = arith.addf %add3A_657, %gather3A_678 : vector<16xf32>
        %select_n3A_680 = arith.select %lt3A_31, %add3A_668, %add3A_679 : vector<16xi1>, vector<16xf32>
        %lt3A_681 = arith.constant 0 : i32
        %lt3A_682 = vector.broadcast %lt3A_681 : i32 to vector<16xi32>
        %lt3A_683 = arith.cmpi slt, %xor3A_7, %lt3A_682 : vector<16xi32>
        %add3A_684 = arith.constant 16 : i32
        %add3A_685 = vector.broadcast %add3A_684 : i32 to vector<16xi32>
        %add3A_686 = arith.addi %xor3A_7, %add3A_685 : vector<16xi32>
        %select_n3A_687 = arith.select %lt3A_683, %add3A_686, %xor3A_7 : vector<16xi1>, vector<16xi32>
        %broadcast_in_dim3A_688 = vector.shape_cast %select_n3A_687 : vector<16xi32> to vector<16x1xi32>
        %gather3A_689 = vector.shape_cast %broadcast_in_dim3A_688 : vector<16x1xi32> to vector<16xi32>
        %gather3A_690 = tpu.dynamic_gather %select_n3A_481[%gather3A_689] in [0] : vector<16xf32>, vector<16xi32> -> vector<16xf32>
        %add3A_691 = arith.addf %select_n3A_481, %gather3A_690 : vector<16xf32>
        %lt3A_692 = arith.constant 0 : i32
        %lt3A_693 = vector.broadcast %lt3A_692 : i32 to vector<16xi32>
        %lt3A_694 = arith.cmpi slt, %xor3A_7, %lt3A_693 : vector<16xi32>
        %add3A_695 = arith.constant 16 : i32
        %add3A_696 = vector.broadcast %add3A_695 : i32 to vector<16xi32>
        %add3A_697 = arith.addi %xor3A_7, %add3A_696 : vector<16xi32>
        %select_n3A_698 = arith.select %lt3A_694, %add3A_697, %xor3A_7 : vector<16xi1>, vector<16xi32>
        %broadcast_in_dim3A_699 = vector.shape_cast %select_n3A_698 : vector<16xi32> to vector<16x1xi32>
        %gather3A_700 = vector.shape_cast %broadcast_in_dim3A_699 : vector<16x1xi32> to vector<16xi32>
        %gather3A_701 = tpu.dynamic_gather %select_n3A_680[%gather3A_700] in [0] : vector<16xf32>, vector<16xi32> -> vector<16xf32>
        %add3A_702 = arith.addf %select_n3A_680, %gather3A_701 : vector<16xf32>
        %select_n3A_703 = arith.select %lt3A_56, %add3A_691, %add3A_702 : vector<16xi1>, vector<16xf32>
        %mul3A_704 = arith.constant 8 : i32
        %mul3A_705 = arith.muli %scan3A_283, %mul3A_704 : i32
        %add3A_706 = arith.constant 4 : i32
        %add3A_707 = arith.addi %mul3A_705, %add3A_706 : i32
        %get3A_708 = arith.index_cast %add3A_707 : i32 to index
        %get3A_709 = arith.constant 0 : index
        %get3A_710 = tpu.vector_load %arg8[%get3A_708, %get3A_709] {strides = array<i32>} : memref<128x128xf32, #tpu.memory_space<vmem>>, vector<1x16xf32>,
        %get3A_711 = vector.shape_cast %get3A_710 : vector<1x16xf32> to vector<16xf32>
        %get3A_712 = arith.index_cast %add3A_707 : i32 to index
        %get3A_713 = arith.constant 0 : index
        %get3A_714 = tpu.vector_load %arg10[%get3A_712, %get3A_713] {strides = array<i32>} : memref<128x256xf32, #tpu.memory_space<vmem>>, vector<1x16xf32>,
        %get3A_715 = vector.shape_cast %get3A_714 : vector<1x16xf32> to vector<16xf32>
        %mul3A_716 = arith.mulf %get3A_711, %get3A_715 : vector<16xf32>
        %get3A_717 = arith.index_cast %add3A_707 : i32 to index
        %get3A_718 = arith.constant 16 : index
        %get3A_719 = tpu.vector_load %arg8[%get3A_717, %get3A_718] {strides = array<i32>} : memref<128x128xf32, #tpu.memory_space<vmem>>, vector<1x16xf32>,
        %get3A_720 = vector.shape_cast %get3A_719 : vector<1x16xf32> to vector<16xf32>
        %get3A_721 = arith.index_cast %add3A_707 : i32 to index
        %get3A_722 = arith.constant 16 : index
        %get3A_723 = tpu.vector_load %arg10[%get3A_721, %get3A_722] {strides = array<i32>} : memref<128x256xf32, #tpu.memory_space<vmem>>, vector<1x16xf32>,
        %get3A_724 = vector.shape_cast %get3A_723 : vector<1x16xf32> to vector<16xf32>
        %mul3A_725 = arith.mulf %get3A_720, %get3A_724 : vector<16xf32>
        %get3A_726 = arith.index_cast %add3A_707 : i32 to index
        %get3A_727 = arith.constant 32 : index
        %get3A_728 = tpu.vector_load %arg8[%get3A_726, %get3A_727] {strides = array<i32>} : memref<128x128xf32, #tpu.memory_space<vmem>>, vector<1x16xf32>,
        %get3A_729 = vector.shape_cast %get3A_728 : vector<1x16xf32> to vector<16xf32>
        %get3A_730 = arith.index_cast %add3A_707 : i32 to index
        %get3A_731 = arith.constant 32 : index
        %get3A_732 = tpu.vector_load %arg10[%get3A_730, %get3A_731] {strides = array<i32>} : memref<128x256xf32, #tpu.memory_space<vmem>>, vector<1x16xf32>,
        %get3A_733 = vector.shape_cast %get3A_732 : vector<1x16xf32> to vector<16xf32>
        %mul3A_734 = arith.mulf %get3A_729, %get3A_733 : vector<16xf32>
        %get3A_735 = arith.index_cast %add3A_707 : i32 to index
        %get3A_736 = arith.constant 48 : index
        %get3A_737 = tpu.vector_load %arg8[%get3A_735, %get3A_736] {strides = array<i32>} : memref<128x128xf32, #tpu.memory_space<vmem>>, vector<1x16xf32>,
        %get3A_738 = vector.shape_cast %get3A_737 : vector<1x16xf32> to vector<16xf32>
        %get3A_739 = arith.index_cast %add3A_707 : i32 to index
        %get3A_740 = arith.constant 48 : index
        %get3A_741 = tpu.vector_load %arg10[%get3A_739, %get3A_740] {strides = array<i32>} : memref<128x256xf32, #tpu.memory_space<vmem>>, vector<1x16xf32>,
        %get3A_742 = vector.shape_cast %get3A_741 : vector<1x16xf32> to vector<16xf32>
        %mul3A_743 = arith.mulf %get3A_738, %get3A_742 : vector<16xf32>
        %get3A_744 = arith.index_cast %add3A_707 : i32 to index
        %get3A_745 = arith.constant 64 : index
        %get3A_746 = tpu.vector_load %arg8[%get3A_744, %get3A_745] {strides = array<i32>} : memref<128x128xf32, #tpu.memory_space<vmem>>, vector<1x16xf32>,
        %get3A_747 = vector.shape_cast %get3A_746 : vector<1x16xf32> to vector<16xf32>
        %get3A_748 = arith.index_cast %add3A_707 : i32 to index
        %get3A_749 = arith.constant 64 : index
        %get3A_750 = tpu.vector_load %arg10[%get3A_748, %get3A_749] {strides = array<i32>} : memref<128x256xf32, #tpu.memory_space<vmem>>, vector<1x16xf32>,
        %get3A_751 = vector.shape_cast %get3A_750 : vector<1x16xf32> to vector<16xf32>
        %mul3A_752 = arith.mulf %get3A_747, %get3A_751 : vector<16xf32>
        %get3A_753 = arith.index_cast %add3A_707 : i32 to index
        %get3A_754 = arith.constant 80 : index
        %get3A_755 = tpu.vector_load %arg8[%get3A_753, %get3A_754] {strides = array<i32>} : memref<128x128xf32, #tpu.memory_space<vmem>>, vector<1x16xf32>,
        %get3A_756 = vector.shape_cast %get3A_755 : vector<1x16xf32> to vector<16xf32>
        %get3A_757 = arith.index_cast %add3A_707 : i32 to index
        %get3A_758 = arith.constant 80 : index
        %get3A_759 = tpu.vector_load %arg10[%get3A_757, %get3A_758] {strides = array<i32>} : memref<128x256xf32, #tpu.memory_space<vmem>>, vector<1x16xf32>,
        %get3A_760 = vector.shape_cast %get3A_759 : vector<1x16xf32> to vector<16xf32>
        %mul3A_761 = arith.mulf %get3A_756, %get3A_760 : vector<16xf32>
        %get3A_762 = arith.index_cast %add3A_707 : i32 to index
        %get3A_763 = arith.constant 96 : index
        %get3A_764 = tpu.vector_load %arg8[%get3A_762, %get3A_763] {strides = array<i32>} : memref<128x128xf32, #tpu.memory_space<vmem>>, vector<1x16xf32>,
        %get3A_765 = vector.shape_cast %get3A_764 : vector<1x16xf32> to vector<16xf32>
        %get3A_766 = arith.index_cast %add3A_707 : i32 to index
        %get3A_767 = arith.constant 96 : index
        %get3A_768 = tpu.vector_load %arg10[%get3A_766, %get3A_767] {strides = array<i32>} : memref<128x256xf32, #tpu.memory_space<vmem>>, vector<1x16xf32>,
        %get3A_769 = vector.shape_cast %get3A_768 : vector<1x16xf32> to vector<16xf32>
        %mul3A_770 = arith.mulf %get3A_765, %get3A_769 : vector<16xf32>
        %get3A_771 = arith.index_cast %add3A_707 : i32 to index
        %get3A_772 = arith.constant 112 : index
        %get3A_773 = tpu.vector_load %arg8[%get3A_771, %get3A_772] {strides = array<i32>} : memref<128x128xf32, #tpu.memory_space<vmem>>, vector<1x16xf32>,
        %get3A_774 = vector.shape_cast %get3A_773 : vector<1x16xf32> to vector<16xf32>
        %get3A_775 = arith.index_cast %add3A_707 : i32 to index
        %get3A_776 = arith.constant 112 : index
        %get3A_777 = tpu.vector_load %arg10[%get3A_775, %get3A_776] {strides = array<i32>} : memref<128x256xf32, #tpu.memory_space<vmem>>, vector<1x16xf32>,
        %get3A_778 = vector.shape_cast %get3A_777 : vector<1x16xf32> to vector<16xf32>
        %mul3A_779 = arith.mulf %get3A_774, %get3A_778 : vector<16xf32>
        %add3A_780 = arith.addf %mul3A_716, %mul3A_725 : vector<16xf32>
        %add3A_781 = arith.addf %mul3A_734, %mul3A_743 : vector<16xf32>
        %add3A_782 = arith.addf %mul3A_752, %mul3A_761 : vector<16xf32>
        %add3A_783 = arith.addf %mul3A_770, %mul3A_779 : vector<16xf32>
        %add3A_784 = arith.addf %add3A_780, %add3A_781 : vector<16xf32>
        %add3A_785 = arith.addf %add3A_782, %add3A_783 : vector<16xf32>
        %add3A_786 = arith.addf %add3A_784, %add3A_785 : vector<16xf32>
        %get3A_787 = arith.index_cast %add3A_707 : i32 to index
        %get3A_788 = arith.constant 128 : index
        %get3A_789 = tpu.vector_load %arg10[%get3A_787, %get3A_788] {strides = array<i32>} : memref<128x256xf32, #tpu.memory_space<vmem>>, vector<1x16xf32>,
        %get3A_790 = vector.shape_cast %get3A_789 : vector<1x16xf32> to vector<16xf32>
        %add3A_791 = arith.addf %add3A_786, %get3A_790 : vector<16xf32>
        %mul3A_792 = arith.constant 8 : i32
        %mul3A_793 = arith.muli %scan3A_283, %mul3A_792 : i32
        %add3A_794 = arith.constant 5 : i32
        %add3A_795 = arith.addi %mul3A_793, %add3A_794 : i32
        %get3A_796 = arith.index_cast %add3A_795 : i32 to index
        %get3A_797 = arith.constant 0 : index
        %get3A_798 = tpu.vector_load %arg8[%get3A_796, %get3A_797] {strides = array<i32>} : memref<128x128xf32, #tpu.memory_space<vmem>>, vector<1x16xf32>,
        %get3A_799 = vector.shape_cast %get3A_798 : vector<1x16xf32> to vector<16xf32>
        %get3A_800 = arith.index_cast %add3A_795 : i32 to index
        %get3A_801 = arith.constant 0 : index
        %get3A_802 = tpu.vector_load %arg10[%get3A_800, %get3A_801] {strides = array<i32>} : memref<128x256xf32, #tpu.memory_space<vmem>>, vector<1x16xf32>,
        %get3A_803 = vector.shape_cast %get3A_802 : vector<1x16xf32> to vector<16xf32>
        %mul3A_804 = arith.mulf %get3A_799, %get3A_803 : vector<16xf32>
        %get3A_805 = arith.index_cast %add3A_795 : i32 to index
        %get3A_806 = arith.constant 16 : index
        %get3A_807 = tpu.vector_load %arg8[%get3A_805, %get3A_806] {strides = array<i32>} : memref<128x128xf32, #tpu.memory_space<vmem>>, vector<1x16xf32>,
        %get3A_808 = vector.shape_cast %get3A_807 : vector<1x16xf32> to vector<16xf32>
        %get3A_809 = arith.index_cast %add3A_795 : i32 to index
        %get3A_810 = arith.constant 16 : index
        %get3A_811 = tpu.vector_load %arg10[%get3A_809, %get3A_810] {strides = array<i32>} : memref<128x256xf32, #tpu.memory_space<vmem>>, vector<1x16xf32>,
        %get3A_812 = vector.shape_cast %get3A_811 : vector<1x16xf32> to vector<16xf32>
        %mul3A_813 = arith.mulf %get3A_808, %get3A_812 : vector<16xf32>
        %get3A_814 = arith.index_cast %add3A_795 : i32 to index
        %get3A_815 = arith.constant 32 : index
        %get3A_816 = tpu.vector_load %arg8[%get3A_814, %get3A_815] {strides = array<i32>} : memref<128x128xf32, #tpu.memory_space<vmem>>, vector<1x16xf32>,
        %get3A_817 = vector.shape_cast %get3A_816 : vector<1x16xf32> to vector<16xf32>
        %get3A_818 = arith.index_cast %add3A_795 : i32 to index
        %get3A_819 = arith.constant 32 : index
        %get3A_820 = tpu.vector_load %arg10[%get3A_818, %get3A_819] {strides = array<i32>} : memref<128x256xf32, #tpu.memory_space<vmem>>, vector<1x16xf32>,
        %get3A_821 = vector.shape_cast %get3A_820 : vector<1x16xf32> to vector<16xf32>
        %mul3A_822 = arith.mulf %get3A_817, %get3A_821 : vector<16xf32>
        %get3A_823 = arith.index_cast %add3A_795 : i32 to index
        %get3A_824 = arith.constant 48 : index
        %get3A_825 = tpu.vector_load %arg8[%get3A_823, %get3A_824] {strides = array<i32>} : memref<128x128xf32, #tpu.memory_space<vmem>>, vector<1x16xf32>,
        %get3A_826 = vector.shape_cast %get3A_825 : vector<1x16xf32> to vector<16xf32>
        %get3A_827 = arith.index_cast %add3A_795 : i32 to index
        %get3A_828 = arith.constant 48 : index
        %get3A_829 = tpu.vector_load %arg10[%get3A_827, %get3A_828] {strides = array<i32>} : memref<128x256xf32, #tpu.memory_space<vmem>>, vector<1x16xf32>,
        %get3A_830 = vector.shape_cast %get3A_829 : vector<1x16xf32> to vector<16xf32>
        %mul3A_831 = arith.mulf %get3A_826, %get3A_830 : vector<16xf32>
        %get3A_832 = arith.index_cast %add3A_795 : i32 to index
        %get3A_833 = arith.constant 64 : index
        %get3A_834 = tpu.vector_load %arg8[%get3A_832, %get3A_833] {strides = array<i32>} : memref<128x128xf32, #tpu.memory_space<vmem>>, vector<1x16xf32>,
        %get3A_835 = vector.shape_cast %get3A_834 : vector<1x16xf32> to vector<16xf32>
        %get3A_836 = arith.index_cast %add3A_795 : i32 to index
        %get3A_837 = arith.constant 64 : index
        %get3A_838 = tpu.vector_load %arg10[%get3A_836, %get3A_837] {strides = array<i32>} : memref<128x256xf32, #tpu.memory_space<vmem>>, vector<1x16xf32>,
        %get3A_839 = vector.shape_cast %get3A_838 : vector<1x16xf32> to vector<16xf32>
        %mul3A_840 = arith.mulf %get3A_835, %get3A_839 : vector<16xf32>
        %get3A_841 = arith.index_cast %add3A_795 : i32 to index
        %get3A_842 = arith.constant 80 : index
        %get3A_843 = tpu.vector_load %arg8[%get3A_841, %get3A_842] {strides = array<i32>} : memref<128x128xf32, #tpu.memory_space<vmem>>, vector<1x16xf32>,
        %get3A_844 = vector.shape_cast %get3A_843 : vector<1x16xf32> to vector<16xf32>
        %get3A_845 = arith.index_cast %add3A_795 : i32 to index
        %get3A_846 = arith.constant 80 : index
        %get3A_847 = tpu.vector_load %arg10[%get3A_845, %get3A_846] {strides = array<i32>} : memref<128x256xf32, #tpu.memory_space<vmem>>, vector<1x16xf32>,
        %get3A_848 = vector.shape_cast %get3A_847 : vector<1x16xf32> to vector<16xf32>
        %mul3A_849 = arith.mulf %get3A_844, %get3A_848 : vector<16xf32>
        %get3A_850 = arith.index_cast %add3A_795 : i32 to index
        %get3A_851 = arith.constant 96 : index
        %get3A_852 = tpu.vector_load %arg8[%get3A_850, %get3A_851] {strides = array<i32>} : memref<128x128xf32, #tpu.memory_space<vmem>>, vector<1x16xf32>,
        %get3A_853 = vector.shape_cast %get3A_852 : vector<1x16xf32> to vector<16xf32>
        %get3A_854 = arith.index_cast %add3A_795 : i32 to index
        %get3A_855 = arith.constant 96 : index
        %get3A_856 = tpu.vector_load %arg10[%get3A_854, %get3A_855] {strides = array<i32>} : memref<128x256xf32, #tpu.memory_space<vmem>>, vector<1x16xf32>,
        %get3A_857 = vector.shape_cast %get3A_856 : vector<1x16xf32> to vector<16xf32>
        %mul3A_858 = arith.mulf %get3A_853, %get3A_857 : vector<16xf32>
        %get3A_859 = arith.index_cast %add3A_795 : i32 to index
        %get3A_860 = arith.constant 112 : index
        %get3A_861 = tpu.vector_load %arg8[%get3A_859, %get3A_860] {strides = array<i32>} : memref<128x128xf32, #tpu.memory_space<vmem>>, vector<1x16xf32>,
        %get3A_862 = vector.shape_cast %get3A_861 : vector<1x16xf32> to vector<16xf32>
        %get3A_863 = arith.index_cast %add3A_795 : i32 to index
        %get3A_864 = arith.constant 112 : index
        %get3A_865 = tpu.vector_load %arg10[%get3A_863, %get3A_864] {strides = array<i32>} : memref<128x256xf32, #tpu.memory_space<vmem>>, vector<1x16xf32>,
        %get3A_866 = vector.shape_cast %get3A_865 : vector<1x16xf32> to vector<16xf32>
        %mul3A_867 = arith.mulf %get3A_862, %get3A_866 : vector<16xf32>
        %add3A_868 = arith.addf %mul3A_804, %mul3A_813 : vector<16xf32>
        %add3A_869 = arith.addf %mul3A_822, %mul3A_831 : vector<16xf32>
        %add3A_870 = arith.addf %mul3A_840, %mul3A_849 : vector<16xf32>
        %add3A_871 = arith.addf %mul3A_858, %mul3A_867 : vector<16xf32>
        %add3A_872 = arith.addf %add3A_868, %add3A_869 : vector<16xf32>
        %add3A_873 = arith.addf %add3A_870, %add3A_871 : vector<16xf32>
        %add3A_874 = arith.addf %add3A_872, %add3A_873 : vector<16xf32>
        %get3A_875 = arith.index_cast %add3A_795 : i32 to index
        %get3A_876 = arith.constant 128 : index
        %get3A_877 = tpu.vector_load %arg10[%get3A_875, %get3A_876] {strides = array<i32>} : memref<128x256xf32, #tpu.memory_space<vmem>>, vector<1x16xf32>,
        %get3A_878 = vector.shape_cast %get3A_877 : vector<1x16xf32> to vector<16xf32>
        %add3A_879 = arith.addf %add3A_874, %get3A_878 : vector<16xf32>
        %lt3A_880 = arith.constant 0 : i32
        %lt3A_881 = vector.broadcast %lt3A_880 : i32 to vector<16xi32>
        %lt3A_882 = arith.cmpi slt, %xor3A_4, %lt3A_881 : vector<16xi32>
        %add3A_883 = arith.constant 16 : i32
        %add3A_884 = vector.broadcast %add3A_883 : i32 to vector<16xi32>
        %add3A_885 = arith.addi %xor3A_4, %add3A_884 : vector<16xi32>
        %select_n3A_886 = arith.select %lt3A_882, %add3A_885, %xor3A_4 : vector<16xi1>, vector<16xi32>
        %broadcast_in_dim3A_887 = vector.shape_cast %select_n3A_886 : vector<16xi32> to vector<16x1xi32>
        %gather3A_888 = vector.shape_cast %broadcast_in_dim3A_887 : vector<16x1xi32> to vector<16xi32>
        %gather3A_889 = tpu.dynamic_gather %add3A_791[%gather3A_888] in [0] : vector<16xf32>, vector<16xi32> -> vector<16xf32>
        %add3A_890 = arith.addf %add3A_791, %gather3A_889 : vector<16xf32>
        %lt3A_891 = arith.constant 0 : i32
        %lt3A_892 = vector.broadcast %lt3A_891 : i32 to vector<16xi32>
        %lt3A_893 = arith.cmpi slt, %xor3A_4, %lt3A_892 : vector<16xi32>
        %add3A_894 = arith.constant 16 : i32
        %add3A_895 = vector.broadcast %add3A_894 : i32 to vector<16xi32>
        %add3A_896 = arith.addi %xor3A_4, %add3A_895 : vector<16xi32>
        %select_n3A_897 = arith.select %lt3A_893, %add3A_896, %xor3A_4 : vector<16xi1>, vector<16xi32>
        %broadcast_in_dim3A_898 = vector.shape_cast %select_n3A_897 : vector<16xi32> to vector<16x1xi32>
        %gather3A_899 = vector.shape_cast %broadcast_in_dim3A_898 : vector<16x1xi32> to vector<16xi32>
        %gather3A_900 = tpu.dynamic_gather %add3A_879[%gather3A_899] in [0] : vector<16xf32>, vector<16xi32> -> vector<16xf32>
        %add3A_901 = arith.addf %add3A_879, %gather3A_900 : vector<16xf32>
        %select_n3A_902 = arith.select %lt3A_31, %add3A_890, %add3A_901 : vector<16xi1>, vector<16xf32>
        %mul3A_903 = arith.constant 8 : i32
        %mul3A_904 = arith.muli %scan3A_283, %mul3A_903 : i32
        %add3A_905 = arith.constant 6 : i32
        %add3A_906 = arith.addi %mul3A_904, %add3A_905 : i32
        %get3A_907 = arith.index_cast %add3A_906 : i32 to index
        %get3A_908 = arith.constant 0 : index
        %get3A_909 = tpu.vector_load %arg8[%get3A_907, %get3A_908] {strides = array<i32>} : memref<128x128xf32, #tpu.memory_space<vmem>>, vector<1x16xf32>,
        %get3A_910 = vector.shape_cast %get3A_909 : vector<1x16xf32> to vector<16xf32>
        %get3A_911 = arith.index_cast %add3A_906 : i32 to index
        %get3A_912 = arith.constant 0 : index
        %get3A_913 = tpu.vector_load %arg10[%get3A_911, %get3A_912] {strides = array<i32>} : memref<128x256xf32, #tpu.memory_space<vmem>>, vector<1x16xf32>,
        %get3A_914 = vector.shape_cast %get3A_913 : vector<1x16xf32> to vector<16xf32>
        %mul3A_915 = arith.mulf %get3A_910, %get3A_914 : vector<16xf32>
        %get3A_916 = arith.index_cast %add3A_906 : i32 to index
        %get3A_917 = arith.constant 16 : index
        %get3A_918 = tpu.vector_load %arg8[%get3A_916, %get3A_917] {strides = array<i32>} : memref<128x128xf32, #tpu.memory_space<vmem>>, vector<1x16xf32>,
        %get3A_919 = vector.shape_cast %get3A_918 : vector<1x16xf32> to vector<16xf32>
        %get3A_920 = arith.index_cast %add3A_906 : i32 to index
        %get3A_921 = arith.constant 16 : index
        %get3A_922 = tpu.vector_load %arg10[%get3A_920, %get3A_921] {strides = array<i32>} : memref<128x256xf32, #tpu.memory_space<vmem>>, vector<1x16xf32>,
        %get3A_923 = vector.shape_cast %get3A_922 : vector<1x16xf32> to vector<16xf32>
        %mul3A_924 = arith.mulf %get3A_919, %get3A_923 : vector<16xf32>
        %get3A_925 = arith.index_cast %add3A_906 : i32 to index
        %get3A_926 = arith.constant 32 : index
        %get3A_927 = tpu.vector_load %arg8[%get3A_925, %get3A_926] {strides = array<i32>} : memref<128x128xf32, #tpu.memory_space<vmem>>, vector<1x16xf32>,
        %get3A_928 = vector.shape_cast %get3A_927 : vector<1x16xf32> to vector<16xf32>
        %get3A_929 = arith.index_cast %add3A_906 : i32 to index
        %get3A_930 = arith.constant 32 : index
        %get3A_931 = tpu.vector_load %arg10[%get3A_929, %get3A_930] {strides = array<i32>} : memref<128x256xf32, #tpu.memory_space<vmem>>, vector<1x16xf32>,
        %get3A_932 = vector.shape_cast %get3A_931 : vector<1x16xf32> to vector<16xf32>
        %mul3A_933 = arith.mulf %get3A_928, %get3A_932 : vector<16xf32>
        %get3A_934 = arith.index_cast %add3A_906 : i32 to index
        %get3A_935 = arith.constant 48 : index
        %get3A_936 = tpu.vector_load %arg8[%get3A_934, %get3A_935] {strides = array<i32>} : memref<128x128xf32, #tpu.memory_space<vmem>>, vector<1x16xf32>,
        %get3A_937 = vector.shape_cast %get3A_936 : vector<1x16xf32> to vector<16xf32>
        %get3A_938 = arith.index_cast %add3A_906 : i32 to index
        %get3A_939 = arith.constant 48 : index
        %get3A_940 = tpu.vector_load %arg10[%get3A_938, %get3A_939] {strides = array<i32>} : memref<128x256xf32, #tpu.memory_space<vmem>>, vector<1x16xf32>,
        %get3A_941 = vector.shape_cast %get3A_940 : vector<1x16xf32> to vector<16xf32>
        %mul3A_942 = arith.mulf %get3A_937, %get3A_941 : vector<16xf32>
        %get3A_943 = arith.index_cast %add3A_906 : i32 to index
        %get3A_944 = arith.constant 64 : index
        %get3A_945 = tpu.vector_load %arg8[%get3A_943, %get3A_944] {strides = array<i32>} : memref<128x128xf32, #tpu.memory_space<vmem>>, vector<1x16xf32>,
        %get3A_946 = vector.shape_cast %get3A_945 : vector<1x16xf32> to vector<16xf32>
        %get3A_947 = arith.index_cast %add3A_906 : i32 to index
        %get3A_948 = arith.constant 64 : index
        %get3A_949 = tpu.vector_load %arg10[%get3A_947, %get3A_948] {strides = array<i32>} : memref<128x256xf32, #tpu.memory_space<vmem>>, vector<1x16xf32>,
        %get3A_950 = vector.shape_cast %get3A_949 : vector<1x16xf32> to vector<16xf32>
        %mul3A_951 = arith.mulf %get3A_946, %get3A_950 : vector<16xf32>
        %get3A_952 = arith.index_cast %add3A_906 : i32 to index
        %get3A_953 = arith.constant 80 : index
        %get3A_954 = tpu.vector_load %arg8[%get3A_952, %get3A_953] {strides = array<i32>} : memref<128x128xf32, #tpu.memory_space<vmem>>, vector<1x16xf32>,
        %get3A_955 = vector.shape_cast %get3A_954 : vector<1x16xf32> to vector<16xf32>
        %get3A_956 = arith.index_cast %add3A_906 : i32 to index
        %get3A_957 = arith.constant 80 : index
        %get3A_958 = tpu.vector_load %arg10[%get3A_956, %get3A_957] {strides = array<i32>} : memref<128x256xf32, #tpu.memory_space<vmem>>, vector<1x16xf32>,
        %get3A_959 = vector.shape_cast %get3A_958 : vector<1x16xf32> to vector<16xf32>
        %mul3A_960 = arith.mulf %get3A_955, %get3A_959 : vector<16xf32>
        %get3A_961 = arith.index_cast %add3A_906 : i32 to index
        %get3A_962 = arith.constant 96 : index
        %get3A_963 = tpu.vector_load %arg8[%get3A_961, %get3A_962] {strides = array<i32>} : memref<128x128xf32, #tpu.memory_space<vmem>>, vector<1x16xf32>,
        %get3A_964 = vector.shape_cast %get3A_963 : vector<1x16xf32> to vector<16xf32>
        %get3A_965 = arith.index_cast %add3A_906 : i32 to index
        %get3A_966 = arith.constant 96 : index
        %get3A_967 = tpu.vector_load %arg10[%get3A_965, %get3A_966] {strides = array<i32>} : memref<128x256xf32, #tpu.memory_space<vmem>>, vector<1x16xf32>,
        %get3A_968 = vector.shape_cast %get3A_967 : vector<1x16xf32> to vector<16xf32>
        %mul3A_969 = arith.mulf %get3A_964, %get3A_968 : vector<16xf32>
        %get3A_970 = arith.index_cast %add3A_906 : i32 to index
        %get3A_971 = arith.constant 112 : index
        %get3A_972 = tpu.vector_load %arg8[%get3A_970, %get3A_971] {strides = array<i32>} : memref<128x128xf32, #tpu.memory_space<vmem>>, vector<1x16xf32>,
        %get3A_973 = vector.shape_cast %get3A_972 : vector<1x16xf32> to vector<16xf32>
        %get3A_974 = arith.index_cast %add3A_906 : i32 to index
        %get3A_975 = arith.constant 112 : index
        %get3A_976 = tpu.vector_load %arg10[%get3A_974, %get3A_975] {strides = array<i32>} : memref<128x256xf32, #tpu.memory_space<vmem>>, vector<1x16xf32>,
        %get3A_977 = vector.shape_cast %get3A_976 : vector<1x16xf32> to vector<16xf32>
        %mul3A_978 = arith.mulf %get3A_973, %get3A_977 : vector<16xf32>
        %add3A_979 = arith.addf %mul3A_915, %mul3A_924 : vector<16xf32>
        %add3A_980 = arith.addf %mul3A_933, %mul3A_942 : vector<16xf32>
        %add3A_981 = arith.addf %mul3A_951, %mul3A_960 : vector<16xf32>
        %add3A_982 = arith.addf %mul3A_969, %mul3A_978 : vector<16xf32>
        %add3A_983 = arith.addf %add3A_979, %add3A_980 : vector<16xf32>
        %add3A_984 = arith.addf %add3A_981, %add3A_982 : vector<16xf32>
        %add3A_985 = arith.addf %add3A_983, %add3A_984 : vector<16xf32>
        %get3A_986 = arith.index_cast %add3A_906 : i32 to index
        %get3A_987 = arith.constant 128 : index
        %get3A_988 = tpu.vector_load %arg10[%get3A_986, %get3A_987] {strides = array<i32>} : memref<128x256xf32, #tpu.memory_space<vmem>>, vector<1x16xf32>,
        %get3A_989 = vector.shape_cast %get3A_988 : vector<1x16xf32> to vector<16xf32>
        %add3A_990 = arith.addf %add3A_985, %get3A_989 : vector<16xf32>
        %mul3A_991 = arith.constant 8 : i32
        %mul3A_992 = arith.muli %scan3A_283, %mul3A_991 : i32
        %add3A_993 = arith.constant 7 : i32
        %add3A_994 = arith.addi %mul3A_992, %add3A_993 : i32
        %get3A_995 = arith.index_cast %add3A_994 : i32 to index
        %get3A_996 = arith.constant 0 : index
        %get3A_997 = tpu.vector_load %arg8[%get3A_995, %get3A_996] {strides = array<i32>} : memref<128x128xf32, #tpu.memory_space<vmem>>, vector<1x16xf32>,
        %get3A_998 = vector.shape_cast %get3A_997 : vector<1x16xf32> to vector<16xf32>
        %get3A_999 = arith.index_cast %add3A_994 : i32 to index
        %get3A_1000 = arith.constant 0 : index
        %get3A_1001 = tpu.vector_load %arg10[%get3A_999, %get3A_1000] {strides = array<i32>} : memref<128x256xf32, #tpu.memory_space<vmem>>, vector<1x16xf32>,
        %get3A_1002 = vector.shape_cast %get3A_1001 : vector<1x16xf32> to vector<16xf32>
        %mul3A_1003 = arith.mulf %get3A_998, %get3A_1002 : vector<16xf32>
        %get3A_1004 = arith.index_cast %add3A_994 : i32 to index
        %get3A_1005 = arith.constant 16 : index
        %get3A_1006 = tpu.vector_load %arg8[%get3A_1004, %get3A_1005] {strides = array<i32>} : memref<128x128xf32, #tpu.memory_space<vmem>>, vector<1x16xf32>,
        %get3A_1007 = vector.shape_cast %get3A_1006 : vector<1x16xf32> to vector<16xf32>
        %get3A_1008 = arith.index_cast %add3A_994 : i32 to index
        %get3A_1009 = arith.constant 16 : index
        %get3A_1010 = tpu.vector_load %arg10[%get3A_1008, %get3A_1009] {strides = array<i32>} : memref<128x256xf32, #tpu.memory_space<vmem>>, vector<1x16xf32>,
        %get3A_1011 = vector.shape_cast %get3A_1010 : vector<1x16xf32> to vector<16xf32>
        %mul3A_1012 = arith.mulf %get3A_1007, %get3A_1011 : vector<16xf32>
        %get3A_1013 = arith.index_cast %add3A_994 : i32 to index
        %get3A_1014 = arith.constant 32 : index
        %get3A_1015 = tpu.vector_load %arg8[%get3A_1013, %get3A_1014] {strides = array<i32>} : memref<128x128xf32, #tpu.memory_space<vmem>>, vector<1x16xf32>,
        %get3A_1016 = vector.shape_cast %get3A_1015 : vector<1x16xf32> to vector<16xf32>
        %get3A_1017 = arith.index_cast %add3A_994 : i32 to index
        %get3A_1018 = arith.constant 32 : index
        %get3A_1019 = tpu.vector_load %arg10[%get3A_1017, %get3A_1018] {strides = array<i32>} : memref<128x256xf32, #tpu.memory_space<vmem>>, vector<1x16xf32>,
        %get3A_1020 = vector.shape_cast %get3A_1019 : vector<1x16xf32> to vector<16xf32>
        %mul3A_1021 = arith.mulf %get3A_1016, %get3A_1020 : vector<16xf32>
        %get3A_1022 = arith.index_cast %add3A_994 : i32 to index
        %get3A_1023 = arith.constant 48 : index
        %get3A_1024 = tpu.vector_load %arg8[%get3A_1022, %get3A_1023] {strides = array<i32>} : memref<128x128xf32, #tpu.memory_space<vmem>>, vector<1x16xf32>,
        %get3A_1025 = vector.shape_cast %get3A_1024 : vector<1x16xf32> to vector<16xf32>
        %get3A_1026 = arith.index_cast %add3A_994 : i32 to index
        %get3A_1027 = arith.constant 48 : index
        %get3A_1028 = tpu.vector_load %arg10[%get3A_1026, %get3A_1027] {strides = array<i32>} : memref<128x256xf32, #tpu.memory_space<vmem>>, vector<1x16xf32>,
        %get3A_1029 = vector.shape_cast %get3A_1028 : vector<1x16xf32> to vector<16xf32>
        %mul3A_1030 = arith.mulf %get3A_1025, %get3A_1029 : vector<16xf32>
        %get3A_1031 = arith.index_cast %add3A_994 : i32 to index
        %get3A_1032 = arith.constant 64 : index
        %get3A_1033 = tpu.vector_load %arg8[%get3A_1031, %get3A_1032] {strides = array<i32>} : memref<128x128xf32, #tpu.memory_space<vmem>>, vector<1x16xf32>,
        %get3A_1034 = vector.shape_cast %get3A_1033 : vector<1x16xf32> to vector<16xf32>
        %get3A_1035 = arith.index_cast %add3A_994 : i32 to index
        %get3A_1036 = arith.constant 64 : index
        %get3A_1037 = tpu.vector_load %arg10[%get3A_1035, %get3A_1036] {strides = array<i32>} : memref<128x256xf32, #tpu.memory_space<vmem>>, vector<1x16xf32>,
        %get3A_1038 = vector.shape_cast %get3A_1037 : vector<1x16xf32> to vector<16xf32>
        %mul3A_1039 = arith.mulf %get3A_1034, %get3A_1038 : vector<16xf32>
        %get3A_1040 = arith.index_cast %add3A_994 : i32 to index
        %get3A_1041 = arith.constant 80 : index
        %get3A_1042 = tpu.vector_load %arg8[%get3A_1040, %get3A_1041] {strides = array<i32>} : memref<128x128xf32, #tpu.memory_space<vmem>>, vector<1x16xf32>,
        %get3A_1043 = vector.shape_cast %get3A_1042 : vector<1x16xf32> to vector<16xf32>
        %get3A_1044 = arith.index_cast %add3A_994 : i32 to index
        %get3A_1045 = arith.constant 80 : index
        %get3A_1046 = tpu.vector_load %arg10[%get3A_1044, %get3A_1045] {strides = array<i32>} : memref<128x256xf32, #tpu.memory_space<vmem>>, vector<1x16xf32>,
        %get3A_1047 = vector.shape_cast %get3A_1046 : vector<1x16xf32> to vector<16xf32>
        %mul3A_1048 = arith.mulf %get3A_1043, %get3A_1047 : vector<16xf32>
        %get3A_1049 = arith.index_cast %add3A_994 : i32 to index
        %get3A_1050 = arith.constant 96 : index
        %get3A_1051 = tpu.vector_load %arg8[%get3A_1049, %get3A_1050] {strides = array<i32>} : memref<128x128xf32, #tpu.memory_space<vmem>>, vector<1x16xf32>,
        %get3A_1052 = vector.shape_cast %get3A_1051 : vector<1x16xf32> to vector<16xf32>
        %get3A_1053 = arith.index_cast %add3A_994 : i32 to index
        %get3A_1054 = arith.constant 96 : index
        %get3A_1055 = tpu.vector_load %arg10[%get3A_1053, %get3A_1054] {strides = array<i32>} : memref<128x256xf32, #tpu.memory_space<vmem>>, vector<1x16xf32>,
        %get3A_1056 = vector.shape_cast %get3A_1055 : vector<1x16xf32> to vector<16xf32>
        %mul3A_1057 = arith.mulf %get3A_1052, %get3A_1056 : vector<16xf32>
        %get3A_1058 = arith.index_cast %add3A_994 : i32 to index
        %get3A_1059 = arith.constant 112 : index
        %get3A_1060 = tpu.vector_load %arg8[%get3A_1058, %get3A_1059] {strides = array<i32>} : memref<128x128xf32, #tpu.memory_space<vmem>>, vector<1x16xf32>,
        %get3A_1061 = vector.shape_cast %get3A_1060 : vector<1x16xf32> to vector<16xf32>
        %get3A_1062 = arith.index_cast %add3A_994 : i32 to index
        %get3A_1063 = arith.constant 112 : index
        %get3A_1064 = tpu.vector_load %arg10[%get3A_1062, %get3A_1063] {strides = array<i32>} : memref<128x256xf32, #tpu.memory_space<vmem>>, vector<1x16xf32>,
        %get3A_1065 = vector.shape_cast %get3A_1064 : vector<1x16xf32> to vector<16xf32>
        %mul3A_1066 = arith.mulf %get3A_1061, %get3A_1065 : vector<16xf32>
        %add3A_1067 = arith.addf %mul3A_1003, %mul3A_1012 : vector<16xf32>
        %add3A_1068 = arith.addf %mul3A_1021, %mul3A_1030 : vector<16xf32>
        %add3A_1069 = arith.addf %mul3A_1039, %mul3A_1048 : vector<16xf32>
        %add3A_1070 = arith.addf %mul3A_1057, %mul3A_1066 : vector<16xf32>
        %add3A_1071 = arith.addf %add3A_1067, %add3A_1068 : vector<16xf32>
        %add3A_1072 = arith.addf %add3A_1069, %add3A_1070 : vector<16xf32>
        %add3A_1073 = arith.addf %add3A_1071, %add3A_1072 : vector<16xf32>
        %get3A_1074 = arith.index_cast %add3A_994 : i32 to index
        %get3A_1075 = arith.constant 128 : index
        %get3A_1076 = tpu.vector_load %arg10[%get3A_1074, %get3A_1075] {strides = array<i32>} : memref<128x256xf32, #tpu.memory_space<vmem>>, vector<1x16xf32>,
        %get3A_1077 = vector.shape_cast %get3A_1076 : vector<1x16xf32> to vector<16xf32>
        %add3A_1078 = arith.addf %add3A_1073, %get3A_1077 : vector<16xf32>
        %lt3A_1079 = arith.constant 0 : i32
        %lt3A_1080 = vector.broadcast %lt3A_1079 : i32 to vector<16xi32>
        %lt3A_1081 = arith.cmpi slt, %xor3A_4, %lt3A_1080 : vector<16xi32>
        %add3A_1082 = arith.constant 16 : i32
        %add3A_1083 = vector.broadcast %add3A_1082 : i32 to vector<16xi32>
        %add3A_1084 = arith.addi %xor3A_4, %add3A_1083 : vector<16xi32>
        %select_n3A_1085 = arith.select %lt3A_1081, %add3A_1084, %xor3A_4 : vector<16xi1>, vector<16xi32>
        %broadcast_in_dim3A_1086 = vector.shape_cast %select_n3A_1085 : vector<16xi32> to vector<16x1xi32>
        %gather3A_1087 = vector.shape_cast %broadcast_in_dim3A_1086 : vector<16x1xi32> to vector<16xi32>
        %gather3A_1088 = tpu.dynamic_gather %add3A_990[%gather3A_1087] in [0] : vector<16xf32>, vector<16xi32> -> vector<16xf32>
        %add3A_1089 = arith.addf %add3A_990, %gather3A_1088 : vector<16xf32>
        %lt3A_1090 = arith.constant 0 : i32
        %lt3A_1091 = vector.broadcast %lt3A_1090 : i32 to vector<16xi32>
        %lt3A_1092 = arith.cmpi slt, %xor3A_4, %lt3A_1091 : vector<16xi32>
        %add3A_1093 = arith.constant 16 : i32
        %add3A_1094 = vector.broadcast %add3A_1093 : i32 to vector<16xi32>
        %add3A_1095 = arith.addi %xor3A_4, %add3A_1094 : vector<16xi32>
        %select_n3A_1096 = arith.select %lt3A_1092, %add3A_1095, %xor3A_4 : vector<16xi1>, vector<16xi32>
        %broadcast_in_dim3A_1097 = vector.shape_cast %select_n3A_1096 : vector<16xi32> to vector<16x1xi32>
        %gather3A_1098 = vector.shape_cast %broadcast_in_dim3A_1097 : vector<16x1xi32> to vector<16xi32>
        %gather3A_1099 = tpu.dynamic_gather %add3A_1078[%gather3A_1098] in [0] : vector<16xf32>, vector<16xi32> -> vector<16xf32>
        %add3A_1100 = arith.addf %add3A_1078, %gather3A_1099 : vector<16xf32>
        %select_n3A_1101 = arith.select %lt3A_31, %add3A_1089, %add3A_1100 : vector<16xi1>, vector<16xf32>
        %lt3A_1102 = arith.constant 0 : i32
        %lt3A_1103 = vector.broadcast %lt3A_1102 : i32 to vector<16xi32>
        %lt3A_1104 = arith.cmpi slt, %xor3A_7, %lt3A_1103 : vector<16xi32>
        %add3A_1105 = arith.constant 16 : i32
        %add3A_1106 = vector.broadcast %add3A_1105 : i32 to vector<16xi32>
        %add3A_1107 = arith.addi %xor3A_7, %add3A_1106 : vector<16xi32>
        %select_n3A_1108 = arith.select %lt3A_1104, %add3A_1107, %xor3A_7 : vector<16xi1>, vector<16xi32>
        %broadcast_in_dim3A_1109 = vector.shape_cast %select_n3A_1108 : vector<16xi32> to vector<16x1xi32>
        %gather3A_1110 = vector.shape_cast %broadcast_in_dim3A_1109 : vector<16x1xi32> to vector<16xi32>
        %gather3A_1111 = tpu.dynamic_gather %select_n3A_902[%gather3A_1110] in [0] : vector<16xf32>, vector<16xi32> -> vector<16xf32>
        %add3A_1112 = arith.addf %select_n3A_902, %gather3A_1111 : vector<16xf32>
        %lt3A_1113 = arith.constant 0 : i32
        %lt3A_1114 = vector.broadcast %lt3A_1113 : i32 to vector<16xi32>
        %lt3A_1115 = arith.cmpi slt, %xor3A_7, %lt3A_1114 : vector<16xi32>
        %add3A_1116 = arith.constant 16 : i32
        %add3A_1117 = vector.broadcast %add3A_1116 : i32 to vector<16xi32>
        %add3A_1118 = arith.addi %xor3A_7, %add3A_1117 : vector<16xi32>
        %select_n3A_1119 = arith.select %lt3A_1115, %add3A_1118, %xor3A_7 : vector<16xi1>, vector<16xi32>
        %broadcast_in_dim3A_1120 = vector.shape_cast %select_n3A_1119 : vector<16xi32> to vector<16x1xi32>
        %gather3A_1121 = vector.shape_cast %broadcast_in_dim3A_1120 : vector<16x1xi32> to vector<16xi32>
        %gather3A_1122 = tpu.dynamic_gather %select_n3A_1101[%gather3A_1121] in [0] : vector<16xf32>, vector<16xi32> -> vector<16xf32>
        %add3A_1123 = arith.addf %select_n3A_1101, %gather3A_1122 : vector<16xf32>
        %select_n3A_1124 = arith.select %lt3A_56, %add3A_1112, %add3A_1123 : vector<16xi1>, vector<16xf32>
        %lt3A_1125 = arith.constant 0 : i32
        %lt3A_1126 = vector.broadcast %lt3A_1125 : i32 to vector<16xi32>
        %lt3A_1127 = arith.cmpi slt, %xor3A_10, %lt3A_1126 : vector<16xi32>
        %add3A_1128 = arith.constant 16 : i32
        %add3A_1129 = vector.broadcast %add3A_1128 : i32 to vector<16xi32>
        %add3A_1130 = arith.addi %xor3A_10, %add3A_1129 : vector<16xi32>
        %select_n3A_1131 = arith.select %lt3A_1127, %add3A_1130, %xor3A_10 : vector<16xi1>, vector<16xi32>
        %broadcast_in_dim3A_1132 = vector.shape_cast %select_n3A_1131 : vector<16xi32> to vector<16x1xi32>
        %gather3A_1133 = vector.shape_cast %broadcast_in_dim3A_1132 : vector<16x1xi32> to vector<16xi32>
        %gather3A_1134 = tpu.dynamic_gather %select_n3A_703[%gather3A_1133] in [0] : vector<16xf32>, vector<16xi32> -> vector<16xf32>
        %add3A_1135 = arith.addf %select_n3A_703, %gather3A_1134 : vector<16xf32>
        %lt3A_1136 = arith.constant 0 : i32
        %lt3A_1137 = vector.broadcast %lt3A_1136 : i32 to vector<16xi32>
        %lt3A_1138 = arith.cmpi slt, %xor3A_10, %lt3A_1137 : vector<16xi32>
        %add3A_1139 = arith.constant 16 : i32
        %add3A_1140 = vector.broadcast %add3A_1139 : i32 to vector<16xi32>
        %add3A_1141 = arith.addi %xor3A_10, %add3A_1140 : vector<16xi32>
        %select_n3A_1142 = arith.select %lt3A_1138, %add3A_1141, %xor3A_10 : vector<16xi1>, vector<16xi32>
        %broadcast_in_dim3A_1143 = vector.shape_cast %select_n3A_1142 : vector<16xi32> to vector<16x1xi32>
        %gather3A_1144 = vector.shape_cast %broadcast_in_dim3A_1143 : vector<16x1xi32> to vector<16xi32>
        %gather3A_1145 = tpu.dynamic_gather %select_n3A_1124[%gather3A_1144] in [0] : vector<16xf32>, vector<16xi32> -> vector<16xf32>
        %add3A_1146 = arith.addf %select_n3A_1124, %gather3A_1145 : vector<16xf32>
        %select_n3A_1147 = arith.select %lt3A_81, %add3A_1135, %add3A_1146 : vector<16xi1>, vector<16xf32>
        %lt3A_1148 = arith.constant 0 : i32
        %lt3A_1149 = vector.broadcast %lt3A_1148 : i32 to vector<16xi32>
        %lt3A_1150 = arith.cmpi slt, %xor3A_13, %lt3A_1149 : vector<16xi32>
        %add3A_1151 = arith.constant 16 : i32
        %add3A_1152 = vector.broadcast %add3A_1151 : i32 to vector<16xi32>
        %add3A_1153 = arith.addi %xor3A_13, %add3A_1152 : vector<16xi32>
        %select_n3A_1154 = arith.select %lt3A_1150, %add3A_1153, %xor3A_13 : vector<16xi1>, vector<16xi32>
        %broadcast_in_dim3A_1155 = vector.shape_cast %select_n3A_1154 : vector<16xi32> to vector<16x1xi32>
        %gather3A_1156 = vector.shape_cast %broadcast_in_dim3A_1155 : vector<16x1xi32> to vector<16xi32>
        %gather3A_1157 = tpu.dynamic_gather %scan3A_284[%gather3A_1156] in [0] : vector<16xf32>, vector<16xi32> -> vector<16xf32>
        %add3A_1158 = arith.addf %scan3A_284, %gather3A_1157 : vector<16xf32>
        %lt3A_1159 = arith.constant 0 : i32
        %lt3A_1160 = vector.broadcast %lt3A_1159 : i32 to vector<16xi32>
        %lt3A_1161 = arith.cmpi slt, %xor3A_13, %lt3A_1160 : vector<16xi32>
        %add3A_1162 = arith.constant 16 : i32
        %add3A_1163 = vector.broadcast %add3A_1162 : i32 to vector<16xi32>
        %add3A_1164 = arith.addi %xor3A_13, %add3A_1163 : vector<16xi32>
        %select_n3A_1165 = arith.select %lt3A_1161, %add3A_1164, %xor3A_13 : vector<16xi1>, vector<16xi32>
        %broadcast_in_dim3A_1166 = vector.shape_cast %select_n3A_1165 : vector<16xi32> to vector<16x1xi32>
        %gather3A_1167 = vector.shape_cast %broadcast_in_dim3A_1166 : vector<16x1xi32> to vector<16xi32>
        %gather3A_1168 = tpu.dynamic_gather %select_n3A_1147[%gather3A_1167] in [0] : vector<16xf32>, vector<16xi32> -> vector<16xf32>
        %add3A_1169 = arith.addf %select_n3A_1147, %gather3A_1168 : vector<16xf32>
        %select_n3A_1170 = arith.select %lt3A_106, %add3A_1158, %add3A_1169 : vector<16xi1>, vector<16xf32>
        %jit3A_1171 = arith.constant 2 : i32
        %eq3A_1172 = arith.constant 0 : i32
        %eq3A_1173 = arith.cmpi eq, %jit3A_1171, %eq3A_1172 : i32
        %jit3A_1174 = arith.constant 1 : i32
        %select_n3A_1175 = arith.select %eq3A_1173, %jit3A_1174, %jit3A_1171 : i32
        %rem3A_1176 = arith.remsi %scan3A_283, %select_n3A_1175 : i32
        %ne3A_1177 = arith.constant 0 : i32
        %ne3A_1178 = arith.cmpi ne, %rem3A_1176, %ne3A_1177 : i32
        %lt3A_1179 = arith.constant 0 : i32
        %lt3A_1180 = arith.cmpi slt, %rem3A_1176, %lt3A_1179 : i32
        %lt3A_1181 = arith.constant 0 : i32
        %lt3A_1182 = arith.cmpi slt, %select_n3A_1175, %lt3A_1181 : i32
        %ne3A_1183 = arith.xori %lt3A_1180, %lt3A_1182 : i1
        %and3A_1184 = arith.andi %ne3A_1183, %ne3A_1178 : i1
        %add3A_1185 = arith.addi %rem3A_1176, %select_n3A_1175 : i32
        %select_n3A_1186 = arith.select %and3A_1184, %add3A_1185, %rem3A_1176 : i32
        %eq3A_1187 = arith.constant 1 : i32
        %eq3A_1188 = arith.cmpi eq, %select_n3A_1186, %eq3A_1187 : i32
        %convert_element_type3A_1189 = arith.extui %eq3A_1188 : i1 to i32
        %cond3A_1190 = arith.constant 0 : i32
        %cond3A_1191 = arith.cmpi ne, %convert_element_type3A_1189, %cond3A_1190 : i32
        scf.if %cond3A_1191 {
          %mul3A_1192 = arith.constant 128 : i32
          %mul3A_1193 = arith.muli %mul3A_228, %mul3A_1192 : i32
          %sub3A_1194 = arith.constant 1 : i32
          %sub3A_1195 = arith.subi %scan3A_283, %sub3A_1194 : i32
          %mul3A_1196 = arith.constant 8 : i32
          %mul3A_1197 = arith.muli %sub3A_1195, %mul3A_1196 : i32
          %add3A_1198 = arith.addi %mul3A_1193, %mul3A_1197 : i32
          %swap3A = arith.index_cast %add3A_1198 : i32 to index
          %swap3A_1199 = tpu.vector_load %arg14[%swap3A] {strides = array<i32>} : memref<512xf32, #tpu.memory_space<vmem>>, vector<16xf32>,
          %swap3A_1200 = vector.shape_cast %swap3A_1199 : vector<16xf32> to vector<16xf32>
          %swap3A_1201 = vector.shape_cast %select_n3A_1170 : vector<16xf32> to vector<16xf32>
          tpu.vector_store %arg14[%swap3A], %swap3A_1201 {strides = array<i32>} : memref<512xf32, #tpu.memory_space<vmem>>, vector<16xf32>,
        } else {
        }
        scf.yield %select_n3A_1147 : vector<16xf32>
      }
      %scan3A_255 = arith.constant 16 : i32
      %add3A_256 = arith.constant 2 : i32
      %add3A_257 = arith.addi %mul3A_228, %add3A_256 : i32
      %lt3A_258 = arith.constant 4 : i32
      %lt3A_259 = arith.cmpi slt, %add3A_257, %lt3A_258 : i32
      %convert_element_type3A_260 = arith.extui %lt3A_259 : i1 to i32
      %cond3A_261 = arith.constant 0 : i32
      %cond3A_262 = arith.cmpi ne, %convert_element_type3A_260, %cond3A_261 : i32
      scf.if %cond3A_262 {
        %add3A_283 = arith.constant 2 : i32
        %add3A_284 = arith.addi %mul3A_228, %add3A_283 : i32
        %mul3A_285 = arith.constant 128 : i32
        %mul3A_286 = arith.muli %add3A_284, %mul3A_285 : i32
        %add3A_287 = arith.addi %mul3A_2, %mul3A_286 : i32
        "tpu.region"() ({
          %run_scoped3A = tpu.sem_alloc : memref<!tpu.dma_semaphore, #tpu.memory_space<semaphore_mem>>
          %dma_start3A_295 = tpu.memref_slice %arg3[%add3A_287] : memref<16384xi32, #tpu.memory_space<hbm>> -> memref<128xi32, #tpu.memory_space<hbm>>
          %dma_start3A_296 = tpu.memref_slice %arg3[%add3A_287] : memref<16384xi32, #tpu.memory_space<hbm>> -> memref<128xi32, #tpu.memory_space<hbm>>
          tpu.enqueue_dma source(%dma_start3A_296 : memref<128xi32, #tpu.memory_space<hbm>>) target(%arg12 : memref<128xi32, #tpu.memory_space<vmem>>) target_semaphore(%run_scoped3A : memref<!tpu.dma_semaphore, #tpu.memory_space<semaphore_mem>>)
          %dma_wait3A_297 = tpu.memref_slice %arg3[%add3A_287] : memref<16384xi32, #tpu.memory_space<hbm>> -> memref<128xi32, #tpu.memory_space<hbm>>
          %dma_wait3A_298 = tpu.memref_slice %arg3[%add3A_287] : memref<16384xi32, #tpu.memory_space<hbm>> -> memref<128xi32, #tpu.memory_space<hbm>>
          tpu.wait_dma2 semaphore(%run_scoped3A : memref<!tpu.dma_semaphore, #tpu.memory_space<semaphore_mem>>) src(%dma_wait3A_298 : memref<128xi32, #tpu.memory_space<hbm>>) dst(%arg12 : memref<128xi32, #tpu.memory_space<vmem>>)
          tpu.yield
        }) : () -> ()
        %dma_start3A_288 = arith.constant 0 : i32
        %dma_start3A_289 = tpu.memref_slice %arg2[%add3A_287, %dma_start3A_288] : memref<16384x128xf32, #tpu.memory_space<hbm>> -> memref<128x128xf32, #tpu.memory_space<hbm>>
        %dma_start3A_290 = arith.constant 0 : i32
        %dma_start3A_291 = tpu.memref_slice %arg2[%add3A_287, %dma_start3A_290] : memref<16384x128xf32, #tpu.memory_space<hbm>> -> memref<128x128xf32, #tpu.memory_space<hbm>>
        tpu.enqueue_dma source(%dma_start3A_291 : memref<128x128xf32, #tpu.memory_space<hbm>>) target(%arg8 : memref<128x128xf32, #tpu.memory_space<vmem>>) target_semaphore(%arg17 : memref<!tpu.dma_semaphore, #tpu.memory_space<semaphore_mem>>)
        %dma_start3A_292 = arith.constant 0 : i32
        %dma_start3A_293 = arith.constant 0 : i32
        %dma_start3A_294 = tpu.memref_slice %arg4[%dma_start3A_292, %dma_start3A_293] : memref<1000x256xf32, #tpu.memory_space<hbm>> -> memref<1000x256xf32, #tpu.memory_space<hbm>>
        tpu.enqueue_indirect_dma source(%dma_start3A_294 : memref<1000x256xf32, #tpu.memory_space<hbm>>) target(%arg10 : memref<128x256xf32, #tpu.memory_space<vmem>>) offsets(%arg12 : memref<128xi32, #tpu.memory_space<vmem>>) semaphore(%arg19 : memref<!tpu.dma_semaphore, #tpu.memory_space<semaphore_mem>>)
      } else {
      }
      %add3A_263 = arith.constant 1 : i32
      %add3A_264 = arith.addi %mul3A_228, %add3A_263 : i32
      %dma_wait3A_265 = arith.constant 0 : i32
      %dma_wait3A_266 = arith.constant 0 : i32
      %dma_wait3A_267 = tpu.memref_slice %arg2[%dma_wait3A_265, %dma_wait3A_266] : memref<16384x128xf32, #tpu.memory_space<hbm>> -> memref<128x128xf32, #tpu.memory_space<hbm>>
      %dma_wait3A_268 = arith.constant 0 : i32
      %dma_wait3A_269 = arith.constant 0 : i32
      %dma_wait3A_270 = tpu.memref_slice %arg2[%dma_wait3A_268, %dma_wait3A_269] : memref<16384x128xf32, #tpu.memory_space<hbm>> -> memref<128x128xf32, #tpu.memory_space<hbm>>
      tpu.wait_dma2 semaphore(%arg18 : memref<!tpu.dma_semaphore, #tpu.memory_space<semaphore_mem>>) src(%dma_wait3A_270 : memref<128x128xf32, #tpu.memory_space<hbm>>) dst(%arg9 : memref<128x128xf32, #tpu.memory_space<vmem>>)
      %dma_wait3A_271 = arith.constant 0 : i32
      %dma_wait3A_272 = arith.constant 0 : i32
      %dma_wait3A_273 = tpu.memref_slice %arg4[%dma_wait3A_271, %dma_wait3A_272] : memref<1000x256xf32, #tpu.memory_space<hbm>> -> memref<1000x256xf32, #tpu.memory_space<hbm>>
      tpu.wait_indirect_dma semaphore(%arg20 : memref<!tpu.dma_semaphore, #tpu.memory_space<semaphore_mem>>) src(%dma_wait3A_273 : memref<1000x256xf32, #tpu.memory_space<hbm>>) dst(%arg11 : memref<128x256xf32, #tpu.memory_space<vmem>>)
      %broadcast_in_dim3A_274 = arith.constant 0.000000e+00 : f32
      %broadcast_in_dim3A_275 = vector.broadcast %broadcast_in_dim3A_274 : f32 to vector<16xf32>
      %scan3A_276 = arith.constant 0 : i32
      %scan3A_277 = arith.constant 16 : i32
      %scan3A_278 = arith.addi %scan3A_276, %scan3A_277 : i32
      %scan3A_279 = arith.constant 1 : i32
      %scan3A_280 = scf.for %scan3A_283 = %scan3A_276 to %scan3A_278 step %scan3A_279 iter_args(%scan3A_284 = %broadcast_in_dim3A_275) -> (vector<16xf32>)  : i32 {
        %mul3A_285 = arith.constant 8 : i32
        %mul3A_286 = arith.muli %scan3A_283, %mul3A_285 : i32
        %add3A_287 = arith.constant 0 : i32
        %add3A_288 = arith.addi %mul3A_286, %add3A_287 : i32
        %get3A = arith.index_cast %add3A_288 : i32 to index
        %get3A_289 = arith.constant 0 : index
        %get3A_290 = tpu.vector_load %arg9[%get3A, %get3A_289] {strides = array<i32>} : memref<128x128xf32, #tpu.memory_space<vmem>>, vector<1x16xf32>,
        %get3A_291 = vector.shape_cast %get3A_290 : vector<1x16xf32> to vector<16xf32>
        %get3A_292 = arith.index_cast %add3A_288 : i32 to index
        %get3A_293 = arith.constant 0 : index
        %get3A_294 = tpu.vector_load %arg11[%get3A_292, %get3A_293] {strides = array<i32>} : memref<128x256xf32, #tpu.memory_space<vmem>>, vector<1x16xf32>,
        %get3A_295 = vector.shape_cast %get3A_294 : vector<1x16xf32> to vector<16xf32>
        %mul3A_296 = arith.mulf %get3A_291, %get3A_295 : vector<16xf32>
        %get3A_297 = arith.index_cast %add3A_288 : i32 to index
        %get3A_298 = arith.constant 16 : index
        %get3A_299 = tpu.vector_load %arg9[%get3A_297, %get3A_298] {strides = array<i32>} : memref<128x128xf32, #tpu.memory_space<vmem>>, vector<1x16xf32>,
        %get3A_300 = vector.shape_cast %get3A_299 : vector<1x16xf32> to vector<16xf32>
        %get3A_301 = arith.index_cast %add3A_288 : i32 to index
        %get3A_302 = arith.constant 16 : index
        %get3A_303 = tpu.vector_load %arg11[%get3A_301, %get3A_302] {strides = array<i32>} : memref<128x256xf32, #tpu.memory_space<vmem>>, vector<1x16xf32>,
        %get3A_304 = vector.shape_cast %get3A_303 : vector<1x16xf32> to vector<16xf32>
        %mul3A_305 = arith.mulf %get3A_300, %get3A_304 : vector<16xf32>
        %get3A_306 = arith.index_cast %add3A_288 : i32 to index
        %get3A_307 = arith.constant 32 : index
        %get3A_308 = tpu.vector_load %arg9[%get3A_306, %get3A_307] {strides = array<i32>} : memref<128x128xf32, #tpu.memory_space<vmem>>, vector<1x16xf32>,
        %get3A_309 = vector.shape_cast %get3A_308 : vector<1x16xf32> to vector<16xf32>
        %get3A_310 = arith.index_cast %add3A_288 : i32 to index
        %get3A_311 = arith.constant 32 : index
        %get3A_312 = tpu.vector_load %arg11[%get3A_310, %get3A_311] {strides = array<i32>} : memref<128x256xf32, #tpu.memory_space<vmem>>, vector<1x16xf32>,
        %get3A_313 = vector.shape_cast %get3A_312 : vector<1x16xf32> to vector<16xf32>
        %mul3A_314 = arith.mulf %get3A_309, %get3A_313 : vector<16xf32>
        %get3A_315 = arith.index_cast %add3A_288 : i32 to index
        %get3A_316 = arith.constant 48 : index
        %get3A_317 = tpu.vector_load %arg9[%get3A_315, %get3A_316] {strides = array<i32>} : memref<128x128xf32, #tpu.memory_space<vmem>>, vector<1x16xf32>,
        %get3A_318 = vector.shape_cast %get3A_317 : vector<1x16xf32> to vector<16xf32>
        %get3A_319 = arith.index_cast %add3A_288 : i32 to index
        %get3A_320 = arith.constant 48 : index
        %get3A_321 = tpu.vector_load %arg11[%get3A_319, %get3A_320] {strides = array<i32>} : memref<128x256xf32, #tpu.memory_space<vmem>>, vector<1x16xf32>,
        %get3A_322 = vector.shape_cast %get3A_321 : vector<1x16xf32> to vector<16xf32>
        %mul3A_323 = arith.mulf %get3A_318, %get3A_322 : vector<16xf32>
        %get3A_324 = arith.index_cast %add3A_288 : i32 to index
        %get3A_325 = arith.constant 64 : index
        %get3A_326 = tpu.vector_load %arg9[%get3A_324, %get3A_325] {strides = array<i32>} : memref<128x128xf32, #tpu.memory_space<vmem>>, vector<1x16xf32>,
        %get3A_327 = vector.shape_cast %get3A_326 : vector<1x16xf32> to vector<16xf32>
        %get3A_328 = arith.index_cast %add3A_288 : i32 to index
        %get3A_329 = arith.constant 64 : index
        %get3A_330 = tpu.vector_load %arg11[%get3A_328, %get3A_329] {strides = array<i32>} : memref<128x256xf32, #tpu.memory_space<vmem>>, vector<1x16xf32>,
        %get3A_331 = vector.shape_cast %get3A_330 : vector<1x16xf32> to vector<16xf32>
        %mul3A_332 = arith.mulf %get3A_327, %get3A_331 : vector<16xf32>
        %get3A_333 = arith.index_cast %add3A_288 : i32 to index
        %get3A_334 = arith.constant 80 : index
        %get3A_335 = tpu.vector_load %arg9[%get3A_333, %get3A_334] {strides = array<i32>} : memref<128x128xf32, #tpu.memory_space<vmem>>, vector<1x16xf32>,
        %get3A_336 = vector.shape_cast %get3A_335 : vector<1x16xf32> to vector<16xf32>
        %get3A_337 = arith.index_cast %add3A_288 : i32 to index
        %get3A_338 = arith.constant 80 : index
        %get3A_339 = tpu.vector_load %arg11[%get3A_337, %get3A_338] {strides = array<i32>} : memref<128x256xf32, #tpu.memory_space<vmem>>, vector<1x16xf32>,
        %get3A_340 = vector.shape_cast %get3A_339 : vector<1x16xf32> to vector<16xf32>
        %mul3A_341 = arith.mulf %get3A_336, %get3A_340 : vector<16xf32>
        %get3A_342 = arith.index_cast %add3A_288 : i32 to index
        %get3A_343 = arith.constant 96 : index
        %get3A_344 = tpu.vector_load %arg9[%get3A_342, %get3A_343] {strides = array<i32>} : memref<128x128xf32, #tpu.memory_space<vmem>>, vector<1x16xf32>,
        %get3A_345 = vector.shape_cast %get3A_344 : vector<1x16xf32> to vector<16xf32>
        %get3A_346 = arith.index_cast %add3A_288 : i32 to index
        %get3A_347 = arith.constant 96 : index
        %get3A_348 = tpu.vector_load %arg11[%get3A_346, %get3A_347] {strides = array<i32>} : memref<128x256xf32, #tpu.memory_space<vmem>>, vector<1x16xf32>,
        %get3A_349 = vector.shape_cast %get3A_348 : vector<1x16xf32> to vector<16xf32>
        %mul3A_350 = arith.mulf %get3A_345, %get3A_349 : vector<16xf32>
        %get3A_351 = arith.index_cast %add3A_288 : i32 to index
        %get3A_352 = arith.constant 112 : index
        %get3A_353 = tpu.vector_load %arg9[%get3A_351, %get3A_352] {strides = array<i32>} : memref<128x128xf32, #tpu.memory_space<vmem>>, vector<1x16xf32>,
        %get3A_354 = vector.shape_cast %get3A_353 : vector<1x16xf32> to vector<16xf32>
        %get3A_355 = arith.index_cast %add3A_288 : i32 to index
        %get3A_356 = arith.constant 112 : index
        %get3A_357 = tpu.vector_load %arg11[%get3A_355, %get3A_356] {strides = array<i32>} : memref<128x256xf32, #tpu.memory_space<vmem>>, vector<1x16xf32>,
        %get3A_358 = vector.shape_cast %get3A_357 : vector<1x16xf32> to vector<16xf32>
        %mul3A_359 = arith.mulf %get3A_354, %get3A_358 : vector<16xf32>
        %add3A_360 = arith.addf %mul3A_296, %mul3A_305 : vector<16xf32>
        %add3A_361 = arith.addf %mul3A_314, %mul3A_323 : vector<16xf32>
        %add3A_362 = arith.addf %mul3A_332, %mul3A_341 : vector<16xf32>
        %add3A_363 = arith.addf %mul3A_350, %mul3A_359 : vector<16xf32>
        %add3A_364 = arith.addf %add3A_360, %add3A_361 : vector<16xf32>
        %add3A_365 = arith.addf %add3A_362, %add3A_363 : vector<16xf32>
        %add3A_366 = arith.addf %add3A_364, %add3A_365 : vector<16xf32>
        %get3A_367 = arith.index_cast %add3A_288 : i32 to index
        %get3A_368 = arith.constant 128 : index
        %get3A_369 = tpu.vector_load %arg11[%get3A_367, %get3A_368] {strides = array<i32>} : memref<128x256xf32, #tpu.memory_space<vmem>>, vector<1x16xf32>,
        %get3A_370 = vector.shape_cast %get3A_369 : vector<1x16xf32> to vector<16xf32>
        %add3A_371 = arith.addf %add3A_366, %get3A_370 : vector<16xf32>
        %mul3A_372 = arith.constant 8 : i32
        %mul3A_373 = arith.muli %scan3A_283, %mul3A_372 : i32
        %add3A_374 = arith.constant 1 : i32
        %add3A_375 = arith.addi %mul3A_373, %add3A_374 : i32
        %get3A_376 = arith.index_cast %add3A_375 : i32 to index
        %get3A_377 = arith.constant 0 : index
        %get3A_378 = tpu.vector_load %arg9[%get3A_376, %get3A_377] {strides = array<i32>} : memref<128x128xf32, #tpu.memory_space<vmem>>, vector<1x16xf32>,
        %get3A_379 = vector.shape_cast %get3A_378 : vector<1x16xf32> to vector<16xf32>
        %get3A_380 = arith.index_cast %add3A_375 : i32 to index
        %get3A_381 = arith.constant 0 : index
        %get3A_382 = tpu.vector_load %arg11[%get3A_380, %get3A_381] {strides = array<i32>} : memref<128x256xf32, #tpu.memory_space<vmem>>, vector<1x16xf32>,
        %get3A_383 = vector.shape_cast %get3A_382 : vector<1x16xf32> to vector<16xf32>
        %mul3A_384 = arith.mulf %get3A_379, %get3A_383 : vector<16xf32>
        %get3A_385 = arith.index_cast %add3A_375 : i32 to index
        %get3A_386 = arith.constant 16 : index
        %get3A_387 = tpu.vector_load %arg9[%get3A_385, %get3A_386] {strides = array<i32>} : memref<128x128xf32, #tpu.memory_space<vmem>>, vector<1x16xf32>,
        %get3A_388 = vector.shape_cast %get3A_387 : vector<1x16xf32> to vector<16xf32>
        %get3A_389 = arith.index_cast %add3A_375 : i32 to index
        %get3A_390 = arith.constant 16 : index
        %get3A_391 = tpu.vector_load %arg11[%get3A_389, %get3A_390] {strides = array<i32>} : memref<128x256xf32, #tpu.memory_space<vmem>>, vector<1x16xf32>,
        %get3A_392 = vector.shape_cast %get3A_391 : vector<1x16xf32> to vector<16xf32>
        %mul3A_393 = arith.mulf %get3A_388, %get3A_392 : vector<16xf32>
        %get3A_394 = arith.index_cast %add3A_375 : i32 to index
        %get3A_395 = arith.constant 32 : index
        %get3A_396 = tpu.vector_load %arg9[%get3A_394, %get3A_395] {strides = array<i32>} : memref<128x128xf32, #tpu.memory_space<vmem>>, vector<1x16xf32>,
        %get3A_397 = vector.shape_cast %get3A_396 : vector<1x16xf32> to vector<16xf32>
        %get3A_398 = arith.index_cast %add3A_375 : i32 to index
        %get3A_399 = arith.constant 32 : index
        %get3A_400 = tpu.vector_load %arg11[%get3A_398, %get3A_399] {strides = array<i32>} : memref<128x256xf32, #tpu.memory_space<vmem>>, vector<1x16xf32>,
        %get3A_401 = vector.shape_cast %get3A_400 : vector<1x16xf32> to vector<16xf32>
        %mul3A_402 = arith.mulf %get3A_397, %get3A_401 : vector<16xf32>
        %get3A_403 = arith.index_cast %add3A_375 : i32 to index
        %get3A_404 = arith.constant 48 : index
        %get3A_405 = tpu.vector_load %arg9[%get3A_403, %get3A_404] {strides = array<i32>} : memref<128x128xf32, #tpu.memory_space<vmem>>, vector<1x16xf32>,
        %get3A_406 = vector.shape_cast %get3A_405 : vector<1x16xf32> to vector<16xf32>
        %get3A_407 = arith.index_cast %add3A_375 : i32 to index
        %get3A_408 = arith.constant 48 : index
        %get3A_409 = tpu.vector_load %arg11[%get3A_407, %get3A_408] {strides = array<i32>} : memref<128x256xf32, #tpu.memory_space<vmem>>, vector<1x16xf32>,
        %get3A_410 = vector.shape_cast %get3A_409 : vector<1x16xf32> to vector<16xf32>
        %mul3A_411 = arith.mulf %get3A_406, %get3A_410 : vector<16xf32>
        %get3A_412 = arith.index_cast %add3A_375 : i32 to index
        %get3A_413 = arith.constant 64 : index
        %get3A_414 = tpu.vector_load %arg9[%get3A_412, %get3A_413] {strides = array<i32>} : memref<128x128xf32, #tpu.memory_space<vmem>>, vector<1x16xf32>,
        %get3A_415 = vector.shape_cast %get3A_414 : vector<1x16xf32> to vector<16xf32>
        %get3A_416 = arith.index_cast %add3A_375 : i32 to index
        %get3A_417 = arith.constant 64 : index
        %get3A_418 = tpu.vector_load %arg11[%get3A_416, %get3A_417] {strides = array<i32>} : memref<128x256xf32, #tpu.memory_space<vmem>>, vector<1x16xf32>,
        %get3A_419 = vector.shape_cast %get3A_418 : vector<1x16xf32> to vector<16xf32>
        %mul3A_420 = arith.mulf %get3A_415, %get3A_419 : vector<16xf32>
        %get3A_421 = arith.index_cast %add3A_375 : i32 to index
        %get3A_422 = arith.constant 80 : index
        %get3A_423 = tpu.vector_load %arg9[%get3A_421, %get3A_422] {strides = array<i32>} : memref<128x128xf32, #tpu.memory_space<vmem>>, vector<1x16xf32>,
        %get3A_424 = vector.shape_cast %get3A_423 : vector<1x16xf32> to vector<16xf32>
        %get3A_425 = arith.index_cast %add3A_375 : i32 to index
        %get3A_426 = arith.constant 80 : index
        %get3A_427 = tpu.vector_load %arg11[%get3A_425, %get3A_426] {strides = array<i32>} : memref<128x256xf32, #tpu.memory_space<vmem>>, vector<1x16xf32>,
        %get3A_428 = vector.shape_cast %get3A_427 : vector<1x16xf32> to vector<16xf32>
        %mul3A_429 = arith.mulf %get3A_424, %get3A_428 : vector<16xf32>
        %get3A_430 = arith.index_cast %add3A_375 : i32 to index
        %get3A_431 = arith.constant 96 : index
        %get3A_432 = tpu.vector_load %arg9[%get3A_430, %get3A_431] {strides = array<i32>} : memref<128x128xf32, #tpu.memory_space<vmem>>, vector<1x16xf32>,
        %get3A_433 = vector.shape_cast %get3A_432 : vector<1x16xf32> to vector<16xf32>
        %get3A_434 = arith.index_cast %add3A_375 : i32 to index
        %get3A_435 = arith.constant 96 : index
        %get3A_436 = tpu.vector_load %arg11[%get3A_434, %get3A_435] {strides = array<i32>} : memref<128x256xf32, #tpu.memory_space<vmem>>, vector<1x16xf32>,
        %get3A_437 = vector.shape_cast %get3A_436 : vector<1x16xf32> to vector<16xf32>
        %mul3A_438 = arith.mulf %get3A_433, %get3A_437 : vector<16xf32>
        %get3A_439 = arith.index_cast %add3A_375 : i32 to index
        %get3A_440 = arith.constant 112 : index
        %get3A_441 = tpu.vector_load %arg9[%get3A_439, %get3A_440] {strides = array<i32>} : memref<128x128xf32, #tpu.memory_space<vmem>>, vector<1x16xf32>,
        %get3A_442 = vector.shape_cast %get3A_441 : vector<1x16xf32> to vector<16xf32>
        %get3A_443 = arith.index_cast %add3A_375 : i32 to index
        %get3A_444 = arith.constant 112 : index
        %get3A_445 = tpu.vector_load %arg11[%get3A_443, %get3A_444] {strides = array<i32>} : memref<128x256xf32, #tpu.memory_space<vmem>>, vector<1x16xf32>,
        %get3A_446 = vector.shape_cast %get3A_445 : vector<1x16xf32> to vector<16xf32>
        %mul3A_447 = arith.mulf %get3A_442, %get3A_446 : vector<16xf32>
        %add3A_448 = arith.addf %mul3A_384, %mul3A_393 : vector<16xf32>
        %add3A_449 = arith.addf %mul3A_402, %mul3A_411 : vector<16xf32>
        %add3A_450 = arith.addf %mul3A_420, %mul3A_429 : vector<16xf32>
        %add3A_451 = arith.addf %mul3A_438, %mul3A_447 : vector<16xf32>
        %add3A_452 = arith.addf %add3A_448, %add3A_449 : vector<16xf32>
        %add3A_453 = arith.addf %add3A_450, %add3A_451 : vector<16xf32>
        %add3A_454 = arith.addf %add3A_452, %add3A_453 : vector<16xf32>
        %get3A_455 = arith.index_cast %add3A_375 : i32 to index
        %get3A_456 = arith.constant 128 : index
        %get3A_457 = tpu.vector_load %arg11[%get3A_455, %get3A_456] {strides = array<i32>} : memref<128x256xf32, #tpu.memory_space<vmem>>, vector<1x16xf32>,
        %get3A_458 = vector.shape_cast %get3A_457 : vector<1x16xf32> to vector<16xf32>
        %add3A_459 = arith.addf %add3A_454, %get3A_458 : vector<16xf32>
        %lt3A_460 = arith.constant 0 : i32
        %lt3A_461 = vector.broadcast %lt3A_460 : i32 to vector<16xi32>
        %lt3A_462 = arith.cmpi slt, %xor3A_4, %lt3A_461 : vector<16xi32>
        %add3A_463 = arith.constant 16 : i32
        %add3A_464 = vector.broadcast %add3A_463 : i32 to vector<16xi32>
        %add3A_465 = arith.addi %xor3A_4, %add3A_464 : vector<16xi32>
        %select_n3A_466 = arith.select %lt3A_462, %add3A_465, %xor3A_4 : vector<16xi1>, vector<16xi32>
        %broadcast_in_dim3A_467 = vector.shape_cast %select_n3A_466 : vector<16xi32> to vector<16x1xi32>
        %gather3A = vector.shape_cast %broadcast_in_dim3A_467 : vector<16x1xi32> to vector<16xi32>
        %gather3A_468 = tpu.dynamic_gather %add3A_371[%gather3A] in [0] : vector<16xf32>, vector<16xi32> -> vector<16xf32>
        %add3A_469 = arith.addf %add3A_371, %gather3A_468 : vector<16xf32>
        %lt3A_470 = arith.constant 0 : i32
        %lt3A_471 = vector.broadcast %lt3A_470 : i32 to vector<16xi32>
        %lt3A_472 = arith.cmpi slt, %xor3A_4, %lt3A_471 : vector<16xi32>
        %add3A_473 = arith.constant 16 : i32
        %add3A_474 = vector.broadcast %add3A_473 : i32 to vector<16xi32>
        %add3A_475 = arith.addi %xor3A_4, %add3A_474 : vector<16xi32>
        %select_n3A_476 = arith.select %lt3A_472, %add3A_475, %xor3A_4 : vector<16xi1>, vector<16xi32>
        %broadcast_in_dim3A_477 = vector.shape_cast %select_n3A_476 : vector<16xi32> to vector<16x1xi32>
        %gather3A_478 = vector.shape_cast %broadcast_in_dim3A_477 : vector<16x1xi32> to vector<16xi32>
        %gather3A_479 = tpu.dynamic_gather %add3A_459[%gather3A_478] in [0] : vector<16xf32>, vector<16xi32> -> vector<16xf32>
        %add3A_480 = arith.addf %add3A_459, %gather3A_479 : vector<16xf32>
        %select_n3A_481 = arith.select %lt3A_31, %add3A_469, %add3A_480 : vector<16xi1>, vector<16xf32>
        %mul3A_482 = arith.constant 8 : i32
        %mul3A_483 = arith.muli %scan3A_283, %mul3A_482 : i32
        %add3A_484 = arith.constant 2 : i32
        %add3A_485 = arith.addi %mul3A_483, %add3A_484 : i32
        %get3A_486 = arith.index_cast %add3A_485 : i32 to index
        %get3A_487 = arith.constant 0 : index
        %get3A_488 = tpu.vector_load %arg9[%get3A_486, %get3A_487] {strides = array<i32>} : memref<128x128xf32, #tpu.memory_space<vmem>>, vector<1x16xf32>,
        %get3A_489 = vector.shape_cast %get3A_488 : vector<1x16xf32> to vector<16xf32>
        %get3A_490 = arith.index_cast %add3A_485 : i32 to index
        %get3A_491 = arith.constant 0 : index
        %get3A_492 = tpu.vector_load %arg11[%get3A_490, %get3A_491] {strides = array<i32>} : memref<128x256xf32, #tpu.memory_space<vmem>>, vector<1x16xf32>,
        %get3A_493 = vector.shape_cast %get3A_492 : vector<1x16xf32> to vector<16xf32>
        %mul3A_494 = arith.mulf %get3A_489, %get3A_493 : vector<16xf32>
        %get3A_495 = arith.index_cast %add3A_485 : i32 to index
        %get3A_496 = arith.constant 16 : index
        %get3A_497 = tpu.vector_load %arg9[%get3A_495, %get3A_496] {strides = array<i32>} : memref<128x128xf32, #tpu.memory_space<vmem>>, vector<1x16xf32>,
        %get3A_498 = vector.shape_cast %get3A_497 : vector<1x16xf32> to vector<16xf32>
        %get3A_499 = arith.index_cast %add3A_485 : i32 to index
        %get3A_500 = arith.constant 16 : index
        %get3A_501 = tpu.vector_load %arg11[%get3A_499, %get3A_500] {strides = array<i32>} : memref<128x256xf32, #tpu.memory_space<vmem>>, vector<1x16xf32>,
        %get3A_502 = vector.shape_cast %get3A_501 : vector<1x16xf32> to vector<16xf32>
        %mul3A_503 = arith.mulf %get3A_498, %get3A_502 : vector<16xf32>
        %get3A_504 = arith.index_cast %add3A_485 : i32 to index
        %get3A_505 = arith.constant 32 : index
        %get3A_506 = tpu.vector_load %arg9[%get3A_504, %get3A_505] {strides = array<i32>} : memref<128x128xf32, #tpu.memory_space<vmem>>, vector<1x16xf32>,
        %get3A_507 = vector.shape_cast %get3A_506 : vector<1x16xf32> to vector<16xf32>
        %get3A_508 = arith.index_cast %add3A_485 : i32 to index
        %get3A_509 = arith.constant 32 : index
        %get3A_510 = tpu.vector_load %arg11[%get3A_508, %get3A_509] {strides = array<i32>} : memref<128x256xf32, #tpu.memory_space<vmem>>, vector<1x16xf32>,
        %get3A_511 = vector.shape_cast %get3A_510 : vector<1x16xf32> to vector<16xf32>
        %mul3A_512 = arith.mulf %get3A_507, %get3A_511 : vector<16xf32>
        %get3A_513 = arith.index_cast %add3A_485 : i32 to index
        %get3A_514 = arith.constant 48 : index
        %get3A_515 = tpu.vector_load %arg9[%get3A_513, %get3A_514] {strides = array<i32>} : memref<128x128xf32, #tpu.memory_space<vmem>>, vector<1x16xf32>,
        %get3A_516 = vector.shape_cast %get3A_515 : vector<1x16xf32> to vector<16xf32>
        %get3A_517 = arith.index_cast %add3A_485 : i32 to index
        %get3A_518 = arith.constant 48 : index
        %get3A_519 = tpu.vector_load %arg11[%get3A_517, %get3A_518] {strides = array<i32>} : memref<128x256xf32, #tpu.memory_space<vmem>>, vector<1x16xf32>,
        %get3A_520 = vector.shape_cast %get3A_519 : vector<1x16xf32> to vector<16xf32>
        %mul3A_521 = arith.mulf %get3A_516, %get3A_520 : vector<16xf32>
        %get3A_522 = arith.index_cast %add3A_485 : i32 to index
        %get3A_523 = arith.constant 64 : index
        %get3A_524 = tpu.vector_load %arg9[%get3A_522, %get3A_523] {strides = array<i32>} : memref<128x128xf32, #tpu.memory_space<vmem>>, vector<1x16xf32>,
        %get3A_525 = vector.shape_cast %get3A_524 : vector<1x16xf32> to vector<16xf32>
        %get3A_526 = arith.index_cast %add3A_485 : i32 to index
        %get3A_527 = arith.constant 64 : index
        %get3A_528 = tpu.vector_load %arg11[%get3A_526, %get3A_527] {strides = array<i32>} : memref<128x256xf32, #tpu.memory_space<vmem>>, vector<1x16xf32>,
        %get3A_529 = vector.shape_cast %get3A_528 : vector<1x16xf32> to vector<16xf32>
        %mul3A_530 = arith.mulf %get3A_525, %get3A_529 : vector<16xf32>
        %get3A_531 = arith.index_cast %add3A_485 : i32 to index
        %get3A_532 = arith.constant 80 : index
        %get3A_533 = tpu.vector_load %arg9[%get3A_531, %get3A_532] {strides = array<i32>} : memref<128x128xf32, #tpu.memory_space<vmem>>, vector<1x16xf32>,
        %get3A_534 = vector.shape_cast %get3A_533 : vector<1x16xf32> to vector<16xf32>
        %get3A_535 = arith.index_cast %add3A_485 : i32 to index
        %get3A_536 = arith.constant 80 : index
        %get3A_537 = tpu.vector_load %arg11[%get3A_535, %get3A_536] {strides = array<i32>} : memref<128x256xf32, #tpu.memory_space<vmem>>, vector<1x16xf32>,
        %get3A_538 = vector.shape_cast %get3A_537 : vector<1x16xf32> to vector<16xf32>
        %mul3A_539 = arith.mulf %get3A_534, %get3A_538 : vector<16xf32>
        %get3A_540 = arith.index_cast %add3A_485 : i32 to index
        %get3A_541 = arith.constant 96 : index
        %get3A_542 = tpu.vector_load %arg9[%get3A_540, %get3A_541] {strides = array<i32>} : memref<128x128xf32, #tpu.memory_space<vmem>>, vector<1x16xf32>,
        %get3A_543 = vector.shape_cast %get3A_542 : vector<1x16xf32> to vector<16xf32>
        %get3A_544 = arith.index_cast %add3A_485 : i32 to index
        %get3A_545 = arith.constant 96 : index
        %get3A_546 = tpu.vector_load %arg11[%get3A_544, %get3A_545] {strides = array<i32>} : memref<128x256xf32, #tpu.memory_space<vmem>>, vector<1x16xf32>,
        %get3A_547 = vector.shape_cast %get3A_546 : vector<1x16xf32> to vector<16xf32>
        %mul3A_548 = arith.mulf %get3A_543, %get3A_547 : vector<16xf32>
        %get3A_549 = arith.index_cast %add3A_485 : i32 to index
        %get3A_550 = arith.constant 112 : index
        %get3A_551 = tpu.vector_load %arg9[%get3A_549, %get3A_550] {strides = array<i32>} : memref<128x128xf32, #tpu.memory_space<vmem>>, vector<1x16xf32>,
        %get3A_552 = vector.shape_cast %get3A_551 : vector<1x16xf32> to vector<16xf32>
        %get3A_553 = arith.index_cast %add3A_485 : i32 to index
        %get3A_554 = arith.constant 112 : index
        %get3A_555 = tpu.vector_load %arg11[%get3A_553, %get3A_554] {strides = array<i32>} : memref<128x256xf32, #tpu.memory_space<vmem>>, vector<1x16xf32>,
        %get3A_556 = vector.shape_cast %get3A_555 : vector<1x16xf32> to vector<16xf32>
        %mul3A_557 = arith.mulf %get3A_552, %get3A_556 : vector<16xf32>
        %add3A_558 = arith.addf %mul3A_494, %mul3A_503 : vector<16xf32>
        %add3A_559 = arith.addf %mul3A_512, %mul3A_521 : vector<16xf32>
        %add3A_560 = arith.addf %mul3A_530, %mul3A_539 : vector<16xf32>
        %add3A_561 = arith.addf %mul3A_548, %mul3A_557 : vector<16xf32>
        %add3A_562 = arith.addf %add3A_558, %add3A_559 : vector<16xf32>
        %add3A_563 = arith.addf %add3A_560, %add3A_561 : vector<16xf32>
        %add3A_564 = arith.addf %add3A_562, %add3A_563 : vector<16xf32>
        %get3A_565 = arith.index_cast %add3A_485 : i32 to index
        %get3A_566 = arith.constant 128 : index
        %get3A_567 = tpu.vector_load %arg11[%get3A_565, %get3A_566] {strides = array<i32>} : memref<128x256xf32, #tpu.memory_space<vmem>>, vector<1x16xf32>,
        %get3A_568 = vector.shape_cast %get3A_567 : vector<1x16xf32> to vector<16xf32>
        %add3A_569 = arith.addf %add3A_564, %get3A_568 : vector<16xf32>
        %mul3A_570 = arith.constant 8 : i32
        %mul3A_571 = arith.muli %scan3A_283, %mul3A_570 : i32
        %add3A_572 = arith.constant 3 : i32
        %add3A_573 = arith.addi %mul3A_571, %add3A_572 : i32
        %get3A_574 = arith.index_cast %add3A_573 : i32 to index
        %get3A_575 = arith.constant 0 : index
        %get3A_576 = tpu.vector_load %arg9[%get3A_574, %get3A_575] {strides = array<i32>} : memref<128x128xf32, #tpu.memory_space<vmem>>, vector<1x16xf32>,
        %get3A_577 = vector.shape_cast %get3A_576 : vector<1x16xf32> to vector<16xf32>
        %get3A_578 = arith.index_cast %add3A_573 : i32 to index
        %get3A_579 = arith.constant 0 : index
        %get3A_580 = tpu.vector_load %arg11[%get3A_578, %get3A_579] {strides = array<i32>} : memref<128x256xf32, #tpu.memory_space<vmem>>, vector<1x16xf32>,
        %get3A_581 = vector.shape_cast %get3A_580 : vector<1x16xf32> to vector<16xf32>
        %mul3A_582 = arith.mulf %get3A_577, %get3A_581 : vector<16xf32>
        %get3A_583 = arith.index_cast %add3A_573 : i32 to index
        %get3A_584 = arith.constant 16 : index
        %get3A_585 = tpu.vector_load %arg9[%get3A_583, %get3A_584] {strides = array<i32>} : memref<128x128xf32, #tpu.memory_space<vmem>>, vector<1x16xf32>,
        %get3A_586 = vector.shape_cast %get3A_585 : vector<1x16xf32> to vector<16xf32>
        %get3A_587 = arith.index_cast %add3A_573 : i32 to index
        %get3A_588 = arith.constant 16 : index
        %get3A_589 = tpu.vector_load %arg11[%get3A_587, %get3A_588] {strides = array<i32>} : memref<128x256xf32, #tpu.memory_space<vmem>>, vector<1x16xf32>,
        %get3A_590 = vector.shape_cast %get3A_589 : vector<1x16xf32> to vector<16xf32>
        %mul3A_591 = arith.mulf %get3A_586, %get3A_590 : vector<16xf32>
        %get3A_592 = arith.index_cast %add3A_573 : i32 to index
        %get3A_593 = arith.constant 32 : index
        %get3A_594 = tpu.vector_load %arg9[%get3A_592, %get3A_593] {strides = array<i32>} : memref<128x128xf32, #tpu.memory_space<vmem>>, vector<1x16xf32>,
        %get3A_595 = vector.shape_cast %get3A_594 : vector<1x16xf32> to vector<16xf32>
        %get3A_596 = arith.index_cast %add3A_573 : i32 to index
        %get3A_597 = arith.constant 32 : index
        %get3A_598 = tpu.vector_load %arg11[%get3A_596, %get3A_597] {strides = array<i32>} : memref<128x256xf32, #tpu.memory_space<vmem>>, vector<1x16xf32>,
        %get3A_599 = vector.shape_cast %get3A_598 : vector<1x16xf32> to vector<16xf32>
        %mul3A_600 = arith.mulf %get3A_595, %get3A_599 : vector<16xf32>
        %get3A_601 = arith.index_cast %add3A_573 : i32 to index
        %get3A_602 = arith.constant 48 : index
        %get3A_603 = tpu.vector_load %arg9[%get3A_601, %get3A_602] {strides = array<i32>} : memref<128x128xf32, #tpu.memory_space<vmem>>, vector<1x16xf32>,
        %get3A_604 = vector.shape_cast %get3A_603 : vector<1x16xf32> to vector<16xf32>
        %get3A_605 = arith.index_cast %add3A_573 : i32 to index
        %get3A_606 = arith.constant 48 : index
        %get3A_607 = tpu.vector_load %arg11[%get3A_605, %get3A_606] {strides = array<i32>} : memref<128x256xf32, #tpu.memory_space<vmem>>, vector<1x16xf32>,
        %get3A_608 = vector.shape_cast %get3A_607 : vector<1x16xf32> to vector<16xf32>
        %mul3A_609 = arith.mulf %get3A_604, %get3A_608 : vector<16xf32>
        %get3A_610 = arith.index_cast %add3A_573 : i32 to index
        %get3A_611 = arith.constant 64 : index
        %get3A_612 = tpu.vector_load %arg9[%get3A_610, %get3A_611] {strides = array<i32>} : memref<128x128xf32, #tpu.memory_space<vmem>>, vector<1x16xf32>,
        %get3A_613 = vector.shape_cast %get3A_612 : vector<1x16xf32> to vector<16xf32>
        %get3A_614 = arith.index_cast %add3A_573 : i32 to index
        %get3A_615 = arith.constant 64 : index
        %get3A_616 = tpu.vector_load %arg11[%get3A_614, %get3A_615] {strides = array<i32>} : memref<128x256xf32, #tpu.memory_space<vmem>>, vector<1x16xf32>,
        %get3A_617 = vector.shape_cast %get3A_616 : vector<1x16xf32> to vector<16xf32>
        %mul3A_618 = arith.mulf %get3A_613, %get3A_617 : vector<16xf32>
        %get3A_619 = arith.index_cast %add3A_573 : i32 to index
        %get3A_620 = arith.constant 80 : index
        %get3A_621 = tpu.vector_load %arg9[%get3A_619, %get3A_620] {strides = array<i32>} : memref<128x128xf32, #tpu.memory_space<vmem>>, vector<1x16xf32>,
        %get3A_622 = vector.shape_cast %get3A_621 : vector<1x16xf32> to vector<16xf32>
        %get3A_623 = arith.index_cast %add3A_573 : i32 to index
        %get3A_624 = arith.constant 80 : index
        %get3A_625 = tpu.vector_load %arg11[%get3A_623, %get3A_624] {strides = array<i32>} : memref<128x256xf32, #tpu.memory_space<vmem>>, vector<1x16xf32>,
        %get3A_626 = vector.shape_cast %get3A_625 : vector<1x16xf32> to vector<16xf32>
        %mul3A_627 = arith.mulf %get3A_622, %get3A_626 : vector<16xf32>
        %get3A_628 = arith.index_cast %add3A_573 : i32 to index
        %get3A_629 = arith.constant 96 : index
        %get3A_630 = tpu.vector_load %arg9[%get3A_628, %get3A_629] {strides = array<i32>} : memref<128x128xf32, #tpu.memory_space<vmem>>, vector<1x16xf32>,
        %get3A_631 = vector.shape_cast %get3A_630 : vector<1x16xf32> to vector<16xf32>
        %get3A_632 = arith.index_cast %add3A_573 : i32 to index
        %get3A_633 = arith.constant 96 : index
        %get3A_634 = tpu.vector_load %arg11[%get3A_632, %get3A_633] {strides = array<i32>} : memref<128x256xf32, #tpu.memory_space<vmem>>, vector<1x16xf32>,
        %get3A_635 = vector.shape_cast %get3A_634 : vector<1x16xf32> to vector<16xf32>
        %mul3A_636 = arith.mulf %get3A_631, %get3A_635 : vector<16xf32>
        %get3A_637 = arith.index_cast %add3A_573 : i32 to index
        %get3A_638 = arith.constant 112 : index
        %get3A_639 = tpu.vector_load %arg9[%get3A_637, %get3A_638] {strides = array<i32>} : memref<128x128xf32, #tpu.memory_space<vmem>>, vector<1x16xf32>,
        %get3A_640 = vector.shape_cast %get3A_639 : vector<1x16xf32> to vector<16xf32>
        %get3A_641 = arith.index_cast %add3A_573 : i32 to index
        %get3A_642 = arith.constant 112 : index
        %get3A_643 = tpu.vector_load %arg11[%get3A_641, %get3A_642] {strides = array<i32>} : memref<128x256xf32, #tpu.memory_space<vmem>>, vector<1x16xf32>,
        %get3A_644 = vector.shape_cast %get3A_643 : vector<1x16xf32> to vector<16xf32>
        %mul3A_645 = arith.mulf %get3A_640, %get3A_644 : vector<16xf32>
        %add3A_646 = arith.addf %mul3A_582, %mul3A_591 : vector<16xf32>
        %add3A_647 = arith.addf %mul3A_600, %mul3A_609 : vector<16xf32>
        %add3A_648 = arith.addf %mul3A_618, %mul3A_627 : vector<16xf32>
        %add3A_649 = arith.addf %mul3A_636, %mul3A_645 : vector<16xf32>
        %add3A_650 = arith.addf %add3A_646, %add3A_647 : vector<16xf32>
        %add3A_651 = arith.addf %add3A_648, %add3A_649 : vector<16xf32>
        %add3A_652 = arith.addf %add3A_650, %add3A_651 : vector<16xf32>
        %get3A_653 = arith.index_cast %add3A_573 : i32 to index
        %get3A_654 = arith.constant 128 : index
        %get3A_655 = tpu.vector_load %arg11[%get3A_653, %get3A_654] {strides = array<i32>} : memref<128x256xf32, #tpu.memory_space<vmem>>, vector<1x16xf32>,
        %get3A_656 = vector.shape_cast %get3A_655 : vector<1x16xf32> to vector<16xf32>
        %add3A_657 = arith.addf %add3A_652, %get3A_656 : vector<16xf32>
        %lt3A_658 = arith.constant 0 : i32
        %lt3A_659 = vector.broadcast %lt3A_658 : i32 to vector<16xi32>
        %lt3A_660 = arith.cmpi slt, %xor3A_4, %lt3A_659 : vector<16xi32>
        %add3A_661 = arith.constant 16 : i32
        %add3A_662 = vector.broadcast %add3A_661 : i32 to vector<16xi32>
        %add3A_663 = arith.addi %xor3A_4, %add3A_662 : vector<16xi32>
        %select_n3A_664 = arith.select %lt3A_660, %add3A_663, %xor3A_4 : vector<16xi1>, vector<16xi32>
        %broadcast_in_dim3A_665 = vector.shape_cast %select_n3A_664 : vector<16xi32> to vector<16x1xi32>
        %gather3A_666 = vector.shape_cast %broadcast_in_dim3A_665 : vector<16x1xi32> to vector<16xi32>
        %gather3A_667 = tpu.dynamic_gather %add3A_569[%gather3A_666] in [0] : vector<16xf32>, vector<16xi32> -> vector<16xf32>
        %add3A_668 = arith.addf %add3A_569, %gather3A_667 : vector<16xf32>
        %lt3A_669 = arith.constant 0 : i32
        %lt3A_670 = vector.broadcast %lt3A_669 : i32 to vector<16xi32>
        %lt3A_671 = arith.cmpi slt, %xor3A_4, %lt3A_670 : vector<16xi32>
        %add3A_672 = arith.constant 16 : i32
        %add3A_673 = vector.broadcast %add3A_672 : i32 to vector<16xi32>
        %add3A_674 = arith.addi %xor3A_4, %add3A_673 : vector<16xi32>
        %select_n3A_675 = arith.select %lt3A_671, %add3A_674, %xor3A_4 : vector<16xi1>, vector<16xi32>
        %broadcast_in_dim3A_676 = vector.shape_cast %select_n3A_675 : vector<16xi32> to vector<16x1xi32>
        %gather3A_677 = vector.shape_cast %broadcast_in_dim3A_676 : vector<16x1xi32> to vector<16xi32>
        %gather3A_678 = tpu.dynamic_gather %add3A_657[%gather3A_677] in [0] : vector<16xf32>, vector<16xi32> -> vector<16xf32>
        %add3A_679 = arith.addf %add3A_657, %gather3A_678 : vector<16xf32>
        %select_n3A_680 = arith.select %lt3A_31, %add3A_668, %add3A_679 : vector<16xi1>, vector<16xf32>
        %lt3A_681 = arith.constant 0 : i32
        %lt3A_682 = vector.broadcast %lt3A_681 : i32 to vector<16xi32>
        %lt3A_683 = arith.cmpi slt, %xor3A_7, %lt3A_682 : vector<16xi32>
        %add3A_684 = arith.constant 16 : i32
        %add3A_685 = vector.broadcast %add3A_684 : i32 to vector<16xi32>
        %add3A_686 = arith.addi %xor3A_7, %add3A_685 : vector<16xi32>
        %select_n3A_687 = arith.select %lt3A_683, %add3A_686, %xor3A_7 : vector<16xi1>, vector<16xi32>
        %broadcast_in_dim3A_688 = vector.shape_cast %select_n3A_687 : vector<16xi32> to vector<16x1xi32>
        %gather3A_689 = vector.shape_cast %broadcast_in_dim3A_688 : vector<16x1xi32> to vector<16xi32>
        %gather3A_690 = tpu.dynamic_gather %select_n3A_481[%gather3A_689] in [0] : vector<16xf32>, vector<16xi32> -> vector<16xf32>
        %add3A_691 = arith.addf %select_n3A_481, %gather3A_690 : vector<16xf32>
        %lt3A_692 = arith.constant 0 : i32
        %lt3A_693 = vector.broadcast %lt3A_692 : i32 to vector<16xi32>
        %lt3A_694 = arith.cmpi slt, %xor3A_7, %lt3A_693 : vector<16xi32>
        %add3A_695 = arith.constant 16 : i32
        %add3A_696 = vector.broadcast %add3A_695 : i32 to vector<16xi32>
        %add3A_697 = arith.addi %xor3A_7, %add3A_696 : vector<16xi32>
        %select_n3A_698 = arith.select %lt3A_694, %add3A_697, %xor3A_7 : vector<16xi1>, vector<16xi32>
        %broadcast_in_dim3A_699 = vector.shape_cast %select_n3A_698 : vector<16xi32> to vector<16x1xi32>
        %gather3A_700 = vector.shape_cast %broadcast_in_dim3A_699 : vector<16x1xi32> to vector<16xi32>
        %gather3A_701 = tpu.dynamic_gather %select_n3A_680[%gather3A_700] in [0] : vector<16xf32>, vector<16xi32> -> vector<16xf32>
        %add3A_702 = arith.addf %select_n3A_680, %gather3A_701 : vector<16xf32>
        %select_n3A_703 = arith.select %lt3A_56, %add3A_691, %add3A_702 : vector<16xi1>, vector<16xf32>
        %mul3A_704 = arith.constant 8 : i32
        %mul3A_705 = arith.muli %scan3A_283, %mul3A_704 : i32
        %add3A_706 = arith.constant 4 : i32
        %add3A_707 = arith.addi %mul3A_705, %add3A_706 : i32
        %get3A_708 = arith.index_cast %add3A_707 : i32 to index
        %get3A_709 = arith.constant 0 : index
        %get3A_710 = tpu.vector_load %arg9[%get3A_708, %get3A_709] {strides = array<i32>} : memref<128x128xf32, #tpu.memory_space<vmem>>, vector<1x16xf32>,
        %get3A_711 = vector.shape_cast %get3A_710 : vector<1x16xf32> to vector<16xf32>
        %get3A_712 = arith.index_cast %add3A_707 : i32 to index
        %get3A_713 = arith.constant 0 : index
        %get3A_714 = tpu.vector_load %arg11[%get3A_712, %get3A_713] {strides = array<i32>} : memref<128x256xf32, #tpu.memory_space<vmem>>, vector<1x16xf32>,
        %get3A_715 = vector.shape_cast %get3A_714 : vector<1x16xf32> to vector<16xf32>
        %mul3A_716 = arith.mulf %get3A_711, %get3A_715 : vector<16xf32>
        %get3A_717 = arith.index_cast %add3A_707 : i32 to index
        %get3A_718 = arith.constant 16 : index
        %get3A_719 = tpu.vector_load %arg9[%get3A_717, %get3A_718] {strides = array<i32>} : memref<128x128xf32, #tpu.memory_space<vmem>>, vector<1x16xf32>,
        %get3A_720 = vector.shape_cast %get3A_719 : vector<1x16xf32> to vector<16xf32>
        %get3A_721 = arith.index_cast %add3A_707 : i32 to index
        %get3A_722 = arith.constant 16 : index
        %get3A_723 = tpu.vector_load %arg11[%get3A_721, %get3A_722] {strides = array<i32>} : memref<128x256xf32, #tpu.memory_space<vmem>>, vector<1x16xf32>,
        %get3A_724 = vector.shape_cast %get3A_723 : vector<1x16xf32> to vector<16xf32>
        %mul3A_725 = arith.mulf %get3A_720, %get3A_724 : vector<16xf32>
        %get3A_726 = arith.index_cast %add3A_707 : i32 to index
        %get3A_727 = arith.constant 32 : index
        %get3A_728 = tpu.vector_load %arg9[%get3A_726, %get3A_727] {strides = array<i32>} : memref<128x128xf32, #tpu.memory_space<vmem>>, vector<1x16xf32>,
        %get3A_729 = vector.shape_cast %get3A_728 : vector<1x16xf32> to vector<16xf32>
        %get3A_730 = arith.index_cast %add3A_707 : i32 to index
        %get3A_731 = arith.constant 32 : index
        %get3A_732 = tpu.vector_load %arg11[%get3A_730, %get3A_731] {strides = array<i32>} : memref<128x256xf32, #tpu.memory_space<vmem>>, vector<1x16xf32>,
        %get3A_733 = vector.shape_cast %get3A_732 : vector<1x16xf32> to vector<16xf32>
        %mul3A_734 = arith.mulf %get3A_729, %get3A_733 : vector<16xf32>
        %get3A_735 = arith.index_cast %add3A_707 : i32 to index
        %get3A_736 = arith.constant 48 : index
        %get3A_737 = tpu.vector_load %arg9[%get3A_735, %get3A_736] {strides = array<i32>} : memref<128x128xf32, #tpu.memory_space<vmem>>, vector<1x16xf32>,
        %get3A_738 = vector.shape_cast %get3A_737 : vector<1x16xf32> to vector<16xf32>
        %get3A_739 = arith.index_cast %add3A_707 : i32 to index
        %get3A_740 = arith.constant 48 : index
        %get3A_741 = tpu.vector_load %arg11[%get3A_739, %get3A_740] {strides = array<i32>} : memref<128x256xf32, #tpu.memory_space<vmem>>, vector<1x16xf32>,
        %get3A_742 = vector.shape_cast %get3A_741 : vector<1x16xf32> to vector<16xf32>
        %mul3A_743 = arith.mulf %get3A_738, %get3A_742 : vector<16xf32>
        %get3A_744 = arith.index_cast %add3A_707 : i32 to index
        %get3A_745 = arith.constant 64 : index
        %get3A_746 = tpu.vector_load %arg9[%get3A_744, %get3A_745] {strides = array<i32>} : memref<128x128xf32, #tpu.memory_space<vmem>>, vector<1x16xf32>,
        %get3A_747 = vector.shape_cast %get3A_746 : vector<1x16xf32> to vector<16xf32>
        %get3A_748 = arith.index_cast %add3A_707 : i32 to index
        %get3A_749 = arith.constant 64 : index
        %get3A_750 = tpu.vector_load %arg11[%get3A_748, %get3A_749] {strides = array<i32>} : memref<128x256xf32, #tpu.memory_space<vmem>>, vector<1x16xf32>,
        %get3A_751 = vector.shape_cast %get3A_750 : vector<1x16xf32> to vector<16xf32>
        %mul3A_752 = arith.mulf %get3A_747, %get3A_751 : vector<16xf32>
        %get3A_753 = arith.index_cast %add3A_707 : i32 to index
        %get3A_754 = arith.constant 80 : index
        %get3A_755 = tpu.vector_load %arg9[%get3A_753, %get3A_754] {strides = array<i32>} : memref<128x128xf32, #tpu.memory_space<vmem>>, vector<1x16xf32>,
        %get3A_756 = vector.shape_cast %get3A_755 : vector<1x16xf32> to vector<16xf32>
        %get3A_757 = arith.index_cast %add3A_707 : i32 to index
        %get3A_758 = arith.constant 80 : index
        %get3A_759 = tpu.vector_load %arg11[%get3A_757, %get3A_758] {strides = array<i32>} : memref<128x256xf32, #tpu.memory_space<vmem>>, vector<1x16xf32>,
        %get3A_760 = vector.shape_cast %get3A_759 : vector<1x16xf32> to vector<16xf32>
        %mul3A_761 = arith.mulf %get3A_756, %get3A_760 : vector<16xf32>
        %get3A_762 = arith.index_cast %add3A_707 : i32 to index
        %get3A_763 = arith.constant 96 : index
        %get3A_764 = tpu.vector_load %arg9[%get3A_762, %get3A_763] {strides = array<i32>} : memref<128x128xf32, #tpu.memory_space<vmem>>, vector<1x16xf32>,
        %get3A_765 = vector.shape_cast %get3A_764 : vector<1x16xf32> to vector<16xf32>
        %get3A_766 = arith.index_cast %add3A_707 : i32 to index
        %get3A_767 = arith.constant 96 : index
        %get3A_768 = tpu.vector_load %arg11[%get3A_766, %get3A_767] {strides = array<i32>} : memref<128x256xf32, #tpu.memory_space<vmem>>, vector<1x16xf32>,
        %get3A_769 = vector.shape_cast %get3A_768 : vector<1x16xf32> to vector<16xf32>
        %mul3A_770 = arith.mulf %get3A_765, %get3A_769 : vector<16xf32>
        %get3A_771 = arith.index_cast %add3A_707 : i32 to index
        %get3A_772 = arith.constant 112 : index
        %get3A_773 = tpu.vector_load %arg9[%get3A_771, %get3A_772] {strides = array<i32>} : memref<128x128xf32, #tpu.memory_space<vmem>>, vector<1x16xf32>,
        %get3A_774 = vector.shape_cast %get3A_773 : vector<1x16xf32> to vector<16xf32>
        %get3A_775 = arith.index_cast %add3A_707 : i32 to index
        %get3A_776 = arith.constant 112 : index
        %get3A_777 = tpu.vector_load %arg11[%get3A_775, %get3A_776] {strides = array<i32>} : memref<128x256xf32, #tpu.memory_space<vmem>>, vector<1x16xf32>,
        %get3A_778 = vector.shape_cast %get3A_777 : vector<1x16xf32> to vector<16xf32>
        %mul3A_779 = arith.mulf %get3A_774, %get3A_778 : vector<16xf32>
        %add3A_780 = arith.addf %mul3A_716, %mul3A_725 : vector<16xf32>
        %add3A_781 = arith.addf %mul3A_734, %mul3A_743 : vector<16xf32>
        %add3A_782 = arith.addf %mul3A_752, %mul3A_761 : vector<16xf32>
        %add3A_783 = arith.addf %mul3A_770, %mul3A_779 : vector<16xf32>
        %add3A_784 = arith.addf %add3A_780, %add3A_781 : vector<16xf32>
        %add3A_785 = arith.addf %add3A_782, %add3A_783 : vector<16xf32>
        %add3A_786 = arith.addf %add3A_784, %add3A_785 : vector<16xf32>
        %get3A_787 = arith.index_cast %add3A_707 : i32 to index
        %get3A_788 = arith.constant 128 : index
        %get3A_789 = tpu.vector_load %arg11[%get3A_787, %get3A_788] {strides = array<i32>} : memref<128x256xf32, #tpu.memory_space<vmem>>, vector<1x16xf32>,
        %get3A_790 = vector.shape_cast %get3A_789 : vector<1x16xf32> to vector<16xf32>
        %add3A_791 = arith.addf %add3A_786, %get3A_790 : vector<16xf32>
        %mul3A_792 = arith.constant 8 : i32
        %mul3A_793 = arith.muli %scan3A_283, %mul3A_792 : i32
        %add3A_794 = arith.constant 5 : i32
        %add3A_795 = arith.addi %mul3A_793, %add3A_794 : i32
        %get3A_796 = arith.index_cast %add3A_795 : i32 to index
        %get3A_797 = arith.constant 0 : index
        %get3A_798 = tpu.vector_load %arg9[%get3A_796, %get3A_797] {strides = array<i32>} : memref<128x128xf32, #tpu.memory_space<vmem>>, vector<1x16xf32>,
        %get3A_799 = vector.shape_cast %get3A_798 : vector<1x16xf32> to vector<16xf32>
        %get3A_800 = arith.index_cast %add3A_795 : i32 to index
        %get3A_801 = arith.constant 0 : index
        %get3A_802 = tpu.vector_load %arg11[%get3A_800, %get3A_801] {strides = array<i32>} : memref<128x256xf32, #tpu.memory_space<vmem>>, vector<1x16xf32>,
        %get3A_803 = vector.shape_cast %get3A_802 : vector<1x16xf32> to vector<16xf32>
        %mul3A_804 = arith.mulf %get3A_799, %get3A_803 : vector<16xf32>
        %get3A_805 = arith.index_cast %add3A_795 : i32 to index
        %get3A_806 = arith.constant 16 : index
        %get3A_807 = tpu.vector_load %arg9[%get3A_805, %get3A_806] {strides = array<i32>} : memref<128x128xf32, #tpu.memory_space<vmem>>, vector<1x16xf32>,
        %get3A_808 = vector.shape_cast %get3A_807 : vector<1x16xf32> to vector<16xf32>
        %get3A_809 = arith.index_cast %add3A_795 : i32 to index
        %get3A_810 = arith.constant 16 : index
        %get3A_811 = tpu.vector_load %arg11[%get3A_809, %get3A_810] {strides = array<i32>} : memref<128x256xf32, #tpu.memory_space<vmem>>, vector<1x16xf32>,
        %get3A_812 = vector.shape_cast %get3A_811 : vector<1x16xf32> to vector<16xf32>
        %mul3A_813 = arith.mulf %get3A_808, %get3A_812 : vector<16xf32>
        %get3A_814 = arith.index_cast %add3A_795 : i32 to index
        %get3A_815 = arith.constant 32 : index
        %get3A_816 = tpu.vector_load %arg9[%get3A_814, %get3A_815] {strides = array<i32>} : memref<128x128xf32, #tpu.memory_space<vmem>>, vector<1x16xf32>,
        %get3A_817 = vector.shape_cast %get3A_816 : vector<1x16xf32> to vector<16xf32>
        %get3A_818 = arith.index_cast %add3A_795 : i32 to index
        %get3A_819 = arith.constant 32 : index
        %get3A_820 = tpu.vector_load %arg11[%get3A_818, %get3A_819] {strides = array<i32>} : memref<128x256xf32, #tpu.memory_space<vmem>>, vector<1x16xf32>,
        %get3A_821 = vector.shape_cast %get3A_820 : vector<1x16xf32> to vector<16xf32>
        %mul3A_822 = arith.mulf %get3A_817, %get3A_821 : vector<16xf32>
        %get3A_823 = arith.index_cast %add3A_795 : i32 to index
        %get3A_824 = arith.constant 48 : index
        %get3A_825 = tpu.vector_load %arg9[%get3A_823, %get3A_824] {strides = array<i32>} : memref<128x128xf32, #tpu.memory_space<vmem>>, vector<1x16xf32>,
        %get3A_826 = vector.shape_cast %get3A_825 : vector<1x16xf32> to vector<16xf32>
        %get3A_827 = arith.index_cast %add3A_795 : i32 to index
        %get3A_828 = arith.constant 48 : index
        %get3A_829 = tpu.vector_load %arg11[%get3A_827, %get3A_828] {strides = array<i32>} : memref<128x256xf32, #tpu.memory_space<vmem>>, vector<1x16xf32>,
        %get3A_830 = vector.shape_cast %get3A_829 : vector<1x16xf32> to vector<16xf32>
        %mul3A_831 = arith.mulf %get3A_826, %get3A_830 : vector<16xf32>
        %get3A_832 = arith.index_cast %add3A_795 : i32 to index
        %get3A_833 = arith.constant 64 : index
        %get3A_834 = tpu.vector_load %arg9[%get3A_832, %get3A_833] {strides = array<i32>} : memref<128x128xf32, #tpu.memory_space<vmem>>, vector<1x16xf32>,
        %get3A_835 = vector.shape_cast %get3A_834 : vector<1x16xf32> to vector<16xf32>
        %get3A_836 = arith.index_cast %add3A_795 : i32 to index
        %get3A_837 = arith.constant 64 : index
        %get3A_838 = tpu.vector_load %arg11[%get3A_836, %get3A_837] {strides = array<i32>} : memref<128x256xf32, #tpu.memory_space<vmem>>, vector<1x16xf32>,
        %get3A_839 = vector.shape_cast %get3A_838 : vector<1x16xf32> to vector<16xf32>
        %mul3A_840 = arith.mulf %get3A_835, %get3A_839 : vector<16xf32>
        %get3A_841 = arith.index_cast %add3A_795 : i32 to index
        %get3A_842 = arith.constant 80 : index
        %get3A_843 = tpu.vector_load %arg9[%get3A_841, %get3A_842] {strides = array<i32>} : memref<128x128xf32, #tpu.memory_space<vmem>>, vector<1x16xf32>,
        %get3A_844 = vector.shape_cast %get3A_843 : vector<1x16xf32> to vector<16xf32>
        %get3A_845 = arith.index_cast %add3A_795 : i32 to index
        %get3A_846 = arith.constant 80 : index
        %get3A_847 = tpu.vector_load %arg11[%get3A_845, %get3A_846] {strides = array<i32>} : memref<128x256xf32, #tpu.memory_space<vmem>>, vector<1x16xf32>,
        %get3A_848 = vector.shape_cast %get3A_847 : vector<1x16xf32> to vector<16xf32>
        %mul3A_849 = arith.mulf %get3A_844, %get3A_848 : vector<16xf32>
        %get3A_850 = arith.index_cast %add3A_795 : i32 to index
        %get3A_851 = arith.constant 96 : index
        %get3A_852 = tpu.vector_load %arg9[%get3A_850, %get3A_851] {strides = array<i32>} : memref<128x128xf32, #tpu.memory_space<vmem>>, vector<1x16xf32>,
        %get3A_853 = vector.shape_cast %get3A_852 : vector<1x16xf32> to vector<16xf32>
        %get3A_854 = arith.index_cast %add3A_795 : i32 to index
        %get3A_855 = arith.constant 96 : index
        %get3A_856 = tpu.vector_load %arg11[%get3A_854, %get3A_855] {strides = array<i32>} : memref<128x256xf32, #tpu.memory_space<vmem>>, vector<1x16xf32>,
        %get3A_857 = vector.shape_cast %get3A_856 : vector<1x16xf32> to vector<16xf32>
        %mul3A_858 = arith.mulf %get3A_853, %get3A_857 : vector<16xf32>
        %get3A_859 = arith.index_cast %add3A_795 : i32 to index
        %get3A_860 = arith.constant 112 : index
        %get3A_861 = tpu.vector_load %arg9[%get3A_859, %get3A_860] {strides = array<i32>} : memref<128x128xf32, #tpu.memory_space<vmem>>, vector<1x16xf32>,
        %get3A_862 = vector.shape_cast %get3A_861 : vector<1x16xf32> to vector<16xf32>
        %get3A_863 = arith.index_cast %add3A_795 : i32 to index
        %get3A_864 = arith.constant 112 : index
        %get3A_865 = tpu.vector_load %arg11[%get3A_863, %get3A_864] {strides = array<i32>} : memref<128x256xf32, #tpu.memory_space<vmem>>, vector<1x16xf32>,
        %get3A_866 = vector.shape_cast %get3A_865 : vector<1x16xf32> to vector<16xf32>
        %mul3A_867 = arith.mulf %get3A_862, %get3A_866 : vector<16xf32>
        %add3A_868 = arith.addf %mul3A_804, %mul3A_813 : vector<16xf32>
        %add3A_869 = arith.addf %mul3A_822, %mul3A_831 : vector<16xf32>
        %add3A_870 = arith.addf %mul3A_840, %mul3A_849 : vector<16xf32>
        %add3A_871 = arith.addf %mul3A_858, %mul3A_867 : vector<16xf32>
        %add3A_872 = arith.addf %add3A_868, %add3A_869 : vector<16xf32>
        %add3A_873 = arith.addf %add3A_870, %add3A_871 : vector<16xf32>
        %add3A_874 = arith.addf %add3A_872, %add3A_873 : vector<16xf32>
        %get3A_875 = arith.index_cast %add3A_795 : i32 to index
        %get3A_876 = arith.constant 128 : index
        %get3A_877 = tpu.vector_load %arg11[%get3A_875, %get3A_876] {strides = array<i32>} : memref<128x256xf32, #tpu.memory_space<vmem>>, vector<1x16xf32>,
        %get3A_878 = vector.shape_cast %get3A_877 : vector<1x16xf32> to vector<16xf32>
        %add3A_879 = arith.addf %add3A_874, %get3A_878 : vector<16xf32>
        %lt3A_880 = arith.constant 0 : i32
        %lt3A_881 = vector.broadcast %lt3A_880 : i32 to vector<16xi32>
        %lt3A_882 = arith.cmpi slt, %xor3A_4, %lt3A_881 : vector<16xi32>
        %add3A_883 = arith.constant 16 : i32
        %add3A_884 = vector.broadcast %add3A_883 : i32 to vector<16xi32>
        %add3A_885 = arith.addi %xor3A_4, %add3A_884 : vector<16xi32>
        %select_n3A_886 = arith.select %lt3A_882, %add3A_885, %xor3A_4 : vector<16xi1>, vector<16xi32>
        %broadcast_in_dim3A_887 = vector.shape_cast %select_n3A_886 : vector<16xi32> to vector<16x1xi32>
        %gather3A_888 = vector.shape_cast %broadcast_in_dim3A_887 : vector<16x1xi32> to vector<16xi32>
        %gather3A_889 = tpu.dynamic_gather %add3A_791[%gather3A_888] in [0] : vector<16xf32>, vector<16xi32> -> vector<16xf32>
        %add3A_890 = arith.addf %add3A_791, %gather3A_889 : vector<16xf32>
        %lt3A_891 = arith.constant 0 : i32
        %lt3A_892 = vector.broadcast %lt3A_891 : i32 to vector<16xi32>
        %lt3A_893 = arith.cmpi slt, %xor3A_4, %lt3A_892 : vector<16xi32>
        %add3A_894 = arith.constant 16 : i32
        %add3A_895 = vector.broadcast %add3A_894 : i32 to vector<16xi32>
        %add3A_896 = arith.addi %xor3A_4, %add3A_895 : vector<16xi32>
        %select_n3A_897 = arith.select %lt3A_893, %add3A_896, %xor3A_4 : vector<16xi1>, vector<16xi32>
        %broadcast_in_dim3A_898 = vector.shape_cast %select_n3A_897 : vector<16xi32> to vector<16x1xi32>
        %gather3A_899 = vector.shape_cast %broadcast_in_dim3A_898 : vector<16x1xi32> to vector<16xi32>
        %gather3A_900 = tpu.dynamic_gather %add3A_879[%gather3A_899] in [0] : vector<16xf32>, vector<16xi32> -> vector<16xf32>
        %add3A_901 = arith.addf %add3A_879, %gather3A_900 : vector<16xf32>
        %select_n3A_902 = arith.select %lt3A_31, %add3A_890, %add3A_901 : vector<16xi1>, vector<16xf32>
        %mul3A_903 = arith.constant 8 : i32
        %mul3A_904 = arith.muli %scan3A_283, %mul3A_903 : i32
        %add3A_905 = arith.constant 6 : i32
        %add3A_906 = arith.addi %mul3A_904, %add3A_905 : i32
        %get3A_907 = arith.index_cast %add3A_906 : i32 to index
        %get3A_908 = arith.constant 0 : index
        %get3A_909 = tpu.vector_load %arg9[%get3A_907, %get3A_908] {strides = array<i32>} : memref<128x128xf32, #tpu.memory_space<vmem>>, vector<1x16xf32>,
        %get3A_910 = vector.shape_cast %get3A_909 : vector<1x16xf32> to vector<16xf32>
        %get3A_911 = arith.index_cast %add3A_906 : i32 to index
        %get3A_912 = arith.constant 0 : index
        %get3A_913 = tpu.vector_load %arg11[%get3A_911, %get3A_912] {strides = array<i32>} : memref<128x256xf32, #tpu.memory_space<vmem>>, vector<1x16xf32>,
        %get3A_914 = vector.shape_cast %get3A_913 : vector<1x16xf32> to vector<16xf32>
        %mul3A_915 = arith.mulf %get3A_910, %get3A_914 : vector<16xf32>
        %get3A_916 = arith.index_cast %add3A_906 : i32 to index
        %get3A_917 = arith.constant 16 : index
        %get3A_918 = tpu.vector_load %arg9[%get3A_916, %get3A_917] {strides = array<i32>} : memref<128x128xf32, #tpu.memory_space<vmem>>, vector<1x16xf32>,
        %get3A_919 = vector.shape_cast %get3A_918 : vector<1x16xf32> to vector<16xf32>
        %get3A_920 = arith.index_cast %add3A_906 : i32 to index
        %get3A_921 = arith.constant 16 : index
        %get3A_922 = tpu.vector_load %arg11[%get3A_920, %get3A_921] {strides = array<i32>} : memref<128x256xf32, #tpu.memory_space<vmem>>, vector<1x16xf32>,
        %get3A_923 = vector.shape_cast %get3A_922 : vector<1x16xf32> to vector<16xf32>
        %mul3A_924 = arith.mulf %get3A_919, %get3A_923 : vector<16xf32>
        %get3A_925 = arith.index_cast %add3A_906 : i32 to index
        %get3A_926 = arith.constant 32 : index
        %get3A_927 = tpu.vector_load %arg9[%get3A_925, %get3A_926] {strides = array<i32>} : memref<128x128xf32, #tpu.memory_space<vmem>>, vector<1x16xf32>,
        %get3A_928 = vector.shape_cast %get3A_927 : vector<1x16xf32> to vector<16xf32>
        %get3A_929 = arith.index_cast %add3A_906 : i32 to index
        %get3A_930 = arith.constant 32 : index
        %get3A_931 = tpu.vector_load %arg11[%get3A_929, %get3A_930] {strides = array<i32>} : memref<128x256xf32, #tpu.memory_space<vmem>>, vector<1x16xf32>,
        %get3A_932 = vector.shape_cast %get3A_931 : vector<1x16xf32> to vector<16xf32>
        %mul3A_933 = arith.mulf %get3A_928, %get3A_932 : vector<16xf32>
        %get3A_934 = arith.index_cast %add3A_906 : i32 to index
        %get3A_935 = arith.constant 48 : index
        %get3A_936 = tpu.vector_load %arg9[%get3A_934, %get3A_935] {strides = array<i32>} : memref<128x128xf32, #tpu.memory_space<vmem>>, vector<1x16xf32>,
        %get3A_937 = vector.shape_cast %get3A_936 : vector<1x16xf32> to vector<16xf32>
        %get3A_938 = arith.index_cast %add3A_906 : i32 to index
        %get3A_939 = arith.constant 48 : index
        %get3A_940 = tpu.vector_load %arg11[%get3A_938, %get3A_939] {strides = array<i32>} : memref<128x256xf32, #tpu.memory_space<vmem>>, vector<1x16xf32>,
        %get3A_941 = vector.shape_cast %get3A_940 : vector<1x16xf32> to vector<16xf32>
        %mul3A_942 = arith.mulf %get3A_937, %get3A_941 : vector<16xf32>
        %get3A_943 = arith.index_cast %add3A_906 : i32 to index
        %get3A_944 = arith.constant 64 : index
        %get3A_945 = tpu.vector_load %arg9[%get3A_943, %get3A_944] {strides = array<i32>} : memref<128x128xf32, #tpu.memory_space<vmem>>, vector<1x16xf32>,
        %get3A_946 = vector.shape_cast %get3A_945 : vector<1x16xf32> to vector<16xf32>
        %get3A_947 = arith.index_cast %add3A_906 : i32 to index
        %get3A_948 = arith.constant 64 : index
        %get3A_949 = tpu.vector_load %arg11[%get3A_947, %get3A_948] {strides = array<i32>} : memref<128x256xf32, #tpu.memory_space<vmem>>, vector<1x16xf32>,
        %get3A_950 = vector.shape_cast %get3A_949 : vector<1x16xf32> to vector<16xf32>
        %mul3A_951 = arith.mulf %get3A_946, %get3A_950 : vector<16xf32>
        %get3A_952 = arith.index_cast %add3A_906 : i32 to index
        %get3A_953 = arith.constant 80 : index
        %get3A_954 = tpu.vector_load %arg9[%get3A_952, %get3A_953] {strides = array<i32>} : memref<128x128xf32, #tpu.memory_space<vmem>>, vector<1x16xf32>,
        %get3A_955 = vector.shape_cast %get3A_954 : vector<1x16xf32> to vector<16xf32>
        %get3A_956 = arith.index_cast %add3A_906 : i32 to index
        %get3A_957 = arith.constant 80 : index
        %get3A_958 = tpu.vector_load %arg11[%get3A_956, %get3A_957] {strides = array<i32>} : memref<128x256xf32, #tpu.memory_space<vmem>>, vector<1x16xf32>,
        %get3A_959 = vector.shape_cast %get3A_958 : vector<1x16xf32> to vector<16xf32>
        %mul3A_960 = arith.mulf %get3A_955, %get3A_959 : vector<16xf32>
        %get3A_961 = arith.index_cast %add3A_906 : i32 to index
        %get3A_962 = arith.constant 96 : index
        %get3A_963 = tpu.vector_load %arg9[%get3A_961, %get3A_962] {strides = array<i32>} : memref<128x128xf32, #tpu.memory_space<vmem>>, vector<1x16xf32>,
        %get3A_964 = vector.shape_cast %get3A_963 : vector<1x16xf32> to vector<16xf32>
        %get3A_965 = arith.index_cast %add3A_906 : i32 to index
        %get3A_966 = arith.constant 96 : index
        %get3A_967 = tpu.vector_load %arg11[%get3A_965, %get3A_966] {strides = array<i32>} : memref<128x256xf32, #tpu.memory_space<vmem>>, vector<1x16xf32>,
        %get3A_968 = vector.shape_cast %get3A_967 : vector<1x16xf32> to vector<16xf32>
        %mul3A_969 = arith.mulf %get3A_964, %get3A_968 : vector<16xf32>
        %get3A_970 = arith.index_cast %add3A_906 : i32 to index
        %get3A_971 = arith.constant 112 : index
        %get3A_972 = tpu.vector_load %arg9[%get3A_970, %get3A_971] {strides = array<i32>} : memref<128x128xf32, #tpu.memory_space<vmem>>, vector<1x16xf32>,
        %get3A_973 = vector.shape_cast %get3A_972 : vector<1x16xf32> to vector<16xf32>
        %get3A_974 = arith.index_cast %add3A_906 : i32 to index
        %get3A_975 = arith.constant 112 : index
        %get3A_976 = tpu.vector_load %arg11[%get3A_974, %get3A_975] {strides = array<i32>} : memref<128x256xf32, #tpu.memory_space<vmem>>, vector<1x16xf32>,
        %get3A_977 = vector.shape_cast %get3A_976 : vector<1x16xf32> to vector<16xf32>
        %mul3A_978 = arith.mulf %get3A_973, %get3A_977 : vector<16xf32>
        %add3A_979 = arith.addf %mul3A_915, %mul3A_924 : vector<16xf32>
        %add3A_980 = arith.addf %mul3A_933, %mul3A_942 : vector<16xf32>
        %add3A_981 = arith.addf %mul3A_951, %mul3A_960 : vector<16xf32>
        %add3A_982 = arith.addf %mul3A_969, %mul3A_978 : vector<16xf32>
        %add3A_983 = arith.addf %add3A_979, %add3A_980 : vector<16xf32>
        %add3A_984 = arith.addf %add3A_981, %add3A_982 : vector<16xf32>
        %add3A_985 = arith.addf %add3A_983, %add3A_984 : vector<16xf32>
        %get3A_986 = arith.index_cast %add3A_906 : i32 to index
        %get3A_987 = arith.constant 128 : index
        %get3A_988 = tpu.vector_load %arg11[%get3A_986, %get3A_987] {strides = array<i32>} : memref<128x256xf32, #tpu.memory_space<vmem>>, vector<1x16xf32>,
        %get3A_989 = vector.shape_cast %get3A_988 : vector<1x16xf32> to vector<16xf32>
        %add3A_990 = arith.addf %add3A_985, %get3A_989 : vector<16xf32>
        %mul3A_991 = arith.constant 8 : i32
        %mul3A_992 = arith.muli %scan3A_283, %mul3A_991 : i32
        %add3A_993 = arith.constant 7 : i32
        %add3A_994 = arith.addi %mul3A_992, %add3A_993 : i32
        %get3A_995 = arith.index_cast %add3A_994 : i32 to index
        %get3A_996 = arith.constant 0 : index
        %get3A_997 = tpu.vector_load %arg9[%get3A_995, %get3A_996] {strides = array<i32>} : memref<128x128xf32, #tpu.memory_space<vmem>>, vector<1x16xf32>,
        %get3A_998 = vector.shape_cast %get3A_997 : vector<1x16xf32> to vector<16xf32>
        %get3A_999 = arith.index_cast %add3A_994 : i32 to index
        %get3A_1000 = arith.constant 0 : index
        %get3A_1001 = tpu.vector_load %arg11[%get3A_999, %get3A_1000] {strides = array<i32>} : memref<128x256xf32, #tpu.memory_space<vmem>>, vector<1x16xf32>,
        %get3A_1002 = vector.shape_cast %get3A_1001 : vector<1x16xf32> to vector<16xf32>
        %mul3A_1003 = arith.mulf %get3A_998, %get3A_1002 : vector<16xf32>
        %get3A_1004 = arith.index_cast %add3A_994 : i32 to index
        %get3A_1005 = arith.constant 16 : index
        %get3A_1006 = tpu.vector_load %arg9[%get3A_1004, %get3A_1005] {strides = array<i32>} : memref<128x128xf32, #tpu.memory_space<vmem>>, vector<1x16xf32>,
        %get3A_1007 = vector.shape_cast %get3A_1006 : vector<1x16xf32> to vector<16xf32>
        %get3A_1008 = arith.index_cast %add3A_994 : i32 to index
        %get3A_1009 = arith.constant 16 : index
        %get3A_1010 = tpu.vector_load %arg11[%get3A_1008, %get3A_1009] {strides = array<i32>} : memref<128x256xf32, #tpu.memory_space<vmem>>, vector<1x16xf32>,
        %get3A_1011 = vector.shape_cast %get3A_1010 : vector<1x16xf32> to vector<16xf32>
        %mul3A_1012 = arith.mulf %get3A_1007, %get3A_1011 : vector<16xf32>
        %get3A_1013 = arith.index_cast %add3A_994 : i32 to index
        %get3A_1014 = arith.constant 32 : index
        %get3A_1015 = tpu.vector_load %arg9[%get3A_1013, %get3A_1014] {strides = array<i32>} : memref<128x128xf32, #tpu.memory_space<vmem>>, vector<1x16xf32>,
        %get3A_1016 = vector.shape_cast %get3A_1015 : vector<1x16xf32> to vector<16xf32>
        %get3A_1017 = arith.index_cast %add3A_994 : i32 to index
        %get3A_1018 = arith.constant 32 : index
        %get3A_1019 = tpu.vector_load %arg11[%get3A_1017, %get3A_1018] {strides = array<i32>} : memref<128x256xf32, #tpu.memory_space<vmem>>, vector<1x16xf32>,
        %get3A_1020 = vector.shape_cast %get3A_1019 : vector<1x16xf32> to vector<16xf32>
        %mul3A_1021 = arith.mulf %get3A_1016, %get3A_1020 : vector<16xf32>
        %get3A_1022 = arith.index_cast %add3A_994 : i32 to index
        %get3A_1023 = arith.constant 48 : index
        %get3A_1024 = tpu.vector_load %arg9[%get3A_1022, %get3A_1023] {strides = array<i32>} : memref<128x128xf32, #tpu.memory_space<vmem>>, vector<1x16xf32>,
        %get3A_1025 = vector.shape_cast %get3A_1024 : vector<1x16xf32> to vector<16xf32>
        %get3A_1026 = arith.index_cast %add3A_994 : i32 to index
        %get3A_1027 = arith.constant 48 : index
        %get3A_1028 = tpu.vector_load %arg11[%get3A_1026, %get3A_1027] {strides = array<i32>} : memref<128x256xf32, #tpu.memory_space<vmem>>, vector<1x16xf32>,
        %get3A_1029 = vector.shape_cast %get3A_1028 : vector<1x16xf32> to vector<16xf32>
        %mul3A_1030 = arith.mulf %get3A_1025, %get3A_1029 : vector<16xf32>
        %get3A_1031 = arith.index_cast %add3A_994 : i32 to index
        %get3A_1032 = arith.constant 64 : index
        %get3A_1033 = tpu.vector_load %arg9[%get3A_1031, %get3A_1032] {strides = array<i32>} : memref<128x128xf32, #tpu.memory_space<vmem>>, vector<1x16xf32>,
        %get3A_1034 = vector.shape_cast %get3A_1033 : vector<1x16xf32> to vector<16xf32>
        %get3A_1035 = arith.index_cast %add3A_994 : i32 to index
        %get3A_1036 = arith.constant 64 : index
        %get3A_1037 = tpu.vector_load %arg11[%get3A_1035, %get3A_1036] {strides = array<i32>} : memref<128x256xf32, #tpu.memory_space<vmem>>, vector<1x16xf32>,
        %get3A_1038 = vector.shape_cast %get3A_1037 : vector<1x16xf32> to vector<16xf32>
        %mul3A_1039 = arith.mulf %get3A_1034, %get3A_1038 : vector<16xf32>
        %get3A_1040 = arith.index_cast %add3A_994 : i32 to index
        %get3A_1041 = arith.constant 80 : index
        %get3A_1042 = tpu.vector_load %arg9[%get3A_1040, %get3A_1041] {strides = array<i32>} : memref<128x128xf32, #tpu.memory_space<vmem>>, vector<1x16xf32>,
        %get3A_1043 = vector.shape_cast %get3A_1042 : vector<1x16xf32> to vector<16xf32>
        %get3A_1044 = arith.index_cast %add3A_994 : i32 to index
        %get3A_1045 = arith.constant 80 : index
        %get3A_1046 = tpu.vector_load %arg11[%get3A_1044, %get3A_1045] {strides = array<i32>} : memref<128x256xf32, #tpu.memory_space<vmem>>, vector<1x16xf32>,
        %get3A_1047 = vector.shape_cast %get3A_1046 : vector<1x16xf32> to vector<16xf32>
        %mul3A_1048 = arith.mulf %get3A_1043, %get3A_1047 : vector<16xf32>
        %get3A_1049 = arith.index_cast %add3A_994 : i32 to index
        %get3A_1050 = arith.constant 96 : index
        %get3A_1051 = tpu.vector_load %arg9[%get3A_1049, %get3A_1050] {strides = array<i32>} : memref<128x128xf32, #tpu.memory_space<vmem>>, vector<1x16xf32>,
        %get3A_1052 = vector.shape_cast %get3A_1051 : vector<1x16xf32> to vector<16xf32>
        %get3A_1053 = arith.index_cast %add3A_994 : i32 to index
        %get3A_1054 = arith.constant 96 : index
        %get3A_1055 = tpu.vector_load %arg11[%get3A_1053, %get3A_1054] {strides = array<i32>} : memref<128x256xf32, #tpu.memory_space<vmem>>, vector<1x16xf32>,
        %get3A_1056 = vector.shape_cast %get3A_1055 : vector<1x16xf32> to vector<16xf32>
        %mul3A_1057 = arith.mulf %get3A_1052, %get3A_1056 : vector<16xf32>
        %get3A_1058 = arith.index_cast %add3A_994 : i32 to index
        %get3A_1059 = arith.constant 112 : index
        %get3A_1060 = tpu.vector_load %arg9[%get3A_1058, %get3A_1059] {strides = array<i32>} : memref<128x128xf32, #tpu.memory_space<vmem>>, vector<1x16xf32>,
        %get3A_1061 = vector.shape_cast %get3A_1060 : vector<1x16xf32> to vector<16xf32>
        %get3A_1062 = arith.index_cast %add3A_994 : i32 to index
        %get3A_1063 = arith.constant 112 : index
        %get3A_1064 = tpu.vector_load %arg11[%get3A_1062, %get3A_1063] {strides = array<i32>} : memref<128x256xf32, #tpu.memory_space<vmem>>, vector<1x16xf32>,
        %get3A_1065 = vector.shape_cast %get3A_1064 : vector<1x16xf32> to vector<16xf32>
        %mul3A_1066 = arith.mulf %get3A_1061, %get3A_1065 : vector<16xf32>
        %add3A_1067 = arith.addf %mul3A_1003, %mul3A_1012 : vector<16xf32>
        %add3A_1068 = arith.addf %mul3A_1021, %mul3A_1030 : vector<16xf32>
        %add3A_1069 = arith.addf %mul3A_1039, %mul3A_1048 : vector<16xf32>
        %add3A_1070 = arith.addf %mul3A_1057, %mul3A_1066 : vector<16xf32>
        %add3A_1071 = arith.addf %add3A_1067, %add3A_1068 : vector<16xf32>
        %add3A_1072 = arith.addf %add3A_1069, %add3A_1070 : vector<16xf32>
        %add3A_1073 = arith.addf %add3A_1071, %add3A_1072 : vector<16xf32>
        %get3A_1074 = arith.index_cast %add3A_994 : i32 to index
        %get3A_1075 = arith.constant 128 : index
        %get3A_1076 = tpu.vector_load %arg11[%get3A_1074, %get3A_1075] {strides = array<i32>} : memref<128x256xf32, #tpu.memory_space<vmem>>, vector<1x16xf32>,
        %get3A_1077 = vector.shape_cast %get3A_1076 : vector<1x16xf32> to vector<16xf32>
        %add3A_1078 = arith.addf %add3A_1073, %get3A_1077 : vector<16xf32>
        %lt3A_1079 = arith.constant 0 : i32
        %lt3A_1080 = vector.broadcast %lt3A_1079 : i32 to vector<16xi32>
        %lt3A_1081 = arith.cmpi slt, %xor3A_4, %lt3A_1080 : vector<16xi32>
        %add3A_1082 = arith.constant 16 : i32
        %add3A_1083 = vector.broadcast %add3A_1082 : i32 to vector<16xi32>
        %add3A_1084 = arith.addi %xor3A_4, %add3A_1083 : vector<16xi32>
        %select_n3A_1085 = arith.select %lt3A_1081, %add3A_1084, %xor3A_4 : vector<16xi1>, vector<16xi32>
        %broadcast_in_dim3A_1086 = vector.shape_cast %select_n3A_1085 : vector<16xi32> to vector<16x1xi32>
        %gather3A_1087 = vector.shape_cast %broadcast_in_dim3A_1086 : vector<16x1xi32> to vector<16xi32>
        %gather3A_1088 = tpu.dynamic_gather %add3A_990[%gather3A_1087] in [0] : vector<16xf32>, vector<16xi32> -> vector<16xf32>
        %add3A_1089 = arith.addf %add3A_990, %gather3A_1088 : vector<16xf32>
        %lt3A_1090 = arith.constant 0 : i32
        %lt3A_1091 = vector.broadcast %lt3A_1090 : i32 to vector<16xi32>
        %lt3A_1092 = arith.cmpi slt, %xor3A_4, %lt3A_1091 : vector<16xi32>
        %add3A_1093 = arith.constant 16 : i32
        %add3A_1094 = vector.broadcast %add3A_1093 : i32 to vector<16xi32>
        %add3A_1095 = arith.addi %xor3A_4, %add3A_1094 : vector<16xi32>
        %select_n3A_1096 = arith.select %lt3A_1092, %add3A_1095, %xor3A_4 : vector<16xi1>, vector<16xi32>
        %broadcast_in_dim3A_1097 = vector.shape_cast %select_n3A_1096 : vector<16xi32> to vector<16x1xi32>
        %gather3A_1098 = vector.shape_cast %broadcast_in_dim3A_1097 : vector<16x1xi32> to vector<16xi32>
        %gather3A_1099 = tpu.dynamic_gather %add3A_1078[%gather3A_1098] in [0] : vector<16xf32>, vector<16xi32> -> vector<16xf32>
        %add3A_1100 = arith.addf %add3A_1078, %gather3A_1099 : vector<16xf32>
        %select_n3A_1101 = arith.select %lt3A_31, %add3A_1089, %add3A_1100 : vector<16xi1>, vector<16xf32>
        %lt3A_1102 = arith.constant 0 : i32
        %lt3A_1103 = vector.broadcast %lt3A_1102 : i32 to vector<16xi32>
        %lt3A_1104 = arith.cmpi slt, %xor3A_7, %lt3A_1103 : vector<16xi32>
        %add3A_1105 = arith.constant 16 : i32
        %add3A_1106 = vector.broadcast %add3A_1105 : i32 to vector<16xi32>
        %add3A_1107 = arith.addi %xor3A_7, %add3A_1106 : vector<16xi32>
        %select_n3A_1108 = arith.select %lt3A_1104, %add3A_1107, %xor3A_7 : vector<16xi1>, vector<16xi32>
        %broadcast_in_dim3A_1109 = vector.shape_cast %select_n3A_1108 : vector<16xi32> to vector<16x1xi32>
        %gather3A_1110 = vector.shape_cast %broadcast_in_dim3A_1109 : vector<16x1xi32> to vector<16xi32>
        %gather3A_1111 = tpu.dynamic_gather %select_n3A_902[%gather3A_1110] in [0] : vector<16xf32>, vector<16xi32> -> vector<16xf32>
        %add3A_1112 = arith.addf %select_n3A_902, %gather3A_1111 : vector<16xf32>
        %lt3A_1113 = arith.constant 0 : i32
        %lt3A_1114 = vector.broadcast %lt3A_1113 : i32 to vector<16xi32>
        %lt3A_1115 = arith.cmpi slt, %xor3A_7, %lt3A_1114 : vector<16xi32>
        %add3A_1116 = arith.constant 16 : i32
        %add3A_1117 = vector.broadcast %add3A_1116 : i32 to vector<16xi32>
        %add3A_1118 = arith.addi %xor3A_7, %add3A_1117 : vector<16xi32>
        %select_n3A_1119 = arith.select %lt3A_1115, %add3A_1118, %xor3A_7 : vector<16xi1>, vector<16xi32>
        %broadcast_in_dim3A_1120 = vector.shape_cast %select_n3A_1119 : vector<16xi32> to vector<16x1xi32>
        %gather3A_1121 = vector.shape_cast %broadcast_in_dim3A_1120 : vector<16x1xi32> to vector<16xi32>
        %gather3A_1122 = tpu.dynamic_gather %select_n3A_1101[%gather3A_1121] in [0] : vector<16xf32>, vector<16xi32> -> vector<16xf32>
        %add3A_1123 = arith.addf %select_n3A_1101, %gather3A_1122 : vector<16xf32>
        %select_n3A_1124 = arith.select %lt3A_56, %add3A_1112, %add3A_1123 : vector<16xi1>, vector<16xf32>
        %lt3A_1125 = arith.constant 0 : i32
        %lt3A_1126 = vector.broadcast %lt3A_1125 : i32 to vector<16xi32>
        %lt3A_1127 = arith.cmpi slt, %xor3A_10, %lt3A_1126 : vector<16xi32>
        %add3A_1128 = arith.constant 16 : i32
        %add3A_1129 = vector.broadcast %add3A_1128 : i32 to vector<16xi32>
        %add3A_1130 = arith.addi %xor3A_10, %add3A_1129 : vector<16xi32>
        %select_n3A_1131 = arith.select %lt3A_1127, %add3A_1130, %xor3A_10 : vector<16xi1>, vector<16xi32>
        %broadcast_in_dim3A_1132 = vector.shape_cast %select_n3A_1131 : vector<16xi32> to vector<16x1xi32>
        %gather3A_1133 = vector.shape_cast %broadcast_in_dim3A_1132 : vector<16x1xi32> to vector<16xi32>
        %gather3A_1134 = tpu.dynamic_gather %select_n3A_703[%gather3A_1133] in [0] : vector<16xf32>, vector<16xi32> -> vector<16xf32>
        %add3A_1135 = arith.addf %select_n3A_703, %gather3A_1134 : vector<16xf32>
        %lt3A_1136 = arith.constant 0 : i32
        %lt3A_1137 = vector.broadcast %lt3A_1136 : i32 to vector<16xi32>
        %lt3A_1138 = arith.cmpi slt, %xor3A_10, %lt3A_1137 : vector<16xi32>
        %add3A_1139 = arith.constant 16 : i32
        %add3A_1140 = vector.broadcast %add3A_1139 : i32 to vector<16xi32>
        %add3A_1141 = arith.addi %xor3A_10, %add3A_1140 : vector<16xi32>
        %select_n3A_1142 = arith.select %lt3A_1138, %add3A_1141, %xor3A_10 : vector<16xi1>, vector<16xi32>
        %broadcast_in_dim3A_1143 = vector.shape_cast %select_n3A_1142 : vector<16xi32> to vector<16x1xi32>
        %gather3A_1144 = vector.shape_cast %broadcast_in_dim3A_1143 : vector<16x1xi32> to vector<16xi32>
        %gather3A_1145 = tpu.dynamic_gather %select_n3A_1124[%gather3A_1144] in [0] : vector<16xf32>, vector<16xi32> -> vector<16xf32>
        %add3A_1146 = arith.addf %select_n3A_1124, %gather3A_1145 : vector<16xf32>
        %select_n3A_1147 = arith.select %lt3A_81, %add3A_1135, %add3A_1146 : vector<16xi1>, vector<16xf32>
        %lt3A_1148 = arith.constant 0 : i32
        %lt3A_1149 = vector.broadcast %lt3A_1148 : i32 to vector<16xi32>
        %lt3A_1150 = arith.cmpi slt, %xor3A_13, %lt3A_1149 : vector<16xi32>
        %add3A_1151 = arith.constant 16 : i32
        %add3A_1152 = vector.broadcast %add3A_1151 : i32 to vector<16xi32>
        %add3A_1153 = arith.addi %xor3A_13, %add3A_1152 : vector<16xi32>
        %select_n3A_1154 = arith.select %lt3A_1150, %add3A_1153, %xor3A_13 : vector<16xi1>, vector<16xi32>
        %broadcast_in_dim3A_1155 = vector.shape_cast %select_n3A_1154 : vector<16xi32> to vector<16x1xi32>
        %gather3A_1156 = vector.shape_cast %broadcast_in_dim3A_1155 : vector<16x1xi32> to vector<16xi32>
        %gather3A_1157 = tpu.dynamic_gather %scan3A_284[%gather3A_1156] in [0] : vector<16xf32>, vector<16xi32> -> vector<16xf32>
        %add3A_1158 = arith.addf %scan3A_284, %gather3A_1157 : vector<16xf32>
        %lt3A_1159 = arith.constant 0 : i32
        %lt3A_1160 = vector.broadcast %lt3A_1159 : i32 to vector<16xi32>
        %lt3A_1161 = arith.cmpi slt, %xor3A_13, %lt3A_1160 : vector<16xi32>
        %add3A_1162 = arith.constant 16 : i32
        %add3A_1163 = vector.broadcast %add3A_1162 : i32 to vector<16xi32>
        %add3A_1164 = arith.addi %xor3A_13, %add3A_1163 : vector<16xi32>
        %select_n3A_1165 = arith.select %lt3A_1161, %add3A_1164, %xor3A_13 : vector<16xi1>, vector<16xi32>
        %broadcast_in_dim3A_1166 = vector.shape_cast %select_n3A_1165 : vector<16xi32> to vector<16x1xi32>
        %gather3A_1167 = vector.shape_cast %broadcast_in_dim3A_1166 : vector<16x1xi32> to vector<16xi32>
        %gather3A_1168 = tpu.dynamic_gather %select_n3A_1147[%gather3A_1167] in [0] : vector<16xf32>, vector<16xi32> -> vector<16xf32>
        %add3A_1169 = arith.addf %select_n3A_1147, %gather3A_1168 : vector<16xf32>
        %select_n3A_1170 = arith.select %lt3A_106, %add3A_1158, %add3A_1169 : vector<16xi1>, vector<16xf32>
        %jit3A_1171 = arith.constant 2 : i32
        %eq3A_1172 = arith.constant 0 : i32
        %eq3A_1173 = arith.cmpi eq, %jit3A_1171, %eq3A_1172 : i32
        %jit3A_1174 = arith.constant 1 : i32
        %select_n3A_1175 = arith.select %eq3A_1173, %jit3A_1174, %jit3A_1171 : i32
        %rem3A_1176 = arith.remsi %scan3A_283, %select_n3A_1175 : i32
        %ne3A_1177 = arith.constant 0 : i32
        %ne3A_1178 = arith.cmpi ne, %rem3A_1176, %ne3A_1177 : i32
        %lt3A_1179 = arith.constant 0 : i32
        %lt3A_1180 = arith.cmpi slt, %rem3A_1176, %lt3A_1179 : i32
        %lt3A_1181 = arith.constant 0 : i32
        %lt3A_1182 = arith.cmpi slt, %select_n3A_1175, %lt3A_1181 : i32
        %ne3A_1183 = arith.xori %lt3A_1180, %lt3A_1182 : i1
        %and3A_1184 = arith.andi %ne3A_1183, %ne3A_1178 : i1
        %add3A_1185 = arith.addi %rem3A_1176, %select_n3A_1175 : i32
        %select_n3A_1186 = arith.select %and3A_1184, %add3A_1185, %rem3A_1176 : i32
        %eq3A_1187 = arith.constant 1 : i32
        %eq3A_1188 = arith.cmpi eq, %select_n3A_1186, %eq3A_1187 : i32
        %convert_element_type3A_1189 = arith.extui %eq3A_1188 : i1 to i32
        %cond3A_1190 = arith.constant 0 : i32
        %cond3A_1191 = arith.cmpi ne, %convert_element_type3A_1189, %cond3A_1190 : i32
        scf.if %cond3A_1191 {
          %mul3A_1192 = arith.constant 128 : i32
          %mul3A_1193 = arith.muli %add3A_264, %mul3A_1192 : i32
          %sub3A_1194 = arith.constant 1 : i32
          %sub3A_1195 = arith.subi %scan3A_283, %sub3A_1194 : i32
          %mul3A_1196 = arith.constant 8 : i32
          %mul3A_1197 = arith.muli %sub3A_1195, %mul3A_1196 : i32
          %add3A_1198 = arith.addi %mul3A_1193, %mul3A_1197 : i32
          %swap3A = arith.index_cast %add3A_1198 : i32 to index
          %swap3A_1199 = tpu.vector_load %arg14[%swap3A] {strides = array<i32>} : memref<512xf32, #tpu.memory_space<vmem>>, vector<16xf32>,
          %swap3A_1200 = vector.shape_cast %swap3A_1199 : vector<16xf32> to vector<16xf32>
          %swap3A_1201 = vector.shape_cast %select_n3A_1170 : vector<16xf32> to vector<16xf32>
          tpu.vector_store %arg14[%swap3A], %swap3A_1201 {strides = array<i32>} : memref<512xf32, #tpu.memory_space<vmem>>, vector<16xf32>,
        } else {
        }
        scf.yield %select_n3A_1147 : vector<16xf32>
      }
      %scan3A_281 = arith.constant 16 : i32
      %scan3A_282 = arith.constant 0 : i32
      scf.yield %scan3A_282 : i32
    }
    %scan3A_120 = arith.constant 2 : i32
    %jit3A_121 = arith.constant 128 : i32
    %div3A = arith.divsi %mul3A_2, %jit3A_121 : i32
    %sign3A = arith.constant 0 : i32
    %sign3A_122 = arith.cmpi sgt, %mul3A_2, %sign3A : i32
    %sign3A_123 = arith.extui %sign3A_122 : i1 to i32
    %sign3A_124 = arith.constant 0 : i32
    %sign3A_125 = arith.cmpi slt, %mul3A_2, %sign3A_124 : i32
    %sign3A_126 = arith.extui %sign3A_125 : i1 to i32
    %sign3A_127 = arith.subi %sign3A_123, %sign3A_126 : i32
    %sign3A_128 = arith.constant 0 : i32
    %sign3A_129 = arith.cmpi sgt, %jit3A_121, %sign3A_128 : i32
    %sign3A_130 = arith.extui %sign3A_129 : i1 to i32
    %sign3A_131 = arith.constant 0 : i32
    %sign3A_132 = arith.cmpi slt, %jit3A_121, %sign3A_131 : i32
    %sign3A_133 = arith.extui %sign3A_132 : i1 to i32
    %sign3A_134 = arith.subi %sign3A_130, %sign3A_133 : i32
    %ne3A_135 = arith.cmpi ne, %sign3A_127, %sign3A_134 : i32
    %rem3A_136 = arith.remsi %mul3A_2, %jit3A_121 : i32
    %ne3A_137 = arith.constant 0 : i32
    %ne3A_138 = arith.cmpi ne, %rem3A_136, %ne3A_137 : i32
    %and3A_139 = arith.andi %ne3A_135, %ne3A_138 : i1
    %sub3A = arith.constant 1 : i32
    %sub3A_140 = arith.subi %div3A, %sub3A : i32
    %select_n3A_141 = arith.select %and3A_139, %sub3A_140, %div3A : i32
    %add3A_142 = arith.constant 0 : i32
    %add3A_143 = arith.addi %select_n3A_141, %add3A_142 : i32
    "tpu.region"() ({
      %run_scoped3A = tpu.sem_alloc : memref<!tpu.dma_semaphore, #tpu.memory_space<semaphore_mem>>
      %dma_start3A_225 = arith.constant 0 : i32
      %dma_start3A_226 = tpu.memref_slice %arg14[%dma_start3A_225] : memref<512xf32, #tpu.memory_space<vmem>> -> memref<128xf32, #tpu.memory_space<vmem>>
      %dma_start3A_227 = arith.constant 0 : i32
      %dma_start3A_228 = tpu.memref_slice %arg6[%add3A_143, %dma_start3A_227] : memref<128x128xf32, #tpu.memory_space<hbm>> -> memref<1x128xf32, #tpu.memory_space<hbm>>
      %dma_start3A_229 = tpu.memref_squeeze %dma_start3A_228 : memref<1x128xf32, #tpu.memory_space<hbm>> -> memref<128xf32, #tpu.memory_space<hbm>>
      %dma_start3A_230 = arith.constant 0 : i32
      %dma_start3A_231 = tpu.memref_slice %arg6[%add3A_143, %dma_start3A_230] : memref<128x128xf32, #tpu.memory_space<hbm>> -> memref<1x128xf32, #tpu.memory_space<hbm>>
      %dma_start3A_232 = tpu.memref_squeeze %dma_start3A_231 : memref<1x128xf32, #tpu.memory_space<hbm>> -> memref<128xf32, #tpu.memory_space<hbm>>
      %dma_start3A_233 = arith.constant 0 : i32
      %dma_start3A_234 = tpu.memref_slice %arg14[%dma_start3A_233] : memref<512xf32, #tpu.memory_space<vmem>> -> memref<128xf32, #tpu.memory_space<vmem>>
      tpu.enqueue_dma source(%dma_start3A_234 : memref<128xf32, #tpu.memory_space<vmem>>) target(%dma_start3A_232 : memref<128xf32, #tpu.memory_space<hbm>>) target_semaphore(%run_scoped3A : memref<!tpu.dma_semaphore, #tpu.memory_space<semaphore_mem>>)
      %dma_wait3A = arith.constant 0 : i32
      %dma_wait3A_235 = tpu.memref_slice %arg14[%dma_wait3A] : memref<512xf32, #tpu.memory_space<vmem>> -> memref<128xf32, #tpu.memory_space<vmem>>
      %dma_wait3A_236 = arith.constant 0 : i32
      %dma_wait3A_237 = tpu.memref_slice %arg6[%add3A_143, %dma_wait3A_236] : memref<128x128xf32, #tpu.memory_space<hbm>> -> memref<1x128xf32, #tpu.memory_space<hbm>>
      %dma_wait3A_238 = tpu.memref_squeeze %dma_wait3A_237 : memref<1x128xf32, #tpu.memory_space<hbm>> -> memref<128xf32, #tpu.memory_space<hbm>>
      %dma_wait3A_239 = arith.constant 0 : i32
      %dma_wait3A_240 = tpu.memref_slice %arg6[%add3A_143, %dma_wait3A_239] : memref<128x128xf32, #tpu.memory_space<hbm>> -> memref<1x128xf32, #tpu.memory_space<hbm>>
      %dma_wait3A_241 = tpu.memref_squeeze %dma_wait3A_240 : memref<1x128xf32, #tpu.memory_space<hbm>> -> memref<128xf32, #tpu.memory_space<hbm>>
      %dma_wait3A_242 = arith.constant 0 : i32
      %dma_wait3A_243 = tpu.memref_slice %arg14[%dma_wait3A_242] : memref<512xf32, #tpu.memory_space<vmem>> -> memref<128xf32, #tpu.memory_space<vmem>>
      tpu.wait_dma2 semaphore(%run_scoped3A : memref<!tpu.dma_semaphore, #tpu.memory_space<semaphore_mem>>) src(%dma_wait3A_243 : memref<128xf32, #tpu.memory_space<vmem>>) dst(%dma_wait3A_241 : memref<128xf32, #tpu.memory_space<hbm>>)
      tpu.yield
    }) : () -> ()
    %jit3A_144 = arith.constant 128 : i32
    %div3A_145 = arith.divsi %mul3A_2, %jit3A_144 : i32
    %sign3A_146 = arith.constant 0 : i32
    %sign3A_147 = arith.cmpi sgt, %mul3A_2, %sign3A_146 : i32
    %sign3A_148 = arith.extui %sign3A_147 : i1 to i32
    %sign3A_149 = arith.constant 0 : i32
    %sign3A_150 = arith.cmpi slt, %mul3A_2, %sign3A_149 : i32
    %sign3A_151 = arith.extui %sign3A_150 : i1 to i32
    %sign3A_152 = arith.subi %sign3A_148, %sign3A_151 : i32
    %sign3A_153 = arith.constant 0 : i32
    %sign3A_154 = arith.cmpi sgt, %jit3A_144, %sign3A_153 : i32
    %sign3A_155 = arith.extui %sign3A_154 : i1 to i32
    %sign3A_156 = arith.constant 0 : i32
    %sign3A_157 = arith.cmpi slt, %jit3A_144, %sign3A_156 : i32
    %sign3A_158 = arith.extui %sign3A_157 : i1 to i32
    %sign3A_159 = arith.subi %sign3A_155, %sign3A_158 : i32
    %ne3A_160 = arith.cmpi ne, %sign3A_152, %sign3A_159 : i32
    %rem3A_161 = arith.remsi %mul3A_2, %jit3A_144 : i32
    %ne3A_162 = arith.constant 0 : i32
    %ne3A_163 = arith.cmpi ne, %rem3A_161, %ne3A_162 : i32
    %and3A_164 = arith.andi %ne3A_160, %ne3A_163 : i1
    %sub3A_165 = arith.constant 1 : i32
    %sub3A_166 = arith.subi %div3A_145, %sub3A_165 : i32
    %select_n3A_167 = arith.select %and3A_164, %sub3A_166, %div3A_145 : i32
    %add3A_168 = arith.constant 1 : i32
    %add3A_169 = arith.addi %select_n3A_167, %add3A_168 : i32
    "tpu.region"() ({
      %run_scoped3A = tpu.sem_alloc : memref<!tpu.dma_semaphore, #tpu.memory_space<semaphore_mem>>
      %dma_start3A_225 = arith.constant 128 : i32
      %dma_start3A_226 = tpu.memref_slice %arg14[%dma_start3A_225] : memref<512xf32, #tpu.memory_space<vmem>> -> memref<128xf32, #tpu.memory_space<vmem>>
      %dma_start3A_227 = arith.constant 0 : i32
      %dma_start3A_228 = tpu.memref_slice %arg6[%add3A_169, %dma_start3A_227] : memref<128x128xf32, #tpu.memory_space<hbm>> -> memref<1x128xf32, #tpu.memory_space<hbm>>
      %dma_start3A_229 = tpu.memref_squeeze %dma_start3A_228 : memref<1x128xf32, #tpu.memory_space<hbm>> -> memref<128xf32, #tpu.memory_space<hbm>>
      %dma_start3A_230 = arith.constant 0 : i32
      %dma_start3A_231 = tpu.memref_slice %arg6[%add3A_169, %dma_start3A_230] : memref<128x128xf32, #tpu.memory_space<hbm>> -> memref<1x128xf32, #tpu.memory_space<hbm>>
      %dma_start3A_232 = tpu.memref_squeeze %dma_start3A_231 : memref<1x128xf32, #tpu.memory_space<hbm>> -> memref<128xf32, #tpu.memory_space<hbm>>
      %dma_start3A_233 = arith.constant 128 : i32
      %dma_start3A_234 = tpu.memref_slice %arg14[%dma_start3A_233] : memref<512xf32, #tpu.memory_space<vmem>> -> memref<128xf32, #tpu.memory_space<vmem>>
      tpu.enqueue_dma source(%dma_start3A_234 : memref<128xf32, #tpu.memory_space<vmem>>) target(%dma_start3A_232 : memref<128xf32, #tpu.memory_space<hbm>>) target_semaphore(%run_scoped3A : memref<!tpu.dma_semaphore, #tpu.memory_space<semaphore_mem>>)
      %dma_wait3A = arith.constant 128 : i32
      %dma_wait3A_235 = tpu.memref_slice %arg14[%dma_wait3A] : memref<512xf32, #tpu.memory_space<vmem>> -> memref<128xf32, #tpu.memory_space<vmem>>
      %dma_wait3A_236 = arith.constant 0 : i32
      %dma_wait3A_237 = tpu.memref_slice %arg6[%add3A_169, %dma_wait3A_236] : memref<128x128xf32, #tpu.memory_space<hbm>> -> memref<1x128xf32, #tpu.memory_space<hbm>>
      %dma_wait3A_238 = tpu.memref_squeeze %dma_wait3A_237 : memref<1x128xf32, #tpu.memory_space<hbm>> -> memref<128xf32, #tpu.memory_space<hbm>>
      %dma_wait3A_239 = arith.constant 0 : i32
      %dma_wait3A_240 = tpu.memref_slice %arg6[%add3A_169, %dma_wait3A_239] : memref<128x128xf32, #tpu.memory_space<hbm>> -> memref<1x128xf32, #tpu.memory_space<hbm>>
      %dma_wait3A_241 = tpu.memref_squeeze %dma_wait3A_240 : memref<1x128xf32, #tpu.memory_space<hbm>> -> memref<128xf32, #tpu.memory_space<hbm>>
      %dma_wait3A_242 = arith.constant 128 : i32
      %dma_wait3A_243 = tpu.memref_slice %arg14[%dma_wait3A_242] : memref<512xf32, #tpu.memory_space<vmem>> -> memref<128xf32, #tpu.memory_space<vmem>>
      tpu.wait_dma2 semaphore(%run_scoped3A : memref<!tpu.dma_semaphore, #tpu.memory_space<semaphore_mem>>) src(%dma_wait3A_243 : memref<128xf32, #tpu.memory_space<vmem>>) dst(%dma_wait3A_241 : memref<128xf32, #tpu.memory_space<hbm>>)
      tpu.yield
    }) : () -> ()
    %jit3A_170 = arith.constant 128 : i32
    %div3A_171 = arith.divsi %mul3A_2, %jit3A_170 : i32
    %sign3A_172 = arith.constant 0 : i32
    %sign3A_173 = arith.cmpi sgt, %mul3A_2, %sign3A_172 : i32
    %sign3A_174 = arith.extui %sign3A_173 : i1 to i32
    %sign3A_175 = arith.constant 0 : i32
    %sign3A_176 = arith.cmpi slt, %mul3A_2, %sign3A_175 : i32
    %sign3A_177 = arith.extui %sign3A_176 : i1 to i32
    %sign3A_178 = arith.subi %sign3A_174, %sign3A_177 : i32
    %sign3A_179 = arith.constant 0 : i32
    %sign3A_180 = arith.cmpi sgt, %jit3A_170, %sign3A_179 : i32
    %sign3A_181 = arith.extui %sign3A_180 : i1 to i32
    %sign3A_182 = arith.constant 0 : i32
    %sign3A_183 = arith.cmpi slt, %jit3A_170, %sign3A_182 : i32
    %sign3A_184 = arith.extui %sign3A_183 : i1 to i32
    %sign3A_185 = arith.subi %sign3A_181, %sign3A_184 : i32
    %ne3A_186 = arith.cmpi ne, %sign3A_178, %sign3A_185 : i32
    %rem3A_187 = arith.remsi %mul3A_2, %jit3A_170 : i32
    %ne3A_188 = arith.constant 0 : i32
    %ne3A_189 = arith.cmpi ne, %rem3A_187, %ne3A_188 : i32
    %and3A_190 = arith.andi %ne3A_186, %ne3A_189 : i1
    %sub3A_191 = arith.constant 1 : i32
    %sub3A_192 = arith.subi %div3A_171, %sub3A_191 : i32
    %select_n3A_193 = arith.select %and3A_190, %sub3A_192, %div3A_171 : i32
    %add3A_194 = arith.constant 2 : i32
    %add3A_195 = arith.addi %select_n3A_193, %add3A_194 : i32
    "tpu.region"() ({
      %run_scoped3A = tpu.sem_alloc : memref<!tpu.dma_semaphore, #tpu.memory_space<semaphore_mem>>
      %dma_start3A_225 = arith.constant 256 : i32
      %dma_start3A_226 = tpu.memref_slice %arg14[%dma_start3A_225] : memref<512xf32, #tpu.memory_space<vmem>> -> memref<128xf32, #tpu.memory_space<vmem>>
      %dma_start3A_227 = arith.constant 0 : i32
      %dma_start3A_228 = tpu.memref_slice %arg6[%add3A_195, %dma_start3A_227] : memref<128x128xf32, #tpu.memory_space<hbm>> -> memref<1x128xf32, #tpu.memory_space<hbm>>
      %dma_start3A_229 = tpu.memref_squeeze %dma_start3A_228 : memref<1x128xf32, #tpu.memory_space<hbm>> -> memref<128xf32, #tpu.memory_space<hbm>>
      %dma_start3A_230 = arith.constant 0 : i32
      %dma_start3A_231 = tpu.memref_slice %arg6[%add3A_195, %dma_start3A_230] : memref<128x128xf32, #tpu.memory_space<hbm>> -> memref<1x128xf32, #tpu.memory_space<hbm>>
      %dma_start3A_232 = tpu.memref_squeeze %dma_start3A_231 : memref<1x128xf32, #tpu.memory_space<hbm>> -> memref<128xf32, #tpu.memory_space<hbm>>
      %dma_start3A_233 = arith.constant 256 : i32
      %dma_start3A_234 = tpu.memref_slice %arg14[%dma_start3A_233] : memref<512xf32, #tpu.memory_space<vmem>> -> memref<128xf32, #tpu.memory_space<vmem>>
      tpu.enqueue_dma source(%dma_start3A_234 : memref<128xf32, #tpu.memory_space<vmem>>) target(%dma_start3A_232 : memref<128xf32, #tpu.memory_space<hbm>>) target_semaphore(%run_scoped3A : memref<!tpu.dma_semaphore, #tpu.memory_space<semaphore_mem>>)
      %dma_wait3A = arith.constant 256 : i32
      %dma_wait3A_235 = tpu.memref_slice %arg14[%dma_wait3A] : memref<512xf32, #tpu.memory_space<vmem>> -> memref<128xf32, #tpu.memory_space<vmem>>
      %dma_wait3A_236 = arith.constant 0 : i32
      %dma_wait3A_237 = tpu.memref_slice %arg6[%add3A_195, %dma_wait3A_236] : memref<128x128xf32, #tpu.memory_space<hbm>> -> memref<1x128xf32, #tpu.memory_space<hbm>>
      %dma_wait3A_238 = tpu.memref_squeeze %dma_wait3A_237 : memref<1x128xf32, #tpu.memory_space<hbm>> -> memref<128xf32, #tpu.memory_space<hbm>>
      %dma_wait3A_239 = arith.constant 0 : i32
      %dma_wait3A_240 = tpu.memref_slice %arg6[%add3A_195, %dma_wait3A_239] : memref<128x128xf32, #tpu.memory_space<hbm>> -> memref<1x128xf32, #tpu.memory_space<hbm>>
      %dma_wait3A_241 = tpu.memref_squeeze %dma_wait3A_240 : memref<1x128xf32, #tpu.memory_space<hbm>> -> memref<128xf32, #tpu.memory_space<hbm>>
      %dma_wait3A_242 = arith.constant 256 : i32
      %dma_wait3A_243 = tpu.memref_slice %arg14[%dma_wait3A_242] : memref<512xf32, #tpu.memory_space<vmem>> -> memref<128xf32, #tpu.memory_space<vmem>>
      tpu.wait_dma2 semaphore(%run_scoped3A : memref<!tpu.dma_semaphore, #tpu.memory_space<semaphore_mem>>) src(%dma_wait3A_243 : memref<128xf32, #tpu.memory_space<vmem>>) dst(%dma_wait3A_241 : memref<128xf32, #tpu.memory_space<hbm>>)
      tpu.yield
    }) : () -> ()
    %jit3A_196 = arith.constant 128 : i32
    %div3A_197 = arith.divsi %mul3A_2, %jit3A_196 : i32
    %sign3A_198 = arith.constant 0 : i32
    %sign3A_199 = arith.cmpi sgt, %mul3A_2, %sign3A_198 : i32
    %sign3A_200 = arith.extui %sign3A_199 : i1 to i32
    %sign3A_201 = arith.constant 0 : i32
    %sign3A_202 = arith.cmpi slt, %mul3A_2, %sign3A_201 : i32
    %sign3A_203 = arith.extui %sign3A_202 : i1 to i32
    %sign3A_204 = arith.subi %sign3A_200, %sign3A_203 : i32
    %sign3A_205 = arith.constant 0 : i32
    %sign3A_206 = arith.cmpi sgt, %jit3A_196, %sign3A_205 : i32
    %sign3A_207 = arith.extui %sign3A_206 : i1 to i32
    %sign3A_208 = arith.constant 0 : i32
    %sign3A_209 = arith.cmpi slt, %jit3A_196, %sign3A_208 : i32
    %sign3A_210 = arith.extui %sign3A_209 : i1 to i32
    %sign3A_211 = arith.subi %sign3A_207, %sign3A_210 : i32
    %ne3A_212 = arith.cmpi ne, %sign3A_204, %sign3A_211 : i32
    %rem3A_213 = arith.remsi %mul3A_2, %jit3A_196 : i32
    %ne3A_214 = arith.constant 0 : i32
    %ne3A_215 = arith.cmpi ne, %rem3A_213, %ne3A_214 : i32
    %and3A_216 = arith.andi %ne3A_212, %ne3A_215 : i1
    %sub3A_217 = arith.constant 1 : i32
    %sub3A_218 = arith.subi %div3A_197, %sub3A_217 : i32
    %select_n3A_219 = arith.select %and3A_216, %sub3A_218, %div3A_197 : i32
    %add3A_220 = arith.constant 3 : i32
    %add3A_221 = arith.addi %select_n3A_219, %add3A_220 : i32
    "tpu.region"() ({
      %run_scoped3A = tpu.sem_alloc : memref<!tpu.dma_semaphore, #tpu.memory_space<semaphore_mem>>
      %dma_start3A_225 = arith.constant 384 : i32
      %dma_start3A_226 = tpu.memref_slice %arg14[%dma_start3A_225] : memref<512xf32, #tpu.memory_space<vmem>> -> memref<128xf32, #tpu.memory_space<vmem>>
      %dma_start3A_227 = arith.constant 0 : i32
      %dma_start3A_228 = tpu.memref_slice %arg6[%add3A_221, %dma_start3A_227] : memref<128x128xf32, #tpu.memory_space<hbm>> -> memref<1x128xf32, #tpu.memory_space<hbm>>
      %dma_start3A_229 = tpu.memref_squeeze %dma_start3A_228 : memref<1x128xf32, #tpu.memory_space<hbm>> -> memref<128xf32, #tpu.memory_space<hbm>>
      %dma_start3A_230 = arith.constant 0 : i32
      %dma_start3A_231 = tpu.memref_slice %arg6[%add3A_221, %dma_start3A_230] : memref<128x128xf32, #tpu.memory_space<hbm>> -> memref<1x128xf32, #tpu.memory_space<hbm>>
      %dma_start3A_232 = tpu.memref_squeeze %dma_start3A_231 : memref<1x128xf32, #tpu.memory_space<hbm>> -> memref<128xf32, #tpu.memory_space<hbm>>
      %dma_start3A_233 = arith.constant 384 : i32
      %dma_start3A_234 = tpu.memref_slice %arg14[%dma_start3A_233] : memref<512xf32, #tpu.memory_space<vmem>> -> memref<128xf32, #tpu.memory_space<vmem>>
      tpu.enqueue_dma source(%dma_start3A_234 : memref<128xf32, #tpu.memory_space<vmem>>) target(%dma_start3A_232 : memref<128xf32, #tpu.memory_space<hbm>>) target_semaphore(%run_scoped3A : memref<!tpu.dma_semaphore, #tpu.memory_space<semaphore_mem>>)
      %dma_wait3A = arith.constant 384 : i32
      %dma_wait3A_235 = tpu.memref_slice %arg14[%dma_wait3A] : memref<512xf32, #tpu.memory_space<vmem>> -> memref<128xf32, #tpu.memory_space<vmem>>
      %dma_wait3A_236 = arith.constant 0 : i32
      %dma_wait3A_237 = tpu.memref_slice %arg6[%add3A_221, %dma_wait3A_236] : memref<128x128xf32, #tpu.memory_space<hbm>> -> memref<1x128xf32, #tpu.memory_space<hbm>>
      %dma_wait3A_238 = tpu.memref_squeeze %dma_wait3A_237 : memref<1x128xf32, #tpu.memory_space<hbm>> -> memref<128xf32, #tpu.memory_space<hbm>>
      %dma_wait3A_239 = arith.constant 0 : i32
      %dma_wait3A_240 = tpu.memref_slice %arg6[%add3A_221, %dma_wait3A_239] : memref<128x128xf32, #tpu.memory_space<hbm>> -> memref<1x128xf32, #tpu.memory_space<hbm>>
      %dma_wait3A_241 = tpu.memref_squeeze %dma_wait3A_240 : memref<1x128xf32, #tpu.memory_space<hbm>> -> memref<128xf32, #tpu.memory_space<hbm>>
      %dma_wait3A_242 = arith.constant 384 : i32
      %dma_wait3A_243 = tpu.memref_slice %arg14[%dma_wait3A_242] : memref<512xf32, #tpu.memory_space<vmem>> -> memref<128xf32, #tpu.memory_space<vmem>>
      tpu.wait_dma2 semaphore(%run_scoped3A : memref<!tpu.dma_semaphore, #tpu.memory_space<semaphore_mem>>) src(%dma_wait3A_243 : memref<128xf32, #tpu.memory_space<vmem>>) dst(%dma_wait3A_241 : memref<128xf32, #tpu.memory_space<hbm>>)
      tpu.yield
    }) : () -> ()
    %eq3A_222 = arith.constant 0 : i32
    %eq3A_223 = arith.cmpi eq, %add3A, %eq3A_222 : i32
    %convert_element_type3A = arith.extui %eq3A_223 : i1 to i32
    %cond3A = arith.constant 0 : i32
    %cond3A_224 = arith.cmpi ne, %convert_element_type3A, %cond3A : i32
    scf.if %cond3A_224 {
      "tpu.region"() ({
        %run_scoped3A = tpu.sem_alloc : memref<!tpu.dma_semaphore, #tpu.memory_space<semaphore_mem>>
        tpu.enqueue_dma source(%arg5 : memref<64xi32, #tpu.memory_space<hbm>>) target(%arg15 : memref<64xi32, #tpu.memory_space<vmem>>) target_semaphore(%run_scoped3A : memref<!tpu.dma_semaphore, #tpu.memory_space<semaphore_mem>>)
        tpu.wait_dma2 semaphore(%run_scoped3A : memref<!tpu.dma_semaphore, #tpu.memory_space<semaphore_mem>>) src(%arg5 : memref<64xi32, #tpu.memory_space<hbm>>) dst(%arg15 : memref<64xi32, #tpu.memory_space<vmem>>)
        tpu.yield
      }) : () -> ()
      %dma_start3A_225 = arith.constant 0 : i32
      %dma_start3A_226 = arith.constant 0 : i32
      %dma_start3A_227 = tpu.memref_slice %arg4[%dma_start3A_225, %dma_start3A_226] : memref<1000x256xf32, #tpu.memory_space<hbm>> -> memref<1000x256xf32, #tpu.memory_space<hbm>>
      tpu.enqueue_indirect_dma source(%dma_start3A_227 : memref<1000x256xf32, #tpu.memory_space<hbm>>) target(%arg16 : memref<64x256xf32, #tpu.memory_space<vmem>>) offsets(%arg15 : memref<64xi32, #tpu.memory_space<vmem>>) semaphore(%arg21 : memref<!tpu.dma_semaphore, #tpu.memory_space<semaphore_mem>>)
      %dma_wait3A = arith.constant 0 : i32
      %dma_wait3A_228 = arith.constant 0 : i32
      %dma_wait3A_229 = tpu.memref_slice %arg4[%dma_wait3A, %dma_wait3A_228] : memref<1000x256xf32, #tpu.memory_space<hbm>> -> memref<1000x256xf32, #tpu.memory_space<hbm>>
      tpu.wait_indirect_dma semaphore(%arg21 : memref<!tpu.dma_semaphore, #tpu.memory_space<semaphore_mem>>) src(%dma_wait3A_229 : memref<1000x256xf32, #tpu.memory_space<hbm>>) dst(%arg16 : memref<64x256xf32, #tpu.memory_space<vmem>>)
      "tpu.region"() ({
        %run_scoped3A = tpu.sem_alloc : memref<!tpu.dma_semaphore, #tpu.memory_space<semaphore_mem>>
        tpu.enqueue_dma source(%arg16 : memref<64x256xf32, #tpu.memory_space<vmem>>) target(%arg7 : memref<64x256xf32, #tpu.memory_space<hbm>>) target_semaphore(%run_scoped3A : memref<!tpu.dma_semaphore, #tpu.memory_space<semaphore_mem>>)
        tpu.wait_dma2 semaphore(%run_scoped3A : memref<!tpu.dma_semaphore, #tpu.memory_space<semaphore_mem>>) src(%arg16 : memref<64x256xf32, #tpu.memory_space<vmem>>) dst(%arg7 : memref<64x256xf32, #tpu.memory_space<hbm>>)
        tpu.yield
      }) : () -> ()
    } else {
    }
    return
  }
}

module attributes {stable_mosaic.version = 14 : i64} {
  func.func @_tc_body(%arg0: i32, %arg1: memref<1024x128xf32, #tpu.memory_space<vmem>>, %arg2: memref<8x128xf32, #tpu.memory_space<vmem>>, %arg3: memref<128x65xf32, #tpu.memory_space<vmem>>, %arg4: memref<1x65xf32, #tpu.memory_space<vmem>>, %arg5: memref<1024x65xf32, #tpu.memory_space<vmem>>) attributes {dimension_semantics = [#tpu.dimension_semantics<arbitrary>], iteration_bounds = array<i64: 16>, scalar_prefetch = 0 : i64, scratch_operands = 0 : i64, tpu.core_type = #tpu.core_type<tc>, window_params = [{transform_indices = @transform_0, window_bounds = array<i64: 1024, 128>}, {transform_indices = @transform_1, window_bounds = array<i64: 8, 128>}, {pipeline_mode = #tpu.pipeline_mode<synchronous>, transform_indices = @transform_2, window_bounds = array<i64: 128, 65>}, {pipeline_mode = #tpu.pipeline_mode<synchronous>, transform_indices = @transform_3, window_bounds = array<i64: 1, 65>}, {transform_indices = @transform_4, window_bounds = array<i64: 1024, 65>}]} {
    %get3A = arith.constant 0 : index
    %get3A_0 = arith.constant 0 : index
    %get3A_1 = vector.load %arg1[%get3A, %get3A_0] : memref<1024x128xf32, #tpu.memory_space<vmem>>, vector<1024x128xf32>
    %get3A_2 = arith.constant 0 : index
    %get3A_3 = arith.constant 0 : index
    %get3A_4 = vector.load %arg3[%get3A_2, %get3A_3] : memref<128x65xf32, #tpu.memory_space<vmem>>, vector<128x65xf32>
    %dot_general3A = arith.constant dense<0.000000e+00> : vector<1024x65xf32>
    %dot_general3A_5 = tpu.matmul %get3A_1, %get3A_4, %dot_general3A {dimension_numbers = #tpu.dot_dimension_numbers<[1], [0], [0], [1], [0, 0, 1, 1], [], []>, transpose_lhs_hint = false} : vector<1024x128xf32>, vector<128x65xf32>, vector<1024x65xf32> -> vector<1024x65xf32>
    %iota3A = tpu.iota {dimensions = array<i32: 1>} : vector<1024x65xi32>
    %iota3A_6 = tpu.iota {dimensions = array<i32: 0>} : vector<128x128xi32>
    %iota3A_7 = tpu.iota {dimensions = array<i32: 1>} : vector<128x128xi32>
    %eq3A = arith.cmpi eq, %iota3A_6, %iota3A_7 : vector<128x128xi32>
    %convert_element_type3A = arith.extui %eq3A : vector<128x128xi1> to vector<128x128xi32>
    %convert_element_type3A_8 = arith.sitofp %convert_element_type3A : vector<128x128xi32> to vector<128x128xf32>
    %get3A_9 = arith.constant 0 : index
    %get3A_10 = arith.constant 0 : index
    %get3A_11 = vector.load %arg2[%get3A_9, %get3A_10] : memref<8x128xf32, #tpu.memory_space<vmem>>, vector<1x128xf32>
    %dot_general3A_12 = arith.constant dense<0.000000e+00> : vector<128x1xf32>
    %dot_general3A_13 = tpu.matmul %convert_element_type3A_8, %get3A_11, %dot_general3A_12 {dimension_numbers = #tpu.dot_dimension_numbers<[1], [1], [0], [0], [0, 0, 1, 0], [], []>, transpose_lhs_hint = false} : vector<128x128xf32>, vector<1x128xf32>, vector<128x1xf32> -> vector<128x1xf32>
    %get3A_14 = arith.constant 1 : index
    %get3A_15 = arith.constant 0 : index
    %get3A_16 = vector.load %arg2[%get3A_14, %get3A_15] : memref<8x128xf32, #tpu.memory_space<vmem>>, vector<1x128xf32>
    %dot_general3A_17 = arith.constant dense<0.000000e+00> : vector<128x1xf32>
    %dot_general3A_18 = tpu.matmul %convert_element_type3A_8, %get3A_16, %dot_general3A_17 {dimension_numbers = #tpu.dot_dimension_numbers<[1], [1], [0], [0], [0, 0, 1, 0], [], []>, transpose_lhs_hint = false} : vector<128x128xf32>, vector<1x128xf32>, vector<128x1xf32> -> vector<128x1xf32>
    %get3A_19 = arith.constant 2 : index
    %get3A_20 = arith.constant 0 : index
    %get3A_21 = vector.load %arg2[%get3A_19, %get3A_20] : memref<8x128xf32, #tpu.memory_space<vmem>>, vector<1x128xf32>
    %dot_general3A_22 = arith.constant dense<0.000000e+00> : vector<128x1xf32>
    %dot_general3A_23 = tpu.matmul %convert_element_type3A_8, %get3A_21, %dot_general3A_22 {dimension_numbers = #tpu.dot_dimension_numbers<[1], [1], [0], [0], [0, 0, 1, 0], [], []>, transpose_lhs_hint = false} : vector<128x128xf32>, vector<1x128xf32>, vector<128x1xf32> -> vector<128x1xf32>
    %get3A_24 = arith.constant 3 : index
    %get3A_25 = arith.constant 0 : index
    %get3A_26 = vector.load %arg2[%get3A_24, %get3A_25] : memref<8x128xf32, #tpu.memory_space<vmem>>, vector<1x128xf32>
    %dot_general3A_27 = arith.constant dense<0.000000e+00> : vector<128x1xf32>
    %dot_general3A_28 = tpu.matmul %convert_element_type3A_8, %get3A_26, %dot_general3A_27 {dimension_numbers = #tpu.dot_dimension_numbers<[1], [1], [0], [0], [0, 0, 1, 0], [], []>, transpose_lhs_hint = false} : vector<128x128xf32>, vector<1x128xf32>, vector<128x1xf32> -> vector<128x1xf32>
    %get3A_29 = arith.constant 4 : index
    %get3A_30 = arith.constant 0 : index
    %get3A_31 = vector.load %arg2[%get3A_29, %get3A_30] : memref<8x128xf32, #tpu.memory_space<vmem>>, vector<1x128xf32>
    %dot_general3A_32 = arith.constant dense<0.000000e+00> : vector<128x1xf32>
    %dot_general3A_33 = tpu.matmul %convert_element_type3A_8, %get3A_31, %dot_general3A_32 {dimension_numbers = #tpu.dot_dimension_numbers<[1], [1], [0], [0], [0, 0, 1, 0], [], []>, transpose_lhs_hint = false} : vector<128x128xf32>, vector<1x128xf32>, vector<128x1xf32> -> vector<128x1xf32>
    %get3A_34 = arith.constant 5 : index
    %get3A_35 = arith.constant 0 : index
    %get3A_36 = vector.load %arg2[%get3A_34, %get3A_35] : memref<8x128xf32, #tpu.memory_space<vmem>>, vector<1x128xf32>
    %dot_general3A_37 = arith.constant dense<0.000000e+00> : vector<128x1xf32>
    %dot_general3A_38 = tpu.matmul %convert_element_type3A_8, %get3A_36, %dot_general3A_37 {dimension_numbers = #tpu.dot_dimension_numbers<[1], [1], [0], [0], [0, 0, 1, 0], [], []>, transpose_lhs_hint = false} : vector<128x128xf32>, vector<1x128xf32>, vector<128x1xf32> -> vector<128x1xf32>
    %get3A_39 = arith.constant 6 : index
    %get3A_40 = arith.constant 0 : index
    %get3A_41 = vector.load %arg2[%get3A_39, %get3A_40] : memref<8x128xf32, #tpu.memory_space<vmem>>, vector<1x128xf32>
    %dot_general3A_42 = arith.constant dense<0.000000e+00> : vector<128x1xf32>
    %dot_general3A_43 = tpu.matmul %convert_element_type3A_8, %get3A_41, %dot_general3A_42 {dimension_numbers = #tpu.dot_dimension_numbers<[1], [1], [0], [0], [0, 0, 1, 0], [], []>, transpose_lhs_hint = false} : vector<128x128xf32>, vector<1x128xf32>, vector<128x1xf32> -> vector<128x1xf32>
    %get3A_44 = arith.constant 7 : index
    %get3A_45 = arith.constant 0 : index
    %get3A_46 = vector.load %arg2[%get3A_44, %get3A_45] : memref<8x128xf32, #tpu.memory_space<vmem>>, vector<1x128xf32>
    %dot_general3A_47 = arith.constant dense<0.000000e+00> : vector<128x1xf32>
    %dot_general3A_48 = tpu.matmul %convert_element_type3A_8, %get3A_46, %dot_general3A_47 {dimension_numbers = #tpu.dot_dimension_numbers<[1], [1], [0], [0], [0, 0, 1, 0], [], []>, transpose_lhs_hint = false} : vector<128x128xf32>, vector<1x128xf32>, vector<128x1xf32> -> vector<128x1xf32>
    %concatenate3A = tpu.concatenate %dot_general3A_13, %dot_general3A_18, %dot_general3A_23, %dot_general3A_28, %dot_general3A_33, %dot_general3A_38, %dot_general3A_43, %dot_general3A_48 in 0 : vector<128x1xf32>, vector<128x1xf32>, vector<128x1xf32>, vector<128x1xf32>, vector<128x1xf32>, vector<128x1xf32>, vector<128x1xf32>, vector<128x1xf32> -> vector<1024x1xf32>
    %eq3A_49 = arith.constant 0 : i32
    %eq3A_50 = vector.broadcast %eq3A_49 : i32 to vector<1024x65xi32>
    %eq3A_51 = arith.cmpi eq, %iota3A, %eq3A_50 : vector<1024x65xi32>
    %get3A_52 = arith.constant 0 : index
    %get3A_53 = arith.constant 0 : index
    %get3A_54 = vector.load %arg4[%get3A_52, %get3A_53] : memref<1x65xf32, #tpu.memory_space<vmem>>, vector<1x65xf32>
    %add3A = vector.broadcast %get3A_54 : vector<1x65xf32> to vector<1024x65xf32>
    %add3A_55 = arith.addf %dot_general3A_5, %add3A : vector<1024x65xf32>
    %neg3A = arith.constant 0.000000e+00 : f32
    %neg3A_56 = vector.broadcast %neg3A : f32 to vector<1024x65xf32>
    %neg3A_57 = arith.subf %neg3A_56, %add3A_55 : vector<1024x65xf32>
    %broadcast_in_dim3A = vector.shape_cast %concatenate3A : vector<1024x1xf32> to vector<1024x1xf32>
    %broadcast_in_dim3A_58 = vector.broadcast %broadcast_in_dim3A : vector<1024x1xf32> to vector<1024x65xf32>
    %select_n3A = arith.select %eq3A_51, %broadcast_in_dim3A_58, %neg3A_57 : vector<1024x65xi1>, vector<1024x65xf32>
    %swap3A = arith.constant 0 : index
    %swap3A_59 = arith.constant 0 : index
    %swap3A_60 = vector.load %arg5[%swap3A, %swap3A_59] : memref<1024x65xf32, #tpu.memory_space<vmem>>, vector<1024x65xf32>
    tpu.vector_store %arg5[%swap3A, %swap3A_59], %select_n3A {strides = array<i32>} : memref<1024x65xf32, #tpu.memory_space<vmem>>, vector<1024x65xf32>,
    return
  }
  func.func @transform_0(%arg0: i32) -> (i32, i32) {
    %c0_i32 = arith.constant 0 : i32
    %c0_i32_0 = arith.constant 0 : i32
    return %arg0, %c0_i32 : i32, i32
  }
  func.func @transform_1(%arg0: i32) -> (i32, i32) {
    %c0_i32 = arith.constant 0 : i32
    %c0_i32_0 = arith.constant 0 : i32
    return %arg0, %c0_i32 : i32, i32
  }
  func.func @transform_2(%arg0: i32) -> (i32, i32) {
    %c0_i32 = arith.constant 0 : i32
    %c0_i32_0 = arith.constant 0 : i32
    %c0_i32_1 = arith.constant 0 : i32
    return %c0_i32, %c0_i32_0 : i32, i32
  }
  func.func @transform_3(%arg0: i32) -> (i32, i32) {
    %c0_i32 = arith.constant 0 : i32
    %c0_i32_0 = arith.constant 0 : i32
    %c0_i32_1 = arith.constant 0 : i32
    return %c0_i32, %c0_i32_0 : i32, i32
  }
  func.func @transform_4(%arg0: i32) -> (i32, i32) {
    %c0_i32 = arith.constant 0 : i32
    %c0_i32_0 = arith.constant 0 : i32
    return %arg0, %c0_i32 : i32, i32
  }
}

</mosaic_0001>

<sc_bundles>
// kernel: kernel.4.cloned.1.call-start
scs
__scs_entry_jumppad:
0x0: {  	(pc) =	sbr.rel $0x88, $3  }
0x1: {  	(tag) =	ssettag $0x0;
	lr =	simm.s32 $0x1  }
0x2: {  	[smem:$0x3F9C] =	sst lr;
	_ =	strace $0xD0000000  }
0x3: {  	_ = 	snop  }
0x4: {  	_ = 	snop  }
0x5: {  	_ = 	snop  }
0x6: {  	_ = 	snop  }
0x7: {  	_ = 	snop  }
__scs_overlays_trampoline_lowered:
0x8: {  	[smem:$0x3FAB] =	sst s0  }
0x9: {  	[smem:$0x3FAC] =	sst s1  }
0xa: {  	[smem:$0x3FAD] =	sst s2  }
0xb: {  	[smem:$0x3FAE] =	sst s3  }
0xc: {  	[smem:$0x3FAF] =	sst s4  }
0xd: {  	[smem:$0x3FB0] =	sst s5  }
0xe: {  	[smem:$0x3FB1] =	sst s6  }
0xf: {  	[smem:$0x3FB2] =	sst s7  }
0x10: {  	[smem:$0x3FB3] =	sst s8  }
0x11: {  	[smem:$0x3FB4] =	sst s9;
	s0 =	simm.s32 @!p0 $0x0  }
0x12: {  	s1 =	sld [smem:$0x3F9A];
	s0 =	simm.s32 @p0 $0x1  }
0x13: {  	[smem:$0x3FB5] =	sst s0;
	s0 =	simm.s32 @!p1 $0x0  }
0x14: {  	s2 =	sld [smem:$0x3F99];
	s0 =	simm.s32 @p1 $0x1  }
0x15: {  	[smem:$0x3FB6] =	sst s0;
	s0 =	simm.s32 @!p2 $0x0  }
0x16: {  	s3 =	sld [smem:$0x3FDB];
	s0 =	simm.s32 @p2 $0x1  }
0x17: {  	s4 =	simm.s32 $0x1BF5;
	[smem:$0x3FB8] =	sst s0  }
0x18: {  	s0 =	sld [smem:$0x3F9B];
	_ =	swait.ge [sflag:s4], $0x0  }
0x19: {  	s7 =	sld [smem:$0x3F9C]  }
0x1a: {  	s8 =	sadd.s32 $0xFFFFE003, lr  }
0x1b: {  	s9 =	sadd.s32 $0xFFFFFEF7, lr;
	s5 =	simm.s32 $0xFFFFFFFF;
	p2 =	slt.u32 s8, $0xFFFFF086  }
0x1c: {  	p1 =	slt.u32 s9, $0xF7A;
	s5 =	simm.s32 @!p2 $0x0  }
0x1d: {  	s5 =	simm.s32 @p1 $0x1;
	p0 =	seq.s32 s7, s2  }
0x1e: {  	s7 =	smul.u32 @!p0 $0xF7A, s2;
	p2 =	seq.s32 @!p0 s5, $0x0  }
0x1f: {  	s9 =	smul.u32 $0xF7A, s1;
	s8 =	simm.s32 @!p0 $0x1BF5;
	p2 =	por !p2, p0  }
0x20: {  	[sflag:s8] =	ssyncset.s32 @!p0 $0xFFFFF086;
	s6 =	sadd.s32 @!p0 s3, s7;
	s7 =	simm.s32 @!p0 $0x108  }
0x21: {  	s3 =	sadd.s32 s3, s9;
	s6 =	sadd.s32 @!p0 $0x88, s6;
	s7 =	simm.s32 @p2 $0x1082  }
0x22: {  	[simem:s7], [sflag:s8] =	dma.local @!p0 [hbm:s6], $0xF7A  }
0x23: {  	s9 =	sor.u32 $0xD0000000, s2;
	s6 =	simm.s32 $0x108;
	_ =	swait.ge @!p0 [sflag:s8], $0x0  }
0x24: {  	s3 =	sadd.s32 $0x88, s3;
	s6 =	simm.s32 @!p1 $0x1082;
	[sflag:s4] =	ssyncset.s32 $0xFFFFF086  }
0x25: {  	[simem:s6], [sflag:s4] =	dma.local [hbm:s3], $0xF7A  }
0x26: {  	[smem:$0x3F9C] =	sst s1;
	(tag) =	ssettag s2;
	_ =	strace s9  }
0x27: {  	s1 =	sld [smem:$0x3FAC]  }
0x28: {  	s2 =	sld [smem:$0x3FAD]  }
0x29: {  	s4 =	sld [smem:$0x3FAF]  }
0x2a: {  	p0 =	seq.s32 s5, $0x0;
	s5 =	sld [smem:$0x3FB0]  }
0x2b: {  	s6 =	sld [smem:$0x3FB1]  }
0x2c: {  	s7 =	sld [smem:$0x3FB2]  }
0x2d: {  	s3 =	simm.s32 $0x108;
	s8 =	sld [smem:$0x3FB3]  }
0x2e: {  	s3 =	simm.s32 @!p0 $0x1082;
	s9 =	sld [smem:$0x3FB4]  }
0x2f: {  	lr =	sadd.s32 s0, s3;
	s0 =	sld [smem:$0x3FAB]  }
0x30: {  	s3 =	sld [smem:$0x3FAE]  }
0x31: {  	[smem:$0x3FB7] =	sst s10  }
0x32: {  	s10 =	sld [smem:$0x3FB5];
	_ =	sdelay $0x3  }
0x33: {  	p0 =	seq.s32 s10, $0x1;
	s10 =	sld [smem:$0x3FB7];
	_ =	sdelay $0x3  }
0x34: {  	[smem:$0x3FB7] =	sst s10  }
0x35: {  	s10 =	sld [smem:$0x3FB6];
	_ =	sdelay $0x3  }
0x36: {  	p1 =	seq.s32 s10, $0x1;
	s10 =	sld [smem:$0x3FB7];
	_ =	sdelay $0x3  }
0x37: {  	[smem:$0x3FB7] =	sst s10  }
0x38: {  	s10 =	sld [smem:$0x3FB8]  }
0x39: {  	_ = 	snop;
	(pc) =	sbr.ind lr, $3  }
0x3a: {  	_ = 	snop  }
0x3b: {  	_ = 	snop  }
0x3c: {  	p2 =	seq.s32 s10, $0x1;
	s10 =	sld [smem:$0x3FB7]  }
0x3d: {  	_ =	shalt  }
0x3e: {  	_ =	shalt  }
0x3f: {  	_ =	shalt  }
0x40: {  	_ =	shalt  }
0x41: {  	_ =	shalt  }
0x42: {  	_ =	shalt  }
0x43: {  	_ =	shalt  }
0x44: {  	_ =	shalt  }
0x45: {  	_ =	shalt  }
0x46: {  	_ =	shalt  }
0x47: {  	_ =	shalt  }
0x48: {  	_ =	shalt  }
0x49: {  	_ =	shalt  }
0x4a: {  	_ =	shalt  }
0x4b: {  	_ =	shalt  }
0x4c: {  	_ =	shalt  }
0x4d: {  	_ =	shalt  }
0x4e: {  	_ =	shalt  }
0x4f: {  	_ =	shalt  }
0x50: {  	_ =	shalt  }
0x51: {  	_ =	shalt  }
0x52: {  	_ =	shalt  }
0x53: {  	_ =	shalt  }
0x54: {  	_ =	shalt  }
0x55: {  	_ =	shalt  }
0x56: {  	_ =	shalt  }
0x57: {  	_ =	shalt  }
0x58: {  	_ =	shalt  }
0x59: {  	_ =	shalt  }
0x5a: {  	_ =	shalt  }
0x5b: {  	_ =	shalt  }
0x5c: {  	_ =	shalt  }
0x5d: {  	_ =	shalt  }
0x5e: {  	_ =	shalt  }
0x5f: {  	_ =	shalt  }
0x60: {  	_ =	shalt  }
0x61: {  	_ =	shalt  }
0x62: {  	_ =	shalt  }
0x63: {  	_ =	shalt  }
0x64: {  	_ =	shalt  }
0x65: {  	_ =	shalt  }
0x66: {  	_ =	shalt  }
0x67: {  	_ =	shalt  }
0x68: {  	_ =	shalt  }
0x69: {  	_ =	shalt  }
0x6a: {  	_ =	shalt  }
0x6b: {  	_ =	shalt  }
0x6c: {  	_ =	shalt  }
0x6d: {  	_ =	shalt  }
0x6e: {  	_ =	shalt  }
0x6f: {  	_ =	shalt  }
0x70: {  	_ =	shalt  }
0x71: {  	_ =	shalt  }
0x72: {  	_ =	shalt  }
0x73: {  	_ =	shalt  }
0x74: {  	_ =	shalt  }
0x75: {  	_ =	shalt  }
0x76: {  	_ =	shalt  }
0x77: {  	_ =	shalt  }
0x78: {  	_ =	shalt  }
0x79: {  	_ =	shalt  }
0x7a: {  	_ =	shalt  }
0x7b: {  	_ =	shalt  }
0x7c: {  	_ =	shalt  }
0x7d: {  	_ =	shalt  }
0x7e: {  	_ =	shalt  }
0x7f: {  	_ =	shalt  }
0x80: {  	_ =	shalt  }
0x81: {  	_ =	shalt  }
0x82: {  	_ =	shalt  }
0x83: {  	_ =	shalt  }
0x84: {  	_ =	shalt  }
0x85: {  	_ =	shalt  }
0x86: {  	_ =	shalt  }
0x87: {  	_ =	shalt  }
.Lfunc_end0:
.L_simem_size_0:
called_computation_lowered:
.L_overlay_start_0:
0x88: {  	s2 =	sld [smem:$0x3FD9]  }
0x89: {  	s3 =	sld [smem:$0x3FFE];
	_ =	sdelay $0x1  }
0x8a: {  	s1 =	srdreg.scid  }
0x8b: {  	s0 =	sand.u32 $0x1, s1  }
0x8c: {  	s14 =	sshll.u32 s0, $0xA;
	s2 =	sadd.s32 s3, s2  }
0x8d: {  	s2 =	sadd.s32 s2, s14  }
0x8e: {  	[smem:$0x3FC3] =	sst s2  }
0x8f: {  	_ = 	snop  }
0x90: {  	s2 =	sld [smem:$0x3FD0];
	_ =	sdelay $0x1  }
0x91: {  	s15 =	sld [smem:$0x3FC9]  }
0x92: {  	s5 =	simm.s32 $0xA;
	s6 =	simm.s32 $0x10;
	s4 =	sld [smem:$0x3FC8]  }
0x93: {  	[smem:s6], [sflag:s5] =	dma.local [hbm:s2], $0x1  }
0x94: {  	_ =	swait.eq [sflag:s5], $0x1  }
0x95: {  	[sflag:s5] =	ssyncset.done $0x0  }
0x96: {  	s16 =	sld [smem:$0x10];
	[sflag:s5] =	ssyncadd.s32 $0xFFFFFFFF  }
0x97: {  	s17 =	sld [smem:$0x11];
	(tm) =	ssettm $0x1  }
0x98: {  	s18 =	sld [smem:$0x3FFB];
	_ =	sdelay $0x3  }
0x99: {  	_ =	strace s18  }
0x9a: {  	s6 =	sld [smem:$0x3FFC];
	_ =	sdelay $0x3  }
0x9b: {  	_ =	strace s6  }
0x9c: {  	s6 =	sld [smem:$0x3FFD];
	_ =	sdelay $0x3  }
0x9d: {  	_ =	strace s6  }
0x9e: {  	_ =	strace $0x8FFFFFFF  }
0x9f: {  	s19 =	sld [smem:$0x3FDB];
	_ =	sdelay $0x1  }
0xa0: {  	s7 =	simm.s32 $_scs_section_size  }
0xa1: {  	s8 =	simm.s32 $_size__tile_overlayer_lowered;
	s9 =	simm.s32 $_tile_overlayer_lowered  }
0xa2: {  	s22 =	simm.s32 $0x1BFF;
	s21 =	sshll.u32 s9, $0x1;
	s6 =	sadd.s32 s7, s19  }
0xa3: {  	s10 =	simm.s32 $0x0;
	s20 =	sshll.u32 s8, $0x1;
	s8 =	sadd.s32 s21, s6  }
0xa4: {  	[timem:s10], [sflag:s22] =	dma.local [hbm:s8], s20  }
0xa5: {  	_ =	swait.ge [sflag:s22], s20  }
0xa6: {  	s7 =	ssub.s32 $0x0, s20;
	[sflag:s22] =	ssyncset.done $0x0  }
0xa7: {  	[sflag:s22] =	ssyncadd.s32 s7;
	_ =	sdelay $0x1  }
0xa8: {  	s23 =	simm.s32 $0x1B8B  }
0xa9: {  	_ =	swait.ge [sflag:s23], $0x1  }
0xaa: {  	[sflag:s23] =	ssyncset.done $0x0  }
0xab: {  	s25 =	simm.s32 $0x1B8E;
	s24 =	sld [smem:$0x3FFE];
	[sflag:s23] =	ssyncadd.s32 $0xFFFFFFFF  }
0xac: {  	s26 =	simm.s32 $execute0_lowered;
	[smem:$0x3FD2] =	sst s25  }
0xad: {  	s8 =	sshll.u32 s26, $0x1;
	_ =	strace $0x80000046;
	[dreg:$0x1] =	wrdreg $0xFFFFFFFF  }
0xae: {  	s28 =	simm.s32 $_size_execute0_lowered;
	s6 =	sadd.s32 s6, s8;
	[dreg:$0x0] =	wrdreg $0x0  }
0xaf: {  	s8 =	sshll.u32 s28, $0x1;
	[dreg:$0x2] =	wrdreg s6  }
0xb0: {  	[dreg:$0x3] =	wrdreg s8  }
0xb1: {  	[dreg:$0x4] =	wrdreg $0xC0  }
0xb2: {  	_ =	task [dreg:s10], $0x5FFFF  }
0xb3: {  	[dreg:$0x1] =	wrdreg $0xFFFFFFFF  }
0xb4: {  	[dreg:$0x0] =	wrdreg $0x60  }
0xb5: {  	[dreg:$0x2] =	wrdreg s15  }
0xb6: {  	[dreg:$0x3] =	wrdreg s4  }
0xb7: {  	[dreg:$0x4] =	wrdreg s17  }
0xb8: {  	[dreg:$0x5] =	wrdreg s24  }
0xb9: {  	[dreg:$0x6] =	wrdreg s16  }
0xba: {  	[dreg:$0x7] =	wrdreg $0x9  }
0xbb: {  	_ =	task.clear_ibuf [dreg:s10], $0x8FFFF;
	_ =	strace $0x90000046  }
0xbc: {  	s29 =	simm.s32 $0x9;
	_ =	strace $0x80000048  }
0xbd: {  	_ =	swait.ge [sflag:s29], $0x1  }
0xbe: {  	[sflag:s29] =	ssyncadd.s32 $0xFFFFFFFF  }
0xbf: {  	_ =	strace $0x90000048  }
0xc0: {  	_ =	sfence  }
0xc1: {  	s30 =	sld [smem:$0x0];
	_ =	sdelay $0x2  }
0xc2: {  	s31 =	sshll.u32 s1, $0xD;
	s1 =	sshrl.u32 s1, $0x2  }
0xc3: {  	s3 =	sand.u32 $0x4000, s31;
	s1 =	sadd.s32 s1, s30  }
0xc4: {  	s0 =	sor.u32 s3, s0;
	s1 =	sshll.u32 s1, $0x11  }
0xc5: {  	s0 =	sor.u32 s1, s0  }
0xc6: {  	s0 =	sadd.s32 $0x8F2B, s0  }
0xc7: {  	[sflag:s0] =	ssyncadd.remote.s32 $0x1  }
0xc8: {  	_ =	sfence.sel $0xFFFF  }
0xc9: {  	[dreg:$0x0] =	wrdreg $0xFFFFFFFF;
	(pc) =	sbr.abs _section_cstart, $3  }
0xca: {  	[dreg:$0x1] =	wrdreg $0xFFFFFFFF  }
0xcb: {  	_ =	task.clear_ibuf [dreg:s10], $0x2FFFF;
	_ =	strace $0x9FFFFFFF  }
0xcc: {  	(tm) =	ssettm $0x7FFFFFFF  }
0xcd: {  	_ =	shalt  }
tec
execute0_lowered:
.L_overlay_start_1:
0x0: {  	(tag) =	ssettag $0x1  }
0x1: {  	s9 =	rddreg [dreg:$0x0]  }
0x2: {  	s10 =	rddreg [dreg:$0x1]  }
0x3: {  	s3 =	rddreg [dreg:$0x2]  }
0x4: {  	s0 =	rddreg [dreg:$0x3]  }
0x5: {  	s1 =	rddreg [dreg:$0x4];
	v53 =	vimm.s32 $0xEFCDAB89;
	v3 =	vimm.s32 $0x67452301;
	v54 =	vimm.s32 $0xDCFE98BA  }
0x6: {  	s5 =	simm.s32 $0x0;
	s2 =	srdreg.scid;
	v55 =	vimm.s32 $0x54761032;
	v4 =	vimm.s32 $0xBA98FEDC;
	s15 =	simm.s32 $0x10000  }
0x7: {  	vm0 =	vcmask $0xB08;
	s16 =	simm.s32 $0x10800;
	v5 =	vimm.s32 $0x32107654;
	s17 =	simm.s32 $0x11000;
	s13 =	simm.s32 $0x11800  }
0x8: {  	vm1 =	vcmask $0x300;
	s18 =	simm.s32 $0x12000;
	vm2 =	vcmask $0x700;
	vm3 =	vcmask $0x3B38;
	s28 =	simm.s32 $0x16000;
	s29 =	simm.s32 $0x16800  }
0x9: {  	s6 =	stileid.u32;
	v0 =	vlaneseq.u32;
	v58 =	vimm.s32 $0xFEDCBA98;
	s30 =	simm.s32 $0x17000;
	s31 =	simm.s32 $0x17800;
	v59 =	vimm.s32 $0x76543210  }
0xa: {  	[smem:$0x7FF] =	sst s5;
	s2 =	sand.u32 $0x1, s2;
	s4 =	sadd.s32 $0x1800, s0;
	v1 =	vand.u32 $0x7, v0;
	v2 =	vshrl.u32 v0, $0x3;
	v3 =	vunpack.c.l.s4.s8 v3  }
0xb: {  	s6 =	sshll.u32 s6, $0x1;
	s0 =	sadd.s32 $0x1A00, s0;
	vm0 =	vmor vm1, vm0;
	vm1 =	vcmask $0x1310;
	v4 =	vunpack.c.l.s4.s8 v4;
	_ =	strace $0x80000047  }
0xc: {  	v5 =	vunpack.c.l.s4.s8 v5;
	v0 =	vor.u32 $0x8, v0;
	[dreg:$0x6] =	wrdreg s4;
	s19 =	ssub.s32 $0x2, s2;
	s2 =	sor.u32 s2, s6;
	[tilespmem:$0x1FF90] =	vst v1;
	v1 =	vunpack.c.l.s4.s8 v53  }
0xd: {  	[dreg:$0x7] =	wrdreg s0;
	vm0 =	vmor vm0, vm1;
	vm1 =	vcmask $0x1B18;
	v2 =	vmul.u32 $0x8, v2;
	s20 =	sshrl.u32 s19, $0x1;
	s8 =	sshll.u32 s2, $0x9  }
0xe: {  	s21 =	sshll.u32 s2, $0x6;
	s23 =	sshll.u32 s2, $0xD;
	v3 =	vunpack.c.0.s8.s32 v3;
	p0 =	sne.s32 s2, $0x0;
	vm0 =	vmor vm0, vm1;
	vm1 =	vcmask $0x2320  }
0xf: {  	v56 =	vunpack.c.0.s8.s32 v4;
	v57 =	vunpack.c.0.s8.s32 v5;
	v5 =	vunpack.c.l.s4.s8 v58;
	s0 =	ssub.s32 s19, s20;
	s22 =	sadd.s32 s10, s21;
	s7 =	sor.u32 $0x100, s8  }
0x10: {  	s6 =	sadd.s32 s9, s23;
	s1 =	sadd.s32 s1, s21;
	s19 =	simm.s32 $0x6;
	v1 =	vunpack.c.0.s8.s32 v1;
	vm0 =	vmor vm0, vm1;
	vm1 =	vcmask $0x2B28  }
0x11: {  	v4 =	vunpack.c.l.s4.s8 v59;
	[tilespmem:$0x1FFA0] =	vst v2;
	v2 =	vunpack.c.l.s4.s8 v54;
	s20 =	simm.s32 $0x12800;
	s21 =	simm.s32 $0x13000;
	[dreg:$0x8] =	wrdreg s22;
	vm0 =	vmor vm0, vm1  }
0x12: {  	s23 =	simm.s32 $0x14000;
	[dreg:$0x9] =	wrdreg s6;
	s24 =	sshrl.u32 s7, $0x3;
	vm1 =	vcmask $0x3330;
	v1 =	vcombine.low v3, v1;
	v3 =	vunpack.c.l.s4.s8 v55  }
0x13: {  	s7 =	sshll.u32 s7, $0x4;
	s4 =	sadd.s32 $0x10, s1;
	[dreg:$0xc] =	wrdreg s1;
	v5 =	vunpack.c.0.s8.s32 v5;
	v4 =	vunpack.c.0.s8.s32 v4;
	vm0 =	vmor vm0, vm1  }
0x14: {  	s26 =	sadd.s32 $0x20, s1;
	s1 =	sadd.s32 $0x30, s1;
	[dreg:$0xd] =	wrdreg s4;
	v2 =	vunpack.c.0.s8.s32 v2;
	vm1 =	vcmask $0x1710;
	v3 =	vunpack.c.0.s8.s32 v3  }
0x15: {  	s0 =	smax.u32 s0, $0x1;
	s22 =	simm.s32 $0x13800;
	[dreg:$0xe] =	wrdreg s26;
	vm1 =	vmor vm2, vm1;
	vm2 =	vcmask $0x2720;
	v61 =	vand.u32 $0xF, v5  }
.Ltmp0:
0x16: {  	[tilespmem:$0x1FFB0] =	vst v0;
	s6 =	sadd.s32 s10, s24;
	[dreg:$0xf] =	wrdreg s1;
	v60 =	vand.u32 $0xF, v1;
	v0 =	vcombine.low v61, v4;
	v2 =	vcombine.low v3, v2;
	(pc) =	sbr.rel .LBB2_1-.Ltmp0, $4  }
0x17: {  	s25 =	sadd.s32 s9, s7;
	[dreg:$0x10] =	wrdreg s0;
	s24 =	simm.s32 $0x14800;
	vm0 =	vmor vm0, vm3;
	vm3 =	vcmask $0xF00;
	[tilespmem:$0x1FFC0] =	vst v60;
	v3 =	vcombine.low v57, v56  }
0x18: {  	s26 =	simm.s32 $0x15800;
	s0 =	simm.s32 $0x1;
	s4 =	simm.s32 $0x3;
	vm1 =	vmor vm1, vm2;
	vm2 =	vcmask $0x3730;
	[tilespmem:$0x1FFF0] =	vst v0;
	v62 =	vand.u32 $0xF, v2  }
0x19: {  	s7 =	simm.s32 $0x4;
	s9 =	simm.s32 $0x0;
	[dreg:$0xa] =	wrdreg s6;
	vm1 =	vmor vm1, vm2;
	vm2 =	vcmask $0x2F20;
	v63 =	vand.u32 $0xF, v3;
	[tilespmem:$0x1FFD0] =	vst v62  }
0x1a: {  	[dreg:$0xb] =	wrdreg s25;
	s25 =	simm.s32 $0x15000;
	s6 =	simm.s32 $0x2;
	vm2 =	vmor vm3, vm2;
	vm3 =	vmmov $0xffff;
	[tilespmem:$0x1FFE0] =	vst v63  }
.LBB2_11:
0x1b: {  	s9 =	sadd.s32 $0x1, s9;
	s1 =	rddreg [dreg:$0x10]  }
0x1c: {  	p1 =	sne.s32 s9, s1  }
.Ltmp1:
0x1d: {  	_ = 	snop;
	(pc) =	sbr.rel @!p1 .LBB2_12-.Ltmp1, $1  }
0x1e: {  	_ =	sdelay $0x3  }
.LBB2_1:
0x1f: {  	[dreg:$0x11] =	wrdreg s9  }
0x20: {  	s1 =	rddreg [dreg:$0x8];
	s2 =	simm.s32 $0x18000  }
0x21: {  	[tilespmem:s2], [sflag:$0x6] =	stream.linear.gather [hbm4b:s1+s5], $0x80, $0x38;
	[tilespmem:$0x1C380] =	vst v63  }
0x22: {  	_ =	swait.ge [sflag:s19], $0x80  }
0x23: {  	[sflag:s19] =	ssyncset.done $0x0  }
0x24: {  	s9 =	rddreg [dreg:$0x9];
	[sflag:s19] =	ssyncadd.s32 $0xFFFFFF80  }
0x25: {  	[tilespmem:s5], [sflag:$0x1] =	stream.linear.gather [hbm4b:s9+s5], $0x4000, $0x38;
	[tilespmem:$0x1C380] =	vst v63  }
0x26: {  	v0 =	vld [tilespmem:$0x18000];
	_ =	sdelay $0x2  }
0x27: {  	v2 =	vld [tilespmem:$0x1FF90]  }
0x28: {  	v3 =	vld [tilespmem:$0x1FFA0]  }
0x29: {  	v4 =	vld [tilespmem:$0x1FFB0];
	v1 =	vshll.u32 v0, $0x1  }
0x2a: {  	v0 =	vand.u32 $0x7, v0;
	v1 =	vand.u32 $0xFFFFFFF0, v1  }
0x2b: {  	v0 =	vor.u32 v0, v1  }
0x2c: {  	v1 =	vperm.xlane v0, v2;
	_ =	sdelay $0x1  }
0x2d: {  	v0 =	vperm.xlane v0, v4;
	v1 =	vadd.s32 v3, v1;
	_ =	sdelay $0x1  }
0x2e: {  	v0 =	vadd.s32 v3, v0;
	_ =	sdelay $0x1  }
0x2f: {  	s10 =	simm.s32 $0x8000  }
0x30: {  	[tilespmem:s10], [sflag:$0x3] =	stream.indirect_vreg.gather [hbm4b:s3+s5], $0x80, v1, vm3, $0xb8;
	[tilespmem:$0x1C380] =	vst v63  }
0x31: {  	s11 =	simm.s32 $0x8800  }
0x32: {  	[tilespmem:s11], [sflag:$0x3] =	stream.indirect_vreg.gather [hbm4b:s3+s5], $0x80, v0, vm3, $0xb8;
	[tilespmem:$0x1C380] =	vst v63  }
0x33: {  	v0 =	vld [tilespmem:$0x18010];
	_ =	sdelay $0x4  }
0x34: {  	v57 =	vshll.u32 v0, $0x1  }
0x35: {  	v0 =	vand.u32 $0x7, v0;
	v1 =	vand.u32 $0xFFFFFFF0, v57  }
0x36: {  	v0 =	vor.u32 v0, v1  }
0x37: {  	v1 =	vperm.xlane v0, v2;
	_ =	sdelay $0x1  }
0x38: {  	v0 =	vperm.xlane v0, v4;
	v1 =	vadd.s32 v3, v1;
	_ =	sdelay $0x1  }
0x39: {  	v0 =	vadd.s32 v3, v0;
	_ =	sdelay $0x1  }
0x3a: {  	s12 =	simm.s32 $0x9000  }
0x3b: {  	[tilespmem:s12], [sflag:$0x3] =	stream.indirect_vreg.gather [hbm4b:s3+s5], $0x80, v1, vm3, $0xb8;
	[tilespmem:$0x1C380] =	vst v63  }
0x3c: {  	s14 =	simm.s32 $0x9800  }
0x3d: {  	[tilespmem:s14], [sflag:$0x3] =	stream.indirect_vreg.gather [hbm4b:s3+s5], $0x80, v0, vm3, $0xb8;
	[tilespmem:$0x1C380] =	vst v63  }
0x3e: {  	v0 =	vld [tilespmem:$0x18020];
	_ =	sdelay $0x4  }
0x3f: {  	v58 =	vshll.u32 v0, $0x1  }
0x40: {  	v0 =	vand.u32 $0x7, v0;
	v1 =	vand.u32 $0xFFFFFFF0, v58  }
0x41: {  	v0 =	vor.u32 v0, v1  }
0x42: {  	v1 =	vperm.xlane v0, v2;
	_ =	sdelay $0x1  }
0x43: {  	v0 =	vperm.xlane v0, v4;
	v1 =	vadd.s32 v3, v1;
	_ =	sdelay $0x1  }
0x44: {  	v0 =	vadd.s32 v3, v0;
	_ =	sdelay $0x1  }
0x45: {  	s2 =	simm.s32 $0xA000  }
0x46: {  	[tilespmem:s2], [sflag:$0x3] =	stream.indirect_vreg.gather [hbm4b:s3+s5], $0x80, v1, vm3, $0xb8;
	[tilespmem:$0x1C380] =	vst v63  }
0x47: {  	s9 =	simm.s32 $0xA800  }
0x48: {  	[tilespmem:s9], [sflag:$0x3] =	stream.indirect_vreg.gather [hbm4b:s3+s5], $0x80, v0, vm3, $0xb8;
	[tilespmem:$0x1C380] =	vst v63  }
0x49: {  	v0 =	vld [tilespmem:$0x18030];
	_ =	sdelay $0x4  }
0x4a: {  	v59 =	vshll.u32 v0, $0x1  }
0x4b: {  	v0 =	vand.u32 $0x7, v0;
	v1 =	vand.u32 $0xFFFFFFF0, v59  }
0x4c: {  	v0 =	vor.u32 v0, v1  }
0x4d: {  	v1 =	vperm.xlane v0, v2;
	_ =	sdelay $0x1  }
0x4e: {  	v0 =	vperm.xlane v0, v4;
	v1 =	vadd.s32 v3, v1;
	_ =	sdelay $0x1  }
0x4f: {  	v0 =	vadd.s32 v3, v0;
	_ =	sdelay $0x1  }
0x50: {  	s10 =	simm.s32 $0xB000  }
0x51: {  	[tilespmem:s10], [sflag:$0x3] =	stream.indirect_vreg.gather [hbm4b:s3+s5], $0x80, v1, vm3, $0xb8;
	[tilespmem:$0x1C380] =	vst v63  }
0x52: {  	s11 =	simm.s32 $0xB800  }
0x53: {  	[tilespmem:s11], [sflag:$0x3] =	stream.indirect_vreg.gather [hbm4b:s3+s5], $0x80, v0, vm3, $0xb8;
	[tilespmem:$0x1C380] =	vst v63  }
0x54: {  	v0 =	vld [tilespmem:$0x18040];
	_ =	sdelay $0x4  }
0x55: {  	v60 =	vshll.u32 v0, $0x1  }
0x56: {  	v0 =	vand.u32 $0x7, v0;
	v1 =	vand.u32 $0xFFFFFFF0, v60  }
0x57: {  	v0 =	vor.u32 v0, v1  }
0x58: {  	v1 =	vperm.xlane v0, v2;
	_ =	sdelay $0x1  }
0x59: {  	v0 =	vperm.xlane v0, v4;
	v1 =	vadd.s32 v3, v1;
	_ =	sdelay $0x1  }
0x5a: {  	v0 =	vadd.s32 v3, v0;
	_ =	sdelay $0x1  }
0x5b: {  	s12 =	simm.s32 $0xC000  }
0x5c: {  	[tilespmem:s12], [sflag:$0x3] =	stream.indirect_vreg.gather [hbm4b:s3+s5], $0x80, v1, vm3, $0xb8;
	[tilespmem:$0x1C380] =	vst v63  }
0x5d: {  	s14 =	simm.s32 $0xC800  }
0x5e: {  	[tilespmem:s14], [sflag:$0x3] =	stream.indirect_vreg.gather [hbm4b:s3+s5], $0x80, v0, vm3, $0xb8;
	[tilespmem:$0x1C380] =	vst v63  }
0x5f: {  	v0 =	vld [tilespmem:$0x18050];
	_ =	sdelay $0x4  }
0x60: {  	v61 =	vshll.u32 v0, $0x1  }
0x61: {  	v0 =	vand.u32 $0x7, v0;
	v1 =	vand.u32 $0xFFFFFFF0, v61  }
0x62: {  	v0 =	vor.u32 v0, v1  }
0x63: {  	v1 =	vperm.xlane v0, v2;
	_ =	sdelay $0x1  }
0x64: {  	v0 =	vperm.xlane v0, v4;
	v1 =	vadd.s32 v3, v1;
	_ =	sdelay $0x1  }
0x65: {  	v0 =	vadd.s32 v3, v0;
	_ =	sdelay $0x1  }
0x66: {  	s2 =	simm.s32 $0xD000  }
0x67: {  	[tilespmem:s2], [sflag:$0x3] =	stream.indirect_vreg.gather [hbm4b:s3+s5], $0x80, v1, vm3, $0xb8;
	[tilespmem:$0x1C380] =	vst v63  }
0x68: {  	s9 =	simm.s32 $0xD800  }
0x69: {  	[tilespmem:s9], [sflag:$0x3] =	stream.indirect_vreg.gather [hbm4b:s3+s5], $0x80, v0, vm3, $0xb8;
	[tilespmem:$0x1C380] =	vst v63  }
0x6a: {  	v0 =	vld [tilespmem:$0x18060];
	_ =	sdelay $0x4  }
0x6b: {  	v62 =	vshll.u32 v0, $0x1  }
0x6c: {  	v0 =	vand.u32 $0x7, v0;
	v1 =	vand.u32 $0xFFFFFFF0, v62  }
0x6d: {  	v0 =	vor.u32 v0, v1  }
0x6e: {  	v1 =	vperm.xlane v0, v2;
	_ =	sdelay $0x1  }
0x6f: {  	v0 =	vperm.xlane v0, v4;
	v1 =	vadd.s32 v3, v1;
	_ =	sdelay $0x1  }
0x70: {  	v0 =	vadd.s32 v3, v0;
	_ =	sdelay $0x1  }
0x71: {  	s10 =	simm.s32 $0xE000  }
0x72: {  	[tilespmem:s10], [sflag:$0x3] =	stream.indirect_vreg.gather [hbm4b:s3+s5], $0x80, v1, vm3, $0xb8;
	[tilespmem:$0x1C380] =	vst v63  }
0x73: {  	s11 =	simm.s32 $0xE800  }
0x74: {  	[tilespmem:s11], [sflag:$0x3] =	stream.indirect_vreg.gather [hbm4b:s3+s5], $0x80, v0, vm3, $0xb8;
	[tilespmem:$0x1C380] =	vst v63  }
0x75: {  	v0 =	vld [tilespmem:$0x18070];
	_ =	sdelay $0x4  }
0x76: {  	v63 =	vshll.u32 v0, $0x1  }
0x77: {  	v0 =	vand.u32 $0x7, v0;
	v1 =	vand.u32 $0xFFFFFFF0, v63  }
0x78: {  	v0 =	vor.u32 v0, v1  }
0x79: {  	v1 =	vperm.xlane v0, v2;
	_ =	sdelay $0x1  }
0x7a: {  	v0 =	vperm.xlane v0, v4;
	v1 =	vadd.s32 v3, v1;
	_ =	sdelay $0x1  }
0x7b: {  	v0 =	vadd.s32 v3, v0;
	_ =	sdelay $0x1  }
0x7c: {  	s12 =	simm.s32 $0xF000  }
0x7d: {  	[tilespmem:s12], [sflag:$0x3] =	stream.indirect_vreg.gather [hbm4b:s3+s5], $0x80, v1, vm3, $0xb8;
	[tilespmem:$0x1C380] =	vst v63  }
0x7e: {  	p2 =	por $0x1, $0x1;
	s1 =	simm.s32 $0x0;
	s14 =	simm.s32 $0xF800  }
0x7f: {  	[tilespmem:s14], [sflag:$0x3] =	stream.indirect_vreg.gather [hbm4b:s3+s5], $0x80, v0, vm3, $0xb8;
	[tilespmem:$0x1C380] =	vst v63  }
.LBB2_2:
0x80: {  	s10 =	sshll.u32 s1, $0x8  }
0x81: {  	s9 =	sor.u32 $0x80, s10  }
0x82: {  	s2 =	sor.u32 s8, s9  }
0x83: {  	s11 =	rddreg [dreg:$0x1];
	s14 =	sshrl.u32 s2, $0x3  }
0x84: {  	s1 =	simm.s32 $0x0;
	s12 =	simm.s32 $0x18080;
	s11 =	sadd.s32 s11, s14  }
0x85: {  	[tilespmem:s12], [sflag:$0x6] =	stream.linear.gather [hbm4b:s11+s1], $0x80, $0x38;
	[tilespmem:$0x1C380] =	vst v63  }
0x86: {  	_ =	swait.ge [sflag:s19], $0x80  }
0x87: {  	[sflag:s19] =	ssyncset.done $0x0  }
0x88: {  	[sflag:s19] =	ssyncadd.s32 $0xFFFFFF80  }
0x89: {  	s2 =	sshll.u32 s2, $0x4;
	s12 =	rddreg [dreg:$0x0]  }
0x8a: {  	s14 =	simm.s32 $0x4000;
	s2 =	sadd.s32 s12, s2  }
0x8b: {  	[tilespmem:s14], [sflag:$0x2] =	stream.linear.gather [hbm4b:s2+s1], $0x4000, $0x38;
	[tilespmem:$0x1C380] =	vst v63  }
0x8c: {  	v0 =	vld [tilespmem:$0x18080];
	_ =	sdelay $0x2  }
0x8d: {  	v2 =	vld [tilespmem:$0x1FF90]  }
0x8e: {  	v3 =	vld [tilespmem:$0x1FFA0]  }
0x8f: {  	v4 =	vld [tilespmem:$0x1FFB0];
	v1 =	vshll.u32 v0, $0x1  }
0x90: {  	v0 =	vand.u32 $0x7, v0;
	v1 =	vand.u32 $0xFFFFFFF0, v1  }
0x91: {  	v0 =	vor.u32 v0, v1  }
0x92: {  	v1 =	vperm.xlane v0, v2;
	_ =	sdelay $0x1  }
0x93: {  	v0 =	vperm.xlane v0, v4;
	v1 =	vadd.s32 v3, v1;
	_ =	sdelay $0x1  }
0x94: {  	v0 =	vadd.s32 v3, v0;
	_ =	sdelay $0x2  }
0x95: {  	[tilespmem:s15], [sflag:$0x4] =	stream.indirect_vreg.gather [hbm4b:s3+s1], $0x80, v1, vm3, $0xb8;
	[tilespmem:$0x1C380] =	vst v63  }
0x96: {  	_ = 	snop  }
0x97: {  	[tilespmem:s16], [sflag:$0x4] =	stream.indirect_vreg.gather [hbm4b:s3+s1], $0x80, v0, vm3, $0xb8;
	[tilespmem:$0x1C380] =	vst v63  }
0x98: {  	v0 =	vld [tilespmem:$0x18090];
	_ =	sdelay $0x4  }
0x99: {  	v1 =	vshll.u32 v0, $0x1  }
0x9a: {  	v0 =	vand.u32 $0x7, v0;
	v1 =	vand.u32 $0xFFFFFFF0, v1  }
0x9b: {  	v0 =	vor.u32 v0, v1  }
0x9c: {  	v1 =	vperm.xlane v0, v2;
	_ =	sdelay $0x1  }
0x9d: {  	v0 =	vperm.xlane v0, v4;
	v1 =	vadd.s32 v3, v1;
	_ =	sdelay $0x1  }
0x9e: {  	v0 =	vadd.s32 v3, v0;
	_ =	sdelay $0x2  }
0x9f: {  	[tilespmem:s17], [sflag:$0x4] =	stream.indirect_vreg.gather [hbm4b:s3+s1], $0x80, v1, vm3, $0xb8;
	[tilespmem:$0x1C380] =	vst v63  }
0xa0: {  	_ = 	snop  }
0xa1: {  	[tilespmem:s13], [sflag:$0x4] =	stream.indirect_vreg.gather [hbm4b:s3+s1], $0x80, v0, vm3, $0xb8;
	[tilespmem:$0x1C380] =	vst v63  }
0xa2: {  	v0 =	vld [tilespmem:$0x180A0];
	_ =	sdelay $0x4  }
0xa3: {  	v1 =	vshll.u32 v0, $0x1  }
0xa4: {  	v0 =	vand.u32 $0x7, v0;
	v1 =	vand.u32 $0xFFFFFFF0, v1  }
0xa5: {  	v0 =	vor.u32 v0, v1  }
0xa6: {  	v1 =	vperm.xlane v0, v2;
	_ =	sdelay $0x1  }
0xa7: {  	v0 =	vperm.xlane v0, v4;
	v1 =	vadd.s32 v3, v1;
	_ =	sdelay $0x1  }
0xa8: {  	v0 =	vadd.s32 v3, v0;
	_ =	sdelay $0x2  }
0xa9: {  	[tilespmem:s18], [sflag:$0x4] =	stream.indirect_vreg.gather [hbm4b:s3+s1], $0x80, v1, vm3, $0xb8;
	[tilespmem:$0x1C380] =	vst v63  }
0xaa: {  	_ = 	snop  }
0xab: {  	[tilespmem:s20], [sflag:$0x4] =	stream.indirect_vreg.gather [hbm4b:s3+s1], $0x80, v0, vm3, $0xb8;
	[tilespmem:$0x1C380] =	vst v63  }
0xac: {  	v0 =	vld [tilespmem:$0x180B0];
	_ =	sdelay $0x4  }
0xad: {  	v1 =	vshll.u32 v0, $0x1  }
0xae: {  	v0 =	vand.u32 $0x7, v0;
	v1 =	vand.u32 $0xFFFFFFF0, v1  }
0xaf: {  	v0 =	vor.u32 v0, v1  }
0xb0: {  	v1 =	vperm.xlane v0, v2;
	_ =	sdelay $0x1  }
0xb1: {  	v0 =	vperm.xlane v0, v4;
	v1 =	vadd.s32 v3, v1;
	_ =	sdelay $0x1  }
0xb2: {  	v0 =	vadd.s32 v3, v0;
	_ =	sdelay $0x2  }
0xb3: {  	[tilespmem:s21], [sflag:$0x4] =	stream.indirect_vreg.gather [hbm4b:s3+s1], $0x80, v1, vm3, $0xb8;
	[tilespmem:$0x1C380] =	vst v63  }
0xb4: {  	_ = 	snop  }
0xb5: {  	[tilespmem:s22], [sflag:$0x4] =	stream.indirect_vreg.gather [hbm4b:s3+s1], $0x80, v0, vm3, $0xb8;
	[tilespmem:$0x1C380] =	vst v63  }
0xb6: {  	v0 =	vld [tilespmem:$0x180C0];
	_ =	sdelay $0x4  }
0xb7: {  	v1 =	vshll.u32 v0, $0x1  }
0xb8: {  	v0 =	vand.u32 $0x7, v0;
	v1 =	vand.u32 $0xFFFFFFF0, v1  }
0xb9: {  	v0 =	vor.u32 v0, v1  }
0xba: {  	v1 =	vperm.xlane v0, v2;
	_ =	sdelay $0x1  }
0xbb: {  	v0 =	vperm.xlane v0, v4;
	v1 =	vadd.s32 v3, v1;
	_ =	sdelay $0x1  }
0xbc: {  	v0 =	vadd.s32 v3, v0;
	_ =	sdelay $0x2  }
0xbd: {  	[tilespmem:s23], [sflag:$0x4] =	stream.indirect_vreg.gather [hbm4b:s3+s1], $0x80, v1, vm3, $0xb8;
	[tilespmem:$0x1C380] =	vst v63  }
0xbe: {  	_ = 	snop  }
0xbf: {  	[tilespmem:s24], [sflag:$0x4] =	stream.indirect_vreg.gather [hbm4b:s3+s1], $0x80, v0, vm3, $0xb8;
	[tilespmem:$0x1C380] =	vst v63  }
0xc0: {  	v0 =	vld [tilespmem:$0x180D0];
	_ =	sdelay $0x4  }
0xc1: {  	v1 =	vshll.u32 v0, $0x1  }
0xc2: {  	v0 =	vand.u32 $0x7, v0;
	v1 =	vand.u32 $0xFFFFFFF0, v1  }
0xc3: {  	v0 =	vor.u32 v0, v1  }
0xc4: {  	v1 =	vperm.xlane v0, v2;
	_ =	sdelay $0x1  }
0xc5: {  	v0 =	vperm.xlane v0, v4;
	v1 =	vadd.s32 v3, v1;
	_ =	sdelay $0x1  }
0xc6: {  	v0 =	vadd.s32 v3, v0;
	_ =	sdelay $0x2  }
0xc7: {  	[tilespmem:s25], [sflag:$0x4] =	stream.indirect_vreg.gather [hbm4b:s3+s1], $0x80, v1, vm3, $0xb8;
	[tilespmem:$0x1C380] =	vst v63  }
0xc8: {  	_ = 	snop  }
0xc9: {  	[tilespmem:s26], [sflag:$0x4] =	stream.indirect_vreg.gather [hbm4b:s3+s1], $0x80, v0, vm3, $0xb8;
	[tilespmem:$0x1C380] =	vst v63  }
0xca: {  	v0 =	vld [tilespmem:$0x180E0];
	_ =	sdelay $0x4  }
0xcb: {  	v1 =	vshll.u32 v0, $0x1  }
0xcc: {  	v0 =	vand.u32 $0x7, v0;
	v1 =	vand.u32 $0xFFFFFFF0, v1  }
0xcd: {  	v0 =	vor.u32 v0, v1  }
0xce: {  	v1 =	vperm.xlane v0, v2;
	_ =	sdelay $0x1  }
0xcf: {  	v0 =	vperm.xlane v0, v4;
	v1 =	vadd.s32 v3, v1;
	_ =	sdelay $0x1  }
0xd0: {  	v0 =	vadd.s32 v3, v0;
	_ =	sdelay $0x2  }
0xd1: {  	[tilespmem:s28], [sflag:$0x4] =	stream.indirect_vreg.gather [hbm4b:s3+s1], $0x80, v1, vm3, $0xb8;
	[tilespmem:$0x1C380] =	vst v63  }
0xd2: {  	_ = 	snop  }
0xd3: {  	[tilespmem:s29], [sflag:$0x4] =	stream.indirect_vreg.gather [hbm4b:s3+s1], $0x80, v0, vm3, $0xb8;
	[tilespmem:$0x1C380] =	vst v63  }
0xd4: {  	v0 =	vld [tilespmem:$0x180F0];
	_ =	sdelay $0x4  }
0xd5: {  	v1 =	vshll.u32 v0, $0x1  }
0xd6: {  	v0 =	vand.u32 $0x7, v0;
	v1 =	vand.u32 $0xFFFFFFF0, v1  }
0xd7: {  	v0 =	vor.u32 v0, v1  }
0xd8: {  	v1 =	vperm.xlane v0, v2;
	_ =	sdelay $0x1  }
0xd9: {  	v0 =	vperm.xlane v0, v4;
	v1 =	vadd.s32 v3, v1;
	_ =	sdelay $0x1  }
0xda: {  	v0 =	vadd.s32 v3, v0;
	_ =	sdelay $0x2  }
0xdb: {  	[tilespmem:s30], [sflag:$0x4] =	stream.indirect_vreg.gather [hbm4b:s3+s1], $0x80, v1, vm3, $0xb8;
	[tilespmem:$0x1C380] =	vst v63  }
0xdc: {  	_ = 	snop  }
0xdd: {  	[tilespmem:s31], [sflag:$0x4] =	stream.indirect_vreg.gather [hbm4b:s3+s1], $0x80, v0, vm3, $0xb8;
	[tilespmem:$0x1C380] =	vst v63  }
0xde: {  	_ =	swait.ge [sflag:s0], $0x4000  }
0xdf: {  	[sflag:s0] =	ssyncset.done $0x0  }
0xe0: {  	[sflag:s0] =	ssyncadd.s32 $0xFFFFC000  }
0xe1: {  	_ =	swait.ge [sflag:s4], $0x8000  }
0xe2: {  	[sflag:s4] =	ssyncset.done $0x0  }
0xe3: {  	s12 =	simm.s32 $0x83C0;
	[sflag:s4] =	ssyncadd.s32 $0xFFFF8000  }
0xe4: {  	v0 =	vld [tilespmem:s12+$0x3C0]  }
0xe5: {  	s2 =	simm.s32 $0x200;
	v3 =	vld [tilespmem:s12+$0x30]  }
0xe6: {  	v4 =	vld [tilespmem:s2+$0x1F0]  }
0xe7: {  	v45 =	vld [tilespmem:s12+$0xFFFFFE30]  }
0xe8: {  	v5 =	vld [tilespmem:s12+$0x20]  }
0xe9: {  	v6 =	vld [tilespmem:s2+$0x1E0]  }
0xea: {  	v8 =	vld [tilespmem:s12+$0x10]  }
0xeb: {  	v9 =	vld [tilespmem:s2+$0x1D0]  }
0xec: {  	[tilespmem:$0x1FE10] =	vst v45;
	v45 =	vld [tilespmem:s2+$0xFFFFFFF0]  }
0xed: {  	v10 =	vld [tilespmem:s12+$0x0]  }
0xee: {  	v11 =	vld [tilespmem:s2+$0x1C0]  }
0xef: {  	v12 =	vld [tilespmem:s12+$0xFFFFFFF0]  }
0xf0: {  	v13 =	vld [tilespmem:s2+$0x1B0]  }
0xf1: {  	[tilespmem:$0x1FE20] =	vst v45;
	v45 =	vld [tilespmem:s12+$0xFFFFFE20]  }
0xf2: {  	v14 =	vld [tilespmem:s12+$0xFFFFFFE0]  }
0xf3: {  	v15 =	vld [tilespmem:s2+$0x1A0]  }
0xf4: {  	v16 =	vld [tilespmem:s12+$0xFFFFFFD0]  }
0xf5: {  	v17 =	vld [tilespmem:s2+$0x190]  }
0xf6: {  	[tilespmem:$0x1FDF0] =	vst v45;
	v45 =	vld [tilespmem:s2+$0xFFFFFFE0]  }
0xf7: {  	v18 =	vld [tilespmem:s12+$0xFFFFFFC0]  }
0xf8: {  	v19 =	vld [tilespmem:s2+$0x180]  }
0xf9: {  	v20 =	vld [tilespmem:s12+$0xFFFFFFB0]  }
0xfa: {  	v21 =	vld [tilespmem:s2+$0x170]  }
0xfb: {  	[tilespmem:$0x1FE00] =	vst v45;
	v45 =	vld [tilespmem:s12+$0xFFFFFE10]  }
0xfc: {  	v22 =	vld [tilespmem:s12+$0xFFFFFFA0]  }
0xfd: {  	v23 =	vld [tilespmem:s2+$0x160]  }
0xfe: {  	v24 =	vld [tilespmem:s12+$0xFFFFFF90]  }
0xff: {  	v25 =	vld [tilespmem:s2+$0x150]  }
0x100: {  	[tilespmem:$0x1FE50] =	vst v45;
	v45 =	vld [tilespmem:s2+$0xFFFFFFD0]  }
0x101: {  	v26 =	vld [tilespmem:s12+$0xFFFFFF80]  }
0x102: {  	v27 =	vld [tilespmem:s2+$0x140]  }
0x103: {  	v28 =	vld [tilespmem:s12+$0xFFFFFF70]  }
0x104: {  	v29 =	vld [tilespmem:s2+$0x130]  }
0x105: {  	[tilespmem:$0x1FE60] =	vst v45;
	v45 =	vld [tilespmem:s12+$0xFFFFFE00]  }
0x106: {  	v30 =	vld [tilespmem:s12+$0xFFFFFF60]  }
0x107: {  	v31 =	vld [tilespmem:s2+$0x120]  }
0x108: {  	v32 =	vld [tilespmem:s12+$0xFFFFFF50]  }
0x109: {  	v33 =	vld [tilespmem:s2+$0x110]  }
0x10a: {  	[tilespmem:$0x1FE30] =	vst v45;
	v45 =	vld [tilespmem:s2+$0xFFFFFFC0]  }
0x10b: {  	v34 =	vld [tilespmem:s12+$0xFFFFFF40]  }
0x10c: {  	v35 =	vld [tilespmem:s2+$0x100]  }
0x10d: {  	v36 =	vld [tilespmem:s12+$0xFFFFFF30]  }
0x10e: {  	v37 =	vld [tilespmem:s2+$0xF0]  }
0x10f: {  	[tilespmem:$0x1FE40] =	vst v45;
	v45 =	vld [tilespmem:s12+$0xFFFFFDF0]  }
0x110: {  	v38 =	vld [tilespmem:s12+$0xFFFFFF20]  }
0x111: {  	v39 =	vld [tilespmem:s2+$0xE0]  }
0x112: {  	v40 =	vld [tilespmem:s12+$0xFFFFFF10]  }
0x113: {  	v41 =	vld [tilespmem:s2+$0xD0]  }
0x114: {  	[tilespmem:$0x1FE90] =	vst v45;
	v45 =	vld [tilespmem:s2+$0xFFFFFFB0]  }
0x115: {  	v42 =	vld [tilespmem:s12+$0xFFFFFF00]  }
0x116: {  	v43 =	vld [tilespmem:s2+$0xC0]  }
0x117: {  	v44 =	vld [tilespmem:s12+$0xFFFFFEF0]  }
0x118: {  	v7 =	vld [tilespmem:s2+$0xB0]  }
0x119: {  	[tilespmem:$0x1FEA0] =	vst v45;
	v45 =	vld [tilespmem:s12+$0xFFFFFDE0]  }
0x11a: {  	v46 =	vld [tilespmem:s12+$0xFFFFFEE0]  }
0x11b: {  	v47 =	vld [tilespmem:s2+$0xA0]  }
0x11c: {  	v48 =	vld [tilespmem:s12+$0xFFFFFED0]  }
0x11d: {  	v49 =	vld [tilespmem:s2+$0x90]  }
0x11e: {  	[tilespmem:$0x1FE70] =	vst v45;
	v45 =	vld [tilespmem:s2+$0xFFFFFFA0]  }
0x11f: {  	v50 =	vld [tilespmem:s12+$0xFFFFFEC0]  }
0x120: {  	v51 =	vld [tilespmem:s2+$0x80]  }
0x121: {  	v52 =	vld [tilespmem:s12+$0xFFFFFEB0]  }
0x122: {  	v53 =	vld [tilespmem:s2+$0x70]  }
0x123: {  	[tilespmem:$0x1FE80] =	vst v45;
	v45 =	vld [tilespmem:s12+$0xFFFFFDD0]  }
0x124: {  	v54 =	vld [tilespmem:s12+$0xFFFFFEA0]  }
0x125: {  	v55 =	vld [tilespmem:s2+$0x60]  }
0x126: {  	v56 =	vld [tilespmem:s12+$0xFFFFFE90]  }
0x127: {  	v57 =	vld [tilespmem:s2+$0x50]  }
0x128: {  	[tilespmem:$0x1FEE0] =	vst v45;
	v45 =	vld [tilespmem:s2+$0xFFFFFF90]  }
0x129: {  	v58 =	vld [tilespmem:s12+$0xFFFFFE80]  }
0x12a: {  	v59 =	vld [tilespmem:s2+$0x40]  }
0x12b: {  	v60 =	vld [tilespmem:s12+$0xFFFFFE70]  }
0x12c: {  	v61 =	vld [tilespmem:s2+$0x30]  }
0x12d: {  	[tilespmem:$0x1FEF0] =	vst v45;
	v45 =	vld [tilespmem:s12+$0xFFFFFDC0]  }
0x12e: {  	v62 =	vld [tilespmem:s12+$0xFFFFFE60]  }
0x12f: {  	v63 =	vld [tilespmem:s2+$0x20]  }
0x130: {  	v2 =	vld [tilespmem:s2+$0x10]  }
0x131: {  	v1 =	vld [tilespmem:s12+$0xFFFFFE40]  }
0x132: {  	[tilespmem:$0x1FEC0] =	vst v45;
	v45 =	vld [tilespmem:s2+$0xFFFFFF80]  }
0x133: {  	[tilespmem:$0x1FDC0] =	vst v0;
	v0 =	vld [tilespmem:s12+$0x340]  }
0x134: {  	v3 =	vmul.f32 v3, v4;
	v4 =	vld [tilespmem:s2+$0xFFFFFF40]  }
0x135: {  	v5 =	vmul.f32 v5, v6;
	v8 =	vmul.f32 v8, v9;
	v9 =	vld [tilespmem:s12+$0xFFFFFD70]  }
0x136: {  	v6 =	vmul.f32 v10, v11;
	v11 =	vmul.f32 v12, v13;
	v12 =	vld [tilespmem:s2+$0xFFFFFF30]  }
0x137: {  	[tilespmem:$0x1FED0] =	vst v45;
	v45 =	vld [tilespmem:s12+$0xFFFFFDB0]  }
0x138: {  	v10 =	vmul.f32 v14, v15;
	v15 =	vld [tilespmem:s12+$0xFFFFFD60]  }
0x139: {  	v14 =	vmul.f32 v16, v17;
	v17 =	vmul.f32 v20, v21;
	v21 =	vld [tilespmem:s12+$0xFFFFFD10]  }
0x13a: {  	v13 =	vmul.f32 v18, v19;
	v19 =	vld [tilespmem:s2+$0xFFFFFED0]  }
0x13b: {  	[tilespmem:$0x1FDD0] =	vst v0;
	v0 =	vld [tilespmem:s12+$0x2C0]  }
0x13c: {  	[tilespmem:$0x1FF30] =	vst v45;
	v45 =	vld [tilespmem:s2+$0xFFFFFF70]  }
0x13d: {  	v16 =	vmul.f32 v22, v23;
	v23 =	vld [tilespmem:$0x1FFC0]  }
0x13e: {  	v29 =	vmul.f32 v28, v29;
	v28 =	vld [tilespmem:s12+$0xFFFFFCE0]  }
0x13f: {  	v22 =	vld [tilespmem:s2+$0xFFFFFEA0]  }
0x140: {  	[tilespmem:$0x1FEB0] =	vst v0;
	v0 =	vld [tilespmem:s12+$0x240]  }
0x141: {  	[tilespmem:$0x1FF40] =	vst v45;
	v45 =	vld [tilespmem:s12+$0xFFFFFDA0]  }
0x142: {  	v46 =	vmul.f32 v46, v47;
	v47 =	vmul.f32 v44, v7;
	v7 =	vld [tilespmem:s12+$0xFFFFFCC0]  }
0x143: {  	v41 =	vmul.f32 v40, v41;
	v40 =	vld [tilespmem:s2+$0xFFFFFE50]  }
0x144: {  	v3 =	vadd.f32 v3, v5;
	v5 =	vld [tilespmem:s2+$0xFFFFFF20]  }
0x145: {  	[tilespmem:$0x1FF00] =	vst v0;
	v0 =	vld [tilespmem:s12+$0xFFFFFE50]  }
0x146: {  	[tilespmem:$0x1FF10] =	vst v45;
	v45 =	vld [tilespmem:s2+$0xFFFFFF60]  }
0x147: {  	v6 =	vadd.f32 v8, v6;
	v8 =	vld [tilespmem:s12+$0xFFFFFD50]  }
0x148: {  	v10 =	vadd.f32 v11, v10;
	v11 =	vld [tilespmem:s2+$0xFFFFFF10]  }
0x149: {  	v13 =	vadd.f32 v14, v13;
	v14 =	vld [tilespmem:s12+$0xFFFFFD40]  }
0x14a: {  	[tilespmem:$0x1FDE0] =	vst v0;
	v0 =	vld [tilespmem:s2+$0x0]  }
0x14b: {  	v16 =	vadd.f32 v17, v16;
	[tilespmem:$0x1FF20] =	vst v45;
	v45 =	vld [tilespmem:s12+$0xFFFFFD90]  }
0x14c: {  	v17 =	vld [tilespmem:s2+$0xFFFFFF00];
	v10 =	vadd.f32 v10, v13;
	v3 =	vadd.f32 v3, v6  }
0x14d: {  	v6 =	vld [tilespmem:s2+$0xFFFFFEF0]  }
0x14e: {  	v3 =	vadd.f32 v3, v10;
	v10 =	vld [tilespmem:s2+$0xFFFFFEE0]  }
0x14f: {  	v0 =	vmul.f32 v1, v0;
	v1 =	vld [tilespmem:$0x1FDE0]  }
0x150: {  	[tilespmem:$0x1FF60] =	vst v45;
	v45 =	vld [tilespmem:s2+$0xFFFFFF50]  }
0x151: {  	v50 =	vmul.f32 v50, v51;
	v51 =	vmul.f32 v48, v49;
	v48 =	vld [tilespmem:$0x1FDF0]  }
0x152: {  	v44 =	vmul.f32 v60, v61;
	v60 =	vld [tilespmem:$0x1FEB0]  }
0x153: {  	v49 =	vld [tilespmem:$0x1FE00]  }
0x154: {  	v1 =	vmul.f32 v1, v2;
	v2 =	vadd.f32 v51, v50;
	v50 =	vld [tilespmem:$0x1FE10]  }
0x155: {  	[tilespmem:$0x1FF70] =	vst v45;
	v45 =	vld [tilespmem:s12+$0xFFFFFD80]  }
0x156: {  	v51 =	vld [tilespmem:$0x1FE20]  }
0x157: {  	v54 =	vmul.f32 v54, v55;
	v55 =	vmul.f32 v52, v53;
	v52 =	vld [tilespmem:$0x1FE30]  }
0x158: {  	v53 =	vld [tilespmem:$0x1FE40]  }
0x159: {  	v59 =	vmul.f32 v58, v59;
	v58 =	vld [tilespmem:$0x1FE90]  }
0x15a: {  	v61 =	vld [tilespmem:$0x1FEC0];
	[tilespmem:$0x1FF50] =	vst v45;
	v45 =	vmul.f32 v26, v27  }
0x15b: {  	v27 =	vmul.f32 v30, v31;
	v30 =	vmul.f32 v34, v35;
	v34 =	vld [tilespmem:$0x1FDC0]  }
0x15c: {  	v35 =	vld [tilespmem:$0x1FDD0]  }
0x15d: {  	v26 =	vmul.f32 v24, v25;
	v25 =	vld [tilespmem:s2+$0xFFFFFEB0]  }
0x15e: {  	v24 =	vmul.f32 v42, v43;
	v42 =	vmul.f32 v56, v57;
	v56 =	vld [tilespmem:$0x1FE70]  }
0x15f: {  	v57 =	vld [tilespmem:$0x1FE80]  }
0x160: {  	v18 =	vadd.f32 v26, v45;
	v45 =	vld [tilespmem:s12+$0xFFFFFD30]  }
0x161: {  	v26 =	vld [tilespmem:s2+$0xFFFFFEC0]  }
0x162: {  	v31 =	vmul.f32 v32, v33;
	v20 =	vadd.f32 v29, v27;
	v29 =	vld [tilespmem:s12+$0xFFFFFCF0]  }
0x163: {  	v27 =	vld [tilespmem:s12+$0xFFFFFCD0]  }
0x164: {  	v32 =	vadd.f32 v31, v30;
	v31 =	vld [tilespmem:s2+$0xFFFFFE90]  }
0x165: {  	v30 =	vadd.f32 v47, v46;
	v47 =	vadd.f32 v55, v54;
	v54 =	vld [tilespmem:$0x1FE50]  }
0x166: {  	v55 =	vld [tilespmem:$0x1FE60]  }
0x167: {  	v46 =	vadd.f32 v42, v59;
	v59 =	vld [tilespmem:$0x1FEA0]  }
0x168: {  	v16 =	vadd.f32 v16, v18;
	v18 =	vld [tilespmem:s12+$0xFFFFFD20]  }
0x169: {  	v2 =	vadd.f32 v30, v2;
	v30 =	vld [tilespmem:s12+$0xFFFFFCA0]  }
0x16a: {  	v33 =	vadd.f32 v20, v32;
	v20 =	vmul.f32 v38, v39;
	v32 =	vmul.f32 v48, v49;
	v49 =	vld [tilespmem:$0x1FF10]  }
0x16b: {  	v38 =	vmul.f32 v36, v37;
	v36 =	vmul.f32 v52, v53;
	v52 =	vld [tilespmem:$0x1FF40]  }
0x16c: {  	v53 =	vld [tilespmem:s2+$0xFFFFFE30]  }
0x16d: {  	v3 =	vadd.f32 v3, v34;
	v34 =	vld [tilespmem:s2+$0xFFFFFE80]  }
0x16e: {  	v13 =	vadd.f32 v16, v33;
	v16 =	vld [tilespmem:s12+$0xFFFFFD00]  }
0x16f: {  	v33 =	vmul.f32 v50, v51;
	v50 =	vld [tilespmem:$0x1FF20]  }
0x170: {  	v51 =	vld [tilespmem:$0x1FF30]  }
0x171: {  	v20 =	vadd.f32 v38, v20;
	v38 =	vmul.f32 v56, v57;
	v56 =	vld [tilespmem:$0x1FF70]  }
0x172: {  	v57 =	vld [tilespmem:s12+$0xFFFFFC60]  }
0x173: {  	v37 =	vmul.f32 v54, v55;
	v54 =	vld [tilespmem:$0x1FF50]  }
0x174: {  	v24 =	vadd.f32 v41, v24;
	v55 =	vld [tilespmem:$0x1FF60];
	v13 =	vadd.f32 v13, v35  }
0x175: {  	v39 =	vperm.xlane v3, v23;
	v35 =	vld [tilespmem:s12+$0xFFFFFCB0]  }
0x176: {  	v20 =	vadd.f32 v20, v24;
	v24 =	vld [tilespmem:s2+$0xFFFFFE70];
	v43 =	vperm.xlane v13, v23  }
0x177: {  	v3 =	vadd.f32 v3, v39;
	v39 =	vmul.f32 v58, v59;
	v59 =	vld [tilespmem:s2+$0xFFFFFE20]  }
0x178: {  	v2 =	vadd.f32 v20, v2;
	v20 =	vld [tilespmem:s2+$0xFFFFFE60];
	v13 =	vadd.f32 v43, v13;
	v43 =	vmul.f32 v62, v63  }
0x179: {  	v9 =	vmul.f32 v9, v12;
	v5 =	vmul.f32 v15, v5;
	v62 =	vld [tilespmem:$0x1FED0]  }
0x17a: {  	v14 =	vmul.f32 v14, v17;
	v0 =	vadd.f32 v1, v0;
	v63 =	vld [tilespmem:$0x1FEE0];
	v1 =	vadd.f32 v44, v43  }
0x17b: {  	v8 =	vmul.f32 v8, v11;
	v2 =	vadd.f32 v2, v60;
	v4 =	vmul.f32 v54, v4;
	v60 =	vld [tilespmem:s12+$0xFFFFFC50]  }
0x17c: {  	v44 =	vmul.f32 v55, v56;
	v0 =	vadd.f32 v1, v0;
	v1 =	vadd.f32 v47, v46;
	v46 =	vld [tilespmem:$0x1FEF0]  }
0x17d: {  	v5 =	vadd.f32 v9, v5;
	v8 =	vadd.f32 v8, v14;
	v47 =	vld [tilespmem:$0x1FF00]  }
0x17e: {  	v6 =	vmul.f32 v45, v6;
	v45 =	vmul.f32 v27, v31;
	v4 =	vadd.f32 v44, v4;
	v44 =	vld [tilespmem:s2+$0xFFFFFE00]  }
0x17f: {  	v5 =	vadd.f32 v5, v8;
	v41 =	vmul.f32 v61, v62;
	v62 =	vmul.f32 v16, v26;
	v26 =	vld [tilespmem:s12+$0xFFFFFC40]  }
0x180: {  	v32 =	vadd.f32 v33, v32;
	v36 =	vadd.f32 v37, v36;
	v10 =	vmul.f32 v18, v10;
	v61 =	vld [tilespmem:s2+$0xFFFFFE10]  }
0x181: {  	v7 =	vmul.f32 v7, v34;
	v38 =	vadd.f32 v39, v38;
	v0 =	vadd.f32 v1, v0;
	v1 =	vld [tilespmem:s12+$0xFFFFFC90]  }
0x182: {  	v39 =	vld [tilespmem:s12+$0xFFFFFC70];
	v32 =	vadd.f32 v32, v36;
	v15 =	vmul.f32 v57, v59;
	v42 =	vmul.f32 v63, v46  }
0x183: {  	v33 =	vld [tilespmem:s2+$0xFFFFFE40];
	v6 =	vadd.f32 v6, v10;
	v63 =	vmul.f32 v21, v19;
	v46 =	vmul.f32 v30, v20  }
0x184: {  	v43 =	vld [tilespmem:s12+$0xFFFFFC80];
	v0 =	vadd.f32 v0, v47;
	v47 =	vmul.f32 v35, v24;
	v12 =	vmul.f32 v26, v44  }
0x185: {  	v9 =	vmul.f32 v60, v61;
	v48 =	vadd.f32 v42, v41;
	v41 =	vmul.f32 v49, v50  }
0x186: {  	v7 =	vadd.f32 v45, v7;
	v42 =	vmul.f32 v51, v52;
	v1 =	vmul.f32 v1, v40  }
0x187: {  	v16 =	vadd.f32 v63, v62;
	v49 =	vmul.f32 v39, v53;
	v8 =	vadd.f32 v47, v46  }
0x188: {  	v9 =	vadd.f32 v9, v12;
	v58 =	vadd.f32 v42, v41;
	v41 =	vmul.f32 v28, v22  }
0x189: {  	v54 =	vld [tilespmem:s12+$0x40];
	v37 =	vadd.f32 v38, v48;
	v42 =	vmul.f32 v29, v25;
	v48 =	vmul.f32 v43, v33  }
0x18a: {  	v50 =	vld [tilespmem:s12+$0x1C0];
	v52 =	vadd.f32 v49, v15;
	v6 =	vadd.f32 v6, v16  }
0x18b: {  	v51 =	vld [tilespmem:s12+$0x140];
	v18 =	vadd.f32 v42, v41;
	v1 =	vadd.f32 v1, v48  }
0x18c: {  	v53 =	vld [tilespmem:s12+$0xC0];
	v4 =	vadd.f32 v58, v4;
	v9 =	vadd.f32 v52, v9  }
0x18d: {  	v7 =	vadd.f32 v18, v7;
	v1 =	vadd.f32 v8, v1  }
0x18e: {  	v55 =	vadd.f32 v32, v37;
	v4 =	vadd.f32 v4, v5  }
0x18f: {  	v1 =	vadd.f32 v1, v9;
	v6 =	vadd.f32 v6, v7  }
0x190: {  	v56 =	vperm.xlane v2, v23;
	v5 =	vadd.f32 v55, v50;
	v4 =	vadd.f32 v4, v51  }
0x191: {  	v57 =	vperm.xlane v0, v23;
	v1 =	vadd.f32 v1, v54;
	v6 =	vadd.f32 v6, v53  }
0x192: {  	v2 =	vadd.f32 v2, v56;
	v62 =	vld [tilespmem:$0x1FFD0];
	v59 =	vperm.xlane v5, v23;
	v58 =	vperm.xlane v4, v23  }
0x193: {  	v0 =	vadd.f32 v57, v0;
	v60 =	vperm.xlane v1, v23;
	v61 =	vperm.xlane v6, v23  }
0x194: {  	v5 =	vadd.f32 v5, v59;
	v4 =	vadd.f32 v58, v4  }
0x195: {  	v1 =	vadd.f32 v60, v1;
	v6 =	vadd.f32 v6, v61  }
0x196: {  	v3 =	vsel vm0, v13, v3;
	v0 =	vsel vm0, v0, v2  }
0x197: {  	v2 =	vperm.xlane v3, v62;
	v4 =	vsel vm0, v4, v5;
	v1 =	vsel vm0, v1, v6  }
0x198: {  	v7 =	vperm.xlane v4, v62;
	v6 =	vperm.xlane v1, v62  }
0x199: {  	v2 =	vadd.f32 v3, v2  }
0x19a: {  	v3 =	vadd.f32 v4, v7;
	v1 =	vadd.f32 v6, v1;
	_ =	sdelay $0x1  }
0x19b: {  	v63 =	vperm.xlane v0, v62;
	v1 =	vsel vm1, v1, v3;
	v3 =	vld [tilespmem:$0x1FFE0];
	_ =	sdelay $0x1  }
0x19c: {  	v0 =	vadd.f32 v63, v0;
	_ =	sdelay $0x1  }
0x19d: {  	v0 =	vsel vm1, v0, v2  }
0x19e: {  	v2 =	vperm.xlane v1, v3;
	v3 =	vperm.xlane v0, v3;
	_ =	sdelay $0x1  }
0x19f: {  	v0 =	vadd.f32 v0, v3;
	v3 =	vld [tilespmem:$0x1FFF0];
	_ =	sdelay $0x1  }
0x1a0: {  	v1 =	vadd.f32 v2, v1  }
0x1a1: {  	s10 =	sand.u32 $0x3FFFFF00, s10  }
0x1a2: {  	s10 =	sadd.s32 $0x18100, s10;
	v2 =	vimm.f32 $0.0e+00;
	v0 =	vsel vm2, v1, v0  }
0x1a3: {  	s14 =	sand.u32 $0x1, s1;
	v4 =	vmov s10;
	v1 =	vperm.xlane v2, v3;
	v3 =	vperm.xlane v0, v3  }
0x1a4: {  	p1 =	seq.s32 s14, $0x0  }
0x1a5: {  	v1 =	vadd.f32 @!p1 v1, v2;
	v2 =	vadd.f32 @!p1 v0, v3  }
0x1a6: {  	vm4 =	vmmov @!p1 $0xff;
	s10 =	simm.s32 $0x78  }
0x1a7: {  	s10 =	sand.u32 @!p1 $0x70, s10;
	[tilespmem:$0x1FF80] =	vst v4;
	v1 =	vsel @!p1 vm4, v1, v2  }
0x1a8: {  	s11 =	simm.s32 $0x80;
	s12 =	simm.s32 $0x8BC0;
	[tilespmem:v4+s10+$0x0 ss:$0x1] =	vst.idx.msk @!p1 $0xffff, v1;
	p1 =	por p2, p2  }
.LBB2_3:
0x1a9: {  	v1 =	vld [tilespmem:s12+$0x3C0]  }
0x1aa: {  	v39 =	vld [tilespmem:s12+$0x10]  }
0x1ab: {  	v41 =	vld [tilespmem:s12+$0x0]  }
0x1ac: {  	v60 =	vld [tilespmem:s12+$0xFFFFFFE0]  }
0x1ad: {  	v54 =	vld [tilespmem:s12+$0xFFFFFFD0]  }
0x1ae: {  	[tilespmem:$0x1FC40] =	vst v1;
	v1 =	vmov v0;
	v0 =	vld [tilespmem:s12+$0x340]  }
0x1af: {  	v27 =	vld [tilespmem:s12+$0xFFFFFFC0]  }
0x1b0: {  	v31 =	vld [tilespmem:s12+$0xFFFFFFB0]  }
0x1b1: {  	v15 =	vld [tilespmem:s12+$0xFFFFFFA0]  }
0x1b2: {  	v20 =	vld [tilespmem:s12+$0xFFFFFF90]  }
0x1b3: {  	[tilespmem:$0x1FC30] =	vst v0;
	v0 =	vld [tilespmem:s12+$0x2C0]  }
0x1b4: {  	v10 =	vld [tilespmem:s12+$0xFFFFFF80]  }
0x1b5: {  	v14 =	vld [tilespmem:s12+$0xFFFFFF70]  }
0x1b6: {  	v6 =	vld [tilespmem:s12+$0xFFFFFF60]  }
0x1b7: {  	v8 =	vld [tilespmem:s12+$0xFFFFFF50]  }
0x1b8: {  	[tilespmem:$0x1FD80] =	vst v0;
	v0 =	vld [tilespmem:s12+$0x240]  }
0x1b9: {  	v4 =	vld [tilespmem:s12+$0xFFFFFF40]  }
0x1ba: {  	v45 =	vld [tilespmem:s12+$0xFFFFFEC0]  }
0x1bb: {  	v59 =	vld [tilespmem:s12+$0xFFFFFEA0]  }
0x1bc: {  	v49 =	vld [tilespmem:s12+$0xFFFFFE90]  }
0x1bd: {  	[tilespmem:$0x1FD90] =	vst v0;
	v0 =	vld [tilespmem:s12+$0x30]  }
0x1be: {  	v30 =	vld [tilespmem:s12+$0xFFFFFE80]  }
0x1bf: {  	v62 =	vld [tilespmem:s12+$0xFFFFFE70]  }
0x1c0: {  	v19 =	vld [tilespmem:s12+$0xFFFFFE60]  }
0x1c1: {  	s2 =	sadd.s32 $0x400, s2;
	v29 =	vld [tilespmem:s12+$0xFFFFFE50]  }
0x1c2: {  	[tilespmem:$0x1FC00] =	vst v0;
	v0 =	vld [tilespmem:s2+$0x1F0]  }
0x1c3: {  	v13 =	vld [tilespmem:s12+$0xFFFFFE40]  }
0x1c4: {  	v52 =	vld [tilespmem:s12+$0xFFFFFE00]  }
0x1c5: {  	v43 =	vld [tilespmem:s12+$0xFFFFFDF0]  }
0x1c6: {  	v36 =	vld [tilespmem:s12+$0xFFFFFDE0]  }
0x1c7: {  	[tilespmem:$0x1FC10] =	vst v0;
	v0 =	vld [tilespmem:s12+$0xFFFFFFF0]  }
0x1c8: {  	v57 =	vld [tilespmem:s12+$0xFFFFFDD0]  }
0x1c9: {  	v23 =	vld [tilespmem:s12+$0xFFFFFDC0]  }
0x1ca: {  	v56 =	vld [tilespmem:s12+$0xFFFFFDA0]  }
0x1cb: {  	v47 =	vld [tilespmem:s12+$0xFFFFFD90]  }
0x1cc: {  	[tilespmem:$0x1FC20] =	vst v0;
	v0 =	vld [tilespmem:s12+$0xFFFFFF30]  }
0x1cd: {  	v34 =	vld [tilespmem:s2+$0x1E0]  }
0x1ce: {  	v25 =	vld [tilespmem:s2+$0x1D0]  }
0x1cf: {  	v50 =	vld [tilespmem:s2+$0x1C0]  }
0x1d0: {  	v46 =	vld [tilespmem:s2+$0x1B0]  }
0x1d1: {  	[tilespmem:$0x1FC70] =	vst v0;
	v0 =	vld [tilespmem:s2+$0xF0]  }
0x1d2: {  	v32 =	vld [tilespmem:s2+$0x1A0]  }
0x1d3: {  	v63 =	vld [tilespmem:s2+$0x190]  }
0x1d4: {  	v21 =	vld [tilespmem:s2+$0x180]  }
0x1d5: {  	v26 =	vld [tilespmem:s2+$0x170]  }
0x1d6: {  	[tilespmem:$0x1FC80] =	vst v0;
	v0 =	vld [tilespmem:s12+$0xFFFFFF20]  }
0x1d7: {  	v9 =	vld [tilespmem:s2+$0x160]  }
0x1d8: {  	v17 =	vld [tilespmem:s2+$0x150]  }
0x1d9: {  	v5 =	vld [tilespmem:s2+$0x140]  }
0x1da: {  	v12 =	vld [tilespmem:s2+$0x130]  }
0x1db: {  	[tilespmem:$0x1FC50] =	vst v0;
	v0 =	vld [tilespmem:s2+$0xE0]  }
0x1dc: {  	v3 =	vld [tilespmem:s2+$0x120]  }
0x1dd: {  	v7 =	vld [tilespmem:s2+$0x110]  }
0x1de: {  	v2 =	vld [tilespmem:s2+$0x100]  }
0x1df: {  	v40 =	vld [tilespmem:s2+$0xA0]  }
0x1e0: {  	[tilespmem:$0x1FC60] =	vst v0;
	v0 =	vld [tilespmem:s12+$0xFFFFFF10]  }
0x1e1: {  	v53 =	vld [tilespmem:s2+$0x80]  }
0x1e2: {  	v44 =	vld [tilespmem:s2+$0x70]  }
0x1e3: {  	v38 =	vld [tilespmem:s2+$0x60]  }
0x1e4: {  	v58 =	vld [tilespmem:s2+$0x50]  }
0x1e5: {  	[tilespmem:$0x1FCB0] =	vst v0;
	v0 =	vld [tilespmem:s2+$0xD0]  }
0x1e6: {  	v24 =	vld [tilespmem:s2+$0x40]  }
0x1e7: {  	v33 =	vld [tilespmem:s2+$0x30]  }
0x1e8: {  	v16 =	vld [tilespmem:s2+$0x20]  }
0x1e9: {  	v22 =	vld [tilespmem:s2+$0x10]  }
0x1ea: {  	[tilespmem:$0x1FCC0] =	vst v0;
	v0 =	vld [tilespmem:s12+$0xFFFFFF00]  }
0x1eb: {  	v11 =	vld [tilespmem:s2+$0x0]  }
0x1ec: {  	v48 =	vld [tilespmem:s2+$0xFFFFFFE0]  }
0x1ed: {  	v61 =	vld [tilespmem:s2+$0xFFFFFFC0]  }
0x1ee: {  	v51 =	vld [tilespmem:s2+$0xFFFFFFB0]  }
0x1ef: {  	[tilespmem:$0x1FC90] =	vst v0;
	v0 =	vld [tilespmem:s2+$0xC0]  }
0x1f0: {  	v28 =	vld [tilespmem:s2+$0xFFFFFFA0]  }
0x1f1: {  	v37 =	vld [tilespmem:s2+$0xFFFFFF90]  }
0x1f2: {  	v18 =	vld [tilespmem:s2+$0xFFFFFF80]  }
0x1f3: {  	v42 =	vld [tilespmem:s2+$0xFFFFFF70]  }
0x1f4: {  	[tilespmem:$0x1FCA0] =	vst v0;
	v0 =	vld [tilespmem:s12+$0xFFFFFEF0]  }
0x1f5: {  	v35 =	vld [tilespmem:s2+$0xFFFFFF60]  }
0x1f6: {  	v55 =	vld [tilespmem:s2+$0xFFFFFF50]  }
0x1f7: {  	[tilespmem:$0x1FDB0] =	vst v1;
	v1 =	vld [tilespmem:s12+$0x20]  }
0x1f8: {  	v41 =	vmul.f32 v41, v50;
	v50 =	vmul.f32 v39, v25;
	v25 =	vld [tilespmem:s2+$0xFFFFFF40]  }
0x1f9: {  	[tilespmem:$0x1FCE0] =	vst v0;
	v0 =	vld [tilespmem:s2+$0xB0]  }
0x1fa: {  	v60 =	vmul.f32 v60, v32;
	v32 =	vld [tilespmem:s12+$0xFFFFFD70]  }
0x1fb: {  	v27 =	vmul.f32 v27, v21;
	v21 =	vld [tilespmem:s2+$0xFFFFFF30]  }
0x1fc: {  	v15 =	vmul.f32 v15, v9;
	v9 =	vld [tilespmem:s12+$0xFFFFFD60]  }
0x1fd: {  	v10 =	vmul.f32 v10, v5;
	v5 =	vld [tilespmem:s2+$0xFFFFFF20]  }
0x1fe: {  	[tilespmem:$0x1FCF0] =	vst v0;
	v0 =	vld [tilespmem:s12+$0xFFFFFEE0]  }
0x1ff: {  	v6 =	vmul.f32 v6, v3;
	v3 =	vld [tilespmem:s12+$0xFFFFFD50]  }
0x200: {  	v26 =	vmul.f32 v31, v26;
	v31 =	vmul.f32 v8, v7;
	v8 =	vld [tilespmem:s2+$0xFFFFFEF0]  }
0x201: {  	v2 =	vmul.f32 v4, v2;
	v4 =	vld [tilespmem:s2+$0xFFFFFEE0]  }
0x202: {  	v11 =	vmul.f32 v13, v11;
	v13 =	vld [tilespmem:s2+$0xFFFFFE50]  }
0x203: {  	v12 =	vmul.f32 v14, v12;
	[tilespmem:$0x1FCD0] =	vst v0;
	v0 =	vld [tilespmem:s12+$0xFFFFFED0]  }
0x204: {  	v35 =	vmul.f32 v56, v35;
	v56 =	vld [tilespmem:s12+$0xFFFFFC60]  }
0x205: {  	v17 =	vmul.f32 v20, v17;
	v20 =	vadd.f32 v50, v41;
	v50 =	vadd.f32 v12, v6;
	v6 =	vld [tilespmem:s2+$0xFFFFFF00]  }
0x206: {  	v39 =	vld [tilespmem:$0x1FC20]  }
0x207: {  	v12 =	vld [tilespmem:s12+$0xFFFFFD30]  }
0x208: {  	[tilespmem:$0x1FD00] =	vst v0;
	v0 =	vld [tilespmem:s2+$0x90]  }
0x209: {  	v41 =	vadd.f32 v17, v10;
	v10 =	vld [tilespmem:s12+$0xFFFFFD20]  }
0x20a: {  	v54 =	vmul.f32 v54, v63;
	v17 =	vld [tilespmem:s2+$0xFFFFFED0]  }
0x20b: {  	v1 =	vmul.f32 v1, v34;
	v34 =	vld [tilespmem:$0x1FC10];
	v46 =	vmul.f32 v39, v46  }
0x20c: {  	v39 =	vadd.f32 v54, v27;
	v27 =	vld [tilespmem:s2+$0xFFFFFEC0]  }
0x20d: {  	v63 =	vadd.f32 v46, v60;
	[tilespmem:$0x1FD10] =	vst v0;
	v0 =	vld [tilespmem:s12+$0xFFFFFEB0]  }
0x20e: {  	v2 =	vadd.f32 v31, v2;
	v46 =	vadd.f32 v26, v15;
	v60 =	vld [tilespmem:$0x1FC30]  }
0x20f: {  	v7 =	vadd.f32 v63, v39;
	v63 =	vld [tilespmem:$0x1FC50]  }
0x210: {  	v2 =	vadd.f32 v50, v2;
	v54 =	vadd.f32 v46, v41;
	v46 =	vld [tilespmem:$0x1FC60]  }
0x211: {  	v50 =	vld [tilespmem:$0x1FC70]  }
0x212: {  	v2 =	vadd.f32 v54, v2;
	[tilespmem:$0x1FD20] =	vst v0;
	v0 =	vld [tilespmem:s12+$0xFFFFFE30]  }
0x213: {  	v54 =	vld [tilespmem:$0x1FC80]  }
0x214: {  	v14 =	vadd.f32 v2, v60;
	v60 =	vld [tilespmem:$0x1FC90]  }
0x215: {  	v31 =	vmul.f32 v63, v46;
	v63 =	vld [tilespmem:$0x1FCA0]  }
0x216: {  	v15 =	vld [tilespmem:s12+$0xFFFFFD40]  }
0x217: {  	[tilespmem:$0x1FD40] =	vst v0;
	v0 =	vld [tilespmem:s2+$0xFFFFFFF0]  }
0x218: {  	v41 =	vmul.f32 v50, v54;
	v54 =	vld [tilespmem:$0x1FCB0]  }
0x219: {  	v39 =	vld [tilespmem:$0x1FCC0]  }
0x21a: {  	v50 =	vmul.f32 v60, v63;
	v63 =	vld [tilespmem:$0x1FCD0]  }
0x21b: {  	v2 =	vld [tilespmem:$0x1FC40]  }
0x21c: {  	[tilespmem:$0x1FD50] =	vst v0;
	v0 =	vld [tilespmem:s12+$0xFFFFFE20]  }
0x21d: {  	v46 =	vld [tilespmem:s12+$0xFFFFFCF0]  }
0x21e: {  	v54 =	vmul.f32 v54, v39;
	v39 =	vld [tilespmem:$0x1FCF0]  }
0x21f: {  	v40 =	vmul.f32 v63, v40;
	v63 =	vld [tilespmem:$0x1FCE0]  }
0x220: {  	v31 =	vadd.f32 v41, v31;
	v41 =	vld [tilespmem:s12+$0xFFFFFCD0]  }
0x221: {  	[tilespmem:$0x1FD30] =	vst v0;
	v0 =	vld [tilespmem:s12+$0xFFFFFE10]  }
0x222: {  	v60 =	vld [tilespmem:s2+$0xFFFFFEB0]  }
0x223: {  	v38 =	vmul.f32 v59, v38;
	v59 =	vld [tilespmem:$0x1FD20]  }
0x224: {  	v63 =	vmul.f32 v63, v39;
	v39 =	vld [tilespmem:$0x1FD00]  }
0x225: {  	v45 =	vmul.f32 v45, v53;
	v53 =	vld [tilespmem:$0x1FD10]  }
0x226: {  	[tilespmem:$0x1FD60] =	vst v0;
	v0 =	vld [tilespmem:s2+$0xFFFFFFD0]  }
0x227: {  	v58 =	vmul.f32 v49, v58;
	v49 =	vadd.f32 v54, v50;
	v50 =	vld [tilespmem:s2+$0xFFFFFE90]  }
0x228: {  	v44 =	vmul.f32 v59, v44;
	v59 =	vmul.f32 v62, v33;
	v62 =	vadd.f32 v63, v40;
	v40 =	vld [tilespmem:s12+$0xFFFFFCC0]  }
0x229: {  	v63 =	vmul.f32 v29, v22;
	v29 =	vld [tilespmem:s2+$0xFFFFFE80]  }
0x22a: {  	v53 =	vmul.f32 v39, v53;
	v22 =	vld [tilespmem:s12+$0xFFFFFC90]  }
0x22b: {  	v24 =	vmul.f32 v30, v24;
	v16 =	vmul.f32 v19, v16;
	[tilespmem:$0x1FD70] =	vst v0;
	v0 =	vld [tilespmem:s12+$0xFFFFFDB0]  }
0x22c: {  	v53 =	vadd.f32 v53, v45;
	v54 =	vadd.f32 v44, v38;
	v38 =	vld [tilespmem:s12+$0xFFFFFCB0]  }
0x22d: {  	v24 =	vadd.f32 v58, v24;
	v58 =	vadd.f32 v59, v16;
	v16 =	vld [tilespmem:s2+$0xFFFFFE70]  }
0x22e: {  	v59 =	vadd.f32 v62, v53;
	v62 =	vadd.f32 v31, v49;
	v31 =	vld [tilespmem:s12+$0xFFFFFCA0]  }
0x22f: {  	v53 =	vld [tilespmem:$0x1FD40]  }
0x230: {  	v11 =	vadd.f32 v63, v11;
	[tilespmem:$0x1FDA0] =	vst v0;
	v0 =	vld [tilespmem:$0x1FC00]  }
0x231: {  	v63 =	vadd.f32 v54, v24;
	v24 =	vld [tilespmem:s2+$0xFFFFFE60]  }
0x232: {  	v11 =	vadd.f32 v58, v11;
	v19 =	vadd.f32 v62, v59;
	v62 =	vmul.f32 v43, v51;
	v43 =	vld [tilespmem:s12+$0xFFFFFC80]  }
0x233: {  	v54 =	vld [tilespmem:$0x1FD50]  }
0x234: {  	v28 =	vmul.f32 v36, v28;
	v11 =	vadd.f32 v63, v11;
	v63 =	vld [tilespmem:$0x1FD80]  }
0x235: {  	v51 =	vld [tilespmem:s12+$0xFFFFFC70];
	v0 =	vmul.f32 v0, v34  }
0x236: {  	v58 =	vmul.f32 v52, v61;
	v52 =	vadd.f32 v62, v28;
	v62 =	vld [tilespmem:s12+$0xFFFFFC50]  }
0x237: {  	v49 =	vld [tilespmem:$0x1FD30];
	v1 =	vadd.f32 v0, v1  }
0x238: {  	v33 =	vmul.f32 v53, v54;
	v53 =	vld [tilespmem:s2+$0xFFFFFE30]  }
0x239: {  	v19 =	vadd.f32 v19, v63;
	v63 =	vld [tilespmem:s2+$0xFFFFFE10];
	v1 =	vadd.f32 v1, v20  }
0x23a: {  	v59 =	vld [tilespmem:$0x1FD60]  }
0x23b: {  	v61 =	vld [tilespmem:$0x1FD70];
	v1 =	vadd.f32 v1, v7  }
0x23c: {  	v54 =	vld [tilespmem:$0x1FDA0]  }
0x23d: {  	v18 =	vmul.f32 v23, v18;
	v5 =	vmul.f32 v9, v5;
	v1 =	vadd.f32 v1, v2;
	v2 =	vld [tilespmem:$0x1FFC0]  }
0x23e: {  	v4 =	vmul.f32 v10, v4;
	v30 =	vmul.f32 v49, v48;
	v48 =	vld [tilespmem:$0x1FD90]  }
0x23f: {  	v8 =	vmul.f32 v12, v8;
	v6 =	vmul.f32 v15, v6;
	v49 =	vld [tilespmem:s2+$0xFFFFFE40]  }
0x240: {  	v41 =	vmul.f32 v41, v50;
	v45 =	vmul.f32 v57, v37;
	v34 =	vld [tilespmem:s12+$0xFFFFFD80]  }
0x241: {  	v57 =	vmul.f32 v47, v55;
	v44 =	vmul.f32 v59, v61;
	v0 =	vld [tilespmem:s2+$0xFFFFFF10]  }
0x242: {  	v4 =	vadd.f32 v8, v4;
	v36 =	vmul.f32 v54, v42;
	v26 =	vperm.xlane v14, v2;
	v2 =	vld [tilespmem:$0x1FFC0]  }
0x243: {  	v18 =	vadd.f32 v45, v18;
	v40 =	vmul.f32 v40, v29;
	v39 =	vadd.f32 v44, v58;
	v58 =	vld [tilespmem:s2+$0xFFFFFE20]  }
0x244: {  	v13 =	vmul.f32 v22, v13;
	v16 =	vmul.f32 v38, v16;
	v61 =	vadd.f32 v36, v35;
	v35 =	vld [tilespmem:s2+$0xFFFFFE00]  }
0x245: {  	v18 =	vadd.f32 v52, v18;
	v30 =	vadd.f32 v33, v30;
	v20 =	vld [tilespmem:s12+$0xFFFFFD00];
	v25 =	vmul.f32 v34, v25  }
0x246: {  	v11 =	vadd.f32 v11, v48;
	v48 =	vadd.f32 v41, v40;
	v59 =	vmul.f32 v32, v21;
	v7 =	vld [tilespmem:s12+$0xFFFFFD10]  }
0x247: {  	v0 =	vmul.f32 v3, v0;
	v3 =	vadd.f32 v57, v25;
	v25 =	vld [tilespmem:s12+$0xFFFFFC40];
	v2 =	vperm.xlane v1, v2  }
0x248: {  	v47 =	vmul.f32 v62, v63;
	v5 =	vadd.f32 v59, v5;
	v14 =	vadd.f32 v26, v14;
	v26 =	vld [tilespmem:s2+$0xFFFFFEA0]  }
0x249: {  	v44 =	vmul.f32 v43, v49;
	v36 =	vmul.f32 v46, v60;
	v2 =	vadd.f32 v1, v2;
	v1 =	vld [tilespmem:s12+$0xFFFFFCE0]  }
0x24a: {  	v30 =	vadd.f32 v30, v39;
	v45 =	vmul.f32 v56, v58;
	v46 =	vmul.f32 v51, v53  }
0x24b: {  	v8 =	vadd.f32 v13, v44;
	v42 =	vmul.f32 v31, v24;
	v0 =	vadd.f32 v0, v6  }
0x24c: {  	v51 =	vadd.f32 v46, v45;
	v34 =	vmul.f32 v20, v27;
	v7 =	vmul.f32 v7, v17  }
0x24d: {  	v50 =	vld [tilespmem:s12+$0x140];
	v0 =	vadd.f32 v5, v0;
	v5 =	vadd.f32 v16, v42;
	v6 =	vmul.f32 v25, v35  }
0x24e: {  	v49 =	vld [tilespmem:s12+$0x1C0];
	v3 =	vadd.f32 v61, v3;
	v7 =	vadd.f32 v7, v34;
	v1 =	vmul.f32 v1, v26  }
0x24f: {  	v54 =	vld [tilespmem:$0x1FFC0];
	v5 =	vadd.f32 v5, v8;
	v6 =	vadd.f32 v47, v6  }
0x250: {  	v53 =	vld [tilespmem:s12+$0x40];
	v0 =	vadd.f32 v3, v0;
	v1 =	vadd.f32 v36, v1  }
0x251: {  	v52 =	vld [tilespmem:s12+$0xC0];
	v3 =	vadd.f32 v30, v18;
	v6 =	vadd.f32 v51, v6  }
0x252: {  	v4 =	vadd.f32 v4, v7;
	v1 =	vadd.f32 v1, v48  }
0x253: {  	v0 =	vadd.f32 v0, v50;
	v5 =	vadd.f32 v5, v6  }
0x254: {  	v3 =	vadd.f32 v3, v49;
	v1 =	vadd.f32 v4, v1  }
0x255: {  	v55 =	vperm.xlane v19, v54;
	v5 =	vadd.f32 v5, v53  }
0x256: {  	v60 =	vld [tilespmem:$0x1FFD0];
	v57 =	vperm.xlane v0, v54;
	v58 =	vperm.xlane v3, v54;
	v1 =	vadd.f32 v1, v52  }
0x257: {  	v56 =	vperm.xlane v11, v54;
	v59 =	vperm.xlane v5, v54  }
0x258: {  	v0 =	vadd.f32 v57, v0;
	v3 =	vadd.f32 v3, v58;
	v10 =	vperm.xlane v1, v54  }
0x259: {  	v6 =	vadd.f32 v56, v11;
	v5 =	vadd.f32 v59, v5  }
0x25a: {  	v0 =	vsel vm0, v0, v3;
	v4 =	vadd.f32 v19, v55;
	v1 =	vadd.f32 v1, v10  }
0x25b: {  	v2 =	vsel vm0, v14, v2;
	v7 =	vperm.xlane v0, v60  }
0x25c: {  	v61 =	vperm.xlane v2, v60;
	v4 =	vsel vm0, v6, v4;
	v1 =	vsel vm0, v5, v1  }
0x25d: {  	v62 =	vld [tilespmem:$0x1FFE0];
	v3 =	vperm.xlane v4, v60;
	v5 =	vperm.xlane v1, v60  }
0x25e: {  	v0 =	vadd.f32 v0, v7;
	v2 =	vadd.f32 v2, v61  }
0x25f: {  	v3 =	vadd.f32 v3, v4;
	v1 =	vadd.f32 v5, v1;
	_ =	sdelay $0x1  }
0x260: {  	v0 =	vsel vm1, v1, v0;
	v1 =	vsel vm1, v3, v2  }
0x261: {  	v3 =	vperm.xlane v1, v62  }
0x262: {  	v63 =	vld [tilespmem:$0x1FFF0]  }
0x263: {  	v2 =	vperm.xlane v0, v62;
	v1 =	vadd.f32 v1, v3;
	v3 =	vld [tilespmem:$0x1FDB0];
	_ =	sdelay $0x1  }
0x264: {  	v0 =	vadd.f32 v2, v0;
	_ =	sdelay $0x1  }
0x265: {  	s1 =	sadd.s32 $0x1, s1;
	v0 =	vsel vm2, v0, v1  }
0x266: {  	s14 =	sand.u32 $0x1, s1;
	v2 =	vperm.xlane v0, v63;
	v1 =	vperm.xlane v3, v63  }
0x267: {  	p3 =	seq.s32 s14, $0x0  }
0x268: {  	v2 =	vadd.f32 @!p3 v0, v2;
	v1 =	vadd.f32 @!p3 v1, v3  }
0x269: {  	vm4 =	vmmov @!p3 $0xff  }
0x26a: {  	v1 =	vsel @!p3 vm4, v1, v2;
	v2 =	vld [tilespmem:$0x1FF80];
	_ =	sdelay $0x1  }
0x26b: {  	s10 =	smov.u32 s11;
	s11 =	sadd.s32 $0x8, s11  }
0x26c: {  	p2 =	sne.s32 s11, $0xF8  }
.Ltmp2:
0x26d: {  	_ = 	snop;
	(pc) =	sbr.rel @p2 .LBB2_3-.Ltmp2, $3  }
0x26e: {  	_ =	sdelay $0x1  }
0x26f: {  	s10 =	sand.u32 @!p3 $0x70, s10  }
0x270: {  	s12 =	sadd.s32 $0x800, s12;
	[tilespmem:v2+s10+$0x0 ss:$0x1] =	vst.idx.msk @!p3 $0xffff, v1  }
.Ltmp3:
0x271: {  	(pc) =	sbr.rel @!p1 .LBB2_6-.Ltmp3, $1  }
0x272: {  	_ =	sdelay $0x3  }
0x273: {  	s1 =	rddreg [dreg:$0xa];
	s2 =	simm.s32 $0x18000  }
0x274: {  	[tilespmem:s2], [sflag:$0x6] =	stream.linear.gather [hbm4b:s1+s5], $0x80, $0x38;
	[tilespmem:$0x1C380] =	vst v63  }
0x275: {  	_ =	swait.ge [sflag:s19], $0x80  }
0x276: {  	[sflag:s19] =	ssyncset.done $0x0  }
0x277: {  	s12 =	rddreg [dreg:$0xb];
	[sflag:s19] =	ssyncadd.s32 $0xFFFFFF80  }
0x278: {  	[tilespmem:s5], [sflag:$0x1] =	stream.linear.gather [hbm4b:s12+s5], $0x4000, $0x38;
	[tilespmem:$0x1C380] =	vst v63  }
0x279: {  	v0 =	vld [tilespmem:$0x18000];
	_ =	sdelay $0x2  }
0x27a: {  	v2 =	vld [tilespmem:$0x1FF90]  }
0x27b: {  	v3 =	vld [tilespmem:$0x1FFA0]  }
0x27c: {  	v4 =	vld [tilespmem:$0x1FFB0];
	v1 =	vshll.u32 v0, $0x1  }
0x27d: {  	v0 =	vand.u32 $0x7, v0;
	v1 =	vand.u32 $0xFFFFFFF0, v1  }
0x27e: {  	v0 =	vor.u32 v0, v1  }
0x27f: {  	v1 =	vperm.xlane v0, v2;
	_ =	sdelay $0x1  }
0x280: {  	v0 =	vperm.xlane v0, v4;
	v1 =	vadd.s32 v3, v1;
	_ =	sdelay $0x1  }
0x281: {  	v0 =	vadd.s32 v3, v0;
	_ =	sdelay $0x1  }
0x282: {  	s14 =	simm.s32 $0x8000  }
0x283: {  	[tilespmem:s14], [sflag:$0x3] =	stream.indirect_vreg.gather [hbm4b:s3+s5], $0x80, v1, vm3, $0xb8;
	[tilespmem:$0x1C380] =	vst v63  }
0x284: {  	s2 =	simm.s32 $0x8800  }
0x285: {  	[tilespmem:s2], [sflag:$0x3] =	stream.indirect_vreg.gather [hbm4b:s3+s5], $0x80, v0, vm3, $0xb8;
	[tilespmem:$0x1C380] =	vst v63  }
0x286: {  	v0 =	vld [tilespmem:$0x18010];
	_ =	sdelay $0x4  }
0x287: {  	v57 =	vshll.u32 v0, $0x1  }
0x288: {  	v0 =	vand.u32 $0x7, v0;
	v1 =	vand.u32 $0xFFFFFFF0, v57  }
0x289: {  	v0 =	vor.u32 v0, v1  }
0x28a: {  	v1 =	vperm.xlane v0, v2;
	_ =	sdelay $0x1  }
0x28b: {  	v0 =	vperm.xlane v0, v4;
	v1 =	vadd.s32 v3, v1;
	_ =	sdelay $0x1  }
0x28c: {  	v0 =	vadd.s32 v3, v0;
	_ =	sdelay $0x1  }
0x28d: {  	s10 =	simm.s32 $0x9000  }
0x28e: {  	[tilespmem:s10], [sflag:$0x3] =	stream.indirect_vreg.gather [hbm4b:s3+s5], $0x80, v1, vm3, $0xb8;
	[tilespmem:$0x1C380] =	vst v63  }
0x28f: {  	s11 =	simm.s32 $0x9800  }
0x290: {  	[tilespmem:s11], [sflag:$0x3] =	stream.indirect_vreg.gather [hbm4b:s3+s5], $0x80, v0, vm3, $0xb8;
	[tilespmem:$0x1C380] =	vst v63  }
0x291: {  	v0 =	vld [tilespmem:$0x18020];
	_ =	sdelay $0x4  }
0x292: {  	v58 =	vshll.u32 v0, $0x1  }
0x293: {  	v0 =	vand.u32 $0x7, v0;
	v1 =	vand.u32 $0xFFFFFFF0, v58  }
0x294: {  	v0 =	vor.u32 v0, v1  }
0x295: {  	v1 =	vperm.xlane v0, v2;
	_ =	sdelay $0x1  }
0x296: {  	v0 =	vperm.xlane v0, v4;
	v1 =	vadd.s32 v3, v1;
	_ =	sdelay $0x1  }
0x297: {  	v0 =	vadd.s32 v3, v0;
	_ =	sdelay $0x1  }
0x298: {  	s12 =	simm.s32 $0xA000  }
0x299: {  	[tilespmem:s12], [sflag:$0x3] =	stream.indirect_vreg.gather [hbm4b:s3+s5], $0x80, v1, vm3, $0xb8;
	[tilespmem:$0x1C380] =	vst v63  }
0x29a: {  	s14 =	simm.s32 $0xA800  }
0x29b: {  	[tilespmem:s14], [sflag:$0x3] =	stream.indirect_vreg.gather [hbm4b:s3+s5], $0x80, v0, vm3, $0xb8;
	[tilespmem:$0x1C380] =	vst v63  }
0x29c: {  	v0 =	vld [tilespmem:$0x18030];
	_ =	sdelay $0x4  }
0x29d: {  	v59 =	vshll.u32 v0, $0x1  }
0x29e: {  	v0 =	vand.u32 $0x7, v0;
	v1 =	vand.u32 $0xFFFFFFF0, v59  }
0x29f: {  	v0 =	vor.u32 v0, v1  }
0x2a0: {  	v1 =	vperm.xlane v0, v2;
	_ =	sdelay $0x1  }
0x2a1: {  	v0 =	vperm.xlane v0, v4;
	v1 =	vadd.s32 v3, v1;
	_ =	sdelay $0x1  }
0x2a2: {  	v0 =	vadd.s32 v3, v0;
	_ =	sdelay $0x1  }
0x2a3: {  	s2 =	simm.s32 $0xB000  }
0x2a4: {  	[tilespmem:s2], [sflag:$0x3] =	stream.indirect_vreg.gather [hbm4b:s3+s5], $0x80, v1, vm3, $0xb8;
	[tilespmem:$0x1C380] =	vst v63  }
0x2a5: {  	s10 =	simm.s32 $0xB800  }
0x2a6: {  	[tilespmem:s10], [sflag:$0x3] =	stream.indirect_vreg.gather [hbm4b:s3+s5], $0x80, v0, vm3, $0xb8;
	[tilespmem:$0x1C380] =	vst v63  }
0x2a7: {  	v0 =	vld [tilespmem:$0x18040];
	_ =	sdelay $0x4  }
0x2a8: {  	v60 =	vshll.u32 v0, $0x1  }
0x2a9: {  	v0 =	vand.u32 $0x7, v0;
	v1 =	vand.u32 $0xFFFFFFF0, v60  }
0x2aa: {  	v0 =	vor.u32 v0, v1  }
0x2ab: {  	v1 =	vperm.xlane v0, v2;
	_ =	sdelay $0x1  }
0x2ac: {  	v0 =	vperm.xlane v0, v4;
	v1 =	vadd.s32 v3, v1;
	_ =	sdelay $0x1  }
0x2ad: {  	v0 =	vadd.s32 v3, v0;
	_ =	sdelay $0x1  }
0x2ae: {  	s11 =	simm.s32 $0xC000  }
0x2af: {  	[tilespmem:s11], [sflag:$0x3] =	stream.indirect_vreg.gather [hbm4b:s3+s5], $0x80, v1, vm3, $0xb8;
	[tilespmem:$0x1C380] =	vst v63  }
0x2b0: {  	s12 =	simm.s32 $0xC800  }
0x2b1: {  	[tilespmem:s12], [sflag:$0x3] =	stream.indirect_vreg.gather [hbm4b:s3+s5], $0x80, v0, vm3, $0xb8;
	[tilespmem:$0x1C380] =	vst v63  }
0x2b2: {  	v0 =	vld [tilespmem:$0x18050];
	_ =	sdelay $0x4  }
0x2b3: {  	v61 =	vshll.u32 v0, $0x1  }
0x2b4: {  	v0 =	vand.u32 $0x7, v0;
	v1 =	vand.u32 $0xFFFFFFF0, v61  }
0x2b5: {  	v0 =	vor.u32 v0, v1  }
0x2b6: {  	v1 =	vperm.xlane v0, v2;
	_ =	sdelay $0x1  }
0x2b7: {  	v0 =	vperm.xlane v0, v4;
	v1 =	vadd.s32 v3, v1;
	_ =	sdelay $0x1  }
0x2b8: {  	v0 =	vadd.s32 v3, v0;
	_ =	sdelay $0x1  }
0x2b9: {  	s14 =	simm.s32 $0xD000  }
0x2ba: {  	[tilespmem:s14], [sflag:$0x3] =	stream.indirect_vreg.gather [hbm4b:s3+s5], $0x80, v1, vm3, $0xb8;
	[tilespmem:$0x1C380] =	vst v63  }
0x2bb: {  	s2 =	simm.s32 $0xD800  }
0x2bc: {  	[tilespmem:s2], [sflag:$0x3] =	stream.indirect_vreg.gather [hbm4b:s3+s5], $0x80, v0, vm3, $0xb8;
	[tilespmem:$0x1C380] =	vst v63  }
0x2bd: {  	v0 =	vld [tilespmem:$0x18060];
	_ =	sdelay $0x4  }
0x2be: {  	v62 =	vshll.u32 v0, $0x1  }
0x2bf: {  	v0 =	vand.u32 $0x7, v0;
	v1 =	vand.u32 $0xFFFFFFF0, v62  }
0x2c0: {  	v0 =	vor.u32 v0, v1  }
0x2c1: {  	v1 =	vperm.xlane v0, v2;
	_ =	sdelay $0x1  }
0x2c2: {  	v0 =	vperm.xlane v0, v4;
	v1 =	vadd.s32 v3, v1;
	_ =	sdelay $0x1  }
0x2c3: {  	v0 =	vadd.s32 v3, v0;
	_ =	sdelay $0x1  }
0x2c4: {  	s10 =	simm.s32 $0xE000  }
0x2c5: {  	[tilespmem:s10], [sflag:$0x3] =	stream.indirect_vreg.gather [hbm4b:s3+s5], $0x80, v1, vm3, $0xb8;
	[tilespmem:$0x1C380] =	vst v63  }
0x2c6: {  	s11 =	simm.s32 $0xE800  }
0x2c7: {  	[tilespmem:s11], [sflag:$0x3] =	stream.indirect_vreg.gather [hbm4b:s3+s5], $0x80, v0, vm3, $0xb8;
	[tilespmem:$0x1C380] =	vst v63  }
0x2c8: {  	v0 =	vld [tilespmem:$0x18070];
	_ =	sdelay $0x4  }
0x2c9: {  	v63 =	vshll.u32 v0, $0x1  }
0x2ca: {  	v0 =	vand.u32 $0x7, v0;
	v1 =	vand.u32 $0xFFFFFFF0, v63  }
0x2cb: {  	v0 =	vor.u32 v0, v1  }
0x2cc: {  	v1 =	vperm.xlane v0, v2;
	_ =	sdelay $0x1  }
0x2cd: {  	v0 =	vperm.xlane v0, v4;
	v1 =	vadd.s32 v3, v1;
	_ =	sdelay $0x1  }
0x2ce: {  	v0 =	vadd.s32 v3, v0;
	_ =	sdelay $0x1  }
0x2cf: {  	s12 =	simm.s32 $0xF000  }
0x2d0: {  	[tilespmem:s12], [sflag:$0x3] =	stream.indirect_vreg.gather [hbm4b:s3+s5], $0x80, v1, vm3, $0xb8;
	[tilespmem:$0x1C380] =	vst v63  }
0x2d1: {  	s14 =	simm.s32 $0xF800  }
0x2d2: {  	[tilespmem:s14], [sflag:$0x3] =	stream.indirect_vreg.gather [hbm4b:s3+s5], $0x80, v0, vm3, $0xb8;
	[tilespmem:$0x1C380] =	vst v63  }
.LBB2_6:
0x2d3: {  	_ =	swait.ge [sflag:s6], $0x4000  }
0x2d4: {  	[sflag:s6] =	ssyncset.done $0x0  }
0x2d5: {  	[sflag:s6] =	ssyncadd.s32 $0xFFFFC000  }
0x2d6: {  	_ =	swait.ge [sflag:s7], $0x8000  }
0x2d7: {  	[sflag:s7] =	ssyncset.done $0x0  }
0x2d8: {  	s2 =	simm.s32 $0x103C0;
	[sflag:s7] =	ssyncadd.s32 $0xFFFF8000  }
0x2d9: {  	v0 =	vld [tilespmem:s2+$0x3C0]  }
0x2da: {  	s1 =	simm.s32 $0x4200;
	v3 =	vld [tilespmem:s2+$0x30]  }
0x2db: {  	v4 =	vld [tilespmem:s1+$0x1F0]  }
0x2dc: {  	v5 =	vld [tilespmem:s2+$0x20]  }
0x2dd: {  	v6 =	vld [tilespmem:s1+$0x1E0]  }
0x2de: {  	v8 =	vld [tilespmem:s2+$0x10]  }
0x2df: {  	v9 =	vld [tilespmem:s1+$0x1D0]  }
0x2e0: {  	v10 =	vld [tilespmem:s2+$0x0]  }
0x2e1: {  	v11 =	vld [tilespmem:s1+$0x1C0]  }
0x2e2: {  	v12 =	vld [tilespmem:s2+$0xFFFFFFF0]  }
0x2e3: {  	v13 =	vld [tilespmem:s1+$0x1B0]  }
0x2e4: {  	v14 =	vld [tilespmem:s2+$0xFFFFFFE0]  }
0x2e5: {  	v15 =	vld [tilespmem:s1+$0x1A0]  }
0x2e6: {  	v16 =	vld [tilespmem:s2+$0xFFFFFFD0]  }
0x2e7: {  	v17 =	vld [tilespmem:s1+$0x190]  }
0x2e8: {  	v18 =	vld [tilespmem:s2+$0xFFFFFFC0]  }
0x2e9: {  	v19 =	vld [tilespmem:s1+$0x180]  }
0x2ea: {  	v20 =	vld [tilespmem:s2+$0xFFFFFFB0]  }
0x2eb: {  	v21 =	vld [tilespmem:s1+$0x170]  }
0x2ec: {  	v22 =	vld [tilespmem:s2+$0xFFFFFFA0]  }
0x2ed: {  	v23 =	vld [tilespmem:s1+$0x160]  }
0x2ee: {  	v24 =	vld [tilespmem:s2+$0xFFFFFF90]  }
0x2ef: {  	v25 =	vld [tilespmem:s1+$0x150]  }
0x2f0: {  	v26 =	vld [tilespmem:s2+$0xFFFFFF80]  }
0x2f1: {  	v27 =	vld [tilespmem:s1+$0x140]  }
0x2f2: {  	v28 =	vld [tilespmem:s2+$0xFFFFFF70]  }
0x2f3: {  	v29 =	vld [tilespmem:s1+$0x130]  }
0x2f4: {  	v30 =	vld [tilespmem:s2+$0xFFFFFF60]  }
0x2f5: {  	v7 =	vld [tilespmem:s2+$0xFFFFFE30]  }
0x2f6: {  	v31 =	vld [tilespmem:s1+$0x120]  }
0x2f7: {  	v32 =	vld [tilespmem:s2+$0xFFFFFF50]  }
0x2f8: {  	v33 =	vld [tilespmem:s1+$0x110]  }
0x2f9: {  	v34 =	vld [tilespmem:s2+$0xFFFFFF40]  }
0x2fa: {  	[tilespmem:$0x1FA80] =	vst v7;
	v7 =	vld [tilespmem:s1+$0xFFFFFFF0]  }
0x2fb: {  	v35 =	vld [tilespmem:s1+$0x100]  }
0x2fc: {  	v36 =	vld [tilespmem:s2+$0xFFFFFF30]  }
0x2fd: {  	v37 =	vld [tilespmem:s1+$0xF0]  }
0x2fe: {  	v38 =	vld [tilespmem:s2+$0xFFFFFF20]  }
0x2ff: {  	[tilespmem:$0x1FA90] =	vst v7;
	v7 =	vld [tilespmem:s2+$0xFFFFFE20]  }
0x300: {  	v39 =	vld [tilespmem:s1+$0xE0]  }
0x301: {  	v40 =	vld [tilespmem:s2+$0xFFFFFF10]  }
0x302: {  	v41 =	vld [tilespmem:s1+$0xD0]  }
0x303: {  	v42 =	vld [tilespmem:s2+$0xFFFFFF00]  }
0x304: {  	[tilespmem:$0x1FA60] =	vst v7;
	v7 =	vld [tilespmem:s1+$0xFFFFFFE0]  }
0x305: {  	v43 =	vld [tilespmem:s1+$0xC0]  }
0x306: {  	v44 =	vld [tilespmem:s2+$0xFFFFFEF0]  }
0x307: {  	v45 =	vld [tilespmem:s1+$0xB0]  }
0x308: {  	v46 =	vld [tilespmem:s2+$0xFFFFFEE0]  }
0x309: {  	[tilespmem:$0x1FA70] =	vst v7;
	v7 =	vld [tilespmem:s2+$0xFFFFFE10]  }
0x30a: {  	v47 =	vld [tilespmem:s1+$0xA0]  }
0x30b: {  	v48 =	vld [tilespmem:s2+$0xFFFFFED0]  }
0x30c: {  	v49 =	vld [tilespmem:s1+$0x90]  }
0x30d: {  	v50 =	vld [tilespmem:s2+$0xFFFFFEC0]  }
0x30e: {  	[tilespmem:$0x1FAC0] =	vst v7;
	v7 =	vld [tilespmem:s1+$0xFFFFFFD0]  }
0x30f: {  	v51 =	vld [tilespmem:s1+$0x80]  }
0x310: {  	v52 =	vld [tilespmem:s2+$0xFFFFFEB0]  }
0x311: {  	v53 =	vld [tilespmem:s1+$0x70]  }
0x312: {  	v54 =	vld [tilespmem:s2+$0xFFFFFEA0]  }
0x313: {  	[tilespmem:$0x1FAD0] =	vst v7;
	v7 =	vld [tilespmem:s2+$0xFFFFFE00]  }
0x314: {  	v55 =	vld [tilespmem:s1+$0x60]  }
0x315: {  	v56 =	vld [tilespmem:s2+$0xFFFFFE90]  }
0x316: {  	v57 =	vld [tilespmem:s1+$0x50]  }
0x317: {  	v58 =	vld [tilespmem:s2+$0xFFFFFE80]  }
0x318: {  	[tilespmem:$0x1FAA0] =	vst v7;
	v7 =	vld [tilespmem:s1+$0xFFFFFFC0]  }
0x319: {  	v59 =	vld [tilespmem:s1+$0x40]  }
0x31a: {  	v60 =	vld [tilespmem:s2+$0xFFFFFE70]  }
0x31b: {  	v61 =	vld [tilespmem:s1+$0x30]  }
0x31c: {  	v62 =	vld [tilespmem:s2+$0xFFFFFE60]  }
0x31d: {  	[tilespmem:$0x1FAB0] =	vst v7;
	v7 =	vld [tilespmem:s2+$0xFFFFFDF0]  }
0x31e: {  	v63 =	vld [tilespmem:s1+$0x20]  }
0x31f: {  	v2 =	vld [tilespmem:s1+$0x10]  }
0x320: {  	v1 =	vld [tilespmem:s2+$0xFFFFFE40]  }
0x321: {  	[tilespmem:$0x1FA30] =	vst v0;
	v0 =	vld [tilespmem:s2+$0x340]  }
0x322: {  	[tilespmem:$0x1FB00] =	vst v7;
	v7 =	vld [tilespmem:s1+$0xFFFFFFB0]  }
0x323: {  	v3 =	vmul.f32 v3, v4;
	v4 =	vld [tilespmem:s1+$0xFFFFFF40]  }
0x324: {  	v5 =	vmul.f32 v5, v6;
	v8 =	vmul.f32 v8, v9;
	v9 =	vld [tilespmem:s2+$0xFFFFFD70]  }
0x325: {  	v6 =	vmul.f32 v10, v11;
	v11 =	vmul.f32 v12, v13;
	v12 =	vld [tilespmem:s1+$0xFFFFFF30]  }
0x326: {  	v10 =	vmul.f32 v14, v15;
	v15 =	vld [tilespmem:s2+$0xFFFFFD60]  }
0x327: {  	[tilespmem:$0x1FB10] =	vst v7;
	v7 =	vld [tilespmem:s2+$0xFFFFFDE0]  }
0x328: {  	v14 =	vmul.f32 v16, v17;
	v17 =	vmul.f32 v20, v21;
	v21 =	vld [tilespmem:s2+$0xFFFFFD30]  }
0x329: {  	v13 =	vmul.f32 v18, v19;
	v19 =	vld [tilespmem:s1+$0xFFFFFED0]  }
0x32a: {  	v16 =	vmul.f32 v22, v23;
	v23 =	vld [tilespmem:s2+$0xFFFFFD00]  }
0x32b: {  	v18 =	vmul.f32 v26, v27;
	v26 =	vmul.f32 v24, v25;
	v25 =	vld [tilespmem:s1+$0xFFFFFEB0]  }
0x32c: {  	[tilespmem:$0x1FAE0] =	vst v7;
	v7 =	vld [tilespmem:s1+$0xFFFFFFA0]  }
0x32d: {  	v29 =	vmul.f32 v28, v29;
	v28 =	vld [tilespmem:s2+$0xFFFFFCE0]  }
0x32e: {  	v22 =	vld [tilespmem:s1+$0xFFFFFEA0]  }
0x32f: {  	v41 =	vmul.f32 v40, v41;
	v40 =	vld [tilespmem:s1+$0xFFFFFE50]  }
0x330: {  	v27 =	vmul.f32 v30, v31;
	v30 =	vmul.f32 v34, v35;
	v34 =	vld [tilespmem:$0x1FA30]  }
0x331: {  	[tilespmem:$0x1FAF0] =	vst v7;
	v7 =	vld [tilespmem:s2+$0xFFFFFDD0]  }
0x332: {  	v50 =	vmul.f32 v50, v51;
	v51 =	vmul.f32 v48, v49;
	v49 =	vld [tilespmem:$0x1FA80]  }
0x333: {  	v3 =	vadd.f32 v3, v5;
	v5 =	vld [tilespmem:s1+$0xFFFFFF20]  }
0x334: {  	v6 =	vadd.f32 v8, v6;
	v8 =	vld [tilespmem:s2+$0xFFFFFD50]  }
0x335: {  	v10 =	vadd.f32 v11, v10;
	v11 =	vld [tilespmem:s1+$0xFFFFFF10]  }
0x336: {  	[tilespmem:$0x1FB50] =	vst v7;
	v7 =	vld [tilespmem:s1+$0xFFFFFF90]  }
0x337: {  	v13 =	vadd.f32 v14, v13;
	v14 =	vld [tilespmem:s2+$0xFFFFFD40]  }
0x338: {  	v16 =	vadd.f32 v17, v16;
	v17 =	vld [tilespmem:s1+$0xFFFFFF00]  }
0x339: {  	v18 =	vadd.f32 v26, v18;
	v26 =	vld [tilespmem:s1+$0xFFFFFEC0]  }
0x33a: {  	v20 =	vadd.f32 v29, v27;
	v29 =	vld [tilespmem:s2+$0xFFFFFCF0]  }
0x33b: {  	[tilespmem:$0x1FB60] =	vst v7;
	v7 =	vld [tilespmem:s2+$0xFFFFFDC0]  }
0x33c: {  	v31 =	vmul.f32 v32, v33;
	[tilespmem:$0x1FA40] =	vst v0;
	v0 =	vld [tilespmem:s2+$0x2C0]  }
0x33d: {  	v27 =	vld [tilespmem:s2+$0xFFFFFCD0]  }
0x33e: {  	v32 =	vadd.f32 v31, v30;
	v31 =	vld [tilespmem:s1+$0xFFFFFE90]  }
0x33f: {  	v3 =	vadd.f32 v3, v6;
	v6 =	vld [tilespmem:s1+$0xFFFFFEF0]  }
0x340: {  	[tilespmem:$0x1FB30] =	vst v7;
	v7 =	vld [tilespmem:s1+$0xFFFFFF80]  }
0x341: {  	v10 =	vadd.f32 v10, v13;
	[tilespmem:$0x1FB20] =	vst v0;
	v0 =	vld [tilespmem:s2+$0x240]  }
0x342: {  	v16 =	vadd.f32 v16, v18;
	v18 =	vld [tilespmem:s2+$0xFFFFFD20]  }
0x343: {  	v3 =	vadd.f32 v3, v10;
	v10 =	vld [tilespmem:s1+$0xFFFFFEE0]  }
0x344: {  	v35 =	vld [tilespmem:$0x1FA40]  }
0x345: {  	v33 =	vadd.f32 v20, v32;
	[tilespmem:$0x1FB40] =	vst v7;
	v7 =	vld [tilespmem:s2+$0xFFFFFDB0]  }
0x346: {  	[tilespmem:$0x1FB70] =	vst v0;
	v0 =	vld [tilespmem:s2+$0xFFFFFE50]  }
0x347: {  	v13 =	vadd.f32 v16, v33;
	v16 =	vld [tilespmem:s2+$0xFFFFFD10]  }
0x348: {  	v3 =	vadd.f32 v3, v34;
	v34 =	vld [tilespmem:s1+$0xFFFFFE80]  }
0x349: {  	v13 =	vadd.f32 v13, v35;
	v35 =	vld [tilespmem:s2+$0xFFFFFCB0]  }
0x34a: {  	v46 =	vmul.f32 v46, v47;
	v47 =	vmul.f32 v44, v45;
	[tilespmem:$0x1FBA0] =	vst v7;
	v7 =	vld [tilespmem:s1+$0xFFFFFF70]  }
0x34b: {  	v58 =	vmul.f32 v58, v59;
	v59 =	vmul.f32 v56, v57;
	[tilespmem:$0x1FA50] =	vst v0;
	v0 =	vld [tilespmem:s1+$0x0]  }
0x34c: {  	v30 =	vadd.f32 v47, v46;
	v47 =	vld [tilespmem:$0x1FA60]  }
0x34d: {  	v45 =	vadd.f32 v59, v58;
	v59 =	vld [tilespmem:$0x1FB20]  }
0x34e: {  	v48 =	vld [tilespmem:$0x1FA70]  }
0x34f: {  	v54 =	vmul.f32 v54, v55;
	[tilespmem:$0x1FBB0] =	vst v7;
	v7 =	vld [tilespmem:s2+$0xFFFFFDA0]  }
0x350: {  	v55 =	vmul.f32 v52, v53;
	v0 =	vmul.f32 v1, v0;
	v1 =	vld [tilespmem:$0x1FA50]  }
0x351: {  	v53 =	vld [tilespmem:$0x1FAC0]  }
0x352: {  	v46 =	vadd.f32 v55, v54;
	v54 =	vld [tilespmem:$0x1FAD0]  }
0x353: {  	v32 =	vmul.f32 v47, v48;
	v47 =	vld [tilespmem:$0x1FB70]  }
0x354: {  	[tilespmem:$0x1FB80] =	vst v7;
	v7 =	vld [tilespmem:s1+$0xFFFFFF60]  }
0x355: {  	v1 =	vmul.f32 v1, v2;
	v2 =	vadd.f32 v51, v50;
	v50 =	vld [tilespmem:$0x1FA90]  }
0x356: {  	v20 =	vmul.f32 v38, v39;
	v51 =	vld [tilespmem:$0x1FAA0]  }
0x357: {  	v38 =	vmul.f32 v36, v37;
	v37 =	vmul.f32 v53, v54;
	v54 =	vld [tilespmem:s1+$0xFFFFFE30]  }
0x358: {  	v2 =	vadd.f32 v30, v2;
	v30 =	vld [tilespmem:s2+$0xFFFFFCA0]  }
0x359: {  	[tilespmem:$0x1FB90] =	vst v7;
	v7 =	vld [tilespmem:s2+$0xFFFFFD90]  }
0x35a: {  	v33 =	vmul.f32 v49, v50;
	v49 =	vld [tilespmem:s2+$0xFFFFFC70]  }
0x35b: {  	v52 =	vld [tilespmem:$0x1FAB0]  }
0x35c: {  	v32 =	vadd.f32 v33, v32;
	v33 =	vld [tilespmem:s1+$0xFFFFFE40]  }
0x35d: {  	v57 =	vld [tilespmem:$0x1FB00]  }
0x35e: {  	[tilespmem:$0x1FBD0] =	vst v7;
	v7 =	vld [tilespmem:s1+$0xFFFFFF50]  }
0x35f: {  	v58 =	vld [tilespmem:$0x1FB10]  }
0x360: {  	v55 =	vld [tilespmem:$0x1FAE0]  }
0x361: {  	v56 =	vld [tilespmem:$0x1FAF0]  }
0x362: {  	v44 =	vmul.f32 v60, v61;
	v60 =	vld [tilespmem:$0x1FB30]  }
0x363: {  	[tilespmem:$0x1FBE0] =	vst v7;
	v7 =	vld [tilespmem:s2+$0xFFFFFD80]  }
0x364: {  	v61 =	vld [tilespmem:$0x1FB40]  }
0x365: {  	v36 =	vmul.f32 v51, v52;
	v52 =	vld [tilespmem:$0x1FBA0]  }
0x366: {  	v53 =	vld [tilespmem:$0x1FBB0]  }
0x367: {  	v50 =	vld [tilespmem:$0x1FB80]  }
0x368: {  	[tilespmem:$0x1FBC0] =	vst v7;
	v7 =	vmul.f32 v42, v43;
	v42 =	vld [tilespmem:$0x1FFC0]  }
0x369: {  	v51 =	vld [tilespmem:$0x1FB90]  }
0x36a: {  	v20 =	vadd.f32 v38, v20;
	v38 =	vmul.f32 v55, v56;
	v56 =	vld [tilespmem:$0x1FBD0]  }
0x36b: {  	v9 =	vmul.f32 v9, v12;
	v5 =	vmul.f32 v15, v5;
	v55 =	vld [tilespmem:$0x1FBC0]  }
0x36c: {  	v14 =	vmul.f32 v14, v17;
	v8 =	vmul.f32 v8, v11;
	v24 =	vadd.f32 v41, v7;
	v7 =	vld [tilespmem:s2+$0xFFFFFCC0]  }
0x36d: {  	v41 =	vmul.f32 v60, v61;
	v60 =	vld [tilespmem:s1+$0xFFFFFE20];
	v43 =	vperm.xlane v13, v42  }
0x36e: {  	v6 =	vmul.f32 v21, v6;
	v5 =	vadd.f32 v9, v5;
	v8 =	vadd.f32 v8, v14;
	v61 =	vld [tilespmem:s2+$0xFFFFFC50]  }
0x36f: {  	v10 =	vmul.f32 v18, v10;
	v13 =	vadd.f32 v43, v13;
	v43 =	vmul.f32 v62, v63;
	v62 =	vld [tilespmem:$0x1FB50]  }
0x370: {  	v5 =	vadd.f32 v5, v8;
	v39 =	vperm.xlane v3, v42;
	v63 =	vld [tilespmem:$0x1FB60]  }
0x371: {  	v28 =	vmul.f32 v28, v22;
	v6 =	vadd.f32 v6, v10;
	v20 =	vadd.f32 v20, v24;
	v24 =	vld [tilespmem:s1+$0xFFFFFE70]  }
0x372: {  	v36 =	vadd.f32 v37, v36;
	v3 =	vadd.f32 v3, v39;
	v39 =	vmul.f32 v57, v58;
	v57 =	vld [tilespmem:$0x1FBE0]  }
0x373: {  	v16 =	vmul.f32 v16, v19;
	v0 =	vadd.f32 v1, v0;
	v2 =	vadd.f32 v20, v2;
	v58 =	vld [tilespmem:s2+$0xFFFFFC60]  }
0x374: {  	v49 =	vmul.f32 v49, v54;
	v32 =	vadd.f32 v32, v36;
	v20 =	vld [tilespmem:s1+$0xFFFFFE60];
	v1 =	vadd.f32 v44, v43  }
0x375: {  	v4 =	vmul.f32 v55, v4;
	v2 =	vadd.f32 v2, v59;
	v43 =	vld [tilespmem:s2+$0xFFFFFC80];
	v44 =	vmul.f32 v62, v63  }
0x376: {  	v7 =	vmul.f32 v7, v34;
	v0 =	vadd.f32 v1, v0;
	v1 =	vadd.f32 v46, v45;
	v62 =	vld [tilespmem:s1+$0xFFFFFE10]  }
0x377: {  	v63 =	vmul.f32 v23, v26;
	v26 =	vld [tilespmem:s2+$0xFFFFFC40];
	v48 =	vadd.f32 v44, v41;
	v44 =	vmul.f32 v56, v57  }
0x378: {  	v38 =	vadd.f32 v39, v38;
	v15 =	vmul.f32 v58, v60;
	v0 =	vadd.f32 v1, v0;
	v1 =	vld [tilespmem:s2+$0xFFFFFC90]  }
0x379: {  	v45 =	vmul.f32 v52, v53;
	v46 =	vmul.f32 v30, v20;
	v4 =	vadd.f32 v44, v4;
	v44 =	vld [tilespmem:s1+$0xFFFFFE00]  }
0x37a: {  	v41 =	vmul.f32 v50, v51;
	v16 =	vadd.f32 v16, v63;
	v52 =	vadd.f32 v49, v15  }
0x37b: {  	v0 =	vadd.f32 v0, v47;
	v47 =	vmul.f32 v35, v24;
	v37 =	vadd.f32 v38, v48  }
0x37c: {  	v59 =	vadd.f32 v45, v41;
	v41 =	vmul.f32 v29, v25;
	v45 =	vmul.f32 v27, v31  }
0x37d: {  	v48 =	vmul.f32 v43, v33;
	v6 =	vadd.f32 v6, v16;
	v9 =	vmul.f32 v61, v62  }
0x37e: {  	v54 =	vld [tilespmem:s2+$0x40];
	v8 =	vadd.f32 v47, v46;
	v1 =	vmul.f32 v1, v40;
	v12 =	vmul.f32 v26, v44  }
0x37f: {  	v50 =	vld [tilespmem:s2+$0x1C0];
	v18 =	vadd.f32 v41, v28;
	v7 =	vadd.f32 v45, v7  }
0x380: {  	v51 =	vld [tilespmem:s2+$0x140];
	v1 =	vadd.f32 v1, v48;
	v9 =	vadd.f32 v9, v12  }
0x381: {  	v53 =	vld [tilespmem:s2+$0xC0];
	v4 =	vadd.f32 v59, v4;
	v7 =	vadd.f32 v18, v7  }
0x382: {  	v1 =	vadd.f32 v8, v1;
	v9 =	vadd.f32 v52, v9  }
0x383: {  	v55 =	vadd.f32 v32, v37;
	v4 =	vadd.f32 v4, v5  }
0x384: {  	v6 =	vadd.f32 v6, v7;
	v1 =	vadd.f32 v1, v9  }
0x385: {  	v56 =	vperm.xlane v2, v42;
	v5 =	vadd.f32 v55, v50;
	v4 =	vadd.f32 v4, v51  }
0x386: {  	v57 =	vperm.xlane v0, v42;
	v6 =	vadd.f32 v6, v53;
	v1 =	vadd.f32 v1, v54  }
0x387: {  	v2 =	vadd.f32 v2, v56;
	v62 =	vld [tilespmem:$0x1FFD0];
	v59 =	vperm.xlane v5, v42;
	v58 =	vperm.xlane v4, v42  }
0x388: {  	v0 =	vadd.f32 v57, v0;
	v61 =	vperm.xlane v6, v42;
	v60 =	vperm.xlane v1, v42  }
0x389: {  	v5 =	vadd.f32 v5, v59;
	v4 =	vadd.f32 v58, v4  }
0x38a: {  	v6 =	vadd.f32 v6, v61;
	v1 =	vadd.f32 v60, v1  }
0x38b: {  	v3 =	vsel vm0, v13, v3;
	v0 =	vsel vm0, v0, v2  }
0x38c: {  	v2 =	vperm.xlane v3, v62;
	v4 =	vsel vm0, v4, v5;
	v1 =	vsel vm0, v1, v6  }
0x38d: {  	v7 =	vperm.xlane v4, v62;
	v6 =	vperm.xlane v1, v62  }
0x38e: {  	v2 =	vadd.f32 v3, v2  }
0x38f: {  	v3 =	vadd.f32 v4, v7;
	v1 =	vadd.f32 v6, v1;
	_ =	sdelay $0x1  }
0x390: {  	v63 =	vperm.xlane v0, v62;
	v1 =	vsel vm1, v1, v3;
	v3 =	vld [tilespmem:$0x1FFE0];
	_ =	sdelay $0x1  }
0x391: {  	v0 =	vadd.f32 v63, v0;
	_ =	sdelay $0x1  }
0x392: {  	v0 =	vsel vm1, v0, v2  }
0x393: {  	v2 =	vperm.xlane v1, v3;
	v3 =	vperm.xlane v0, v3;
	_ =	sdelay $0x1  }
0x394: {  	v0 =	vadd.f32 v0, v3;
	v3 =	vld [tilespmem:$0x1FFF0];
	_ =	sdelay $0x1  }
0x395: {  	v1 =	vadd.f32 v2, v1;
	_ =	sdelay $0x1  }
0x396: {  	s9 =	sadd.s32 $0x18100, s9;
	s2 =	simm.s32 $0x0;
	v2 =	vimm.f32 $0.0e+00;
	v0 =	vsel vm2, v1, v0  }
0x397: {  	s14 =	sand.u32 $0x1, s2;
	v4 =	vmov s9;
	v1 =	vperm.xlane v2, v3;
	v3 =	vperm.xlane v0, v3  }
0x398: {  	p2 =	seq.s32 s14, $0x0  }
0x399: {  	v1 =	vadd.f32 @!p2 v1, v2;
	v2 =	vadd.f32 @!p2 v0, v3  }
0x39a: {  	vm4 =	vmmov @!p2 $0xff;
	s9 =	simm.s32 $0x78  }
0x39b: {  	s9 =	sand.u32 @!p2 $0x70, s9;
	[tilespmem:$0x1FBF0] =	vst v4;
	v1 =	vsel @!p2 vm4, v1, v2  }
0x39c: {  	s11 =	simm.s32 $0x10BC0;
	[tilespmem:v4+s9+$0x0 ss:$0x1] =	vst.idx.msk @!p2 $0xffff, v1;
	s9 =	simm.s32 $0x80  }
.LBB2_7:
0x39d: {  	v1 =	vld [tilespmem:s11+$0x3C0]  }
0x39e: {  	v39 =	vld [tilespmem:s11+$0x10]  }
0x39f: {  	v41 =	vld [tilespmem:s11+$0x0]  }
0x3a0: {  	v60 =	vld [tilespmem:s11+$0xFFFFFFE0]  }
0x3a1: {  	v54 =	vld [tilespmem:s11+$0xFFFFFFD0]  }
0x3a2: {  	v28 =	vld [tilespmem:s11+$0xFFFFFFC0]  }
0x3a3: {  	v30 =	vld [tilespmem:s11+$0xFFFFFFB0]  }
0x3a4: {  	[tilespmem:$0x1F8A0] =	vst v1;
	v1 =	vmov v0;
	v0 =	vld [tilespmem:s11+$0x340]  }
0x3a5: {  	v15 =	vld [tilespmem:s11+$0xFFFFFFA0]  }
0x3a6: {  	v20 =	vld [tilespmem:s11+$0xFFFFFF90]  }
0x3a7: {  	v10 =	vld [tilespmem:s11+$0xFFFFFF80]  }
0x3a8: {  	v14 =	vld [tilespmem:s11+$0xFFFFFF70]  }
0x3a9: {  	[tilespmem:$0x1F890] =	vst v0;
	v0 =	vld [tilespmem:s11+$0x2C0]  }
0x3aa: {  	v6 =	vld [tilespmem:s11+$0xFFFFFF60]  }
0x3ab: {  	v8 =	vld [tilespmem:s11+$0xFFFFFF50]  }
0x3ac: {  	v4 =	vld [tilespmem:s11+$0xFFFFFF40]  }
0x3ad: {  	v45 =	vld [tilespmem:s11+$0xFFFFFEC0]  }
0x3ae: {  	[tilespmem:$0x1F9E0] =	vst v0;
	v0 =	vld [tilespmem:s11+$0x240]  }
0x3af: {  	v59 =	vld [tilespmem:s11+$0xFFFFFEA0]  }
0x3b0: {  	v49 =	vld [tilespmem:s11+$0xFFFFFE90]  }
0x3b1: {  	v31 =	vld [tilespmem:s11+$0xFFFFFE80]  }
0x3b2: {  	v62 =	vld [tilespmem:s11+$0xFFFFFE70]  }
0x3b3: {  	[tilespmem:$0x1F9F0] =	vst v0;
	v0 =	vld [tilespmem:s11+$0x30]  }
0x3b4: {  	v19 =	vld [tilespmem:s11+$0xFFFFFE60]  }
0x3b5: {  	v27 =	vld [tilespmem:s11+$0xFFFFFE50]  }
0x3b6: {  	v13 =	vld [tilespmem:s11+$0xFFFFFE40]  }
0x3b7: {  	s1 =	sadd.s32 $0x400, s1;
	v52 =	vld [tilespmem:s11+$0xFFFFFE00]  }
0x3b8: {  	[tilespmem:$0x1F860] =	vst v0;
	v0 =	vld [tilespmem:s1+$0x1F0]  }
0x3b9: {  	v43 =	vld [tilespmem:s11+$0xFFFFFDF0]  }
0x3ba: {  	v36 =	vld [tilespmem:s11+$0xFFFFFDE0]  }
0x3bb: {  	v57 =	vld [tilespmem:s11+$0xFFFFFDD0]  }
0x3bc: {  	v23 =	vld [tilespmem:s11+$0xFFFFFDC0]  }
0x3bd: {  	[tilespmem:$0x1F870] =	vst v0;
	v0 =	vld [tilespmem:s11+$0xFFFFFFF0]  }
0x3be: {  	v56 =	vld [tilespmem:s11+$0xFFFFFDA0]  }
0x3bf: {  	v47 =	vld [tilespmem:s11+$0xFFFFFD90]  }
0x3c0: {  	v34 =	vld [tilespmem:s1+$0x1E0]  }
0x3c1: {  	v25 =	vld [tilespmem:s1+$0x1D0]  }
0x3c2: {  	[tilespmem:$0x1F880] =	vst v0;
	v0 =	vld [tilespmem:s11+$0xFFFFFF30]  }
0x3c3: {  	v50 =	vld [tilespmem:s1+$0x1C0]  }
0x3c4: {  	v46 =	vld [tilespmem:s1+$0x1B0]  }
0x3c5: {  	v33 =	vld [tilespmem:s1+$0x1A0]  }
0x3c6: {  	v63 =	vld [tilespmem:s1+$0x190]  }
0x3c7: {  	[tilespmem:$0x1F8D0] =	vst v0;
	v0 =	vld [tilespmem:s1+$0xF0]  }
0x3c8: {  	v21 =	vld [tilespmem:s1+$0x180]  }
0x3c9: {  	v26 =	vld [tilespmem:s1+$0x170]  }
0x3ca: {  	v9 =	vld [tilespmem:s1+$0x160]  }
0x3cb: {  	v17 =	vld [tilespmem:s1+$0x150]  }
0x3cc: {  	[tilespmem:$0x1F8E0] =	vst v0;
	v0 =	vld [tilespmem:s11+$0xFFFFFF20]  }
0x3cd: {  	v5 =	vld [tilespmem:s1+$0x140]  }
0x3ce: {  	v12 =	vld [tilespmem:s1+$0x130]  }
0x3cf: {  	v3 =	vld [tilespmem:s1+$0x120]  }
0x3d0: {  	v7 =	vld [tilespmem:s1+$0x110]  }
0x3d1: {  	[tilespmem:$0x1F8B0] =	vst v0;
	v0 =	vld [tilespmem:s1+$0xE0]  }
0x3d2: {  	v2 =	vld [tilespmem:s1+$0x100]  }
0x3d3: {  	v40 =	vld [tilespmem:s1+$0xA0]  }
0x3d4: {  	v53 =	vld [tilespmem:s1+$0x80]  }
0x3d5: {  	v44 =	vld [tilespmem:s1+$0x70]  }
0x3d6: {  	[tilespmem:$0x1F8C0] =	vst v0;
	v0 =	vld [tilespmem:s11+$0xFFFFFF10]  }
0x3d7: {  	v38 =	vld [tilespmem:s1+$0x60]  }
0x3d8: {  	v58 =	vld [tilespmem:s1+$0x50]  }
0x3d9: {  	v24 =	vld [tilespmem:s1+$0x40]  }
0x3da: {  	v32 =	vld [tilespmem:s1+$0x30]  }
0x3db: {  	[tilespmem:$0x1F910] =	vst v0;
	v0 =	vld [tilespmem:s1+$0xD0]  }
0x3dc: {  	v16 =	vld [tilespmem:s1+$0x20]  }
0x3dd: {  	v22 =	vld [tilespmem:s1+$0x10]  }
0x3de: {  	v11 =	vld [tilespmem:s1+$0x0]  }
0x3df: {  	v48 =	vld [tilespmem:s1+$0xFFFFFFE0]  }
0x3e0: {  	[tilespmem:$0x1F920] =	vst v0;
	v0 =	vld [tilespmem:s11+$0xFFFFFF00]  }
0x3e1: {  	v61 =	vld [tilespmem:s1+$0xFFFFFFC0]  }
0x3e2: {  	v51 =	vld [tilespmem:s1+$0xFFFFFFB0]  }
0x3e3: {  	v29 =	vld [tilespmem:s1+$0xFFFFFFA0]  }
0x3e4: {  	v35 =	vld [tilespmem:s1+$0xFFFFFF90]  }
0x3e5: {  	[tilespmem:$0x1F8F0] =	vst v0;
	v0 =	vld [tilespmem:s1+$0xC0]  }
0x3e6: {  	v18 =	vld [tilespmem:s1+$0xFFFFFF80]  }
0x3e7: {  	v37 =	vld [tilespmem:s1+$0xFFFFFF60]  }
0x3e8: {  	v55 =	vld [tilespmem:s1+$0xFFFFFF50]  }
0x3e9: {  	[tilespmem:$0x1FA20] =	vst v1;
	v1 =	vld [tilespmem:s11+$0x20]  }
0x3ea: {  	[tilespmem:$0x1F900] =	vst v0;
	v0 =	vld [tilespmem:s11+$0xFFFFFEF0]  }
0x3eb: {  	v41 =	vmul.f32 v41, v50;
	v50 =	vmul.f32 v39, v25;
	v25 =	vld [tilespmem:s1+$0xFFFFFF40]  }
0x3ec: {  	v60 =	vmul.f32 v60, v33;
	v33 =	vld [tilespmem:s11+$0xFFFFFD70]  }
0x3ed: {  	v28 =	vmul.f32 v28, v21;
	v21 =	vld [tilespmem:s1+$0xFFFFFF30]  }
0x3ee: {  	v15 =	vmul.f32 v15, v9;
	v9 =	vld [tilespmem:s11+$0xFFFFFD60]  }
0x3ef: {  	[tilespmem:$0x1F940] =	vst v0;
	v0 =	vld [tilespmem:s1+$0xB0]  }
0x3f0: {  	v10 =	vmul.f32 v10, v5;
	v5 =	vld [tilespmem:s1+$0xFFFFFF20]  }
0x3f1: {  	v6 =	vmul.f32 v6, v3;
	v3 =	vld [tilespmem:s11+$0xFFFFFD50]  }
0x3f2: {  	v26 =	vmul.f32 v30, v26;
	v30 =	vmul.f32 v8, v7;
	v8 =	vld [tilespmem:s1+$0xFFFFFEF0]  }
0x3f3: {  	v2 =	vmul.f32 v4, v2;
	v4 =	vld [tilespmem:s1+$0xFFFFFEE0]  }
0x3f4: {  	[tilespmem:$0x1F950] =	vst v0;
	v0 =	vld [tilespmem:s11+$0xFFFFFEE0]  }
0x3f5: {  	v12 =	vmul.f32 v14, v12;
	v11 =	vmul.f32 v13, v11;
	v13 =	vld [tilespmem:s1+$0xFFFFFE50]  }
0x3f6: {  	v29 =	vmul.f32 v36, v29;
	v36 =	vld [tilespmem:s1+$0xFFFFFE00]  }
0x3f7: {  	v17 =	vmul.f32 v20, v17;
	v20 =	vadd.f32 v50, v41;
	v50 =	vadd.f32 v12, v6;
	v6 =	vld [tilespmem:s1+$0xFFFFFF00]  }
0x3f8: {  	v39 =	vld [tilespmem:$0x1F880]  }
0x3f9: {  	[tilespmem:$0x1F930] =	vst v0;
	v0 =	vld [tilespmem:s11+$0xFFFFFED0]  }
0x3fa: {  	v12 =	vld [tilespmem:s11+$0xFFFFFD30]  }
0x3fb: {  	v41 =	vadd.f32 v17, v10;
	v10 =	vld [tilespmem:s11+$0xFFFFFD20]  }
0x3fc: {  	v17 =	vld [tilespmem:s1+$0xFFFFFED0]  }
0x3fd: {  	v54 =	vmul.f32 v54, v63;
	v1 =	vmul.f32 v1, v34;
	v34 =	vld [tilespmem:$0x1F870]  }
0x3fe: {  	v2 =	vadd.f32 v30, v2;
	v46 =	vmul.f32 v39, v46;
	[tilespmem:$0x1F960] =	vst v0;
	v0 =	vld [tilespmem:s1+$0x90]  }
0x3ff: {  	v39 =	vadd.f32 v54, v28;
	v28 =	vld [tilespmem:s1+$0xFFFFFEC0]  }
0x400: {  	v2 =	vadd.f32 v50, v2;
	v50 =	vld [tilespmem:$0x1F8D0];
	v63 =	vadd.f32 v46, v60  }
0x401: {  	v46 =	vadd.f32 v26, v15;
	v60 =	vld [tilespmem:$0x1F890]  }
0x402: {  	v7 =	vadd.f32 v63, v39;
	v63 =	vld [tilespmem:$0x1F8B0]  }
0x403: {  	v54 =	vadd.f32 v46, v41;
	[tilespmem:$0x1F970] =	vst v0;
	v0 =	vld [tilespmem:s11+$0xFFFFFEB0]  }
0x404: {  	v46 =	vld [tilespmem:$0x1F8C0]  }
0x405: {  	v15 =	vld [tilespmem:s11+$0xFFFFFD40];
	v2 =	vadd.f32 v54, v2  }
0x406: {  	v54 =	vld [tilespmem:$0x1F8E0]  }
0x407: {  	v14 =	vadd.f32 v2, v60;
	v60 =	vld [tilespmem:$0x1F8F0]  }
0x408: {  	[tilespmem:$0x1F980] =	vst v0;
	v0 =	vld [tilespmem:s11+$0xFFFFFE30]  }
0x409: {  	v30 =	vmul.f32 v63, v46;
	v63 =	vld [tilespmem:$0x1F900]  }
0x40a: {  	v2 =	vld [tilespmem:$0x1F8A0]  }
0x40b: {  	v41 =	vmul.f32 v50, v54;
	v54 =	vld [tilespmem:$0x1F910]  }
0x40c: {  	v39 =	vld [tilespmem:$0x1F920]  }
0x40d: {  	v26 =	vperm.xlane v14, v42;
	[tilespmem:$0x1F9A0] =	vst v0;
	v0 =	vld [tilespmem:s1+$0xFFFFFFF0]  }
0x40e: {  	v50 =	vmul.f32 v60, v63;
	v63 =	vld [tilespmem:$0x1F930]  }
0x40f: {  	v14 =	vadd.f32 v26, v14;
	v26 =	vld [tilespmem:s1+$0xFFFFFEA0]  }
0x410: {  	v46 =	vld [tilespmem:s11+$0xFFFFFCF0]  }
0x411: {  	v54 =	vmul.f32 v54, v39;
	v39 =	vld [tilespmem:$0x1F950]  }
0x412: {  	[tilespmem:$0x1F9B0] =	vst v0;
	v0 =	vld [tilespmem:s11+$0xFFFFFE20]  }
0x413: {  	v40 =	vmul.f32 v63, v40;
	v63 =	vld [tilespmem:$0x1F940]  }
0x414: {  	v30 =	vadd.f32 v41, v30;
	v41 =	vld [tilespmem:s11+$0xFFFFFCD0]  }
0x415: {  	v60 =	vld [tilespmem:s1+$0xFFFFFEB0]  }
0x416: {  	v38 =	vmul.f32 v59, v38;
	v59 =	vld [tilespmem:$0x1F980]  }
0x417: {  	[tilespmem:$0x1F990] =	vst v0;
	v0 =	vld [tilespmem:s11+$0xFFFFFE10]  }
0x418: {  	v63 =	vmul.f32 v63, v39;
	v39 =	vld [tilespmem:$0x1F960]  }
0x419: {  	v45 =	vmul.f32 v45, v53;
	v53 =	vld [tilespmem:$0x1F970]  }
0x41a: {  	v58 =	vmul.f32 v49, v58;
	v49 =	vadd.f32 v54, v50;
	v50 =	vld [tilespmem:s1+$0xFFFFFE90]  }
0x41b: {  	v44 =	vmul.f32 v59, v44;
	v59 =	vmul.f32 v62, v32;
	v62 =	vadd.f32 v63, v40;
	v40 =	vld [tilespmem:s11+$0xFFFFFCC0]  }
0x41c: {  	[tilespmem:$0x1F9C0] =	vst v0;
	v0 =	vld [tilespmem:s1+$0xFFFFFFD0]  }
0x41d: {  	v24 =	vmul.f32 v31, v24;
	v63 =	vmul.f32 v27, v22;
	v27 =	vld [tilespmem:s1+$0xFFFFFE80]  }
0x41e: {  	v16 =	vmul.f32 v19, v16;
	v53 =	vmul.f32 v39, v53;
	v22 =	vld [tilespmem:s11+$0xFFFFFC90]  }
0x41f: {  	v24 =	vadd.f32 v58, v24;
	v54 =	vadd.f32 v44, v38;
	v38 =	vld [tilespmem:s11+$0xFFFFFCB0]  }
0x420: {  	v53 =	vadd.f32 v53, v45;
	v58 =	vadd.f32 v59, v16;
	v16 =	vld [tilespmem:s1+$0xFFFFFE70]  }
0x421: {  	[tilespmem:$0x1F9D0] =	vst v0;
	v0 =	vld [tilespmem:s11+$0xFFFFFDB0]  }
0x422: {  	v59 =	vadd.f32 v62, v53;
	v62 =	vadd.f32 v30, v49;
	v30 =	vld [tilespmem:s11+$0xFFFFFCA0]  }
0x423: {  	v49 =	vld [tilespmem:$0x1F9A0]  }
0x424: {  	v11 =	vadd.f32 v63, v11;
	v63 =	vadd.f32 v54, v24;
	v24 =	vld [tilespmem:s1+$0xFFFFFE60]  }
0x425: {  	v19 =	vadd.f32 v62, v59;
	v62 =	vld [tilespmem:$0x1F9E0]  }
0x426: {  	[tilespmem:$0x1FA00] =	vst v0;
	v0 =	vld [tilespmem:s1+$0xFFFFFF70]  }
0x427: {  	v54 =	vmul.f32 v52, v61;
	v61 =	vmul.f32 v43, v51;
	v43 =	vld [tilespmem:s11+$0xFFFFFC80]  }
0x428: {  	v11 =	vadd.f32 v58, v11;
	v51 =	vld [tilespmem:s1+$0xFFFFFE30]  }
0x429: {  	v53 =	vld [tilespmem:$0x1F9B0]  }
0x42a: {  	v18 =	vmul.f32 v23, v18;
	v11 =	vadd.f32 v63, v11;
	v63 =	vmul.f32 v57, v35;
	v45 =	vld [tilespmem:$0x1F990]  }
0x42b: {  	[tilespmem:$0x1FA10] =	vst v0;
	v0 =	vld [tilespmem:$0x1F860]  }
0x42c: {  	v18 =	vadd.f32 v63, v18;
	v63 =	vld [tilespmem:s1+$0xFFFFFE10]  }
0x42d: {  	v58 =	vld [tilespmem:$0x1F9C0]  }
0x42e: {  	v59 =	vld [tilespmem:$0x1F9D0]  }
0x42f: {  	v19 =	vadd.f32 v19, v62;
	v62 =	vld [tilespmem:s11+$0xFFFFFC50];
	v32 =	vmul.f32 v49, v53  }
0x430: {  	v31 =	vmul.f32 v45, v48;
	v45 =	vld [tilespmem:$0x1F9F0];
	v0 =	vmul.f32 v0, v34  }
0x431: {  	v4 =	vmul.f32 v10, v4;
	v48 =	vld [tilespmem:s1+$0xFFFFFE40]  }
0x432: {  	v8 =	vmul.f32 v12, v8;
	v31 =	vadd.f32 v32, v31;
	v32 =	vld [tilespmem:s11+$0xFFFFFC70];
	v1 =	vadd.f32 v0, v1  }
0x433: {  	v5 =	vmul.f32 v9, v5;
	v44 =	vmul.f32 v58, v59;
	v53 =	vld [tilespmem:$0x1FA00]  }
0x434: {  	v4 =	vadd.f32 v8, v4;
	v6 =	vmul.f32 v15, v6;
	v34 =	vld [tilespmem:s11+$0xFFFFFD80];
	v1 =	vadd.f32 v1, v20  }
0x435: {  	v52 =	vmul.f32 v56, v37;
	v13 =	vmul.f32 v22, v13;
	v39 =	vadd.f32 v44, v54;
	v54 =	vld [tilespmem:$0x1FA10]  }
0x436: {  	v57 =	vmul.f32 v47, v55;
	v16 =	vmul.f32 v38, v16;
	v0 =	vld [tilespmem:s1+$0xFFFFFF10];
	v1 =	vadd.f32 v1, v7  }
0x437: {  	v56 =	vld [tilespmem:s11+$0xFFFFFC60];
	v49 =	vadd.f32 v61, v29;
	v11 =	vadd.f32 v11, v45;
	v45 =	vmul.f32 v41, v50  }
0x438: {  	v47 =	vmul.f32 v43, v48;
	v50 =	vmul.f32 v62, v63;
	v58 =	vld [tilespmem:s1+$0xFFFFFE20];
	v1 =	vadd.f32 v1, v2  }
0x439: {  	v18 =	vadd.f32 v49, v18;
	v49 =	vmul.f32 v32, v51;
	v20 =	vld [tilespmem:s11+$0xFFFFFD00];
	v25 =	vmul.f32 v34, v25  }
0x43a: {  	v8 =	vadd.f32 v13, v47;
	v59 =	vmul.f32 v33, v21;
	v7 =	vld [tilespmem:s11+$0xFFFFFD10];
	v2 =	vperm.xlane v1, v42  }
0x43b: {  	v37 =	vmul.f32 v53, v54;
	v0 =	vmul.f32 v3, v0;
	v3 =	vadd.f32 v57, v25;
	v25 =	vld [tilespmem:s11+$0xFFFFFC40]  }
0x43c: {  	v5 =	vadd.f32 v59, v5;
	v44 =	vmul.f32 v40, v27;
	v2 =	vadd.f32 v1, v2;
	v1 =	vld [tilespmem:s11+$0xFFFFFCE0]  }
0x43d: {  	v31 =	vadd.f32 v31, v39;
	v48 =	vmul.f32 v56, v58;
	v61 =	vadd.f32 v37, v52  }
0x43e: {  	v37 =	vmul.f32 v46, v60;
	v46 =	vmul.f32 v30, v24;
	v0 =	vadd.f32 v0, v6  }
0x43f: {  	v51 =	vadd.f32 v45, v44;
	v54 =	vadd.f32 v49, v48;
	v34 =	vmul.f32 v20, v28  }
0x440: {  	v7 =	vmul.f32 v7, v17;
	v0 =	vadd.f32 v5, v0;
	v5 =	vadd.f32 v16, v46  }
0x441: {  	v53 =	vld [tilespmem:s11+$0x140];
	v3 =	vadd.f32 v61, v3;
	v6 =	vmul.f32 v25, v36;
	v1 =	vmul.f32 v1, v26  }
0x442: {  	v55 =	vld [tilespmem:s11+$0xC0];
	v7 =	vadd.f32 v7, v34;
	v5 =	vadd.f32 v5, v8  }
0x443: {  	v52 =	vld [tilespmem:s11+$0x1C0];
	v6 =	vadd.f32 v50, v6;
	v1 =	vadd.f32 v37, v1  }
0x444: {  	v56 =	vld [tilespmem:s11+$0x40];
	v0 =	vadd.f32 v3, v0;
	v4 =	vadd.f32 v4, v7  }
0x445: {  	v6 =	vadd.f32 v54, v6;
	v1 =	vadd.f32 v1, v51  }
0x446: {  	v3 =	vadd.f32 v31, v18;
	v0 =	vadd.f32 v0, v53  }
0x447: {  	v5 =	vadd.f32 v5, v6;
	v1 =	vadd.f32 v4, v1  }
0x448: {  	v58 =	vperm.xlane v11, v42;
	v3 =	vadd.f32 v3, v52  }
0x449: {  	v62 =	vld [tilespmem:$0x1FFD0];
	v59 =	vperm.xlane v0, v42;
	v5 =	vadd.f32 v5, v56;
	v1 =	vadd.f32 v1, v55  }
0x44a: {  	v57 =	vperm.xlane v19, v42;
	v60 =	vperm.xlane v3, v42;
	v6 =	vadd.f32 v58, v11  }
0x44b: {  	v0 =	vadd.f32 v59, v0;
	v61 =	vperm.xlane v5, v42;
	v10 =	vperm.xlane v1, v42  }
0x44c: {  	v3 =	vadd.f32 v3, v60;
	v4 =	vadd.f32 v19, v57  }
0x44d: {  	v2 =	vsel vm0, v14, v2;
	v5 =	vadd.f32 v61, v5;
	v1 =	vadd.f32 v1, v10  }
0x44e: {  	v63 =	vperm.xlane v2, v62;
	v0 =	vsel vm0, v0, v3  }
0x44f: {  	v7 =	vperm.xlane v0, v62;
	v4 =	vsel vm0, v6, v4;
	v1 =	vsel vm0, v5, v1  }
0x450: {  	v3 =	vperm.xlane v4, v62;
	v5 =	vperm.xlane v1, v62  }
0x451: {  	v2 =	vadd.f32 v2, v63;
	v0 =	vadd.f32 v0, v7  }
0x452: {  	v3 =	vadd.f32 v3, v4;
	v1 =	vadd.f32 v5, v1;
	_ =	sdelay $0x1  }
0x453: {  	v0 =	vsel vm1, v1, v0;
	v1 =	vsel vm1, v3, v2;
	v3 =	vld [tilespmem:$0x1FFE0];
	_ =	sdelay $0x4  }
0x454: {  	v2 =	vperm.xlane v0, v3  }
0x455: {  	v3 =	vperm.xlane v1, v3  }
0x456: {  	v0 =	vadd.f32 v2, v0;
	v2 =	vld [tilespmem:$0x1FFF0]  }
0x457: {  	v1 =	vadd.f32 v1, v3;
	v3 =	vld [tilespmem:$0x1FA20];
	_ =	sdelay $0x3  }
0x458: {  	s2 =	sadd.s32 $0x1, s2;
	v0 =	vsel vm2, v0, v1  }
0x459: {  	s12 =	sand.u32 $0x1, s2;
	v1 =	vperm.xlane v3, v2;
	v2 =	vperm.xlane v0, v2  }
0x45a: {  	p3 =	seq.s32 s12, $0x0  }
0x45b: {  	v1 =	vadd.f32 @!p3 v1, v3;
	v2 =	vadd.f32 @!p3 v0, v2  }
0x45c: {  	vm4 =	vmmov @!p3 $0xff  }
0x45d: {  	v1 =	vsel @!p3 vm4, v1, v2;
	v2 =	vld [tilespmem:$0x1FBF0];
	_ =	sdelay $0x1  }
0x45e: {  	s10 =	smov.u32 s9;
	s9 =	sadd.s32 $0x8, s9  }
0x45f: {  	p2 =	sne.s32 s9, $0xF8  }
.Ltmp4:
0x460: {  	_ = 	snop;
	(pc) =	sbr.rel @p2 .LBB2_7-.Ltmp4, $3  }
0x461: {  	_ =	sdelay $0x1  }
0x462: {  	s10 =	sand.u32 @!p3 $0x70, s10  }
0x463: {  	s11 =	sadd.s32 $0x800, s11;
	[tilespmem:v2+s10+$0x0 ss:$0x1] =	vst.idx.msk @!p3 $0xffff, v1  }
.Ltmp5:
0x464: {  	(pc) =	sbr.rel @p1 .LBB2_2-.Ltmp5, $2  }
0x465: {  	_ =	sdelay $0x2  }
0x466: {  	s1 =	simm.s32 $0x1;
	p2 =	por $0x0, $0x0  }
0x467: {  	s1 =	rddreg [dreg:$0xc];
	s2 =	simm.s32 $0x18100  }
0x468: {  	[hbm4b:s1+s5] =	stream.linear.scatter [tilespmem:s2], [sflag:$0x6], $0x80, $0x38;
	[tilespmem:$0x1C380] =	vst v63  }
0x469: {  	_ =	swait.ge [sflag:s19], $0x80  }
0x46a: {  	[sflag:s19] =	ssyncset.done $0x0  }
0x46b: {  	s9 =	simm.s32 $0x18180;
	s2 =	rddreg [dreg:$0xd];
	[sflag:s19] =	ssyncadd.s32 $0xFFFFFF80  }
0x46c: {  	[hbm4b:s2+s5] =	stream.linear.scatter [tilespmem:s9], [sflag:$0x6], $0x80, $0x38;
	[tilespmem:$0x1C380] =	vst v63  }
0x46d: {  	_ =	swait.ge [sflag:s19], $0x80  }
0x46e: {  	[sflag:s19] =	ssyncset.done $0x0  }
0x46f: {  	s11 =	simm.s32 $0x18200;
	s10 =	rddreg [dreg:$0xe];
	[sflag:s19] =	ssyncadd.s32 $0xFFFFFF80  }
0x470: {  	[hbm4b:s10+s5] =	stream.linear.scatter [tilespmem:s11], [sflag:$0x6], $0x80, $0x38;
	[tilespmem:$0x1C380] =	vst v63  }
0x471: {  	_ =	swait.ge [sflag:s19], $0x80  }
0x472: {  	s14 =	simm.s32 $0x18280;
	[sflag:s19] =	ssyncset.done $0x0  }
.Ltmp6:
0x473: {  	s12 =	rddreg [dreg:$0xf];
	[sflag:s19] =	ssyncadd.s32 $0xFFFFFF80;
	(pc) =	sbr.rel @p0 .LBB2_11-.Ltmp6, $4  }
0x474: {  	[hbm4b:s12+s5] =	stream.linear.scatter [tilespmem:s14], [sflag:$0x6], $0x80, $0x38;
	[tilespmem:$0x1C380] =	vst v63  }
0x475: {  	_ =	swait.ge [sflag:s19], $0x80  }
0x476: {  	[sflag:s19] =	ssyncset.done $0x0  }
0x477: {  	s9 =	rddreg [dreg:$0x11];
	[sflag:s19] =	ssyncadd.s32 $0xFFFFFF80  }
0x478: {  	s1 =	rddreg [dreg:$0x6];
	s2 =	simm.s32 $0x18300  }
0x479: {  	[tilespmem:s2], [sflag:$0x6] =	stream.linear.gather [hbm4b:s1+s5], $0x80, $0x38;
	[tilespmem:$0x1C380] =	vst v63  }
0x47a: {  	_ =	swait.ge [sflag:s19], $0x80  }
0x47b: {  	[sflag:s19] =	ssyncset.done $0x0  }
0x47c: {  	[sflag:s19] =	ssyncadd.s32 $0xFFFFFF80  }
0x47d: {  	v0 =	vld [tilespmem:$0x18300];
	_ =	sdelay $0x2  }
0x47e: {  	v2 =	vld [tilespmem:$0x1FF90]  }
0x47f: {  	v3 =	vld [tilespmem:$0x1FFA0]  }
0x480: {  	v4 =	vld [tilespmem:$0x1FFB0];
	v1 =	vshll.u32 v0, $0x1  }
0x481: {  	v0 =	vand.u32 $0x7, v0;
	v1 =	vand.u32 $0xFFFFFFF0, v1  }
0x482: {  	v0 =	vor.u32 v0, v1  }
0x483: {  	v1 =	vperm.xlane v0, v2;
	_ =	sdelay $0x1  }
0x484: {  	v0 =	vperm.xlane v0, v4;
	v1 =	vadd.s32 v3, v1;
	_ =	sdelay $0x1  }
0x485: {  	v0 =	vadd.s32 v3, v0;
	_ =	sdelay $0x1  }
0x486: {  	s2 =	simm.s32 $0x18380  }
0x487: {  	[tilespmem:s2], [sflag:$0x5] =	stream.indirect_vreg.gather [hbm4b:s3+s5], $0x80, v1, vm3, $0xb8;
	[tilespmem:$0x1C380] =	vst v63  }
0x488: {  	s14 =	simm.s32 $0x18B80  }
0x489: {  	[tilespmem:s14], [sflag:$0x5] =	stream.indirect_vreg.gather [hbm4b:s3+s5], $0x80, v0, vm3, $0xb8;
	[tilespmem:$0x1C380] =	vst v63  }
0x48a: {  	v0 =	vld [tilespmem:$0x18310];
	_ =	sdelay $0x4  }
0x48b: {  	v61 =	vshll.u32 v0, $0x1  }
0x48c: {  	v0 =	vand.u32 $0x7, v0;
	v1 =	vand.u32 $0xFFFFFFF0, v61  }
0x48d: {  	v0 =	vor.u32 v0, v1  }
0x48e: {  	v1 =	vperm.xlane v0, v2;
	_ =	sdelay $0x1  }
0x48f: {  	v0 =	vperm.xlane v0, v4;
	v1 =	vadd.s32 v3, v1;
	_ =	sdelay $0x1  }
0x490: {  	v0 =	vadd.s32 v3, v0;
	_ =	sdelay $0x1  }
0x491: {  	s10 =	simm.s32 $0x19380  }
0x492: {  	[tilespmem:s10], [sflag:$0x5] =	stream.indirect_vreg.gather [hbm4b:s3+s5], $0x80, v1, vm3, $0xb8;
	[tilespmem:$0x1C380] =	vst v63  }
0x493: {  	s11 =	simm.s32 $0x19B80  }
0x494: {  	[tilespmem:s11], [sflag:$0x5] =	stream.indirect_vreg.gather [hbm4b:s3+s5], $0x80, v0, vm3, $0xb8;
	[tilespmem:$0x1C380] =	vst v63  }
0x495: {  	v0 =	vld [tilespmem:$0x18320];
	_ =	sdelay $0x4  }
0x496: {  	v62 =	vshll.u32 v0, $0x1  }
0x497: {  	v0 =	vand.u32 $0x7, v0;
	v1 =	vand.u32 $0xFFFFFFF0, v62  }
0x498: {  	v0 =	vor.u32 v0, v1  }
0x499: {  	v1 =	vperm.xlane v0, v2;
	_ =	sdelay $0x1  }
0x49a: {  	v0 =	vperm.xlane v0, v4;
	v1 =	vadd.s32 v3, v1;
	_ =	sdelay $0x1  }
0x49b: {  	v0 =	vadd.s32 v3, v0;
	_ =	sdelay $0x1  }
0x49c: {  	s12 =	simm.s32 $0x1A380  }
0x49d: {  	[tilespmem:s12], [sflag:$0x5] =	stream.indirect_vreg.gather [hbm4b:s3+s5], $0x80, v1, vm3, $0xb8;
	[tilespmem:$0x1C380] =	vst v63  }
0x49e: {  	s14 =	simm.s32 $0x1AB80  }
0x49f: {  	[tilespmem:s14], [sflag:$0x5] =	stream.indirect_vreg.gather [hbm4b:s3+s5], $0x80, v0, vm3, $0xb8;
	[tilespmem:$0x1C380] =	vst v63  }
0x4a0: {  	v0 =	vld [tilespmem:$0x18330];
	_ =	sdelay $0x4  }
0x4a1: {  	v63 =	vshll.u32 v0, $0x1  }
0x4a2: {  	v0 =	vand.u32 $0x7, v0;
	v1 =	vand.u32 $0xFFFFFFF0, v63  }
0x4a3: {  	v0 =	vor.u32 v0, v1  }
0x4a4: {  	v1 =	vperm.xlane v0, v2;
	_ =	sdelay $0x1  }
0x4a5: {  	v0 =	vperm.xlane v0, v4;
	v1 =	vadd.s32 v3, v1;
	_ =	sdelay $0x1  }
0x4a6: {  	v0 =	vadd.s32 v3, v0;
	_ =	sdelay $0x1  }
0x4a7: {  	s10 =	simm.s32 $0x1B380  }
0x4a8: {  	[tilespmem:s10], [sflag:$0x5] =	stream.indirect_vreg.gather [hbm4b:s3+s5], $0x80, v1, vm3, $0xb8;
	[tilespmem:$0x1C380] =	vst v63  }
0x4a9: {  	s11 =	simm.s32 $0x1BB80;
	s12 =	simm.s32 $0x5  }
0x4aa: {  	[tilespmem:s11], [sflag:$0x5] =	stream.indirect_vreg.gather [hbm4b:s3+s5], $0x80, v0, vm3, $0xb8;
	[tilespmem:$0x1C380] =	vst v63  }
0x4ab: {  	_ =	swait.ge [sflag:s12], $0x4000  }
0x4ac: {  	[sflag:s12] =	ssyncset.done $0x0  }
.Ltmp7:
0x4ad: {  	s14 =	rddreg [dreg:$0x7];
	[sflag:s12] =	ssyncadd.s32 $0xFFFFC000;
	(pc) =	sbr.rel .LBB2_11-.Ltmp7, $4  }
0x4ae: {  	[hbm4b:s14+s5] =	stream.linear.scatter [tilespmem:s2], [sflag:$0x6], $0x4000, $0x38;
	[tilespmem:$0x1C380] =	vst v63  }
0x4af: {  	_ =	swait.ge [sflag:s19], $0x4000  }
0x4b0: {  	[sflag:s19] =	ssyncset.done $0x0  }
0x4b1: {  	[sflag:s19] =	ssyncadd.s32 $0xFFFFC000  }
.LBB2_12:
0x4b2: {  	_ =	sfence.sel $0x180000  }
0x4b3: {  	[bflag:$0x0] =	sbarrier.arrive $0xFFFF  }
0x4b4: {  	_ =	strace $0x90000047  }
0x4b5: {  	s0 =	stileid.u32;
	[bflag:$0x2] =	sbarrier.arrive $0xFFFF  }
0x4b6: {  	p0 =	sne.s32 s0, $0x0;
	s0 =	rddreg [dreg:$0x5]  }
0x4b7: {  	s0 =	sadd.s32 @!p0 $0x100000, s0  }
0x4b8: {  	[sflag:s0] =	ssyncadd.tile.s32 @!p0 $0x1;
	_ =	shalt  }
.Lfunc_end2:
_tile_overlayer_lowered:
.L_overlay_start_2:
0x4b9: {  	(tag) =	ssettag $0x2  }
0x4ba: {  	s0 =	rddreg [dreg:$0x0];
	s2 =	stileid.u32  }
0x4bb: {  	s1 =	rddreg [dreg:$0x1];
	p0 =	sne.s32 s2, $0x0  }
0x4bc: {  	s3 =	rddreg [dreg:$0x2];
	[bflag:$0x3] =	sbarrier.arrive $0xFFFF;
	s2 =	simm.s32 @!p0 $0x1C06  }
0x4bd: {  	[timem:s3], [sflag:s2] =	dma.local @!p0 [hbm:s0], s1  }
0x4be: {  	s0 =	simm.s32 @!p0 $0x6  }
0x4bf: {  	_ =	swait.ge @!p0 [sflag:s0], s1  }
0x4c0: {  	s1 =	ssub.s32 @!p0 $0x0, s1;
	[sflag:s0] =	ssyncset.done @!p0 $0x0  }
0x4c1: {  	[sflag:s0] =	ssyncadd.s32 @!p0 s1  }
0x4c2: {  	[bflag:$0x3] =	sbarrier.arrive $0xFFFF  }
0x4c3: {  	_ =	shalt  }

</sc_bundles>
